<compile_context>
chip_gen: v7x
topology: tpu7x:2x2x1
jax: 0.10.2.dev20260603
libtpu: 0.0.44.dev20260713+nightly
codegen_flags: <defaults>
</compile_context>

<pallas_src>
import functools

import jax
import jax.numpy as jnp
from jax import lax
from jax.experimental import pallas as pl
from jax.experimental.pallas import tpu as pltpu
from jax.experimental.pallas import tpu_sc as plsc

_B, _N, _S, _K, _D = 8, 4096, 1024, 16, 128
_R = _B * _S * _K
_BS = _B * _S
_TBL = _B * _N
_C1 = 256
_C2 = 256
_EPS = 1e-5
_SBLK = 256
_RBLK = 2048
_GBLK = _RBLK // _K
_BIG = 1e30


def _fps_kernel(x_ref, y_ref, z_ref, idx_ref, nx_ref, ny_ref, nz_ref,
                dist_ref, lf_ref, bi_ref, bx_ref, by_ref, bz_ref):
    lane128 = lax.broadcasted_iota(jnp.int32, (_B, 128), 1)
    dist_ref[...] = jnp.full((_B, _N), 1e10, dtype=jnp.float32)
    lf_ref[...] = lax.broadcasted_iota(
        jnp.int32, (_B, _N), 1).astype(jnp.float32)
    def body(i, carry):
        f, cx, cy, cz = carry
        sel = lane128 == i
        seli = sel.astype(jnp.int32)
        self_ = sel.astype(jnp.float32)
        bi_ref[...] = bi_ref[...] + f * seli
        bx_ref[...] = bx_ref[...] + cx * self_
        by_ref[...] = by_ref[...] + cy * self_
        bz_ref[...] = bz_ref[...] + cz * self_
        dx = x_ref[...] - cx
        dy = y_ref[...] - cy
        dz = z_ref[...] - cz
        d = dx * dx + dy * dy + dz * dz
        du = jnp.minimum(dist_ref[...], d)
        dist_ref[...] = du

        td = du
        tl = lf_ref[...]
        tx, ty, tz = x_ref[...], y_ref[...], z_ref[...]
        w = _N
        while w > 128:
            h = w // 2
            take = td[:, h:] > td[:, :h]
            td = jnp.where(take, td[:, h:], td[:, :h])
            tl = jnp.where(take, tl[:, h:], tl[:, :h])
            tx = jnp.where(take, tx[:, h:], tx[:, :h])
            ty = jnp.where(take, ty[:, h:], ty[:, :h])
            tz = jnp.where(take, tz[:, h:], tz[:, :h])
            w = h
        m = jnp.max(td, axis=1, keepdims=True)
        fi = jnp.min(jnp.where(td == m, tl, float(_N)),
                     axis=1, keepdims=True)
        s2 = tl == fi
        cx2 = jnp.sum(jnp.where(s2, tx, 0.0), axis=1, keepdims=True)
        cy2 = jnp.sum(jnp.where(s2, ty, 0.0), axis=1, keepdims=True)
        cz2 = jnp.sum(jnp.where(s2, tz, 0.0), axis=1, keepdims=True)
        f2 = fi.astype(jnp.int32)
        return f2, cx2, cy2, cz2

    f = jnp.zeros((_B, 1), dtype=jnp.int32)
    cx = x_ref[:, 0:1]
    cy = y_ref[:, 0:1]
    cz = z_ref[:, 0:1]
    for o in range(_S // 128):
        bi_ref[...] = jnp.zeros((_B, 128), dtype=jnp.int32)
        bx_ref[...] = jnp.zeros((_B, 128), dtype=jnp.float32)
        by_ref[...] = jnp.zeros((_B, 128), dtype=jnp.float32)
        bz_ref[...] = jnp.zeros((_B, 128), dtype=jnp.float32)
        f, cx, cy, cz = lax.fori_loop(0, 128, body, (f, cx, cy, cz))
        idx_ref[:, o * 128:(o + 1) * 128] = bi_ref[...]
        nx_ref[:, o * 128:(o + 1) * 128] = bx_ref[...]
        ny_ref[:, o * 128:(o + 1) * 128] = by_ref[...]
        nz_ref[:, o * 128:(o + 1) * 128] = bz_ref[...]


def _run_fps(x, y, z):
    return pl.pallas_call(
        _fps_kernel,
        out_shape=(
            jax.ShapeDtypeStruct((_B, _S), jnp.int32),
            jax.ShapeDtypeStruct((_B, _S), jnp.float32),
            jax.ShapeDtypeStruct((_B, _S), jnp.float32),
            jax.ShapeDtypeStruct((_B, _S), jnp.float32),
        ),
        scratch_shapes=[
            pltpu.VMEM((_B, _N), jnp.float32),
            pltpu.VMEM((_B, _N), jnp.float32),
            pltpu.VMEM((_B, 128), jnp.int32),
            pltpu.VMEM((_B, 128), jnp.float32),
            pltpu.VMEM((_B, 128), jnp.float32),
            pltpu.VMEM((_B, 128), jnp.float32),
        ],
    )(x, y, z)


def _knn_kernel(nxyz_ref, xt_ref, idx_ref, dist_ref):
    b = pl.program_id(0)
    src = nxyz_ref[0]
    dst = xt_ref[0]
    rn = jnp.sum(src * src, axis=1, keepdims=True)
    cn = jnp.sum(dst * dst, axis=0, keepdims=True)
    m = lax.dot_general(src, dst, (((1,), (0,)), ((), ())),
                        preferred_element_type=jnp.float32)
    dist_ref[...] = rn + cn - 2.0 * m
    colf = lax.broadcasted_iota(
        jnp.int32, (_SBLK, _N), 1).astype(jnp.float32)
    base = b * _N
    for k in range(_K):
        d = dist_ref[...]
        mn = jnp.min(d, axis=1, keepdims=True)
        fj = jnp.min(jnp.where(d == mn, colf, float(_N)),
                     axis=1, keepdims=True)
        j = fj.astype(jnp.int32)
        idx_ref[0, :, k:k + 1] = j + base
        dist_ref[...] = jnp.where(colf == fj, _BIG, d)


def _run_knn(new_xyz, xt):
    return pl.pallas_call(
        _knn_kernel,
        grid=(_B, _S // _SBLK),
        in_specs=[
            pl.BlockSpec((1, _SBLK, 3), lambda b, j: (b, j, 0)),
            pl.BlockSpec((1, 3, _N), lambda b, j: (b, 0, 0)),
        ],
        out_specs=pl.BlockSpec((1, _SBLK, _K), lambda b, j: (b, j, 0)),
        out_shape=jax.ShapeDtypeStruct((_B, _S, _K), jnp.int32),
        scratch_shapes=[pltpu.VMEM((_SBLK, _N), jnp.float32)],
    )(new_xyz, xt)


def _sc_gather(table, gidx):
    info = plsc.get_sparse_core_info()
    nw = info.num_cores * info.num_subcores
    rows_per_w = _R // nw
    chunk = 128
    nchunk = rows_per_w // chunk
    mesh = plsc.VectorSubcoreMesh(core_axis_name="c", subcore_axis_name="s")

    @functools.partial(
        pl.kernel,
        mesh=mesh,
        out_type=jax.ShapeDtypeStruct((_R, _C1), jnp.float32),
        scratch_types=[
            pltpu.VMEM((chunk,), jnp.int32),
            pltpu.VMEM((chunk, _C1), jnp.float32),
            pltpu.SemaphoreType.DMA,
        ],
    )
    def k(table_hbm, gidx_hbm, out_hbm, idx_v, rows_v, sem):
        wid = lax.axis_index("s") * info.num_cores + lax.axis_index("c")
        base = wid * rows_per_w

        def body(c, carry):
            off = base + c * chunk
            pltpu.sync_copy(gidx_hbm.at[pl.ds(off, chunk)], idx_v)
            pltpu.async_copy(table_hbm.at[idx_v], rows_v, sem).wait()
            pltpu.sync_copy(rows_v, out_hbm.at[pl.ds(off, chunk)])
            return carry

        lax.fori_loop(0, nchunk, body, 0)

    return k(table, gidx)


def _ptrans_kernel(xyz_ref, pts_ref, w1xt_ref, w1ft_ref, b1_ref, o_ref):
    h = lax.dot_general(pts_ref[...], w1ft_ref[...], (((1,), (0,)), ((), ())),
                        preferred_element_type=jnp.float32)
    h = h + lax.dot_general(xyz_ref[...], w1xt_ref[...],
                            (((1,), (0,)), ((), ())),
                            preferred_element_type=jnp.float32)
    o_ref[...] = h + b1_ref[...]


def _run_ptrans(xyz_flat, pts_flat, w1xt, w1ft, b1):
    blk = 4096
    return pl.pallas_call(
        _ptrans_kernel,
        grid=(_TBL // blk,),
        in_specs=[
            pl.BlockSpec((blk, 3), lambda i: (i, 0)),
            pl.BlockSpec((blk, _D), lambda i: (i, 0)),
            pl.BlockSpec((3, _C1), lambda i: (0, 0)),
            pl.BlockSpec((_D, _C1), lambda i: (0, 0)),
            pl.BlockSpec((1, _C1), lambda i: (0, 0)),
        ],
        out_specs=pl.BlockSpec((blk, _C1), lambda i: (i, 0)),
        out_shape=jax.ShapeDtypeStruct((_TBL, _C1), jnp.float32),
    )(xyz_flat, pts_flat, w1xt, w1ft, b1)


def _stats1_kernel(g_ref, w1xt_ref, nx_ref, s_ref, ss_ref):
    i = pl.program_id(0)
    nxw = lax.dot_general(nx_ref[...], w1xt_ref[...], (((1,), (0,)), ((), ())),
                          preferred_element_type=jnp.float32)
    h3 = g_ref[...].reshape(_GBLK, _K, _C1) - nxw[:, None, :]
    ps = jnp.sum(h3, axis=(0, 1)).reshape(1, _C1)
    pss = jnp.sum(h3 * h3, axis=(0, 1)).reshape(1, _C1)

    @pl.when(i == 0)
    def _():
        s_ref[...] = ps
        ss_ref[...] = pss

    @pl.when(i > 0)
    def _():
        s_ref[...] += ps
        ss_ref[...] += pss


def _run_stats1(g, w1xt, nxf):
    return pl.pallas_call(
        _stats1_kernel,
        grid=(_R // _RBLK,),
        in_specs=[
            pl.BlockSpec((_RBLK, _C1), lambda i: (i, 0)),
            pl.BlockSpec((3, _C1), lambda i: (0, 0)),
            pl.BlockSpec((_GBLK, 3), lambda i: (i, 0)),
        ],
        out_specs=(
            pl.BlockSpec((1, _C1), lambda i: (0, 0)),
            pl.BlockSpec((1, _C1), lambda i: (0, 0)),
        ),
        out_shape=(
            jax.ShapeDtypeStruct((1, _C1), jnp.float32),
            jax.ShapeDtypeStruct((1, _C1), jnp.float32),
        ),
    )(g, w1xt, nxf)


def _mlp2_kernel(g_ref, w1xt_ref, nx_ref, s1_ref, ss1_ref, g1_ref, be1_ref,
                 w2t_ref, b2_ref, hmax_ref, hmin_ref, s2_ref, ss2_ref):
    i = pl.program_id(0)
    rinv = jnp.float32(1.0 / _R)
    m1 = s1_ref[...] * rinv
    v1 = ss1_ref[...] * rinv - m1 * m1
    sc1 = g1_ref[...] / jnp.sqrt(v1 + _EPS)
    nxw = lax.dot_general(nx_ref[...], w1xt_ref[...], (((1,), (0,)), ((), ())),
                          preferred_element_type=jnp.float32)
    h1 = (g_ref[...].reshape(_GBLK, _K, _C1)
          - nxw[:, None, :]).reshape(_RBLK, _C1)
    x = jnp.maximum((h1 - m1) * sc1 + be1_ref[...], 0.0)
    h2 = lax.dot_general(x, w2t_ref[...], (((1,), (0,)), ((), ())),
                         preferred_element_type=jnp.float32) + b2_ref[...]
    ps = jnp.sum(h2, axis=0, keepdims=True)
    pss = jnp.sum(h2 * h2, axis=0, keepdims=True)
    h3 = h2.reshape(_GBLK, _K, _C2)
    hmax_ref[...] = jnp.max(h3, axis=1)
    hmin_ref[...] = jnp.min(h3, axis=1)

    @pl.when(i == 0)
    def _():
        s2_ref[...] = ps
        ss2_ref[...] = pss

    @pl.when(i > 0)
    def _():
        s2_ref[...] += ps
        ss2_ref[...] += pss


def _run_mlp2(g, w1xt, nxf, s1, ss1, g1, be1, w2t, b2):
    return pl.pallas_call(
        _mlp2_kernel,
        grid=(_R // _RBLK,),
        in_specs=[
            pl.BlockSpec((_RBLK, _C1), lambda i: (i, 0)),
            pl.BlockSpec((3, _C1), lambda i: (0, 0)),
            pl.BlockSpec((_GBLK, 3), lambda i: (i, 0)),
            pl.BlockSpec((1, _C1), lambda i: (0, 0)),
            pl.BlockSpec((1, _C1), lambda i: (0, 0)),
            pl.BlockSpec((1, _C1), lambda i: (0, 0)),
            pl.BlockSpec((1, _C1), lambda i: (0, 0)),
            pl.BlockSpec((_C1, _C2), lambda i: (0, 0)),
            pl.BlockSpec((1, _C2), lambda i: (0, 0)),
        ],
        out_specs=(
            pl.BlockSpec((_GBLK, _C2), lambda i: (i, 0)),
            pl.BlockSpec((_GBLK, _C2), lambda i: (i, 0)),
            pl.BlockSpec((1, _C2), lambda i: (0, 0)),
            pl.BlockSpec((1, _C2), lambda i: (0, 0)),
        ),
        out_shape=(
            jax.ShapeDtypeStruct((_BS, _C2), jnp.float32),
            jax.ShapeDtypeStruct((_BS, _C2), jnp.float32),
            jax.ShapeDtypeStruct((1, _C2), jnp.float32),
            jax.ShapeDtypeStruct((1, _C2), jnp.float32),
        ),
    )(g, w1xt, nxf, s1, ss1, g1, be1, w2t, b2)


def _final_kernel(hmax_ref, hmin_ref, s2_ref, ss2_ref, g2_ref, be2_ref, o_ref):
    rinv = jnp.float32(1.0 / _R)
    m2 = s2_ref[...] * rinv
    v2 = ss2_ref[...] * rinv - m2 * m2
    g = g2_ref[...]
    sc2 = g / jnp.sqrt(v2 + _EPS)
    h = jnp.where(g >= 0.0, hmax_ref[...], hmin_ref[...])
    o_ref[...] = jnp.maximum((h - m2) * sc2 + be2_ref[...], 0.0)


def _run_final(hmax, hmin, s2, ss2, g2, be2):
    blk = 2048
    return pl.pallas_call(
        _final_kernel,
        grid=(_BS // blk,),
        in_specs=[
            pl.BlockSpec((blk, _C2), lambda i: (i, 0)),
            pl.BlockSpec((blk, _C2), lambda i: (i, 0)),
            pl.BlockSpec((1, _C2), lambda i: (0, 0)),
            pl.BlockSpec((1, _C2), lambda i: (0, 0)),
            pl.BlockSpec((1, _C2), lambda i: (0, 0)),
            pl.BlockSpec((1, _C2), lambda i: (0, 0)),
        ],
        out_specs=pl.BlockSpec((blk, _C2), lambda i: (i, 0)),
        out_shape=jax.ShapeDtypeStruct((_BS, _C2), jnp.float32),
    )(hmax, hmin, s2, ss2, g2, be2)


_gather_rows = _sc_gather


def kernel(xyz, points, W1, b1, gamma1, beta1, W2, b2, gamma2, beta2):
    xt = jnp.swapaxes(xyz, 1, 2)
    x, y, z = xt[:, 0], xt[:, 1], xt[:, 2]
    _, nx, ny, nz = _run_fps(x, y, z)
    new_xyz = jnp.stack([nx, ny, nz], axis=-1)

    gidx = _run_knn(new_xyz, xt)

    w1ft = W1[:, 3:].T
    w1xt = W1[:, :3].T
    xw = _run_ptrans(xyz.reshape(_TBL, 3), points.reshape(_TBL, _D),
                     w1xt, w1ft, b1.reshape(1, _C1))
    g = _gather_rows(xw, gidx.reshape(_R))

    nxf = new_xyz.reshape(_BS, 3)
    s1, ss1 = _run_stats1(g, w1xt, nxf)
    hmax, hmin, s2, ss2 = _run_mlp2(g, w1xt, nxf, s1, ss1,
                                    gamma1.reshape(1, _C1),
                                    beta1.reshape(1, _C1), W2.T,
                                    b2.reshape(1, _C2))

    out = _run_final(hmax, hmin, s2, ss2, gamma2.reshape(1, _C2),
                     beta2.reshape(1, _C2))
    return new_xyz, out.reshape(_B, _S, _C2)

# --- scband reference (transcript-rebuilt; emitter-appended) ---
"""Pipeline reference for scband-transition-down-46832323395794 (READ-ONLY COPY).

The authoritative reference and input builder live on the scoring server;
editing this copy changes nothing except your own understanding.
"""

import jax, jax.numpy as jnp
import numpy as np

NPOINT = 1024
NSAMPLE = 16
EPS = 1e-5


def farthest_point_sample(xyz, npoint):
    B, N, C = xyz.shape
    centroids0 = jnp.zeros((B, npoint), dtype=jnp.int32)
    distance0 = jnp.full((B, N), 1e10, dtype=xyz.dtype)
    farthest0 = jnp.zeros((B,), dtype=jnp.int32)

    def body(i, state):
        centroids, distance, farthest = state
        centroids = centroids.at[:, i].set(farthest)
        idx = jnp.broadcast_to(farthest[:, None, None], (B, 1, C))
        centroid = jnp.take_along_axis(xyz, idx, axis=1)
        dist = jnp.sum((xyz - centroid) ** 2, axis=-1)
        distance = jnp.minimum(distance, dist)
        farthest = jnp.argmax(distance, axis=-1).astype(jnp.int32)
        return centroids, distance, farthest

    centroids, _, _ = jax.lax.fori_loop(0, npoint, body, (centroids0, distance0, farthest0))
    return centroids


def square_distance(src, dst):
    # ||src - dst||^2 : [B, M, N]
    return (jnp.sum(src ** 2, axis=-1)[:, :, None]
            + jnp.sum(dst ** 2, axis=-1)[:, None, :]
            - 2.0 * jnp.matmul(src, jnp.swapaxes(dst, 1, 2)))


def index_points(points, idx):
    # points: [B, N, C], idx: [B, ...] -> [B, ..., C]
    return jax.vmap(lambda p, i: p[i])(points, idx)


def setup_inputs(seed: int = 0) -> dict:
    key = jax.random.key(seed)
    k1, k2, k3, k4 = jax.random.split(key, 4)
    xyz = jax.random.uniform(k1, (8, 4096, 3), dtype=jnp.float32)
    points = jax.random.normal(k2, (8, 4096, 128), dtype=jnp.float32)
    W1 = jax.random.normal(k3, (256, 131), dtype=jnp.float32) * 0.05
    b1 = jnp.zeros((256,), dtype=jnp.float32)
    gamma1 = jnp.ones((256,), dtype=jnp.float32)
    beta1 = jnp.zeros((256,), dtype=jnp.float32)
    W2 = jax.random.normal(k4, (256, 256), dtype=jnp.float32) * 0.05
    b2 = jnp.zeros((256,), dtype=jnp.float32)
    gamma2 = jnp.ones((256,), dtype=jnp.float32)
    beta2 = jnp.zeros((256,), dtype=jnp.float32)
    return {"xyz": xyz, "points": points, "W1": W1, "b1": b1, "gamma1": gamma1,
            "beta1": beta1, "W2": W2, "b2": b2, "gamma2": gamma2, "beta2": beta2}


def reference(xyz, points, W1, b1, gamma1, beta1, W2, b2, gamma2, beta2):
    B, N, _ = xyz.shape
    # sample_and_group with knn=True
    fps_idx = farthest_point_sample(xyz, NPOINT)            # [B, S]
    new_xyz = index_points(xyz, fps_idx)                    # [B, S, 3]
    dists = square_distance(new_xyz, xyz)                   # [B, S, N]
    _, idx = jax.lax.top_k(-dists, NSAMPLE)                 # k smallest -> [B, S, K]
    grouped_xyz = index_points(xyz, idx)                    # [B, S, K, 3]
    grouped_xyz_norm = grouped_xyz - new_xyz[:, :, None, :]
    grouped_points = index_points(points, idx)              # [B, S, K, D]
    new_points = jnp.concatenate([grouped_xyz_norm, grouped_points], axis=-1)  # [B, S, K, 3+D]

    # MLP layer 1: 1x1 conv + BatchNorm2d (training-mode batch stats) + ReLU
    h = jnp.einsum('bskc,oc->bsko', new_points, W1) + b1
    mean = jnp.mean(h, axis=(0, 1, 2))
    var = jnp.var(h, axis=(0, 1, 2))
    h = (h - mean) / jnp.sqrt(var + EPS) * gamma1 + beta1
    h = jax.nn.relu(h)

    # MLP layer 2
    h = jnp.einsum('bsko,po->bskp', h, W2) + b2
    mean2 = jnp.mean(h, axis=(0, 1, 2))
    var2 = jnp.var(h, axis=(0, 1, 2))
    h = (h - mean2) / jnp.sqrt(var2 + EPS) * gamma2 + beta2
    h = jax.nn.relu(h)

    # max over nsample dim -> [B, S, C_out]
    new_points_out = jnp.max(h, axis=2)
    return new_xyz, new_points_out

if __name__ == "__main__":
    import jax
    _d = setup_inputs()
    print(jax.jit(kernel)(*tuple(_d.values())))

</pallas_src>

<mosaic_0001>
#map = affine_map<(d0, d1) -> (0, 0)>
#map1 = affine_map<(d0, d1) -> (0)>
module attributes {stable_mosaic.version = 14 : i64} {
  func.func @k(%arg0: i32, %arg1: i32, %arg2: memref<32768x256xf32, #tpu.memory_space<hbm>>, %arg3: memref<131072xi32, #tpu.memory_space<hbm>>, %arg4: memref<131072x256xf32, #tpu.memory_space<hbm>>, %arg5: memref<128xi32, #tpu.memory_space<vmem>>, %arg6: memref<128x256xf32, #tpu.memory_space<vmem>>, %arg7: memref<!tpu.dma_semaphore, #tpu.memory_space<semaphore_mem>>) attributes {dimension_semantics = [#tpu.dimension_semantics<core_parallel>, #tpu.dimension_semantics<subcore_parallel>], iteration_bounds = array<i64: 2, 16>, scalar_prefetch = 0 : i64, scratch_operands = 3 : i64, tpu.core_type = #tpu.core_type<sc_vector_subcore>, window_params = [{transform_indices = #map}, {transform_indices = #map1}, {transform_indices = #map}]} {
    %mul3A = arith.constant 2 : i32
    %mul3A_0 = arith.muli %arg1, %mul3A : i32
    %add3A = arith.addi %mul3A_0, %arg0 : i32
    %mul3A_1 = arith.constant 4096 : i32
    %mul3A_2 = arith.muli %add3A, %mul3A_1 : i32
    %scan3A = arith.constant 0 : i32
    %scan3A_3 = arith.constant 0 : i32
    %scan3A_4 = arith.constant 32 : i32
    %scan3A_5 = arith.addi %scan3A_3, %scan3A_4 : i32
    %scan3A_6 = arith.constant 1 : i32
    scf.for %scan3A_8 = %scan3A_3 to %scan3A_5 step %scan3A_6  : i32 {
      %mul3A_9 = arith.constant 128 : i32
      %mul3A_10 = arith.muli %scan3A_8, %mul3A_9 : i32
      %add3A_11 = arith.addi %mul3A_2, %mul3A_10 : i32
      "tpu.region"() ({
        %run_scoped3A = tpu.sem_alloc : memref<!tpu.dma_semaphore, #tpu.memory_space<semaphore_mem>>
        %dma_start3A_16 = tpu.memref_slice %arg3[%add3A_11] : memref<131072xi32, #tpu.memory_space<hbm>> -> memref<128xi32, #tpu.memory_space<hbm>>
        %dma_start3A_17 = tpu.memref_slice %arg3[%add3A_11] : memref<131072xi32, #tpu.memory_space<hbm>> -> memref<128xi32, #tpu.memory_space<hbm>>
        tpu.enqueue_dma source(%dma_start3A_17 : memref<128xi32, #tpu.memory_space<hbm>>) target(%arg5 : memref<128xi32, #tpu.memory_space<vmem>>) target_semaphore(%run_scoped3A : memref<!tpu.dma_semaphore, #tpu.memory_space<semaphore_mem>>)
        %dma_wait3A_18 = tpu.memref_slice %arg3[%add3A_11] : memref<131072xi32, #tpu.memory_space<hbm>> -> memref<128xi32, #tpu.memory_space<hbm>>
        %dma_wait3A_19 = tpu.memref_slice %arg3[%add3A_11] : memref<131072xi32, #tpu.memory_space<hbm>> -> memref<128xi32, #tpu.memory_space<hbm>>
        tpu.wait_dma2 semaphore(%run_scoped3A : memref<!tpu.dma_semaphore, #tpu.memory_space<semaphore_mem>>) src(%dma_wait3A_19 : memref<128xi32, #tpu.memory_space<hbm>>) dst(%arg5 : memref<128xi32, #tpu.memory_space<vmem>>)
        tpu.yield
      }) : () -> ()
      %dma_start3A = arith.constant 0 : i32
      %dma_start3A_12 = arith.constant 0 : i32
      %dma_start3A_13 = tpu.memref_slice %arg2[%dma_start3A, %dma_start3A_12] : memref<32768x256xf32, #tpu.memory_space<hbm>> -> memref<32768x256xf32, #tpu.memory_space<hbm>>
      tpu.enqueue_indirect_dma source(%dma_start3A_13 : memref<32768x256xf32, #tpu.memory_space<hbm>>) target(%arg6 : memref<128x256xf32, #tpu.memory_space<vmem>>) offsets(%arg5 : memref<128xi32, #tpu.memory_space<vmem>>) semaphore(%arg7 : memref<!tpu.dma_semaphore, #tpu.memory_space<semaphore_mem>>)
      %dma_wait3A = arith.constant 0 : i32
      %dma_wait3A_14 = arith.constant 0 : i32
      %dma_wait3A_15 = tpu.memref_slice %arg2[%dma_wait3A, %dma_wait3A_14] : memref<32768x256xf32, #tpu.memory_space<hbm>> -> memref<32768x256xf32, #tpu.memory_space<hbm>>
      tpu.wait_indirect_dma semaphore(%arg7 : memref<!tpu.dma_semaphore, #tpu.memory_space<semaphore_mem>>) src(%dma_wait3A_15 : memref<32768x256xf32, #tpu.memory_space<hbm>>) dst(%arg6 : memref<128x256xf32, #tpu.memory_space<vmem>>)
      "tpu.region"() ({
        %run_scoped3A = tpu.sem_alloc : memref<!tpu.dma_semaphore, #tpu.memory_space<semaphore_mem>>
        %dma_start3A_16 = arith.constant 0 : i32
        %dma_start3A_17 = tpu.memref_slice %arg4[%add3A_11, %dma_start3A_16] : memref<131072x256xf32, #tpu.memory_space<hbm>> -> memref<128x256xf32, #tpu.memory_space<hbm>>
        %dma_start3A_18 = arith.constant 0 : i32
        %dma_start3A_19 = tpu.memref_slice %arg4[%add3A_11, %dma_start3A_18] : memref<131072x256xf32, #tpu.memory_space<hbm>> -> memref<128x256xf32, #tpu.memory_space<hbm>>
        tpu.enqueue_dma source(%arg6 : memref<128x256xf32, #tpu.memory_space<vmem>>) target(%dma_start3A_19 : memref<128x256xf32, #tpu.memory_space<hbm>>) target_semaphore(%run_scoped3A : memref<!tpu.dma_semaphore, #tpu.memory_space<semaphore_mem>>)
        %dma_wait3A_20 = arith.constant 0 : i32
        %dma_wait3A_21 = tpu.memref_slice %arg4[%add3A_11, %dma_wait3A_20] : memref<131072x256xf32, #tpu.memory_space<hbm>> -> memref<128x256xf32, #tpu.memory_space<hbm>>
        %dma_wait3A_22 = arith.constant 0 : i32
        %dma_wait3A_23 = tpu.memref_slice %arg4[%add3A_11, %dma_wait3A_22] : memref<131072x256xf32, #tpu.memory_space<hbm>> -> memref<128x256xf32, #tpu.memory_space<hbm>>
        tpu.wait_dma2 semaphore(%run_scoped3A : memref<!tpu.dma_semaphore, #tpu.memory_space<semaphore_mem>>) src(%arg6 : memref<128x256xf32, #tpu.memory_space<vmem>>) dst(%dma_wait3A_23 : memref<128x256xf32, #tpu.memory_space<hbm>>)
        tpu.yield
      }) : () -> ()
    }
    %scan3A_7 = arith.constant 32 : i32
    return
  }
}

module attributes {stable_mosaic.version = 14 : i64} {
  func.func @_fps_kernel(%arg0: memref<8x4096xf32, #tpu.memory_space<vmem>>, %arg1: memref<8x4096xf32, #tpu.memory_space<vmem>>, %arg2: memref<8x4096xf32, #tpu.memory_space<vmem>>, %arg3: memref<8x1024xi32, #tpu.memory_space<vmem>>, %arg4: memref<8x1024xf32, #tpu.memory_space<vmem>>, %arg5: memref<8x1024xf32, #tpu.memory_space<vmem>>, %arg6: memref<8x1024xf32, #tpu.memory_space<vmem>>, %arg7: memref<8x4096xf32, #tpu.memory_space<vmem>>, %arg8: memref<8x4096xf32, #tpu.memory_space<vmem>>, %arg9: memref<8x128xi32, #tpu.memory_space<vmem>>, %arg10: memref<8x128xf32, #tpu.memory_space<vmem>>, %arg11: memref<8x128xf32, #tpu.memory_space<vmem>>, %arg12: memref<8x128xf32, #tpu.memory_space<vmem>>) attributes {dimension_semantics = [], scalar_prefetch = 0 : i64, scratch_operands = 6 : i64, tpu.core_type = #tpu.core_type<tc>} {
    %iota3A = tpu.iota {dimensions = array<i32: 1>} : vector<8x128xi32>
    %broadcast_in_dim3A = arith.constant 1.000000e+10 : f32
    %broadcast_in_dim3A_0 = vector.broadcast %broadcast_in_dim3A : f32 to vector<8x4096xf32>
    %swap3A = arith.constant 0 : index
    %swap3A_1 = arith.constant 0 : index
    %swap3A_2 = vector.load %arg7[%swap3A, %swap3A_1] : memref<8x4096xf32, #tpu.memory_space<vmem>>, vector<8x4096xf32>
    tpu.vector_store %arg7[%swap3A, %swap3A_1], %broadcast_in_dim3A_0 {strides = array<i32>} : memref<8x4096xf32, #tpu.memory_space<vmem>>, vector<8x4096xf32>,
    %iota3A_3 = tpu.iota {dimensions = array<i32: 1>} : vector<8x4096xi32>
    %convert_element_type3A = arith.sitofp %iota3A_3 : vector<8x4096xi32> to vector<8x4096xf32>
    %swap3A_4 = arith.constant 0 : index
    %swap3A_5 = arith.constant 0 : index
    %swap3A_6 = vector.load %arg8[%swap3A_4, %swap3A_5] : memref<8x4096xf32, #tpu.memory_space<vmem>>, vector<8x4096xf32>
    tpu.vector_store %arg8[%swap3A_4, %swap3A_5], %convert_element_type3A {strides = array<i32>} : memref<8x4096xf32, #tpu.memory_space<vmem>>, vector<8x4096xf32>,
    %broadcast_in_dim3A_7 = arith.constant 0 : i32
    %broadcast_in_dim3A_8 = vector.broadcast %broadcast_in_dim3A_7 : i32 to vector<8x1xi32>
    %get3A = arith.constant 0 : index
    %get3A_9 = arith.constant 0 : index
    %get3A_10 = vector.load %arg0[%get3A, %get3A_9] : memref<8x4096xf32, #tpu.memory_space<vmem>>, vector<8x1xf32>
    %get3A_11 = arith.constant 0 : index
    %get3A_12 = arith.constant 0 : index
    %get3A_13 = vector.load %arg1[%get3A_11, %get3A_12] : memref<8x4096xf32, #tpu.memory_space<vmem>>, vector<8x1xf32>
    %get3A_14 = arith.constant 0 : index
    %get3A_15 = arith.constant 0 : index
    %get3A_16 = vector.load %arg2[%get3A_14, %get3A_15] : memref<8x4096xf32, #tpu.memory_space<vmem>>, vector<8x1xf32>
    %broadcast_in_dim3A_17 = arith.constant 0 : i32
    %broadcast_in_dim3A_18 = vector.broadcast %broadcast_in_dim3A_17 : i32 to vector<8x128xi32>
    %swap3A_19 = arith.constant 0 : index
    %swap3A_20 = arith.constant 0 : index
    %swap3A_21 = vector.load %arg9[%swap3A_19, %swap3A_20] : memref<8x128xi32, #tpu.memory_space<vmem>>, vector<8x128xi32>
    tpu.vector_store %arg9[%swap3A_19, %swap3A_20], %broadcast_in_dim3A_18 {strides = array<i32>} : memref<8x128xi32, #tpu.memory_space<vmem>>, vector<8x128xi32>,
    %broadcast_in_dim3A_22 = arith.constant 0.000000e+00 : f32
    %broadcast_in_dim3A_23 = vector.broadcast %broadcast_in_dim3A_22 : f32 to vector<8x128xf32>
    %swap3A_24 = arith.constant 0 : index
    %swap3A_25 = arith.constant 0 : index
    %swap3A_26 = vector.load %arg10[%swap3A_24, %swap3A_25] : memref<8x128xf32, #tpu.memory_space<vmem>>, vector<8x128xf32>
    tpu.vector_store %arg10[%swap3A_24, %swap3A_25], %broadcast_in_dim3A_23 {strides = array<i32>} : memref<8x128xf32, #tpu.memory_space<vmem>>, vector<8x128xf32>,
    %broadcast_in_dim3A_27 = arith.constant 0.000000e+00 : f32
    %broadcast_in_dim3A_28 = vector.broadcast %broadcast_in_dim3A_27 : f32 to vector<8x128xf32>
    %swap3A_29 = arith.constant 0 : index
    %swap3A_30 = arith.constant 0 : index
    %swap3A_31 = vector.load %arg11[%swap3A_29, %swap3A_30] : memref<8x128xf32, #tpu.memory_space<vmem>>, vector<8x128xf32>
    tpu.vector_store %arg11[%swap3A_29, %swap3A_30], %broadcast_in_dim3A_28 {strides = array<i32>} : memref<8x128xf32, #tpu.memory_space<vmem>>, vector<8x128xf32>,
    %broadcast_in_dim3A_32 = arith.constant 0.000000e+00 : f32
    %broadcast_in_dim3A_33 = vector.broadcast %broadcast_in_dim3A_32 : f32 to vector<8x128xf32>
    %swap3A_34 = arith.constant 0 : index
    %swap3A_35 = arith.constant 0 : index
    %swap3A_36 = vector.load %arg12[%swap3A_34, %swap3A_35] : memref<8x128xf32, #tpu.memory_space<vmem>>, vector<8x128xf32>
    tpu.vector_store %arg12[%swap3A_34, %swap3A_35], %broadcast_in_dim3A_33 {strides = array<i32>} : memref<8x128xf32, #tpu.memory_space<vmem>>, vector<8x128xf32>,
    %scan3A = arith.constant 0 : i32
    %scan3A_37 = arith.constant 128 : i32
    %scan3A_38 = arith.addi %scan3A, %scan3A_37 : i32
    %scan3A_39 = arith.constant 1 : i32
    %scan3A_40:4 = scf.for %scan3A_416 = %scan3A to %scan3A_38 step %scan3A_39 iter_args(%scan3A_417 = %broadcast_in_dim3A_8, %scan3A_418 = %get3A_10, %scan3A_419 = %get3A_13, %scan3A_420 = %get3A_16) -> (vector<8x1xi32>, vector<8x1xf32>, vector<8x1xf32>, vector<8x1xf32>)  : i32 {
      %eq3A = vector.broadcast %scan3A_416 : i32 to vector<8x128xi32>
      %eq3A_421 = arith.cmpi eq, %iota3A, %eq3A : vector<8x128xi32>
      %convert_element_type3A_422 = arith.extui %eq3A_421 : vector<8x128xi1> to vector<8x128xi32>
      %convert_element_type3A_423 = arith.extui %eq3A_421 : vector<8x128xi1> to vector<8x128xi32>
      %convert_element_type3A_424 = arith.sitofp %convert_element_type3A_423 : vector<8x128xi32> to vector<8x128xf32>
      %get3A_425 = arith.constant 0 : index
      %get3A_426 = arith.constant 0 : index
      %get3A_427 = vector.load %arg9[%get3A_425, %get3A_426] : memref<8x128xi32, #tpu.memory_space<vmem>>, vector<8x128xi32>
      %mul3A = vector.broadcast %scan3A_417 : vector<8x1xi32> to vector<8x128xi32>
      %mul3A_428 = arith.muli %mul3A, %convert_element_type3A_422 : vector<8x128xi32>
      %add3A = arith.addi %get3A_427, %mul3A_428 : vector<8x128xi32>
      %swap3A_429 = arith.constant 0 : index
      %swap3A_430 = arith.constant 0 : index
      %swap3A_431 = vector.load %arg9[%swap3A_429, %swap3A_430] : memref<8x128xi32, #tpu.memory_space<vmem>>, vector<8x128xi32>
      tpu.vector_store %arg9[%swap3A_429, %swap3A_430], %add3A {strides = array<i32>} : memref<8x128xi32, #tpu.memory_space<vmem>>, vector<8x128xi32>,
      %get3A_432 = arith.constant 0 : index
      %get3A_433 = arith.constant 0 : index
      %get3A_434 = vector.load %arg10[%get3A_432, %get3A_433] : memref<8x128xf32, #tpu.memory_space<vmem>>, vector<8x128xf32>
      %mul3A_435 = vector.broadcast %scan3A_418 : vector<8x1xf32> to vector<8x128xf32>
      %mul3A_436 = arith.mulf %mul3A_435, %convert_element_type3A_424 : vector<8x128xf32>
      %add3A_437 = arith.addf %get3A_434, %mul3A_436 : vector<8x128xf32>
      %swap3A_438 = arith.constant 0 : index
      %swap3A_439 = arith.constant 0 : index
      %swap3A_440 = vector.load %arg10[%swap3A_438, %swap3A_439] : memref<8x128xf32, #tpu.memory_space<vmem>>, vector<8x128xf32>
      tpu.vector_store %arg10[%swap3A_438, %swap3A_439], %add3A_437 {strides = array<i32>} : memref<8x128xf32, #tpu.memory_space<vmem>>, vector<8x128xf32>,
      %get3A_441 = arith.constant 0 : index
      %get3A_442 = arith.constant 0 : index
      %get3A_443 = vector.load %arg11[%get3A_441, %get3A_442] : memref<8x128xf32, #tpu.memory_space<vmem>>, vector<8x128xf32>
      %mul3A_444 = vector.broadcast %scan3A_419 : vector<8x1xf32> to vector<8x128xf32>
      %mul3A_445 = arith.mulf %mul3A_444, %convert_element_type3A_424 : vector<8x128xf32>
      %add3A_446 = arith.addf %get3A_443, %mul3A_445 : vector<8x128xf32>
      %swap3A_447 = arith.constant 0 : index
      %swap3A_448 = arith.constant 0 : index
      %swap3A_449 = vector.load %arg11[%swap3A_447, %swap3A_448] : memref<8x128xf32, #tpu.memory_space<vmem>>, vector<8x128xf32>
      tpu.vector_store %arg11[%swap3A_447, %swap3A_448], %add3A_446 {strides = array<i32>} : memref<8x128xf32, #tpu.memory_space<vmem>>, vector<8x128xf32>,
      %get3A_450 = arith.constant 0 : index
      %get3A_451 = arith.constant 0 : index
      %get3A_452 = vector.load %arg12[%get3A_450, %get3A_451] : memref<8x128xf32, #tpu.memory_space<vmem>>, vector<8x128xf32>
      %mul3A_453 = vector.broadcast %scan3A_420 : vector<8x1xf32> to vector<8x128xf32>
      %mul3A_454 = arith.mulf %mul3A_453, %convert_element_type3A_424 : vector<8x128xf32>
      %add3A_455 = arith.addf %get3A_452, %mul3A_454 : vector<8x128xf32>
      %swap3A_456 = arith.constant 0 : index
      %swap3A_457 = arith.constant 0 : index
      %swap3A_458 = vector.load %arg12[%swap3A_456, %swap3A_457] : memref<8x128xf32, #tpu.memory_space<vmem>>, vector<8x128xf32>
      tpu.vector_store %arg12[%swap3A_456, %swap3A_457], %add3A_455 {strides = array<i32>} : memref<8x128xf32, #tpu.memory_space<vmem>>, vector<8x128xf32>,
      %get3A_459 = arith.constant 0 : index
      %get3A_460 = arith.constant 0 : index
      %get3A_461 = vector.load %arg0[%get3A_459, %get3A_460] : memref<8x4096xf32, #tpu.memory_space<vmem>>, vector<8x4096xf32>
      %sub3A = vector.broadcast %scan3A_418 : vector<8x1xf32> to vector<8x4096xf32>
      %sub3A_462 = arith.subf %get3A_461, %sub3A : vector<8x4096xf32>
      %get3A_463 = arith.constant 0 : index
      %get3A_464 = arith.constant 0 : index
      %get3A_465 = vector.load %arg1[%get3A_463, %get3A_464] : memref<8x4096xf32, #tpu.memory_space<vmem>>, vector<8x4096xf32>
      %sub3A_466 = vector.broadcast %scan3A_419 : vector<8x1xf32> to vector<8x4096xf32>
      %sub3A_467 = arith.subf %get3A_465, %sub3A_466 : vector<8x4096xf32>
      %get3A_468 = arith.constant 0 : index
      %get3A_469 = arith.constant 0 : index
      %get3A_470 = vector.load %arg2[%get3A_468, %get3A_469] : memref<8x4096xf32, #tpu.memory_space<vmem>>, vector<8x4096xf32>
      %sub3A_471 = vector.broadcast %scan3A_420 : vector<8x1xf32> to vector<8x4096xf32>
      %sub3A_472 = arith.subf %get3A_470, %sub3A_471 : vector<8x4096xf32>
      %mul3A_473 = arith.mulf %sub3A_462, %sub3A_462 : vector<8x4096xf32>
      %mul3A_474 = arith.mulf %sub3A_467, %sub3A_467 : vector<8x4096xf32>
      %add3A_475 = arith.addf %mul3A_473, %mul3A_474 : vector<8x4096xf32>
      %mul3A_476 = arith.mulf %sub3A_472, %sub3A_472 : vector<8x4096xf32>
      %add3A_477 = arith.addf %add3A_475, %mul3A_476 : vector<8x4096xf32>
      %get3A_478 = arith.constant 0 : index
      %get3A_479 = arith.constant 0 : index
      %get3A_480 = vector.load %arg7[%get3A_478, %get3A_479] : memref<8x4096xf32, #tpu.memory_space<vmem>>, vector<8x4096xf32>
      %min3A = arith.minimumf %get3A_480, %add3A_477 : vector<8x4096xf32>
      %swap3A_481 = arith.constant 0 : index
      %swap3A_482 = arith.constant 0 : index
      %swap3A_483 = vector.load %arg7[%swap3A_481, %swap3A_482] : memref<8x4096xf32, #tpu.memory_space<vmem>>, vector<8x4096xf32>
      tpu.vector_store %arg7[%swap3A_481, %swap3A_482], %min3A {strides = array<i32>} : memref<8x4096xf32, #tpu.memory_space<vmem>>, vector<8x4096xf32>,
      %get3A_484 = arith.constant 0 : index
      %get3A_485 = arith.constant 0 : index
      %get3A_486 = vector.load %arg8[%get3A_484, %get3A_485] : memref<8x4096xf32, #tpu.memory_space<vmem>>, vector<8x4096xf32>
      %get3A_487 = arith.constant 0 : index
      %get3A_488 = arith.constant 0 : index
      %get3A_489 = vector.load %arg0[%get3A_487, %get3A_488] : memref<8x4096xf32, #tpu.memory_space<vmem>>, vector<8x4096xf32>
      %get3A_490 = arith.constant 0 : index
      %get3A_491 = arith.constant 0 : index
      %get3A_492 = vector.load %arg1[%get3A_490, %get3A_491] : memref<8x4096xf32, #tpu.memory_space<vmem>>, vector<8x4096xf32>
      %get3A_493 = arith.constant 0 : index
      %get3A_494 = arith.constant 0 : index
      %get3A_495 = vector.load %arg2[%get3A_493, %get3A_494] : memref<8x4096xf32, #tpu.memory_space<vmem>>, vector<8x4096xf32>
      %slice3A = vector.extract_strided_slice %min3A {offsets = [0, 2048], sizes = [8, 2048], strides = [1, 1]} : vector<8x4096xf32> to vector<8x2048xf32>
      %slice3A_496 = vector.extract_strided_slice %min3A {offsets = [0, 0], sizes = [8, 2048], strides = [1, 1]} : vector<8x4096xf32> to vector<8x2048xf32>
      %gt3A = arith.cmpf ogt, %slice3A, %slice3A_496 : vector<8x2048xf32>
      %slice3A_497 = vector.extract_strided_slice %min3A {offsets = [0, 2048], sizes = [8, 2048], strides = [1, 1]} : vector<8x4096xf32> to vector<8x2048xf32>
      %slice3A_498 = vector.extract_strided_slice %min3A {offsets = [0, 0], sizes = [8, 2048], strides = [1, 1]} : vector<8x4096xf32> to vector<8x2048xf32>
      %select_n3A = arith.select %gt3A, %slice3A_497, %slice3A_498 : vector<8x2048xi1>, vector<8x2048xf32>
      %slice3A_499 = vector.extract_strided_slice %get3A_486 {offsets = [0, 2048], sizes = [8, 2048], strides = [1, 1]} : vector<8x4096xf32> to vector<8x2048xf32>
      %slice3A_500 = vector.extract_strided_slice %get3A_486 {offsets = [0, 0], sizes = [8, 2048], strides = [1, 1]} : vector<8x4096xf32> to vector<8x2048xf32>
      %select_n3A_501 = arith.select %gt3A, %slice3A_499, %slice3A_500 : vector<8x2048xi1>, vector<8x2048xf32>
      %slice3A_502 = vector.extract_strided_slice %get3A_489 {offsets = [0, 2048], sizes = [8, 2048], strides = [1, 1]} : vector<8x4096xf32> to vector<8x2048xf32>
      %slice3A_503 = vector.extract_strided_slice %get3A_489 {offsets = [0, 0], sizes = [8, 2048], strides = [1, 1]} : vector<8x4096xf32> to vector<8x2048xf32>
      %select_n3A_504 = arith.select %gt3A, %slice3A_502, %slice3A_503 : vector<8x2048xi1>, vector<8x2048xf32>
      %slice3A_505 = vector.extract_strided_slice %get3A_492 {offsets = [0, 2048], sizes = [8, 2048], strides = [1, 1]} : vector<8x4096xf32> to vector<8x2048xf32>
      %slice3A_506 = vector.extract_strided_slice %get3A_492 {offsets = [0, 0], sizes = [8, 2048], strides = [1, 1]} : vector<8x4096xf32> to vector<8x2048xf32>
      %select_n3A_507 = arith.select %gt3A, %slice3A_505, %slice3A_506 : vector<8x2048xi1>, vector<8x2048xf32>
      %slice3A_508 = vector.extract_strided_slice %get3A_495 {offsets = [0, 2048], sizes = [8, 2048], strides = [1, 1]} : vector<8x4096xf32> to vector<8x2048xf32>
      %slice3A_509 = vector.extract_strided_slice %get3A_495 {offsets = [0, 0], sizes = [8, 2048], strides = [1, 1]} : vector<8x4096xf32> to vector<8x2048xf32>
      %select_n3A_510 = arith.select %gt3A, %slice3A_508, %slice3A_509 : vector<8x2048xi1>, vector<8x2048xf32>
      %slice3A_511 = vector.extract_strided_slice %select_n3A {offsets = [0, 1024], sizes = [8, 1024], strides = [1, 1]} : vector<8x2048xf32> to vector<8x1024xf32>
      %slice3A_512 = vector.extract_strided_slice %select_n3A {offsets = [0, 0], sizes = [8, 1024], strides = [1, 1]} : vector<8x2048xf32> to vector<8x1024xf32>
      %gt3A_513 = arith.cmpf ogt, %slice3A_511, %slice3A_512 : vector<8x1024xf32>
      %slice3A_514 = vector.extract_strided_slice %select_n3A {offsets = [0, 1024], sizes = [8, 1024], strides = [1, 1]} : vector<8x2048xf32> to vector<8x1024xf32>
      %slice3A_515 = vector.extract_strided_slice %select_n3A {offsets = [0, 0], sizes = [8, 1024], strides = [1, 1]} : vector<8x2048xf32> to vector<8x1024xf32>
      %select_n3A_516 = arith.select %gt3A_513, %slice3A_514, %slice3A_515 : vector<8x1024xi1>, vector<8x1024xf32>
      %slice3A_517 = vector.extract_strided_slice %select_n3A_501 {offsets = [0, 1024], sizes = [8, 1024], strides = [1, 1]} : vector<8x2048xf32> to vector<8x1024xf32>
      %slice3A_518 = vector.extract_strided_slice %select_n3A_501 {offsets = [0, 0], sizes = [8, 1024], strides = [1, 1]} : vector<8x2048xf32> to vector<8x1024xf32>
      %select_n3A_519 = arith.select %gt3A_513, %slice3A_517, %slice3A_518 : vector<8x1024xi1>, vector<8x1024xf32>
      %slice3A_520 = vector.extract_strided_slice %select_n3A_504 {offsets = [0, 1024], sizes = [8, 1024], strides = [1, 1]} : vector<8x2048xf32> to vector<8x1024xf32>
      %slice3A_521 = vector.extract_strided_slice %select_n3A_504 {offsets = [0, 0], sizes = [8, 1024], strides = [1, 1]} : vector<8x2048xf32> to vector<8x1024xf32>
      %select_n3A_522 = arith.select %gt3A_513, %slice3A_520, %slice3A_521 : vector<8x1024xi1>, vector<8x1024xf32>
      %slice3A_523 = vector.extract_strided_slice %select_n3A_507 {offsets = [0, 1024], sizes = [8, 1024], strides = [1, 1]} : vector<8x2048xf32> to vector<8x1024xf32>
      %slice3A_524 = vector.extract_strided_slice %select_n3A_507 {offsets = [0, 0], sizes = [8, 1024], strides = [1, 1]} : vector<8x2048xf32> to vector<8x1024xf32>
      %select_n3A_525 = arith.select %gt3A_513, %slice3A_523, %slice3A_524 : vector<8x1024xi1>, vector<8x1024xf32>
      %slice3A_526 = vector.extract_strided_slice %select_n3A_510 {offsets = [0, 1024], sizes = [8, 1024], strides = [1, 1]} : vector<8x2048xf32> to vector<8x1024xf32>
      %slice3A_527 = vector.extract_strided_slice %select_n3A_510 {offsets = [0, 0], sizes = [8, 1024], strides = [1, 1]} : vector<8x2048xf32> to vector<8x1024xf32>
      %select_n3A_528 = arith.select %gt3A_513, %slice3A_526, %slice3A_527 : vector<8x1024xi1>, vector<8x1024xf32>
      %slice3A_529 = vector.extract_strided_slice %select_n3A_516 {offsets = [0, 512], sizes = [8, 512], strides = [1, 1]} : vector<8x1024xf32> to vector<8x512xf32>
      %slice3A_530 = vector.extract_strided_slice %select_n3A_516 {offsets = [0, 0], sizes = [8, 512], strides = [1, 1]} : vector<8x1024xf32> to vector<8x512xf32>
      %gt3A_531 = arith.cmpf ogt, %slice3A_529, %slice3A_530 : vector<8x512xf32>
      %slice3A_532 = vector.extract_strided_slice %select_n3A_516 {offsets = [0, 512], sizes = [8, 512], strides = [1, 1]} : vector<8x1024xf32> to vector<8x512xf32>
      %slice3A_533 = vector.extract_strided_slice %select_n3A_516 {offsets = [0, 0], sizes = [8, 512], strides = [1, 1]} : vector<8x1024xf32> to vector<8x512xf32>
      %select_n3A_534 = arith.select %gt3A_531, %slice3A_532, %slice3A_533 : vector<8x512xi1>, vector<8x512xf32>
      %slice3A_535 = vector.extract_strided_slice %select_n3A_519 {offsets = [0, 512], sizes = [8, 512], strides = [1, 1]} : vector<8x1024xf32> to vector<8x512xf32>
      %slice3A_536 = vector.extract_strided_slice %select_n3A_519 {offsets = [0, 0], sizes = [8, 512], strides = [1, 1]} : vector<8x1024xf32> to vector<8x512xf32>
      %select_n3A_537 = arith.select %gt3A_531, %slice3A_535, %slice3A_536 : vector<8x512xi1>, vector<8x512xf32>
      %slice3A_538 = vector.extract_strided_slice %select_n3A_522 {offsets = [0, 512], sizes = [8, 512], strides = [1, 1]} : vector<8x1024xf32> to vector<8x512xf32>
      %slice3A_539 = vector.extract_strided_slice %select_n3A_522 {offsets = [0, 0], sizes = [8, 512], strides = [1, 1]} : vector<8x1024xf32> to vector<8x512xf32>
      %select_n3A_540 = arith.select %gt3A_531, %slice3A_538, %slice3A_539 : vector<8x512xi1>, vector<8x512xf32>
      %slice3A_541 = vector.extract_strided_slice %select_n3A_525 {offsets = [0, 512], sizes = [8, 512], strides = [1, 1]} : vector<8x1024xf32> to vector<8x512xf32>
      %slice3A_542 = vector.extract_strided_slice %select_n3A_525 {offsets = [0, 0], sizes = [8, 512], strides = [1, 1]} : vector<8x1024xf32> to vector<8x512xf32>
      %select_n3A_543 = arith.select %gt3A_531, %slice3A_541, %slice3A_542 : vector<8x512xi1>, vector<8x512xf32>
      %slice3A_544 = vector.extract_strided_slice %select_n3A_528 {offsets = [0, 512], sizes = [8, 512], strides = [1, 1]} : vector<8x1024xf32> to vector<8x512xf32>
      %slice3A_545 = vector.extract_strided_slice %select_n3A_528 {offsets = [0, 0], sizes = [8, 512], strides = [1, 1]} : vector<8x1024xf32> to vector<8x512xf32>
      %select_n3A_546 = arith.select %gt3A_531, %slice3A_544, %slice3A_545 : vector<8x512xi1>, vector<8x512xf32>
      %slice3A_547 = vector.extract_strided_slice %select_n3A_534 {offsets = [0, 256], sizes = [8, 256], strides = [1, 1]} : vector<8x512xf32> to vector<8x256xf32>
      %slice3A_548 = vector.extract_strided_slice %select_n3A_534 {offsets = [0, 0], sizes = [8, 256], strides = [1, 1]} : vector<8x512xf32> to vector<8x256xf32>
      %gt3A_549 = arith.cmpf ogt, %slice3A_547, %slice3A_548 : vector<8x256xf32>
      %slice3A_550 = vector.extract_strided_slice %select_n3A_534 {offsets = [0, 256], sizes = [8, 256], strides = [1, 1]} : vector<8x512xf32> to vector<8x256xf32>
      %slice3A_551 = vector.extract_strided_slice %select_n3A_534 {offsets = [0, 0], sizes = [8, 256], strides = [1, 1]} : vector<8x512xf32> to vector<8x256xf32>
      %select_n3A_552 = arith.select %gt3A_549, %slice3A_550, %slice3A_551 : vector<8x256xi1>, vector<8x256xf32>
      %slice3A_553 = vector.extract_strided_slice %select_n3A_537 {offsets = [0, 256], sizes = [8, 256], strides = [1, 1]} : vector<8x512xf32> to vector<8x256xf32>
      %slice3A_554 = vector.extract_strided_slice %select_n3A_537 {offsets = [0, 0], sizes = [8, 256], strides = [1, 1]} : vector<8x512xf32> to vector<8x256xf32>
      %select_n3A_555 = arith.select %gt3A_549, %slice3A_553, %slice3A_554 : vector<8x256xi1>, vector<8x256xf32>
      %slice3A_556 = vector.extract_strided_slice %select_n3A_540 {offsets = [0, 256], sizes = [8, 256], strides = [1, 1]} : vector<8x512xf32> to vector<8x256xf32>
      %slice3A_557 = vector.extract_strided_slice %select_n3A_540 {offsets = [0, 0], sizes = [8, 256], strides = [1, 1]} : vector<8x512xf32> to vector<8x256xf32>
      %select_n3A_558 = arith.select %gt3A_549, %slice3A_556, %slice3A_557 : vector<8x256xi1>, vector<8x256xf32>
      %slice3A_559 = vector.extract_strided_slice %select_n3A_543 {offsets = [0, 256], sizes = [8, 256], strides = [1, 1]} : vector<8x512xf32> to vector<8x256xf32>
      %slice3A_560 = vector.extract_strided_slice %select_n3A_543 {offsets = [0, 0], sizes = [8, 256], strides = [1, 1]} : vector<8x512xf32> to vector<8x256xf32>
      %select_n3A_561 = arith.select %gt3A_549, %slice3A_559, %slice3A_560 : vector<8x256xi1>, vector<8x256xf32>
      %slice3A_562 = vector.extract_strided_slice %select_n3A_546 {offsets = [0, 256], sizes = [8, 256], strides = [1, 1]} : vector<8x512xf32> to vector<8x256xf32>
      %slice3A_563 = vector.extract_strided_slice %select_n3A_546 {offsets = [0, 0], sizes = [8, 256], strides = [1, 1]} : vector<8x512xf32> to vector<8x256xf32>
      %select_n3A_564 = arith.select %gt3A_549, %slice3A_562, %slice3A_563 : vector<8x256xi1>, vector<8x256xf32>
      %slice3A_565 = vector.extract_strided_slice %select_n3A_552 {offsets = [0, 128], sizes = [8, 128], strides = [1, 1]} : vector<8x256xf32> to vector<8x128xf32>
      %slice3A_566 = vector.extract_strided_slice %select_n3A_552 {offsets = [0, 0], sizes = [8, 128], strides = [1, 1]} : vector<8x256xf32> to vector<8x128xf32>
      %gt3A_567 = arith.cmpf ogt, %slice3A_565, %slice3A_566 : vector<8x128xf32>
      %slice3A_568 = vector.extract_strided_slice %select_n3A_552 {offsets = [0, 128], sizes = [8, 128], strides = [1, 1]} : vector<8x256xf32> to vector<8x128xf32>
      %slice3A_569 = vector.extract_strided_slice %select_n3A_552 {offsets = [0, 0], sizes = [8, 128], strides = [1, 1]} : vector<8x256xf32> to vector<8x128xf32>
      %select_n3A_570 = arith.select %gt3A_567, %slice3A_568, %slice3A_569 : vector<8x128xi1>, vector<8x128xf32>
      %slice3A_571 = vector.extract_strided_slice %select_n3A_555 {offsets = [0, 128], sizes = [8, 128], strides = [1, 1]} : vector<8x256xf32> to vector<8x128xf32>
      %slice3A_572 = vector.extract_strided_slice %select_n3A_555 {offsets = [0, 0], sizes = [8, 128], strides = [1, 1]} : vector<8x256xf32> to vector<8x128xf32>
      %select_n3A_573 = arith.select %gt3A_567, %slice3A_571, %slice3A_572 : vector<8x128xi1>, vector<8x128xf32>
      %slice3A_574 = vector.extract_strided_slice %select_n3A_558 {offsets = [0, 128], sizes = [8, 128], strides = [1, 1]} : vector<8x256xf32> to vector<8x128xf32>
      %slice3A_575 = vector.extract_strided_slice %select_n3A_558 {offsets = [0, 0], sizes = [8, 128], strides = [1, 1]} : vector<8x256xf32> to vector<8x128xf32>
      %select_n3A_576 = arith.select %gt3A_567, %slice3A_574, %slice3A_575 : vector<8x128xi1>, vector<8x128xf32>
      %slice3A_577 = vector.extract_strided_slice %select_n3A_561 {offsets = [0, 128], sizes = [8, 128], strides = [1, 1]} : vector<8x256xf32> to vector<8x128xf32>
      %slice3A_578 = vector.extract_strided_slice %select_n3A_561 {offsets = [0, 0], sizes = [8, 128], strides = [1, 1]} : vector<8x256xf32> to vector<8x128xf32>
      %select_n3A_579 = arith.select %gt3A_567, %slice3A_577, %slice3A_578 : vector<8x128xi1>, vector<8x128xf32>
      %slice3A_580 = vector.extract_strided_slice %select_n3A_564 {offsets = [0, 128], sizes = [8, 128], strides = [1, 1]} : vector<8x256xf32> to vector<8x128xf32>
      %slice3A_581 = vector.extract_strided_slice %select_n3A_564 {offsets = [0, 0], sizes = [8, 128], strides = [1, 1]} : vector<8x256xf32> to vector<8x128xf32>
      %select_n3A_582 = arith.select %gt3A_567, %slice3A_580, %slice3A_581 : vector<8x128xi1>, vector<8x128xf32>
      %reduce_max3A = arith.constant dense<0xFF800000> : vector<8xf32>
      %reduce_max3A_583 = vector.multi_reduction <maximumf>, %select_n3A_570, %reduce_max3A [1] : vector<8x128xf32> to vector<8xf32>
      %broadcast_in_dim3A_584 = vector.shape_cast %reduce_max3A_583 : vector<8xf32> to vector<8x1xf32>
      %eq3A_585 = vector.broadcast %broadcast_in_dim3A_584 : vector<8x1xf32> to vector<8x128xf32>
      %eq3A_586 = arith.cmpf oeq, %select_n3A_570, %eq3A_585 : vector<8x128xf32>
      %jit3A = arith.constant 4.096000e+03 : f32
      %broadcast_in_dim3A_587 = vector.broadcast %jit3A : f32 to vector<8x128xf32>
      %select_n3A_588 = arith.select %eq3A_586, %select_n3A_573, %broadcast_in_dim3A_587 : vector<8x128xi1>, vector<8x128xf32>
      %reduce_min3A = arith.constant dense<0x7F800000> : vector<8xf32>
      %reduce_min3A_589 = vector.multi_reduction <minimumf>, %select_n3A_588, %reduce_min3A [1] : vector<8x128xf32> to vector<8xf32>
      %broadcast_in_dim3A_590 = vector.shape_cast %reduce_min3A_589 : vector<8xf32> to vector<8x1xf32>
      %eq3A_591 = vector.broadcast %broadcast_in_dim3A_590 : vector<8x1xf32> to vector<8x128xf32>
      %eq3A_592 = arith.cmpf oeq, %select_n3A_573, %eq3A_591 : vector<8x128xf32>
      %jit3A_593 = arith.constant 0.000000e+00 : f32
      %broadcast_in_dim3A_594 = vector.broadcast %jit3A_593 : f32 to vector<8x128xf32>
      %select_n3A_595 = arith.select %eq3A_592, %select_n3A_576, %broadcast_in_dim3A_594 : vector<8x128xi1>, vector<8x128xf32>
      %reduce_sum3A = arith.constant dense<0.000000e+00> : vector<8xf32>
      %reduce_sum3A_596 = vector.multi_reduction <add>, %select_n3A_595, %reduce_sum3A [1] : vector<8x128xf32> to vector<8xf32>
      %broadcast_in_dim3A_597 = vector.shape_cast %reduce_sum3A_596 : vector<8xf32> to vector<8x1xf32>
      %jit3A_598 = arith.constant 0.000000e+00 : f32
      %broadcast_in_dim3A_599 = vector.broadcast %jit3A_598 : f32 to vector<8x128xf32>
      %select_n3A_600 = arith.select %eq3A_592, %select_n3A_579, %broadcast_in_dim3A_599 : vector<8x128xi1>, vector<8x128xf32>
      %reduce_sum3A_601 = arith.constant dense<0.000000e+00> : vector<8xf32>
      %reduce_sum3A_602 = vector.multi_reduction <add>, %select_n3A_600, %reduce_sum3A_601 [1] : vector<8x128xf32> to vector<8xf32>
      %broadcast_in_dim3A_603 = vector.shape_cast %reduce_sum3A_602 : vector<8xf32> to vector<8x1xf32>
      %jit3A_604 = arith.constant 0.000000e+00 : f32
      %broadcast_in_dim3A_605 = vector.broadcast %jit3A_604 : f32 to vector<8x128xf32>
      %select_n3A_606 = arith.select %eq3A_592, %select_n3A_582, %broadcast_in_dim3A_605 : vector<8x128xi1>, vector<8x128xf32>
      %reduce_sum3A_607 = arith.constant dense<0.000000e+00> : vector<8xf32>
      %reduce_sum3A_608 = vector.multi_reduction <add>, %select_n3A_606, %reduce_sum3A_607 [1] : vector<8x128xf32> to vector<8xf32>
      %broadcast_in_dim3A_609 = vector.shape_cast %reduce_sum3A_608 : vector<8xf32> to vector<8x1xf32>
      %convert_element_type3A_610 = arith.fptosi %broadcast_in_dim3A_590 : vector<8x1xf32> to vector<8x1xi32>
      scf.yield %convert_element_type3A_610, %broadcast_in_dim3A_597, %broadcast_in_dim3A_603, %broadcast_in_dim3A_609 : vector<8x1xi32>, vector<8x1xf32>, vector<8x1xf32>, vector<8x1xf32>
    }
    %scan3A_41 = arith.constant 128 : i32
    %get3A_42 = arith.constant 0 : index
    %get3A_43 = arith.constant 0 : index
    %get3A_44 = vector.load %arg9[%get3A_42, %get3A_43] : memref<8x128xi32, #tpu.memory_space<vmem>>, vector<8x128xi32>
    %swap3A_45 = arith.constant 0 : index
    %swap3A_46 = arith.constant 0 : index
    %swap3A_47 = vector.load %arg3[%swap3A_45, %swap3A_46] : memref<8x1024xi32, #tpu.memory_space<vmem>>, vector<8x128xi32>
    tpu.vector_store %arg3[%swap3A_45, %swap3A_46], %get3A_44 {strides = array<i32>} : memref<8x1024xi32, #tpu.memory_space<vmem>>, vector<8x128xi32>,
    %get3A_48 = arith.constant 0 : index
    %get3A_49 = arith.constant 0 : index
    %get3A_50 = vector.load %arg10[%get3A_48, %get3A_49] : memref<8x128xf32, #tpu.memory_space<vmem>>, vector<8x128xf32>
    %swap3A_51 = arith.constant 0 : index
    %swap3A_52 = arith.constant 0 : index
    %swap3A_53 = vector.load %arg4[%swap3A_51, %swap3A_52] : memref<8x1024xf32, #tpu.memory_space<vmem>>, vector<8x128xf32>
    tpu.vector_store %arg4[%swap3A_51, %swap3A_52], %get3A_50 {strides = array<i32>} : memref<8x1024xf32, #tpu.memory_space<vmem>>, vector<8x128xf32>,
    %get3A_54 = arith.constant 0 : index
    %get3A_55 = arith.constant 0 : index
    %get3A_56 = vector.load %arg11[%get3A_54, %get3A_55] : memref<8x128xf32, #tpu.memory_space<vmem>>, vector<8x128xf32>
    %swap3A_57 = arith.constant 0 : index
    %swap3A_58 = arith.constant 0 : index
    %swap3A_59 = vector.load %arg5[%swap3A_57, %swap3A_58] : memref<8x1024xf32, #tpu.memory_space<vmem>>, vector<8x128xf32>
    tpu.vector_store %arg5[%swap3A_57, %swap3A_58], %get3A_56 {strides = array<i32>} : memref<8x1024xf32, #tpu.memory_space<vmem>>, vector<8x128xf32>,
    %get3A_60 = arith.constant 0 : index
    %get3A_61 = arith.constant 0 : index
    %get3A_62 = vector.load %arg12[%get3A_60, %get3A_61] : memref<8x128xf32, #tpu.memory_space<vmem>>, vector<8x128xf32>
    %swap3A_63 = arith.constant 0 : index
    %swap3A_64 = arith.constant 0 : index
    %swap3A_65 = vector.load %arg6[%swap3A_63, %swap3A_64] : memref<8x1024xf32, #tpu.memory_space<vmem>>, vector<8x128xf32>
    tpu.vector_store %arg6[%swap3A_63, %swap3A_64], %get3A_62 {strides = array<i32>} : memref<8x1024xf32, #tpu.memory_space<vmem>>, vector<8x128xf32>,
    %broadcast_in_dim3A_66 = arith.constant 0 : i32
    %broadcast_in_dim3A_67 = vector.broadcast %broadcast_in_dim3A_66 : i32 to vector<8x128xi32>
    %swap3A_68 = arith.constant 0 : index
    %swap3A_69 = arith.constant 0 : index
    %swap3A_70 = vector.load %arg9[%swap3A_68, %swap3A_69] : memref<8x128xi32, #tpu.memory_space<vmem>>, vector<8x128xi32>
    tpu.vector_store %arg9[%swap3A_68, %swap3A_69], %broadcast_in_dim3A_67 {strides = array<i32>} : memref<8x128xi32, #tpu.memory_space<vmem>>, vector<8x128xi32>,
    %broadcast_in_dim3A_71 = arith.constant 0.000000e+00 : f32
    %broadcast_in_dim3A_72 = vector.broadcast %broadcast_in_dim3A_71 : f32 to vector<8x128xf32>
    %swap3A_73 = arith.constant 0 : index
    %swap3A_74 = arith.constant 0 : index
    %swap3A_75 = vector.load %arg10[%swap3A_73, %swap3A_74] : memref<8x128xf32, #tpu.memory_space<vmem>>, vector<8x128xf32>
    tpu.vector_store %arg10[%swap3A_73, %swap3A_74], %broadcast_in_dim3A_72 {strides = array<i32>} : memref<8x128xf32, #tpu.memory_space<vmem>>, vector<8x128xf32>,
    %broadcast_in_dim3A_76 = arith.constant 0.000000e+00 : f32
    %broadcast_in_dim3A_77 = vector.broadcast %broadcast_in_dim3A_76 : f32 to vector<8x128xf32>
    %swap3A_78 = arith.constant 0 : index
    %swap3A_79 = arith.constant 0 : index
    %swap3A_80 = vector.load %arg11[%swap3A_78, %swap3A_79] : memref<8x128xf32, #tpu.memory_space<vmem>>, vector<8x128xf32>
    tpu.vector_store %arg11[%swap3A_78, %swap3A_79], %broadcast_in_dim3A_77 {strides = array<i32>} : memref<8x128xf32, #tpu.memory_space<vmem>>, vector<8x128xf32>,
    %broadcast_in_dim3A_81 = arith.constant 0.000000e+00 : f32
    %broadcast_in_dim3A_82 = vector.broadcast %broadcast_in_dim3A_81 : f32 to vector<8x128xf32>
    %swap3A_83 = arith.constant 0 : index
    %swap3A_84 = arith.constant 0 : index
    %swap3A_85 = vector.load %arg12[%swap3A_83, %swap3A_84] : memref<8x128xf32, #tpu.memory_space<vmem>>, vector<8x128xf32>
    tpu.vector_store %arg12[%swap3A_83, %swap3A_84], %broadcast_in_dim3A_82 {strides = array<i32>} : memref<8x128xf32, #tpu.memory_space<vmem>>, vector<8x128xf32>,
    %scan3A_86 = arith.constant 0 : i32
    %scan3A_87 = arith.constant 128 : i32
    %scan3A_88 = arith.addi %scan3A_86, %scan3A_87 : i32
    %scan3A_89 = arith.constant 1 : i32
    %scan3A_90:4 = scf.for %scan3A_416 = %scan3A_86 to %scan3A_88 step %scan3A_89 iter_args(%scan3A_417 = %scan3A_40#0, %scan3A_418 = %scan3A_40#1, %scan3A_419 = %scan3A_40#2, %scan3A_420 = %scan3A_40#3) -> (vector<8x1xi32>, vector<8x1xf32>, vector<8x1xf32>, vector<8x1xf32>)  : i32 {
      %eq3A = vector.broadcast %scan3A_416 : i32 to vector<8x128xi32>
      %eq3A_421 = arith.cmpi eq, %iota3A, %eq3A : vector<8x128xi32>
      %convert_element_type3A_422 = arith.extui %eq3A_421 : vector<8x128xi1> to vector<8x128xi32>
      %convert_element_type3A_423 = arith.extui %eq3A_421 : vector<8x128xi1> to vector<8x128xi32>
      %convert_element_type3A_424 = arith.sitofp %convert_element_type3A_423 : vector<8x128xi32> to vector<8x128xf32>
      %get3A_425 = arith.constant 0 : index
      %get3A_426 = arith.constant 0 : index
      %get3A_427 = vector.load %arg9[%get3A_425, %get3A_426] : memref<8x128xi32, #tpu.memory_space<vmem>>, vector<8x128xi32>
      %mul3A = vector.broadcast %scan3A_417 : vector<8x1xi32> to vector<8x128xi32>
      %mul3A_428 = arith.muli %mul3A, %convert_element_type3A_422 : vector<8x128xi32>
      %add3A = arith.addi %get3A_427, %mul3A_428 : vector<8x128xi32>
      %swap3A_429 = arith.constant 0 : index
      %swap3A_430 = arith.constant 0 : index
      %swap3A_431 = vector.load %arg9[%swap3A_429, %swap3A_430] : memref<8x128xi32, #tpu.memory_space<vmem>>, vector<8x128xi32>
      tpu.vector_store %arg9[%swap3A_429, %swap3A_430], %add3A {strides = array<i32>} : memref<8x128xi32, #tpu.memory_space<vmem>>, vector<8x128xi32>,
      %get3A_432 = arith.constant 0 : index
      %get3A_433 = arith.constant 0 : index
      %get3A_434 = vector.load %arg10[%get3A_432, %get3A_433] : memref<8x128xf32, #tpu.memory_space<vmem>>, vector<8x128xf32>
      %mul3A_435 = vector.broadcast %scan3A_418 : vector<8x1xf32> to vector<8x128xf32>
      %mul3A_436 = arith.mulf %mul3A_435, %convert_element_type3A_424 : vector<8x128xf32>
      %add3A_437 = arith.addf %get3A_434, %mul3A_436 : vector<8x128xf32>
      %swap3A_438 = arith.constant 0 : index
      %swap3A_439 = arith.constant 0 : index
      %swap3A_440 = vector.load %arg10[%swap3A_438, %swap3A_439] : memref<8x128xf32, #tpu.memory_space<vmem>>, vector<8x128xf32>
      tpu.vector_store %arg10[%swap3A_438, %swap3A_439], %add3A_437 {strides = array<i32>} : memref<8x128xf32, #tpu.memory_space<vmem>>, vector<8x128xf32>,
      %get3A_441 = arith.constant 0 : index
      %get3A_442 = arith.constant 0 : index
      %get3A_443 = vector.load %arg11[%get3A_441, %get3A_442] : memref<8x128xf32, #tpu.memory_space<vmem>>, vector<8x128xf32>
      %mul3A_444 = vector.broadcast %scan3A_419 : vector<8x1xf32> to vector<8x128xf32>
      %mul3A_445 = arith.mulf %mul3A_444, %convert_element_type3A_424 : vector<8x128xf32>
      %add3A_446 = arith.addf %get3A_443, %mul3A_445 : vector<8x128xf32>
      %swap3A_447 = arith.constant 0 : index
      %swap3A_448 = arith.constant 0 : index
      %swap3A_449 = vector.load %arg11[%swap3A_447, %swap3A_448] : memref<8x128xf32, #tpu.memory_space<vmem>>, vector<8x128xf32>
      tpu.vector_store %arg11[%swap3A_447, %swap3A_448], %add3A_446 {strides = array<i32>} : memref<8x128xf32, #tpu.memory_space<vmem>>, vector<8x128xf32>,
      %get3A_450 = arith.constant 0 : index
      %get3A_451 = arith.constant 0 : index
      %get3A_452 = vector.load %arg12[%get3A_450, %get3A_451] : memref<8x128xf32, #tpu.memory_space<vmem>>, vector<8x128xf32>
      %mul3A_453 = vector.broadcast %scan3A_420 : vector<8x1xf32> to vector<8x128xf32>
      %mul3A_454 = arith.mulf %mul3A_453, %convert_element_type3A_424 : vector<8x128xf32>
      %add3A_455 = arith.addf %get3A_452, %mul3A_454 : vector<8x128xf32>
      %swap3A_456 = arith.constant 0 : index
      %swap3A_457 = arith.constant 0 : index
      %swap3A_458 = vector.load %arg12[%swap3A_456, %swap3A_457] : memref<8x128xf32, #tpu.memory_space<vmem>>, vector<8x128xf32>
      tpu.vector_store %arg12[%swap3A_456, %swap3A_457], %add3A_455 {strides = array<i32>} : memref<8x128xf32, #tpu.memory_space<vmem>>, vector<8x128xf32>,
      %get3A_459 = arith.constant 0 : index
      %get3A_460 = arith.constant 0 : index
      %get3A_461 = vector.load %arg0[%get3A_459, %get3A_460] : memref<8x4096xf32, #tpu.memory_space<vmem>>, vector<8x4096xf32>
      %sub3A = vector.broadcast %scan3A_418 : vector<8x1xf32> to vector<8x4096xf32>
      %sub3A_462 = arith.subf %get3A_461, %sub3A : vector<8x4096xf32>
      %get3A_463 = arith.constant 0 : index
      %get3A_464 = arith.constant 0 : index
      %get3A_465 = vector.load %arg1[%get3A_463, %get3A_464] : memref<8x4096xf32, #tpu.memory_space<vmem>>, vector<8x4096xf32>
      %sub3A_466 = vector.broadcast %scan3A_419 : vector<8x1xf32> to vector<8x4096xf32>
      %sub3A_467 = arith.subf %get3A_465, %sub3A_466 : vector<8x4096xf32>
      %get3A_468 = arith.constant 0 : index
      %get3A_469 = arith.constant 0 : index
      %get3A_470 = vector.load %arg2[%get3A_468, %get3A_469] : memref<8x4096xf32, #tpu.memory_space<vmem>>, vector<8x4096xf32>
      %sub3A_471 = vector.broadcast %scan3A_420 : vector<8x1xf32> to vector<8x4096xf32>
      %sub3A_472 = arith.subf %get3A_470, %sub3A_471 : vector<8x4096xf32>
      %mul3A_473 = arith.mulf %sub3A_462, %sub3A_462 : vector<8x4096xf32>
      %mul3A_474 = arith.mulf %sub3A_467, %sub3A_467 : vector<8x4096xf32>
      %add3A_475 = arith.addf %mul3A_473, %mul3A_474 : vector<8x4096xf32>
      %mul3A_476 = arith.mulf %sub3A_472, %sub3A_472 : vector<8x4096xf32>
      %add3A_477 = arith.addf %add3A_475, %mul3A_476 : vector<8x4096xf32>
      %get3A_478 = arith.constant 0 : index
      %get3A_479 = arith.constant 0 : index
      %get3A_480 = vector.load %arg7[%get3A_478, %get3A_479] : memref<8x4096xf32, #tpu.memory_space<vmem>>, vector<8x4096xf32>
      %min3A = arith.minimumf %get3A_480, %add3A_477 : vector<8x4096xf32>
      %swap3A_481 = arith.constant 0 : index
      %swap3A_482 = arith.constant 0 : index
      %swap3A_483 = vector.load %arg7[%swap3A_481, %swap3A_482] : memref<8x4096xf32, #tpu.memory_space<vmem>>, vector<8x4096xf32>
      tpu.vector_store %arg7[%swap3A_481, %swap3A_482], %min3A {strides = array<i32>} : memref<8x4096xf32, #tpu.memory_space<vmem>>, vector<8x4096xf32>,
      %get3A_484 = arith.constant 0 : index
      %get3A_485 = arith.constant 0 : index
      %get3A_486 = vector.load %arg8[%get3A_484, %get3A_485] : memref<8x4096xf32, #tpu.memory_space<vmem>>, vector<8x4096xf32>
      %get3A_487 = arith.constant 0 : index
      %get3A_488 = arith.constant 0 : index
      %get3A_489 = vector.load %arg0[%get3A_487, %get3A_488] : memref<8x4096xf32, #tpu.memory_space<vmem>>, vector<8x4096xf32>
      %get3A_490 = arith.constant 0 : index
      %get3A_491 = arith.constant 0 : index
      %get3A_492 = vector.load %arg1[%get3A_490, %get3A_491] : memref<8x4096xf32, #tpu.memory_space<vmem>>, vector<8x4096xf32>
      %get3A_493 = arith.constant 0 : index
      %get3A_494 = arith.constant 0 : index
      %get3A_495 = vector.load %arg2[%get3A_493, %get3A_494] : memref<8x4096xf32, #tpu.memory_space<vmem>>, vector<8x4096xf32>
      %slice3A = vector.extract_strided_slice %min3A {offsets = [0, 2048], sizes = [8, 2048], strides = [1, 1]} : vector<8x4096xf32> to vector<8x2048xf32>
      %slice3A_496 = vector.extract_strided_slice %min3A {offsets = [0, 0], sizes = [8, 2048], strides = [1, 1]} : vector<8x4096xf32> to vector<8x2048xf32>
      %gt3A = arith.cmpf ogt, %slice3A, %slice3A_496 : vector<8x2048xf32>
      %slice3A_497 = vector.extract_strided_slice %min3A {offsets = [0, 2048], sizes = [8, 2048], strides = [1, 1]} : vector<8x4096xf32> to vector<8x2048xf32>
      %slice3A_498 = vector.extract_strided_slice %min3A {offsets = [0, 0], sizes = [8, 2048], strides = [1, 1]} : vector<8x4096xf32> to vector<8x2048xf32>
      %select_n3A = arith.select %gt3A, %slice3A_497, %slice3A_498 : vector<8x2048xi1>, vector<8x2048xf32>
      %slice3A_499 = vector.extract_strided_slice %get3A_486 {offsets = [0, 2048], sizes = [8, 2048], strides = [1, 1]} : vector<8x4096xf32> to vector<8x2048xf32>
      %slice3A_500 = vector.extract_strided_slice %get3A_486 {offsets = [0, 0], sizes = [8, 2048], strides = [1, 1]} : vector<8x4096xf32> to vector<8x2048xf32>
      %select_n3A_501 = arith.select %gt3A, %slice3A_499, %slice3A_500 : vector<8x2048xi1>, vector<8x2048xf32>
      %slice3A_502 = vector.extract_strided_slice %get3A_489 {offsets = [0, 2048], sizes = [8, 2048], strides = [1, 1]} : vector<8x4096xf32> to vector<8x2048xf32>
      %slice3A_503 = vector.extract_strided_slice %get3A_489 {offsets = [0, 0], sizes = [8, 2048], strides = [1, 1]} : vector<8x4096xf32> to vector<8x2048xf32>
      %select_n3A_504 = arith.select %gt3A, %slice3A_502, %slice3A_503 : vector<8x2048xi1>, vector<8x2048xf32>
      %slice3A_505 = vector.extract_strided_slice %get3A_492 {offsets = [0, 2048], sizes = [8, 2048], strides = [1, 1]} : vector<8x4096xf32> to vector<8x2048xf32>
      %slice3A_506 = vector.extract_strided_slice %get3A_492 {offsets = [0, 0], sizes = [8, 2048], strides = [1, 1]} : vector<8x4096xf32> to vector<8x2048xf32>
      %select_n3A_507 = arith.select %gt3A, %slice3A_505, %slice3A_506 : vector<8x2048xi1>, vector<8x2048xf32>
      %slice3A_508 = vector.extract_strided_slice %get3A_495 {offsets = [0, 2048], sizes = [8, 2048], strides = [1, 1]} : vector<8x4096xf32> to vector<8x2048xf32>
      %slice3A_509 = vector.extract_strided_slice %get3A_495 {offsets = [0, 0], sizes = [8, 2048], strides = [1, 1]} : vector<8x4096xf32> to vector<8x2048xf32>
      %select_n3A_510 = arith.select %gt3A, %slice3A_508, %slice3A_509 : vector<8x2048xi1>, vector<8x2048xf32>
      %slice3A_511 = vector.extract_strided_slice %select_n3A {offsets = [0, 1024], sizes = [8, 1024], strides = [1, 1]} : vector<8x2048xf32> to vector<8x1024xf32>
      %slice3A_512 = vector.extract_strided_slice %select_n3A {offsets = [0, 0], sizes = [8, 1024], strides = [1, 1]} : vector<8x2048xf32> to vector<8x1024xf32>
      %gt3A_513 = arith.cmpf ogt, %slice3A_511, %slice3A_512 : vector<8x1024xf32>
      %slice3A_514 = vector.extract_strided_slice %select_n3A {offsets = [0, 1024], sizes = [8, 1024], strides = [1, 1]} : vector<8x2048xf32> to vector<8x1024xf32>
      %slice3A_515 = vector.extract_strided_slice %select_n3A {offsets = [0, 0], sizes = [8, 1024], strides = [1, 1]} : vector<8x2048xf32> to vector<8x1024xf32>
      %select_n3A_516 = arith.select %gt3A_513, %slice3A_514, %slice3A_515 : vector<8x1024xi1>, vector<8x1024xf32>
      %slice3A_517 = vector.extract_strided_slice %select_n3A_501 {offsets = [0, 1024], sizes = [8, 1024], strides = [1, 1]} : vector<8x2048xf32> to vector<8x1024xf32>
      %slice3A_518 = vector.extract_strided_slice %select_n3A_501 {offsets = [0, 0], sizes = [8, 1024], strides = [1, 1]} : vector<8x2048xf32> to vector<8x1024xf32>
      %select_n3A_519 = arith.select %gt3A_513, %slice3A_517, %slice3A_518 : vector<8x1024xi1>, vector<8x1024xf32>
      %slice3A_520 = vector.extract_strided_slice %select_n3A_504 {offsets = [0, 1024], sizes = [8, 1024], strides = [1, 1]} : vector<8x2048xf32> to vector<8x1024xf32>
      %slice3A_521 = vector.extract_strided_slice %select_n3A_504 {offsets = [0, 0], sizes = [8, 1024], strides = [1, 1]} : vector<8x2048xf32> to vector<8x1024xf32>
      %select_n3A_522 = arith.select %gt3A_513, %slice3A_520, %slice3A_521 : vector<8x1024xi1>, vector<8x1024xf32>
      %slice3A_523 = vector.extract_strided_slice %select_n3A_507 {offsets = [0, 1024], sizes = [8, 1024], strides = [1, 1]} : vector<8x2048xf32> to vector<8x1024xf32>
      %slice3A_524 = vector.extract_strided_slice %select_n3A_507 {offsets = [0, 0], sizes = [8, 1024], strides = [1, 1]} : vector<8x2048xf32> to vector<8x1024xf32>
      %select_n3A_525 = arith.select %gt3A_513, %slice3A_523, %slice3A_524 : vector<8x1024xi1>, vector<8x1024xf32>
      %slice3A_526 = vector.extract_strided_slice %select_n3A_510 {offsets = [0, 1024], sizes = [8, 1024], strides = [1, 1]} : vector<8x2048xf32> to vector<8x1024xf32>
      %slice3A_527 = vector.extract_strided_slice %select_n3A_510 {offsets = [0, 0], sizes = [8, 1024], strides = [1, 1]} : vector<8x2048xf32> to vector<8x1024xf32>
      %select_n3A_528 = arith.select %gt3A_513, %slice3A_526, %slice3A_527 : vector<8x1024xi1>, vector<8x1024xf32>
      %slice3A_529 = vector.extract_strided_slice %select_n3A_516 {offsets = [0, 512], sizes = [8, 512], strides = [1, 1]} : vector<8x1024xf32> to vector<8x512xf32>
      %slice3A_530 = vector.extract_strided_slice %select_n3A_516 {offsets = [0, 0], sizes = [8, 512], strides = [1, 1]} : vector<8x1024xf32> to vector<8x512xf32>
      %gt3A_531 = arith.cmpf ogt, %slice3A_529, %slice3A_530 : vector<8x512xf32>
      %slice3A_532 = vector.extract_strided_slice %select_n3A_516 {offsets = [0, 512], sizes = [8, 512], strides = [1, 1]} : vector<8x1024xf32> to vector<8x512xf32>
      %slice3A_533 = vector.extract_strided_slice %select_n3A_516 {offsets = [0, 0], sizes = [8, 512], strides = [1, 1]} : vector<8x1024xf32> to vector<8x512xf32>
      %select_n3A_534 = arith.select %gt3A_531, %slice3A_532, %slice3A_533 : vector<8x512xi1>, vector<8x512xf32>
      %slice3A_535 = vector.extract_strided_slice %select_n3A_519 {offsets = [0, 512], sizes = [8, 512], strides = [1, 1]} : vector<8x1024xf32> to vector<8x512xf32>
      %slice3A_536 = vector.extract_strided_slice %select_n3A_519 {offsets = [0, 0], sizes = [8, 512], strides = [1, 1]} : vector<8x1024xf32> to vector<8x512xf32>
      %select_n3A_537 = arith.select %gt3A_531, %slice3A_535, %slice3A_536 : vector<8x512xi1>, vector<8x512xf32>
      %slice3A_538 = vector.extract_strided_slice %select_n3A_522 {offsets = [0, 512], sizes = [8, 512], strides = [1, 1]} : vector<8x1024xf32> to vector<8x512xf32>
      %slice3A_539 = vector.extract_strided_slice %select_n3A_522 {offsets = [0, 0], sizes = [8, 512], strides = [1, 1]} : vector<8x1024xf32> to vector<8x512xf32>
      %select_n3A_540 = arith.select %gt3A_531, %slice3A_538, %slice3A_539 : vector<8x512xi1>, vector<8x512xf32>
      %slice3A_541 = vector.extract_strided_slice %select_n3A_525 {offsets = [0, 512], sizes = [8, 512], strides = [1, 1]} : vector<8x1024xf32> to vector<8x512xf32>
      %slice3A_542 = vector.extract_strided_slice %select_n3A_525 {offsets = [0, 0], sizes = [8, 512], strides = [1, 1]} : vector<8x1024xf32> to vector<8x512xf32>
      %select_n3A_543 = arith.select %gt3A_531, %slice3A_541, %slice3A_542 : vector<8x512xi1>, vector<8x512xf32>
      %slice3A_544 = vector.extract_strided_slice %select_n3A_528 {offsets = [0, 512], sizes = [8, 512], strides = [1, 1]} : vector<8x1024xf32> to vector<8x512xf32>
      %slice3A_545 = vector.extract_strided_slice %select_n3A_528 {offsets = [0, 0], sizes = [8, 512], strides = [1, 1]} : vector<8x1024xf32> to vector<8x512xf32>
      %select_n3A_546 = arith.select %gt3A_531, %slice3A_544, %slice3A_545 : vector<8x512xi1>, vector<8x512xf32>
      %slice3A_547 = vector.extract_strided_slice %select_n3A_534 {offsets = [0, 256], sizes = [8, 256], strides = [1, 1]} : vector<8x512xf32> to vector<8x256xf32>
      %slice3A_548 = vector.extract_strided_slice %select_n3A_534 {offsets = [0, 0], sizes = [8, 256], strides = [1, 1]} : vector<8x512xf32> to vector<8x256xf32>
      %gt3A_549 = arith.cmpf ogt, %slice3A_547, %slice3A_548 : vector<8x256xf32>
      %slice3A_550 = vector.extract_strided_slice %select_n3A_534 {offsets = [0, 256], sizes = [8, 256], strides = [1, 1]} : vector<8x512xf32> to vector<8x256xf32>
      %slice3A_551 = vector.extract_strided_slice %select_n3A_534 {offsets = [0, 0], sizes = [8, 256], strides = [1, 1]} : vector<8x512xf32> to vector<8x256xf32>
      %select_n3A_552 = arith.select %gt3A_549, %slice3A_550, %slice3A_551 : vector<8x256xi1>, vector<8x256xf32>
      %slice3A_553 = vector.extract_strided_slice %select_n3A_537 {offsets = [0, 256], sizes = [8, 256], strides = [1, 1]} : vector<8x512xf32> to vector<8x256xf32>
      %slice3A_554 = vector.extract_strided_slice %select_n3A_537 {offsets = [0, 0], sizes = [8, 256], strides = [1, 1]} : vector<8x512xf32> to vector<8x256xf32>
      %select_n3A_555 = arith.select %gt3A_549, %slice3A_553, %slice3A_554 : vector<8x256xi1>, vector<8x256xf32>
      %slice3A_556 = vector.extract_strided_slice %select_n3A_540 {offsets = [0, 256], sizes = [8, 256], strides = [1, 1]} : vector<8x512xf32> to vector<8x256xf32>
      %slice3A_557 = vector.extract_strided_slice %select_n3A_540 {offsets = [0, 0], sizes = [8, 256], strides = [1, 1]} : vector<8x512xf32> to vector<8x256xf32>
      %select_n3A_558 = arith.select %gt3A_549, %slice3A_556, %slice3A_557 : vector<8x256xi1>, vector<8x256xf32>
      %slice3A_559 = vector.extract_strided_slice %select_n3A_543 {offsets = [0, 256], sizes = [8, 256], strides = [1, 1]} : vector<8x512xf32> to vector<8x256xf32>
      %slice3A_560 = vector.extract_strided_slice %select_n3A_543 {offsets = [0, 0], sizes = [8, 256], strides = [1, 1]} : vector<8x512xf32> to vector<8x256xf32>
      %select_n3A_561 = arith.select %gt3A_549, %slice3A_559, %slice3A_560 : vector<8x256xi1>, vector<8x256xf32>
      %slice3A_562 = vector.extract_strided_slice %select_n3A_546 {offsets = [0, 256], sizes = [8, 256], strides = [1, 1]} : vector<8x512xf32> to vector<8x256xf32>
      %slice3A_563 = vector.extract_strided_slice %select_n3A_546 {offsets = [0, 0], sizes = [8, 256], strides = [1, 1]} : vector<8x512xf32> to vector<8x256xf32>
      %select_n3A_564 = arith.select %gt3A_549, %slice3A_562, %slice3A_563 : vector<8x256xi1>, vector<8x256xf32>
      %slice3A_565 = vector.extract_strided_slice %select_n3A_552 {offsets = [0, 128], sizes = [8, 128], strides = [1, 1]} : vector<8x256xf32> to vector<8x128xf32>
      %slice3A_566 = vector.extract_strided_slice %select_n3A_552 {offsets = [0, 0], sizes = [8, 128], strides = [1, 1]} : vector<8x256xf32> to vector<8x128xf32>
      %gt3A_567 = arith.cmpf ogt, %slice3A_565, %slice3A_566 : vector<8x128xf32>
      %slice3A_568 = vector.extract_strided_slice %select_n3A_552 {offsets = [0, 128], sizes = [8, 128], strides = [1, 1]} : vector<8x256xf32> to vector<8x128xf32>
      %slice3A_569 = vector.extract_strided_slice %select_n3A_552 {offsets = [0, 0], sizes = [8, 128], strides = [1, 1]} : vector<8x256xf32> to vector<8x128xf32>
      %select_n3A_570 = arith.select %gt3A_567, %slice3A_568, %slice3A_569 : vector<8x128xi1>, vector<8x128xf32>
      %slice3A_571 = vector.extract_strided_slice %select_n3A_555 {offsets = [0, 128], sizes = [8, 128], strides = [1, 1]} : vector<8x256xf32> to vector<8x128xf32>
      %slice3A_572 = vector.extract_strided_slice %select_n3A_555 {offsets = [0, 0], sizes = [8, 128], strides = [1, 1]} : vector<8x256xf32> to vector<8x128xf32>
      %select_n3A_573 = arith.select %gt3A_567, %slice3A_571, %slice3A_572 : vector<8x128xi1>, vector<8x128xf32>
      %slice3A_574 = vector.extract_strided_slice %select_n3A_558 {offsets = [0, 128], sizes = [8, 128], strides = [1, 1]} : vector<8x256xf32> to vector<8x128xf32>
      %slice3A_575 = vector.extract_strided_slice %select_n3A_558 {offsets = [0, 0], sizes = [8, 128], strides = [1, 1]} : vector<8x256xf32> to vector<8x128xf32>
      %select_n3A_576 = arith.select %gt3A_567, %slice3A_574, %slice3A_575 : vector<8x128xi1>, vector<8x128xf32>
      %slice3A_577 = vector.extract_strided_slice %select_n3A_561 {offsets = [0, 128], sizes = [8, 128], strides = [1, 1]} : vector<8x256xf32> to vector<8x128xf32>
      %slice3A_578 = vector.extract_strided_slice %select_n3A_561 {offsets = [0, 0], sizes = [8, 128], strides = [1, 1]} : vector<8x256xf32> to vector<8x128xf32>
      %select_n3A_579 = arith.select %gt3A_567, %slice3A_577, %slice3A_578 : vector<8x128xi1>, vector<8x128xf32>
      %slice3A_580 = vector.extract_strided_slice %select_n3A_564 {offsets = [0, 128], sizes = [8, 128], strides = [1, 1]} : vector<8x256xf32> to vector<8x128xf32>
      %slice3A_581 = vector.extract_strided_slice %select_n3A_564 {offsets = [0, 0], sizes = [8, 128], strides = [1, 1]} : vector<8x256xf32> to vector<8x128xf32>
      %select_n3A_582 = arith.select %gt3A_567, %slice3A_580, %slice3A_581 : vector<8x128xi1>, vector<8x128xf32>
      %reduce_max3A = arith.constant dense<0xFF800000> : vector<8xf32>
      %reduce_max3A_583 = vector.multi_reduction <maximumf>, %select_n3A_570, %reduce_max3A [1] : vector<8x128xf32> to vector<8xf32>
      %broadcast_in_dim3A_584 = vector.shape_cast %reduce_max3A_583 : vector<8xf32> to vector<8x1xf32>
      %eq3A_585 = vector.broadcast %broadcast_in_dim3A_584 : vector<8x1xf32> to vector<8x128xf32>
      %eq3A_586 = arith.cmpf oeq, %select_n3A_570, %eq3A_585 : vector<8x128xf32>
      %jit3A = arith.constant 4.096000e+03 : f32
      %broadcast_in_dim3A_587 = vector.broadcast %jit3A : f32 to vector<8x128xf32>
      %select_n3A_588 = arith.select %eq3A_586, %select_n3A_573, %broadcast_in_dim3A_587 : vector<8x128xi1>, vector<8x128xf32>
      %reduce_min3A = arith.constant dense<0x7F800000> : vector<8xf32>
      %reduce_min3A_589 = vector.multi_reduction <minimumf>, %select_n3A_588, %reduce_min3A [1] : vector<8x128xf32> to vector<8xf32>
      %broadcast_in_dim3A_590 = vector.shape_cast %reduce_min3A_589 : vector<8xf32> to vector<8x1xf32>
      %eq3A_591 = vector.broadcast %broadcast_in_dim3A_590 : vector<8x1xf32> to vector<8x128xf32>
      %eq3A_592 = arith.cmpf oeq, %select_n3A_573, %eq3A_591 : vector<8x128xf32>
      %jit3A_593 = arith.constant 0.000000e+00 : f32
      %broadcast_in_dim3A_594 = vector.broadcast %jit3A_593 : f32 to vector<8x128xf32>
      %select_n3A_595 = arith.select %eq3A_592, %select_n3A_576, %broadcast_in_dim3A_594 : vector<8x128xi1>, vector<8x128xf32>
      %reduce_sum3A = arith.constant dense<0.000000e+00> : vector<8xf32>
      %reduce_sum3A_596 = vector.multi_reduction <add>, %select_n3A_595, %reduce_sum3A [1] : vector<8x128xf32> to vector<8xf32>
      %broadcast_in_dim3A_597 = vector.shape_cast %reduce_sum3A_596 : vector<8xf32> to vector<8x1xf32>
      %jit3A_598 = arith.constant 0.000000e+00 : f32
      %broadcast_in_dim3A_599 = vector.broadcast %jit3A_598 : f32 to vector<8x128xf32>
      %select_n3A_600 = arith.select %eq3A_592, %select_n3A_579, %broadcast_in_dim3A_599 : vector<8x128xi1>, vector<8x128xf32>
      %reduce_sum3A_601 = arith.constant dense<0.000000e+00> : vector<8xf32>
      %reduce_sum3A_602 = vector.multi_reduction <add>, %select_n3A_600, %reduce_sum3A_601 [1] : vector<8x128xf32> to vector<8xf32>
      %broadcast_in_dim3A_603 = vector.shape_cast %reduce_sum3A_602 : vector<8xf32> to vector<8x1xf32>
      %jit3A_604 = arith.constant 0.000000e+00 : f32
      %broadcast_in_dim3A_605 = vector.broadcast %jit3A_604 : f32 to vector<8x128xf32>
      %select_n3A_606 = arith.select %eq3A_592, %select_n3A_582, %broadcast_in_dim3A_605 : vector<8x128xi1>, vector<8x128xf32>
      %reduce_sum3A_607 = arith.constant dense<0.000000e+00> : vector<8xf32>
      %reduce_sum3A_608 = vector.multi_reduction <add>, %select_n3A_606, %reduce_sum3A_607 [1] : vector<8x128xf32> to vector<8xf32>
      %broadcast_in_dim3A_609 = vector.shape_cast %reduce_sum3A_608 : vector<8xf32> to vector<8x1xf32>
      %convert_element_type3A_610 = arith.fptosi %broadcast_in_dim3A_590 : vector<8x1xf32> to vector<8x1xi32>
      scf.yield %convert_element_type3A_610, %broadcast_in_dim3A_597, %broadcast_in_dim3A_603, %broadcast_in_dim3A_609 : vector<8x1xi32>, vector<8x1xf32>, vector<8x1xf32>, vector<8x1xf32>
    }
    %scan3A_91 = arith.constant 128 : i32
    %get3A_92 = arith.constant 0 : index
    %get3A_93 = arith.constant 0 : index
    %get3A_94 = vector.load %arg9[%get3A_92, %get3A_93] : memref<8x128xi32, #tpu.memory_space<vmem>>, vector<8x128xi32>
    %swap3A_95 = arith.constant 0 : index
    %swap3A_96 = arith.constant 128 : index
    %swap3A_97 = vector.load %arg3[%swap3A_95, %swap3A_96] : memref<8x1024xi32, #tpu.memory_space<vmem>>, vector<8x128xi32>
    tpu.vector_store %arg3[%swap3A_95, %swap3A_96], %get3A_94 {strides = array<i32>} : memref<8x1024xi32, #tpu.memory_space<vmem>>, vector<8x128xi32>,
    %get3A_98 = arith.constant 0 : index
    %get3A_99 = arith.constant 0 : index
    %get3A_100 = vector.load %arg10[%get3A_98, %get3A_99] : memref<8x128xf32, #tpu.memory_space<vmem>>, vector<8x128xf32>
    %swap3A_101 = arith.constant 0 : index
    %swap3A_102 = arith.constant 128 : index
    %swap3A_103 = vector.load %arg4[%swap3A_101, %swap3A_102] : memref<8x1024xf32, #tpu.memory_space<vmem>>, vector<8x128xf32>
    tpu.vector_store %arg4[%swap3A_101, %swap3A_102], %get3A_100 {strides = array<i32>} : memref<8x1024xf32, #tpu.memory_space<vmem>>, vector<8x128xf32>,
    %get3A_104 = arith.constant 0 : index
    %get3A_105 = arith.constant 0 : index
    %get3A_106 = vector.load %arg11[%get3A_104, %get3A_105] : memref<8x128xf32, #tpu.memory_space<vmem>>, vector<8x128xf32>
    %swap3A_107 = arith.constant 0 : index
    %swap3A_108 = arith.constant 128 : index
    %swap3A_109 = vector.load %arg5[%swap3A_107, %swap3A_108] : memref<8x1024xf32, #tpu.memory_space<vmem>>, vector<8x128xf32>
    tpu.vector_store %arg5[%swap3A_107, %swap3A_108], %get3A_106 {strides = array<i32>} : memref<8x1024xf32, #tpu.memory_space<vmem>>, vector<8x128xf32>,
    %get3A_110 = arith.constant 0 : index
    %get3A_111 = arith.constant 0 : index
    %get3A_112 = vector.load %arg12[%get3A_110, %get3A_111] : memref<8x128xf32, #tpu.memory_space<vmem>>, vector<8x128xf32>
    %swap3A_113 = arith.constant 0 : index
    %swap3A_114 = arith.constant 128 : index
    %swap3A_115 = vector.load %arg6[%swap3A_113, %swap3A_114] : memref<8x1024xf32, #tpu.memory_space<vmem>>, vector<8x128xf32>
    tpu.vector_store %arg6[%swap3A_113, %swap3A_114], %get3A_112 {strides = array<i32>} : memref<8x1024xf32, #tpu.memory_space<vmem>>, vector<8x128xf32>,
    %broadcast_in_dim3A_116 = arith.constant 0 : i32
    %broadcast_in_dim3A_117 = vector.broadcast %broadcast_in_dim3A_116 : i32 to vector<8x128xi32>
    %swap3A_118 = arith.constant 0 : index
    %swap3A_119 = arith.constant 0 : index
    %swap3A_120 = vector.load %arg9[%swap3A_118, %swap3A_119] : memref<8x128xi32, #tpu.memory_space<vmem>>, vector<8x128xi32>
    tpu.vector_store %arg9[%swap3A_118, %swap3A_119], %broadcast_in_dim3A_117 {strides = array<i32>} : memref<8x128xi32, #tpu.memory_space<vmem>>, vector<8x128xi32>,
    %broadcast_in_dim3A_121 = arith.constant 0.000000e+00 : f32
    %broadcast_in_dim3A_122 = vector.broadcast %broadcast_in_dim3A_121 : f32 to vector<8x128xf32>
    %swap3A_123 = arith.constant 0 : index
    %swap3A_124 = arith.constant 0 : index
    %swap3A_125 = vector.load %arg10[%swap3A_123, %swap3A_124] : memref<8x128xf32, #tpu.memory_space<vmem>>, vector<8x128xf32>
    tpu.vector_store %arg10[%swap3A_123, %swap3A_124], %broadcast_in_dim3A_122 {strides = array<i32>} : memref<8x128xf32, #tpu.memory_space<vmem>>, vector<8x128xf32>,
    %broadcast_in_dim3A_126 = arith.constant 0.000000e+00 : f32
    %broadcast_in_dim3A_127 = vector.broadcast %broadcast_in_dim3A_126 : f32 to vector<8x128xf32>
    %swap3A_128 = arith.constant 0 : index
    %swap3A_129 = arith.constant 0 : index
    %swap3A_130 = vector.load %arg11[%swap3A_128, %swap3A_129] : memref<8x128xf32, #tpu.memory_space<vmem>>, vector<8x128xf32>
    tpu.vector_store %arg11[%swap3A_128, %swap3A_129], %broadcast_in_dim3A_127 {strides = array<i32>} : memref<8x128xf32, #tpu.memory_space<vmem>>, vector<8x128xf32>,
    %broadcast_in_dim3A_131 = arith.constant 0.000000e+00 : f32
    %broadcast_in_dim3A_132 = vector.broadcast %broadcast_in_dim3A_131 : f32 to vector<8x128xf32>
    %swap3A_133 = arith.constant 0 : index
    %swap3A_134 = arith.constant 0 : index
    %swap3A_135 = vector.load %arg12[%swap3A_133, %swap3A_134] : memref<8x128xf32, #tpu.memory_space<vmem>>, vector<8x128xf32>
    tpu.vector_store %arg12[%swap3A_133, %swap3A_134], %broadcast_in_dim3A_132 {strides = array<i32>} : memref<8x128xf32, #tpu.memory_space<vmem>>, vector<8x128xf32>,
    %scan3A_136 = arith.constant 0 : i32
    %scan3A_137 = arith.constant 128 : i32
    %scan3A_138 = arith.addi %scan3A_136, %scan3A_137 : i32
    %scan3A_139 = arith.constant 1 : i32
    %scan3A_140:4 = scf.for %scan3A_416 = %scan3A_136 to %scan3A_138 step %scan3A_139 iter_args(%scan3A_417 = %scan3A_90#0, %scan3A_418 = %scan3A_90#1, %scan3A_419 = %scan3A_90#2, %scan3A_420 = %scan3A_90#3) -> (vector<8x1xi32>, vector<8x1xf32>, vector<8x1xf32>, vector<8x1xf32>)  : i32 {
      %eq3A = vector.broadcast %scan3A_416 : i32 to vector<8x128xi32>
      %eq3A_421 = arith.cmpi eq, %iota3A, %eq3A : vector<8x128xi32>
      %convert_element_type3A_422 = arith.extui %eq3A_421 : vector<8x128xi1> to vector<8x128xi32>
      %convert_element_type3A_423 = arith.extui %eq3A_421 : vector<8x128xi1> to vector<8x128xi32>
      %convert_element_type3A_424 = arith.sitofp %convert_element_type3A_423 : vector<8x128xi32> to vector<8x128xf32>
      %get3A_425 = arith.constant 0 : index
      %get3A_426 = arith.constant 0 : index
      %get3A_427 = vector.load %arg9[%get3A_425, %get3A_426] : memref<8x128xi32, #tpu.memory_space<vmem>>, vector<8x128xi32>
      %mul3A = vector.broadcast %scan3A_417 : vector<8x1xi32> to vector<8x128xi32>
      %mul3A_428 = arith.muli %mul3A, %convert_element_type3A_422 : vector<8x128xi32>
      %add3A = arith.addi %get3A_427, %mul3A_428 : vector<8x128xi32>
      %swap3A_429 = arith.constant 0 : index
      %swap3A_430 = arith.constant 0 : index
      %swap3A_431 = vector.load %arg9[%swap3A_429, %swap3A_430] : memref<8x128xi32, #tpu.memory_space<vmem>>, vector<8x128xi32>
      tpu.vector_store %arg9[%swap3A_429, %swap3A_430], %add3A {strides = array<i32>} : memref<8x128xi32, #tpu.memory_space<vmem>>, vector<8x128xi32>,
      %get3A_432 = arith.constant 0 : index
      %get3A_433 = arith.constant 0 : index
      %get3A_434 = vector.load %arg10[%get3A_432, %get3A_433] : memref<8x128xf32, #tpu.memory_space<vmem>>, vector<8x128xf32>
      %mul3A_435 = vector.broadcast %scan3A_418 : vector<8x1xf32> to vector<8x128xf32>
      %mul3A_436 = arith.mulf %mul3A_435, %convert_element_type3A_424 : vector<8x128xf32>
      %add3A_437 = arith.addf %get3A_434, %mul3A_436 : vector<8x128xf32>
      %swap3A_438 = arith.constant 0 : index
      %swap3A_439 = arith.constant 0 : index
      %swap3A_440 = vector.load %arg10[%swap3A_438, %swap3A_439] : memref<8x128xf32, #tpu.memory_space<vmem>>, vector<8x128xf32>
      tpu.vector_store %arg10[%swap3A_438, %swap3A_439], %add3A_437 {strides = array<i32>} : memref<8x128xf32, #tpu.memory_space<vmem>>, vector<8x128xf32>,
      %get3A_441 = arith.constant 0 : index
      %get3A_442 = arith.constant 0 : index
      %get3A_443 = vector.load %arg11[%get3A_441, %get3A_442] : memref<8x128xf32, #tpu.memory_space<vmem>>, vector<8x128xf32>
      %mul3A_444 = vector.broadcast %scan3A_419 : vector<8x1xf32> to vector<8x128xf32>
      %mul3A_445 = arith.mulf %mul3A_444, %convert_element_type3A_424 : vector<8x128xf32>
      %add3A_446 = arith.addf %get3A_443, %mul3A_445 : vector<8x128xf32>
      %swap3A_447 = arith.constant 0 : index
      %swap3A_448 = arith.constant 0 : index
      %swap3A_449 = vector.load %arg11[%swap3A_447, %swap3A_448] : memref<8x128xf32, #tpu.memory_space<vmem>>, vector<8x128xf32>
      tpu.vector_store %arg11[%swap3A_447, %swap3A_448], %add3A_446 {strides = array<i32>} : memref<8x128xf32, #tpu.memory_space<vmem>>, vector<8x128xf32>,
      %get3A_450 = arith.constant 0 : index
      %get3A_451 = arith.constant 0 : index
      %get3A_452 = vector.load %arg12[%get3A_450, %get3A_451] : memref<8x128xf32, #tpu.memory_space<vmem>>, vector<8x128xf32>
      %mul3A_453 = vector.broadcast %scan3A_420 : vector<8x1xf32> to vector<8x128xf32>
      %mul3A_454 = arith.mulf %mul3A_453, %convert_element_type3A_424 : vector<8x128xf32>
      %add3A_455 = arith.addf %get3A_452, %mul3A_454 : vector<8x128xf32>
      %swap3A_456 = arith.constant 0 : index
      %swap3A_457 = arith.constant 0 : index
      %swap3A_458 = vector.load %arg12[%swap3A_456, %swap3A_457] : memref<8x128xf32, #tpu.memory_space<vmem>>, vector<8x128xf32>
      tpu.vector_store %arg12[%swap3A_456, %swap3A_457], %add3A_455 {strides = array<i32>} : memref<8x128xf32, #tpu.memory_space<vmem>>, vector<8x128xf32>,
      %get3A_459 = arith.constant 0 : index
      %get3A_460 = arith.constant 0 : index
      %get3A_461 = vector.load %arg0[%get3A_459, %get3A_460] : memref<8x4096xf32, #tpu.memory_space<vmem>>, vector<8x4096xf32>
      %sub3A = vector.broadcast %scan3A_418 : vector<8x1xf32> to vector<8x4096xf32>
      %sub3A_462 = arith.subf %get3A_461, %sub3A : vector<8x4096xf32>
      %get3A_463 = arith.constant 0 : index
      %get3A_464 = arith.constant 0 : index
      %get3A_465 = vector.load %arg1[%get3A_463, %get3A_464] : memref<8x4096xf32, #tpu.memory_space<vmem>>, vector<8x4096xf32>
      %sub3A_466 = vector.broadcast %scan3A_419 : vector<8x1xf32> to vector<8x4096xf32>
      %sub3A_467 = arith.subf %get3A_465, %sub3A_466 : vector<8x4096xf32>
      %get3A_468 = arith.constant 0 : index
      %get3A_469 = arith.constant 0 : index
      %get3A_470 = vector.load %arg2[%get3A_468, %get3A_469] : memref<8x4096xf32, #tpu.memory_space<vmem>>, vector<8x4096xf32>
      %sub3A_471 = vector.broadcast %scan3A_420 : vector<8x1xf32> to vector<8x4096xf32>
      %sub3A_472 = arith.subf %get3A_470, %sub3A_471 : vector<8x4096xf32>
      %mul3A_473 = arith.mulf %sub3A_462, %sub3A_462 : vector<8x4096xf32>
      %mul3A_474 = arith.mulf %sub3A_467, %sub3A_467 : vector<8x4096xf32>
      %add3A_475 = arith.addf %mul3A_473, %mul3A_474 : vector<8x4096xf32>
      %mul3A_476 = arith.mulf %sub3A_472, %sub3A_472 : vector<8x4096xf32>
      %add3A_477 = arith.addf %add3A_475, %mul3A_476 : vector<8x4096xf32>
      %get3A_478 = arith.constant 0 : index
      %get3A_479 = arith.constant 0 : index
      %get3A_480 = vector.load %arg7[%get3A_478, %get3A_479] : memref<8x4096xf32, #tpu.memory_space<vmem>>, vector<8x4096xf32>
      %min3A = arith.minimumf %get3A_480, %add3A_477 : vector<8x4096xf32>
      %swap3A_481 = arith.constant 0 : index
      %swap3A_482 = arith.constant 0 : index
      %swap3A_483 = vector.load %arg7[%swap3A_481, %swap3A_482] : memref<8x4096xf32, #tpu.memory_space<vmem>>, vector<8x4096xf32>
      tpu.vector_store %arg7[%swap3A_481, %swap3A_482], %min3A {strides = array<i32>} : memref<8x4096xf32, #tpu.memory_space<vmem>>, vector<8x4096xf32>,
      %get3A_484 = arith.constant 0 : index
      %get3A_485 = arith.constant 0 : index
      %get3A_486 = vector.load %arg8[%get3A_484, %get3A_485] : memref<8x4096xf32, #tpu.memory_space<vmem>>, vector<8x4096xf32>
      %get3A_487 = arith.constant 0 : index
      %get3A_488 = arith.constant 0 : index
      %get3A_489 = vector.load %arg0[%get3A_487, %get3A_488] : memref<8x4096xf32, #tpu.memory_space<vmem>>, vector<8x4096xf32>
      %get3A_490 = arith.constant 0 : index
      %get3A_491 = arith.constant 0 : index
      %get3A_492 = vector.load %arg1[%get3A_490, %get3A_491] : memref<8x4096xf32, #tpu.memory_space<vmem>>, vector<8x4096xf32>
      %get3A_493 = arith.constant 0 : index
      %get3A_494 = arith.constant 0 : index
      %get3A_495 = vector.load %arg2[%get3A_493, %get3A_494] : memref<8x4096xf32, #tpu.memory_space<vmem>>, vector<8x4096xf32>
      %slice3A = vector.extract_strided_slice %min3A {offsets = [0, 2048], sizes = [8, 2048], strides = [1, 1]} : vector<8x4096xf32> to vector<8x2048xf32>
      %slice3A_496 = vector.extract_strided_slice %min3A {offsets = [0, 0], sizes = [8, 2048], strides = [1, 1]} : vector<8x4096xf32> to vector<8x2048xf32>
      %gt3A = arith.cmpf ogt, %slice3A, %slice3A_496 : vector<8x2048xf32>
      %slice3A_497 = vector.extract_strided_slice %min3A {offsets = [0, 2048], sizes = [8, 2048], strides = [1, 1]} : vector<8x4096xf32> to vector<8x2048xf32>
      %slice3A_498 = vector.extract_strided_slice %min3A {offsets = [0, 0], sizes = [8, 2048], strides = [1, 1]} : vector<8x4096xf32> to vector<8x2048xf32>
      %select_n3A = arith.select %gt3A, %slice3A_497, %slice3A_498 : vector<8x2048xi1>, vector<8x2048xf32>
      %slice3A_499 = vector.extract_strided_slice %get3A_486 {offsets = [0, 2048], sizes = [8, 2048], strides = [1, 1]} : vector<8x4096xf32> to vector<8x2048xf32>
      %slice3A_500 = vector.extract_strided_slice %get3A_486 {offsets = [0, 0], sizes = [8, 2048], strides = [1, 1]} : vector<8x4096xf32> to vector<8x2048xf32>
      %select_n3A_501 = arith.select %gt3A, %slice3A_499, %slice3A_500 : vector<8x2048xi1>, vector<8x2048xf32>
      %slice3A_502 = vector.extract_strided_slice %get3A_489 {offsets = [0, 2048], sizes = [8, 2048], strides = [1, 1]} : vector<8x4096xf32> to vector<8x2048xf32>
      %slice3A_503 = vector.extract_strided_slice %get3A_489 {offsets = [0, 0], sizes = [8, 2048], strides = [1, 1]} : vector<8x4096xf32> to vector<8x2048xf32>
      %select_n3A_504 = arith.select %gt3A, %slice3A_502, %slice3A_503 : vector<8x2048xi1>, vector<8x2048xf32>
      %slice3A_505 = vector.extract_strided_slice %get3A_492 {offsets = [0, 2048], sizes = [8, 2048], strides = [1, 1]} : vector<8x4096xf32> to vector<8x2048xf32>
      %slice3A_506 = vector.extract_strided_slice %get3A_492 {offsets = [0, 0], sizes = [8, 2048], strides = [1, 1]} : vector<8x4096xf32> to vector<8x2048xf32>
      %select_n3A_507 = arith.select %gt3A, %slice3A_505, %slice3A_506 : vector<8x2048xi1>, vector<8x2048xf32>
      %slice3A_508 = vector.extract_strided_slice %get3A_495 {offsets = [0, 2048], sizes = [8, 2048], strides = [1, 1]} : vector<8x4096xf32> to vector<8x2048xf32>
      %slice3A_509 = vector.extract_strided_slice %get3A_495 {offsets = [0, 0], sizes = [8, 2048], strides = [1, 1]} : vector<8x4096xf32> to vector<8x2048xf32>
      %select_n3A_510 = arith.select %gt3A, %slice3A_508, %slice3A_509 : vector<8x2048xi1>, vector<8x2048xf32>
      %slice3A_511 = vector.extract_strided_slice %select_n3A {offsets = [0, 1024], sizes = [8, 1024], strides = [1, 1]} : vector<8x2048xf32> to vector<8x1024xf32>
      %slice3A_512 = vector.extract_strided_slice %select_n3A {offsets = [0, 0], sizes = [8, 1024], strides = [1, 1]} : vector<8x2048xf32> to vector<8x1024xf32>
      %gt3A_513 = arith.cmpf ogt, %slice3A_511, %slice3A_512 : vector<8x1024xf32>
      %slice3A_514 = vector.extract_strided_slice %select_n3A {offsets = [0, 1024], sizes = [8, 1024], strides = [1, 1]} : vector<8x2048xf32> to vector<8x1024xf32>
      %slice3A_515 = vector.extract_strided_slice %select_n3A {offsets = [0, 0], sizes = [8, 1024], strides = [1, 1]} : vector<8x2048xf32> to vector<8x1024xf32>
      %select_n3A_516 = arith.select %gt3A_513, %slice3A_514, %slice3A_515 : vector<8x1024xi1>, vector<8x1024xf32>
      %slice3A_517 = vector.extract_strided_slice %select_n3A_501 {offsets = [0, 1024], sizes = [8, 1024], strides = [1, 1]} : vector<8x2048xf32> to vector<8x1024xf32>
      %slice3A_518 = vector.extract_strided_slice %select_n3A_501 {offsets = [0, 0], sizes = [8, 1024], strides = [1, 1]} : vector<8x2048xf32> to vector<8x1024xf32>
      %select_n3A_519 = arith.select %gt3A_513, %slice3A_517, %slice3A_518 : vector<8x1024xi1>, vector<8x1024xf32>
      %slice3A_520 = vector.extract_strided_slice %select_n3A_504 {offsets = [0, 1024], sizes = [8, 1024], strides = [1, 1]} : vector<8x2048xf32> to vector<8x1024xf32>
      %slice3A_521 = vector.extract_strided_slice %select_n3A_504 {offsets = [0, 0], sizes = [8, 1024], strides = [1, 1]} : vector<8x2048xf32> to vector<8x1024xf32>
      %select_n3A_522 = arith.select %gt3A_513, %slice3A_520, %slice3A_521 : vector<8x1024xi1>, vector<8x1024xf32>
      %slice3A_523 = vector.extract_strided_slice %select_n3A_507 {offsets = [0, 1024], sizes = [8, 1024], strides = [1, 1]} : vector<8x2048xf32> to vector<8x1024xf32>
      %slice3A_524 = vector.extract_strided_slice %select_n3A_507 {offsets = [0, 0], sizes = [8, 1024], strides = [1, 1]} : vector<8x2048xf32> to vector<8x1024xf32>
      %select_n3A_525 = arith.select %gt3A_513, %slice3A_523, %slice3A_524 : vector<8x1024xi1>, vector<8x1024xf32>
      %slice3A_526 = vector.extract_strided_slice %select_n3A_510 {offsets = [0, 1024], sizes = [8, 1024], strides = [1, 1]} : vector<8x2048xf32> to vector<8x1024xf32>
      %slice3A_527 = vector.extract_strided_slice %select_n3A_510 {offsets = [0, 0], sizes = [8, 1024], strides = [1, 1]} : vector<8x2048xf32> to vector<8x1024xf32>
      %select_n3A_528 = arith.select %gt3A_513, %slice3A_526, %slice3A_527 : vector<8x1024xi1>, vector<8x1024xf32>
      %slice3A_529 = vector.extract_strided_slice %select_n3A_516 {offsets = [0, 512], sizes = [8, 512], strides = [1, 1]} : vector<8x1024xf32> to vector<8x512xf32>
      %slice3A_530 = vector.extract_strided_slice %select_n3A_516 {offsets = [0, 0], sizes = [8, 512], strides = [1, 1]} : vector<8x1024xf32> to vector<8x512xf32>
      %gt3A_531 = arith.cmpf ogt, %slice3A_529, %slice3A_530 : vector<8x512xf32>
      %slice3A_532 = vector.extract_strided_slice %select_n3A_516 {offsets = [0, 512], sizes = [8, 512], strides = [1, 1]} : vector<8x1024xf32> to vector<8x512xf32>
      %slice3A_533 = vector.extract_strided_slice %select_n3A_516 {offsets = [0, 0], sizes = [8, 512], strides = [1, 1]} : vector<8x1024xf32> to vector<8x512xf32>
      %select_n3A_534 = arith.select %gt3A_531, %slice3A_532, %slice3A_533 : vector<8x512xi1>, vector<8x512xf32>
      %slice3A_535 = vector.extract_strided_slice %select_n3A_519 {offsets = [0, 512], sizes = [8, 512], strides = [1, 1]} : vector<8x1024xf32> to vector<8x512xf32>
      %slice3A_536 = vector.extract_strided_slice %select_n3A_519 {offsets = [0, 0], sizes = [8, 512], strides = [1, 1]} : vector<8x1024xf32> to vector<8x512xf32>
      %select_n3A_537 = arith.select %gt3A_531, %slice3A_535, %slice3A_536 : vector<8x512xi1>, vector<8x512xf32>
      %slice3A_538 = vector.extract_strided_slice %select_n3A_522 {offsets = [0, 512], sizes = [8, 512], strides = [1, 1]} : vector<8x1024xf32> to vector<8x512xf32>
      %slice3A_539 = vector.extract_strided_slice %select_n3A_522 {offsets = [0, 0], sizes = [8, 512], strides = [1, 1]} : vector<8x1024xf32> to vector<8x512xf32>
      %select_n3A_540 = arith.select %gt3A_531, %slice3A_538, %slice3A_539 : vector<8x512xi1>, vector<8x512xf32>
      %slice3A_541 = vector.extract_strided_slice %select_n3A_525 {offsets = [0, 512], sizes = [8, 512], strides = [1, 1]} : vector<8x1024xf32> to vector<8x512xf32>
      %slice3A_542 = vector.extract_strided_slice %select_n3A_525 {offsets = [0, 0], sizes = [8, 512], strides = [1, 1]} : vector<8x1024xf32> to vector<8x512xf32>
      %select_n3A_543 = arith.select %gt3A_531, %slice3A_541, %slice3A_542 : vector<8x512xi1>, vector<8x512xf32>
      %slice3A_544 = vector.extract_strided_slice %select_n3A_528 {offsets = [0, 512], sizes = [8, 512], strides = [1, 1]} : vector<8x1024xf32> to vector<8x512xf32>
      %slice3A_545 = vector.extract_strided_slice %select_n3A_528 {offsets = [0, 0], sizes = [8, 512], strides = [1, 1]} : vector<8x1024xf32> to vector<8x512xf32>
      %select_n3A_546 = arith.select %gt3A_531, %slice3A_544, %slice3A_545 : vector<8x512xi1>, vector<8x512xf32>
      %slice3A_547 = vector.extract_strided_slice %select_n3A_534 {offsets = [0, 256], sizes = [8, 256], strides = [1, 1]} : vector<8x512xf32> to vector<8x256xf32>
      %slice3A_548 = vector.extract_strided_slice %select_n3A_534 {offsets = [0, 0], sizes = [8, 256], strides = [1, 1]} : vector<8x512xf32> to vector<8x256xf32>
      %gt3A_549 = arith.cmpf ogt, %slice3A_547, %slice3A_548 : vector<8x256xf32>
      %slice3A_550 = vector.extract_strided_slice %select_n3A_534 {offsets = [0, 256], sizes = [8, 256], strides = [1, 1]} : vector<8x512xf32> to vector<8x256xf32>
      %slice3A_551 = vector.extract_strided_slice %select_n3A_534 {offsets = [0, 0], sizes = [8, 256], strides = [1, 1]} : vector<8x512xf32> to vector<8x256xf32>
      %select_n3A_552 = arith.select %gt3A_549, %slice3A_550, %slice3A_551 : vector<8x256xi1>, vector<8x256xf32>
      %slice3A_553 = vector.extract_strided_slice %select_n3A_537 {offsets = [0, 256], sizes = [8, 256], strides = [1, 1]} : vector<8x512xf32> to vector<8x256xf32>
      %slice3A_554 = vector.extract_strided_slice %select_n3A_537 {offsets = [0, 0], sizes = [8, 256], strides = [1, 1]} : vector<8x512xf32> to vector<8x256xf32>
      %select_n3A_555 = arith.select %gt3A_549, %slice3A_553, %slice3A_554 : vector<8x256xi1>, vector<8x256xf32>
      %slice3A_556 = vector.extract_strided_slice %select_n3A_540 {offsets = [0, 256], sizes = [8, 256], strides = [1, 1]} : vector<8x512xf32> to vector<8x256xf32>
      %slice3A_557 = vector.extract_strided_slice %select_n3A_540 {offsets = [0, 0], sizes = [8, 256], strides = [1, 1]} : vector<8x512xf32> to vector<8x256xf32>
      %select_n3A_558 = arith.select %gt3A_549, %slice3A_556, %slice3A_557 : vector<8x256xi1>, vector<8x256xf32>
      %slice3A_559 = vector.extract_strided_slice %select_n3A_543 {offsets = [0, 256], sizes = [8, 256], strides = [1, 1]} : vector<8x512xf32> to vector<8x256xf32>
      %slice3A_560 = vector.extract_strided_slice %select_n3A_543 {offsets = [0, 0], sizes = [8, 256], strides = [1, 1]} : vector<8x512xf32> to vector<8x256xf32>
      %select_n3A_561 = arith.select %gt3A_549, %slice3A_559, %slice3A_560 : vector<8x256xi1>, vector<8x256xf32>
      %slice3A_562 = vector.extract_strided_slice %select_n3A_546 {offsets = [0, 256], sizes = [8, 256], strides = [1, 1]} : vector<8x512xf32> to vector<8x256xf32>
      %slice3A_563 = vector.extract_strided_slice %select_n3A_546 {offsets = [0, 0], sizes = [8, 256], strides = [1, 1]} : vector<8x512xf32> to vector<8x256xf32>
      %select_n3A_564 = arith.select %gt3A_549, %slice3A_562, %slice3A_563 : vector<8x256xi1>, vector<8x256xf32>
      %slice3A_565 = vector.extract_strided_slice %select_n3A_552 {offsets = [0, 128], sizes = [8, 128], strides = [1, 1]} : vector<8x256xf32> to vector<8x128xf32>
      %slice3A_566 = vector.extract_strided_slice %select_n3A_552 {offsets = [0, 0], sizes = [8, 128], strides = [1, 1]} : vector<8x256xf32> to vector<8x128xf32>
      %gt3A_567 = arith.cmpf ogt, %slice3A_565, %slice3A_566 : vector<8x128xf32>
      %slice3A_568 = vector.extract_strided_slice %select_n3A_552 {offsets = [0, 128], sizes = [8, 128], strides = [1, 1]} : vector<8x256xf32> to vector<8x128xf32>
      %slice3A_569 = vector.extract_strided_slice %select_n3A_552 {offsets = [0, 0], sizes = [8, 128], strides = [1, 1]} : vector<8x256xf32> to vector<8x128xf32>
      %select_n3A_570 = arith.select %gt3A_567, %slice3A_568, %slice3A_569 : vector<8x128xi1>, vector<8x128xf32>
      %slice3A_571 = vector.extract_strided_slice %select_n3A_555 {offsets = [0, 128], sizes = [8, 128], strides = [1, 1]} : vector<8x256xf32> to vector<8x128xf32>
      %slice3A_572 = vector.extract_strided_slice %select_n3A_555 {offsets = [0, 0], sizes = [8, 128], strides = [1, 1]} : vector<8x256xf32> to vector<8x128xf32>
      %select_n3A_573 = arith.select %gt3A_567, %slice3A_571, %slice3A_572 : vector<8x128xi1>, vector<8x128xf32>
      %slice3A_574 = vector.extract_strided_slice %select_n3A_558 {offsets = [0, 128], sizes = [8, 128], strides = [1, 1]} : vector<8x256xf32> to vector<8x128xf32>
      %slice3A_575 = vector.extract_strided_slice %select_n3A_558 {offsets = [0, 0], sizes = [8, 128], strides = [1, 1]} : vector<8x256xf32> to vector<8x128xf32>
      %select_n3A_576 = arith.select %gt3A_567, %slice3A_574, %slice3A_575 : vector<8x128xi1>, vector<8x128xf32>
      %slice3A_577 = vector.extract_strided_slice %select_n3A_561 {offsets = [0, 128], sizes = [8, 128], strides = [1, 1]} : vector<8x256xf32> to vector<8x128xf32>
      %slice3A_578 = vector.extract_strided_slice %select_n3A_561 {offsets = [0, 0], sizes = [8, 128], strides = [1, 1]} : vector<8x256xf32> to vector<8x128xf32>
      %select_n3A_579 = arith.select %gt3A_567, %slice3A_577, %slice3A_578 : vector<8x128xi1>, vector<8x128xf32>
      %slice3A_580 = vector.extract_strided_slice %select_n3A_564 {offsets = [0, 128], sizes = [8, 128], strides = [1, 1]} : vector<8x256xf32> to vector<8x128xf32>
      %slice3A_581 = vector.extract_strided_slice %select_n3A_564 {offsets = [0, 0], sizes = [8, 128], strides = [1, 1]} : vector<8x256xf32> to vector<8x128xf32>
      %select_n3A_582 = arith.select %gt3A_567, %slice3A_580, %slice3A_581 : vector<8x128xi1>, vector<8x128xf32>
      %reduce_max3A = arith.constant dense<0xFF800000> : vector<8xf32>
      %reduce_max3A_583 = vector.multi_reduction <maximumf>, %select_n3A_570, %reduce_max3A [1] : vector<8x128xf32> to vector<8xf32>
      %broadcast_in_dim3A_584 = vector.shape_cast %reduce_max3A_583 : vector<8xf32> to vector<8x1xf32>
      %eq3A_585 = vector.broadcast %broadcast_in_dim3A_584 : vector<8x1xf32> to vector<8x128xf32>
      %eq3A_586 = arith.cmpf oeq, %select_n3A_570, %eq3A_585 : vector<8x128xf32>
      %jit3A = arith.constant 4.096000e+03 : f32
      %broadcast_in_dim3A_587 = vector.broadcast %jit3A : f32 to vector<8x128xf32>
      %select_n3A_588 = arith.select %eq3A_586, %select_n3A_573, %broadcast_in_dim3A_587 : vector<8x128xi1>, vector<8x128xf32>
      %reduce_min3A = arith.constant dense<0x7F800000> : vector<8xf32>
      %reduce_min3A_589 = vector.multi_reduction <minimumf>, %select_n3A_588, %reduce_min3A [1] : vector<8x128xf32> to vector<8xf32>
      %broadcast_in_dim3A_590 = vector.shape_cast %reduce_min3A_589 : vector<8xf32> to vector<8x1xf32>
      %eq3A_591 = vector.broadcast %broadcast_in_dim3A_590 : vector<8x1xf32> to vector<8x128xf32>
      %eq3A_592 = arith.cmpf oeq, %select_n3A_573, %eq3A_591 : vector<8x128xf32>
      %jit3A_593 = arith.constant 0.000000e+00 : f32
      %broadcast_in_dim3A_594 = vector.broadcast %jit3A_593 : f32 to vector<8x128xf32>
      %select_n3A_595 = arith.select %eq3A_592, %select_n3A_576, %broadcast_in_dim3A_594 : vector<8x128xi1>, vector<8x128xf32>
      %reduce_sum3A = arith.constant dense<0.000000e+00> : vector<8xf32>
      %reduce_sum3A_596 = vector.multi_reduction <add>, %select_n3A_595, %reduce_sum3A [1] : vector<8x128xf32> to vector<8xf32>
      %broadcast_in_dim3A_597 = vector.shape_cast %reduce_sum3A_596 : vector<8xf32> to vector<8x1xf32>
      %jit3A_598 = arith.constant 0.000000e+00 : f32
      %broadcast_in_dim3A_599 = vector.broadcast %jit3A_598 : f32 to vector<8x128xf32>
      %select_n3A_600 = arith.select %eq3A_592, %select_n3A_579, %broadcast_in_dim3A_599 : vector<8x128xi1>, vector<8x128xf32>
      %reduce_sum3A_601 = arith.constant dense<0.000000e+00> : vector<8xf32>
      %reduce_sum3A_602 = vector.multi_reduction <add>, %select_n3A_600, %reduce_sum3A_601 [1] : vector<8x128xf32> to vector<8xf32>
      %broadcast_in_dim3A_603 = vector.shape_cast %reduce_sum3A_602 : vector<8xf32> to vector<8x1xf32>
      %jit3A_604 = arith.constant 0.000000e+00 : f32
      %broadcast_in_dim3A_605 = vector.broadcast %jit3A_604 : f32 to vector<8x128xf32>
      %select_n3A_606 = arith.select %eq3A_592, %select_n3A_582, %broadcast_in_dim3A_605 : vector<8x128xi1>, vector<8x128xf32>
      %reduce_sum3A_607 = arith.constant dense<0.000000e+00> : vector<8xf32>
      %reduce_sum3A_608 = vector.multi_reduction <add>, %select_n3A_606, %reduce_sum3A_607 [1] : vector<8x128xf32> to vector<8xf32>
      %broadcast_in_dim3A_609 = vector.shape_cast %reduce_sum3A_608 : vector<8xf32> to vector<8x1xf32>
      %convert_element_type3A_610 = arith.fptosi %broadcast_in_dim3A_590 : vector<8x1xf32> to vector<8x1xi32>
      scf.yield %convert_element_type3A_610, %broadcast_in_dim3A_597, %broadcast_in_dim3A_603, %broadcast_in_dim3A_609 : vector<8x1xi32>, vector<8x1xf32>, vector<8x1xf32>, vector<8x1xf32>
    }
    %scan3A_141 = arith.constant 128 : i32
    %get3A_142 = arith.constant 0 : index
    %get3A_143 = arith.constant 0 : index
    %get3A_144 = vector.load %arg9[%get3A_142, %get3A_143] : memref<8x128xi32, #tpu.memory_space<vmem>>, vector<8x128xi32>
    %swap3A_145 = arith.constant 0 : index
    %swap3A_146 = arith.constant 256 : index
    %swap3A_147 = vector.load %arg3[%swap3A_145, %swap3A_146] : memref<8x1024xi32, #tpu.memory_space<vmem>>, vector<8x128xi32>
    tpu.vector_store %arg3[%swap3A_145, %swap3A_146], %get3A_144 {strides = array<i32>} : memref<8x1024xi32, #tpu.memory_space<vmem>>, vector<8x128xi32>,
    %get3A_148 = arith.constant 0 : index
    %get3A_149 = arith.constant 0 : index
    %get3A_150 = vector.load %arg10[%get3A_148, %get3A_149] : memref<8x128xf32, #tpu.memory_space<vmem>>, vector<8x128xf32>
    %swap3A_151 = arith.constant 0 : index
    %swap3A_152 = arith.constant 256 : index
    %swap3A_153 = vector.load %arg4[%swap3A_151, %swap3A_152] : memref<8x1024xf32, #tpu.memory_space<vmem>>, vector<8x128xf32>
    tpu.vector_store %arg4[%swap3A_151, %swap3A_152], %get3A_150 {strides = array<i32>} : memref<8x1024xf32, #tpu.memory_space<vmem>>, vector<8x128xf32>,
    %get3A_154 = arith.constant 0 : index
    %get3A_155 = arith.constant 0 : index
    %get3A_156 = vector.load %arg11[%get3A_154, %get3A_155] : memref<8x128xf32, #tpu.memory_space<vmem>>, vector<8x128xf32>
    %swap3A_157 = arith.constant 0 : index
    %swap3A_158 = arith.constant 256 : index
    %swap3A_159 = vector.load %arg5[%swap3A_157, %swap3A_158] : memref<8x1024xf32, #tpu.memory_space<vmem>>, vector<8x128xf32>
    tpu.vector_store %arg5[%swap3A_157, %swap3A_158], %get3A_156 {strides = array<i32>} : memref<8x1024xf32, #tpu.memory_space<vmem>>, vector<8x128xf32>,
    %get3A_160 = arith.constant 0 : index
    %get3A_161 = arith.constant 0 : index
    %get3A_162 = vector.load %arg12[%get3A_160, %get3A_161] : memref<8x128xf32, #tpu.memory_space<vmem>>, vector<8x128xf32>
    %swap3A_163 = arith.constant 0 : index
    %swap3A_164 = arith.constant 256 : index
    %swap3A_165 = vector.load %arg6[%swap3A_163, %swap3A_164] : memref<8x1024xf32, #tpu.memory_space<vmem>>, vector<8x128xf32>
    tpu.vector_store %arg6[%swap3A_163, %swap3A_164], %get3A_162 {strides = array<i32>} : memref<8x1024xf32, #tpu.memory_space<vmem>>, vector<8x128xf32>,
    %broadcast_in_dim3A_166 = arith.constant 0 : i32
    %broadcast_in_dim3A_167 = vector.broadcast %broadcast_in_dim3A_166 : i32 to vector<8x128xi32>
    %swap3A_168 = arith.constant 0 : index
    %swap3A_169 = arith.constant 0 : index
    %swap3A_170 = vector.load %arg9[%swap3A_168, %swap3A_169] : memref<8x128xi32, #tpu.memory_space<vmem>>, vector<8x128xi32>
    tpu.vector_store %arg9[%swap3A_168, %swap3A_169], %broadcast_in_dim3A_167 {strides = array<i32>} : memref<8x128xi32, #tpu.memory_space<vmem>>, vector<8x128xi32>,
    %broadcast_in_dim3A_171 = arith.constant 0.000000e+00 : f32
    %broadcast_in_dim3A_172 = vector.broadcast %broadcast_in_dim3A_171 : f32 to vector<8x128xf32>
    %swap3A_173 = arith.constant 0 : index
    %swap3A_174 = arith.constant 0 : index
    %swap3A_175 = vector.load %arg10[%swap3A_173, %swap3A_174] : memref<8x128xf32, #tpu.memory_space<vmem>>, vector<8x128xf32>
    tpu.vector_store %arg10[%swap3A_173, %swap3A_174], %broadcast_in_dim3A_172 {strides = array<i32>} : memref<8x128xf32, #tpu.memory_space<vmem>>, vector<8x128xf32>,
    %broadcast_in_dim3A_176 = arith.constant 0.000000e+00 : f32
    %broadcast_in_dim3A_177 = vector.broadcast %broadcast_in_dim3A_176 : f32 to vector<8x128xf32>
    %swap3A_178 = arith.constant 0 : index
    %swap3A_179 = arith.constant 0 : index
    %swap3A_180 = vector.load %arg11[%swap3A_178, %swap3A_179] : memref<8x128xf32, #tpu.memory_space<vmem>>, vector<8x128xf32>
    tpu.vector_store %arg11[%swap3A_178, %swap3A_179], %broadcast_in_dim3A_177 {strides = array<i32>} : memref<8x128xf32, #tpu.memory_space<vmem>>, vector<8x128xf32>,
    %broadcast_in_dim3A_181 = arith.constant 0.000000e+00 : f32
    %broadcast_in_dim3A_182 = vector.broadcast %broadcast_in_dim3A_181 : f32 to vector<8x128xf32>
    %swap3A_183 = arith.constant 0 : index
    %swap3A_184 = arith.constant 0 : index
    %swap3A_185 = vector.load %arg12[%swap3A_183, %swap3A_184] : memref<8x128xf32, #tpu.memory_space<vmem>>, vector<8x128xf32>
    tpu.vector_store %arg12[%swap3A_183, %swap3A_184], %broadcast_in_dim3A_182 {strides = array<i32>} : memref<8x128xf32, #tpu.memory_space<vmem>>, vector<8x128xf32>,
    %scan3A_186 = arith.constant 0 : i32
    %scan3A_187 = arith.constant 128 : i32
    %scan3A_188 = arith.addi %scan3A_186, %scan3A_187 : i32
    %scan3A_189 = arith.constant 1 : i32
    %scan3A_190:4 = scf.for %scan3A_416 = %scan3A_186 to %scan3A_188 step %scan3A_189 iter_args(%scan3A_417 = %scan3A_140#0, %scan3A_418 = %scan3A_140#1, %scan3A_419 = %scan3A_140#2, %scan3A_420 = %scan3A_140#3) -> (vector<8x1xi32>, vector<8x1xf32>, vector<8x1xf32>, vector<8x1xf32>)  : i32 {
      %eq3A = vector.broadcast %scan3A_416 : i32 to vector<8x128xi32>
      %eq3A_421 = arith.cmpi eq, %iota3A, %eq3A : vector<8x128xi32>
      %convert_element_type3A_422 = arith.extui %eq3A_421 : vector<8x128xi1> to vector<8x128xi32>
      %convert_element_type3A_423 = arith.extui %eq3A_421 : vector<8x128xi1> to vector<8x128xi32>
      %convert_element_type3A_424 = arith.sitofp %convert_element_type3A_423 : vector<8x128xi32> to vector<8x128xf32>
      %get3A_425 = arith.constant 0 : index
      %get3A_426 = arith.constant 0 : index
      %get3A_427 = vector.load %arg9[%get3A_425, %get3A_426] : memref<8x128xi32, #tpu.memory_space<vmem>>, vector<8x128xi32>
      %mul3A = vector.broadcast %scan3A_417 : vector<8x1xi32> to vector<8x128xi32>
      %mul3A_428 = arith.muli %mul3A, %convert_element_type3A_422 : vector<8x128xi32>
      %add3A = arith.addi %get3A_427, %mul3A_428 : vector<8x128xi32>
      %swap3A_429 = arith.constant 0 : index
      %swap3A_430 = arith.constant 0 : index
      %swap3A_431 = vector.load %arg9[%swap3A_429, %swap3A_430] : memref<8x128xi32, #tpu.memory_space<vmem>>, vector<8x128xi32>
      tpu.vector_store %arg9[%swap3A_429, %swap3A_430], %add3A {strides = array<i32>} : memref<8x128xi32, #tpu.memory_space<vmem>>, vector<8x128xi32>,
      %get3A_432 = arith.constant 0 : index
      %get3A_433 = arith.constant 0 : index
      %get3A_434 = vector.load %arg10[%get3A_432, %get3A_433] : memref<8x128xf32, #tpu.memory_space<vmem>>, vector<8x128xf32>
      %mul3A_435 = vector.broadcast %scan3A_418 : vector<8x1xf32> to vector<8x128xf32>
      %mul3A_436 = arith.mulf %mul3A_435, %convert_element_type3A_424 : vector<8x128xf32>
      %add3A_437 = arith.addf %get3A_434, %mul3A_436 : vector<8x128xf32>
      %swap3A_438 = arith.constant 0 : index
      %swap3A_439 = arith.constant 0 : index
      %swap3A_440 = vector.load %arg10[%swap3A_438, %swap3A_439] : memref<8x128xf32, #tpu.memory_space<vmem>>, vector<8x128xf32>
      tpu.vector_store %arg10[%swap3A_438, %swap3A_439], %add3A_437 {strides = array<i32>} : memref<8x128xf32, #tpu.memory_space<vmem>>, vector<8x128xf32>,
      %get3A_441 = arith.constant 0 : index
      %get3A_442 = arith.constant 0 : index
      %get3A_443 = vector.load %arg11[%get3A_441, %get3A_442] : memref<8x128xf32, #tpu.memory_space<vmem>>, vector<8x128xf32>
      %mul3A_444 = vector.broadcast %scan3A_419 : vector<8x1xf32> to vector<8x128xf32>
      %mul3A_445 = arith.mulf %mul3A_444, %convert_element_type3A_424 : vector<8x128xf32>
      %add3A_446 = arith.addf %get3A_443, %mul3A_445 : vector<8x128xf32>
      %swap3A_447 = arith.constant 0 : index
      %swap3A_448 = arith.constant 0 : index
      %swap3A_449 = vector.load %arg11[%swap3A_447, %swap3A_448] : memref<8x128xf32, #tpu.memory_space<vmem>>, vector<8x128xf32>
      tpu.vector_store %arg11[%swap3A_447, %swap3A_448], %add3A_446 {strides = array<i32>} : memref<8x128xf32, #tpu.memory_space<vmem>>, vector<8x128xf32>,
      %get3A_450 = arith.constant 0 : index
      %get3A_451 = arith.constant 0 : index
      %get3A_452 = vector.load %arg12[%get3A_450, %get3A_451] : memref<8x128xf32, #tpu.memory_space<vmem>>, vector<8x128xf32>
      %mul3A_453 = vector.broadcast %scan3A_420 : vector<8x1xf32> to vector<8x128xf32>
      %mul3A_454 = arith.mulf %mul3A_453, %convert_element_type3A_424 : vector<8x128xf32>
      %add3A_455 = arith.addf %get3A_452, %mul3A_454 : vector<8x128xf32>
      %swap3A_456 = arith.constant 0 : index
      %swap3A_457 = arith.constant 0 : index
      %swap3A_458 = vector.load %arg12[%swap3A_456, %swap3A_457] : memref<8x128xf32, #tpu.memory_space<vmem>>, vector<8x128xf32>
      tpu.vector_store %arg12[%swap3A_456, %swap3A_457], %add3A_455 {strides = array<i32>} : memref<8x128xf32, #tpu.memory_space<vmem>>, vector<8x128xf32>,
      %get3A_459 = arith.constant 0 : index
      %get3A_460 = arith.constant 0 : index
      %get3A_461 = vector.load %arg0[%get3A_459, %get3A_460] : memref<8x4096xf32, #tpu.memory_space<vmem>>, vector<8x4096xf32>
      %sub3A = vector.broadcast %scan3A_418 : vector<8x1xf32> to vector<8x4096xf32>
      %sub3A_462 = arith.subf %get3A_461, %sub3A : vector<8x4096xf32>
      %get3A_463 = arith.constant 0 : index
      %get3A_464 = arith.constant 0 : index
      %get3A_465 = vector.load %arg1[%get3A_463, %get3A_464] : memref<8x4096xf32, #tpu.memory_space<vmem>>, vector<8x4096xf32>
      %sub3A_466 = vector.broadcast %scan3A_419 : vector<8x1xf32> to vector<8x4096xf32>
      %sub3A_467 = arith.subf %get3A_465, %sub3A_466 : vector<8x4096xf32>
      %get3A_468 = arith.constant 0 : index
      %get3A_469 = arith.constant 0 : index
      %get3A_470 = vector.load %arg2[%get3A_468, %get3A_469] : memref<8x4096xf32, #tpu.memory_space<vmem>>, vector<8x4096xf32>
      %sub3A_471 = vector.broadcast %scan3A_420 : vector<8x1xf32> to vector<8x4096xf32>
      %sub3A_472 = arith.subf %get3A_470, %sub3A_471 : vector<8x4096xf32>
      %mul3A_473 = arith.mulf %sub3A_462, %sub3A_462 : vector<8x4096xf32>
      %mul3A_474 = arith.mulf %sub3A_467, %sub3A_467 : vector<8x4096xf32>
      %add3A_475 = arith.addf %mul3A_473, %mul3A_474 : vector<8x4096xf32>
      %mul3A_476 = arith.mulf %sub3A_472, %sub3A_472 : vector<8x4096xf32>
      %add3A_477 = arith.addf %add3A_475, %mul3A_476 : vector<8x4096xf32>
      %get3A_478 = arith.constant 0 : index
      %get3A_479 = arith.constant 0 : index
      %get3A_480 = vector.load %arg7[%get3A_478, %get3A_479] : memref<8x4096xf32, #tpu.memory_space<vmem>>, vector<8x4096xf32>
      %min3A = arith.minimumf %get3A_480, %add3A_477 : vector<8x4096xf32>
      %swap3A_481 = arith.constant 0 : index
      %swap3A_482 = arith.constant 0 : index
      %swap3A_483 = vector.load %arg7[%swap3A_481, %swap3A_482] : memref<8x4096xf32, #tpu.memory_space<vmem>>, vector<8x4096xf32>
      tpu.vector_store %arg7[%swap3A_481, %swap3A_482], %min3A {strides = array<i32>} : memref<8x4096xf32, #tpu.memory_space<vmem>>, vector<8x4096xf32>,
      %get3A_484 = arith.constant 0 : index
      %get3A_485 = arith.constant 0 : index
      %get3A_486 = vector.load %arg8[%get3A_484, %get3A_485] : memref<8x4096xf32, #tpu.memory_space<vmem>>, vector<8x4096xf32>
      %get3A_487 = arith.constant 0 : index
      %get3A_488 = arith.constant 0 : index
      %get3A_489 = vector.load %arg0[%get3A_487, %get3A_488] : memref<8x4096xf32, #tpu.memory_space<vmem>>, vector<8x4096xf32>
      %get3A_490 = arith.constant 0 : index
      %get3A_491 = arith.constant 0 : index
      %get3A_492 = vector.load %arg1[%get3A_490, %get3A_491] : memref<8x4096xf32, #tpu.memory_space<vmem>>, vector<8x4096xf32>
      %get3A_493 = arith.constant 0 : index
      %get3A_494 = arith.constant 0 : index
      %get3A_495 = vector.load %arg2[%get3A_493, %get3A_494] : memref<8x4096xf32, #tpu.memory_space<vmem>>, vector<8x4096xf32>
      %slice3A = vector.extract_strided_slice %min3A {offsets = [0, 2048], sizes = [8, 2048], strides = [1, 1]} : vector<8x4096xf32> to vector<8x2048xf32>
      %slice3A_496 = vector.extract_strided_slice %min3A {offsets = [0, 0], sizes = [8, 2048], strides = [1, 1]} : vector<8x4096xf32> to vector<8x2048xf32>
      %gt3A = arith.cmpf ogt, %slice3A, %slice3A_496 : vector<8x2048xf32>
      %slice3A_497 = vector.extract_strided_slice %min3A {offsets = [0, 2048], sizes = [8, 2048], strides = [1, 1]} : vector<8x4096xf32> to vector<8x2048xf32>
      %slice3A_498 = vector.extract_strided_slice %min3A {offsets = [0, 0], sizes = [8, 2048], strides = [1, 1]} : vector<8x4096xf32> to vector<8x2048xf32>
      %select_n3A = arith.select %gt3A, %slice3A_497, %slice3A_498 : vector<8x2048xi1>, vector<8x2048xf32>
      %slice3A_499 = vector.extract_strided_slice %get3A_486 {offsets = [0, 2048], sizes = [8, 2048], strides = [1, 1]} : vector<8x4096xf32> to vector<8x2048xf32>
      %slice3A_500 = vector.extract_strided_slice %get3A_486 {offsets = [0, 0], sizes = [8, 2048], strides = [1, 1]} : vector<8x4096xf32> to vector<8x2048xf32>
      %select_n3A_501 = arith.select %gt3A, %slice3A_499, %slice3A_500 : vector<8x2048xi1>, vector<8x2048xf32>
      %slice3A_502 = vector.extract_strided_slice %get3A_489 {offsets = [0, 2048], sizes = [8, 2048], strides = [1, 1]} : vector<8x4096xf32> to vector<8x2048xf32>
      %slice3A_503 = vector.extract_strided_slice %get3A_489 {offsets = [0, 0], sizes = [8, 2048], strides = [1, 1]} : vector<8x4096xf32> to vector<8x2048xf32>
      %select_n3A_504 = arith.select %gt3A, %slice3A_502, %slice3A_503 : vector<8x2048xi1>, vector<8x2048xf32>
      %slice3A_505 = vector.extract_strided_slice %get3A_492 {offsets = [0, 2048], sizes = [8, 2048], strides = [1, 1]} : vector<8x4096xf32> to vector<8x2048xf32>
      %slice3A_506 = vector.extract_strided_slice %get3A_492 {offsets = [0, 0], sizes = [8, 2048], strides = [1, 1]} : vector<8x4096xf32> to vector<8x2048xf32>
      %select_n3A_507 = arith.select %gt3A, %slice3A_505, %slice3A_506 : vector<8x2048xi1>, vector<8x2048xf32>
      %slice3A_508 = vector.extract_strided_slice %get3A_495 {offsets = [0, 2048], sizes = [8, 2048], strides = [1, 1]} : vector<8x4096xf32> to vector<8x2048xf32>
      %slice3A_509 = vector.extract_strided_slice %get3A_495 {offsets = [0, 0], sizes = [8, 2048], strides = [1, 1]} : vector<8x4096xf32> to vector<8x2048xf32>
      %select_n3A_510 = arith.select %gt3A, %slice3A_508, %slice3A_509 : vector<8x2048xi1>, vector<8x2048xf32>
      %slice3A_511 = vector.extract_strided_slice %select_n3A {offsets = [0, 1024], sizes = [8, 1024], strides = [1, 1]} : vector<8x2048xf32> to vector<8x1024xf32>
      %slice3A_512 = vector.extract_strided_slice %select_n3A {offsets = [0, 0], sizes = [8, 1024], strides = [1, 1]} : vector<8x2048xf32> to vector<8x1024xf32>
      %gt3A_513 = arith.cmpf ogt, %slice3A_511, %slice3A_512 : vector<8x1024xf32>
      %slice3A_514 = vector.extract_strided_slice %select_n3A {offsets = [0, 1024], sizes = [8, 1024], strides = [1, 1]} : vector<8x2048xf32> to vector<8x1024xf32>
      %slice3A_515 = vector.extract_strided_slice %select_n3A {offsets = [0, 0], sizes = [8, 1024], strides = [1, 1]} : vector<8x2048xf32> to vector<8x1024xf32>
      %select_n3A_516 = arith.select %gt3A_513, %slice3A_514, %slice3A_515 : vector<8x1024xi1>, vector<8x1024xf32>
      %slice3A_517 = vector.extract_strided_slice %select_n3A_501 {offsets = [0, 1024], sizes = [8, 1024], strides = [1, 1]} : vector<8x2048xf32> to vector<8x1024xf32>
      %slice3A_518 = vector.extract_strided_slice %select_n3A_501 {offsets = [0, 0], sizes = [8, 1024], strides = [1, 1]} : vector<8x2048xf32> to vector<8x1024xf32>
      %select_n3A_519 = arith.select %gt3A_513, %slice3A_517, %slice3A_518 : vector<8x1024xi1>, vector<8x1024xf32>
      %slice3A_520 = vector.extract_strided_slice %select_n3A_504 {offsets = [0, 1024], sizes = [8, 1024], strides = [1, 1]} : vector<8x2048xf32> to vector<8x1024xf32>
      %slice3A_521 = vector.extract_strided_slice %select_n3A_504 {offsets = [0, 0], sizes = [8, 1024], strides = [1, 1]} : vector<8x2048xf32> to vector<8x1024xf32>
      %select_n3A_522 = arith.select %gt3A_513, %slice3A_520, %slice3A_521 : vector<8x1024xi1>, vector<8x1024xf32>
      %slice3A_523 = vector.extract_strided_slice %select_n3A_507 {offsets = [0, 1024], sizes = [8, 1024], strides = [1, 1]} : vector<8x2048xf32> to vector<8x1024xf32>
      %slice3A_524 = vector.extract_strided_slice %select_n3A_507 {offsets = [0, 0], sizes = [8, 1024], strides = [1, 1]} : vector<8x2048xf32> to vector<8x1024xf32>
      %select_n3A_525 = arith.select %gt3A_513, %slice3A_523, %slice3A_524 : vector<8x1024xi1>, vector<8x1024xf32>
      %slice3A_526 = vector.extract_strided_slice %select_n3A_510 {offsets = [0, 1024], sizes = [8, 1024], strides = [1, 1]} : vector<8x2048xf32> to vector<8x1024xf32>
      %slice3A_527 = vector.extract_strided_slice %select_n3A_510 {offsets = [0, 0], sizes = [8, 1024], strides = [1, 1]} : vector<8x2048xf32> to vector<8x1024xf32>
      %select_n3A_528 = arith.select %gt3A_513, %slice3A_526, %slice3A_527 : vector<8x1024xi1>, vector<8x1024xf32>
      %slice3A_529 = vector.extract_strided_slice %select_n3A_516 {offsets = [0, 512], sizes = [8, 512], strides = [1, 1]} : vector<8x1024xf32> to vector<8x512xf32>
      %slice3A_530 = vector.extract_strided_slice %select_n3A_516 {offsets = [0, 0], sizes = [8, 512], strides = [1, 1]} : vector<8x1024xf32> to vector<8x512xf32>
      %gt3A_531 = arith.cmpf ogt, %slice3A_529, %slice3A_530 : vector<8x512xf32>
      %slice3A_532 = vector.extract_strided_slice %select_n3A_516 {offsets = [0, 512], sizes = [8, 512], strides = [1, 1]} : vector<8x1024xf32> to vector<8x512xf32>
      %slice3A_533 = vector.extract_strided_slice %select_n3A_516 {offsets = [0, 0], sizes = [8, 512], strides = [1, 1]} : vector<8x1024xf32> to vector<8x512xf32>
      %select_n3A_534 = arith.select %gt3A_531, %slice3A_532, %slice3A_533 : vector<8x512xi1>, vector<8x512xf32>
      %slice3A_535 = vector.extract_strided_slice %select_n3A_519 {offsets = [0, 512], sizes = [8, 512], strides = [1, 1]} : vector<8x1024xf32> to vector<8x512xf32>
      %slice3A_536 = vector.extract_strided_slice %select_n3A_519 {offsets = [0, 0], sizes = [8, 512], strides = [1, 1]} : vector<8x1024xf32> to vector<8x512xf32>
      %select_n3A_537 = arith.select %gt3A_531, %slice3A_535, %slice3A_536 : vector<8x512xi1>, vector<8x512xf32>
      %slice3A_538 = vector.extract_strided_slice %select_n3A_522 {offsets = [0, 512], sizes = [8, 512], strides = [1, 1]} : vector<8x1024xf32> to vector<8x512xf32>
      %slice3A_539 = vector.extract_strided_slice %select_n3A_522 {offsets = [0, 0], sizes = [8, 512], strides = [1, 1]} : vector<8x1024xf32> to vector<8x512xf32>
      %select_n3A_540 = arith.select %gt3A_531, %slice3A_538, %slice3A_539 : vector<8x512xi1>, vector<8x512xf32>
      %slice3A_541 = vector.extract_strided_slice %select_n3A_525 {offsets = [0, 512], sizes = [8, 512], strides = [1, 1]} : vector<8x1024xf32> to vector<8x512xf32>
      %slice3A_542 = vector.extract_strided_slice %select_n3A_525 {offsets = [0, 0], sizes = [8, 512], strides = [1, 1]} : vector<8x1024xf32> to vector<8x512xf32>
      %select_n3A_543 = arith.select %gt3A_531, %slice3A_541, %slice3A_542 : vector<8x512xi1>, vector<8x512xf32>
      %slice3A_544 = vector.extract_strided_slice %select_n3A_528 {offsets = [0, 512], sizes = [8, 512], strides = [1, 1]} : vector<8x1024xf32> to vector<8x512xf32>
      %slice3A_545 = vector.extract_strided_slice %select_n3A_528 {offsets = [0, 0], sizes = [8, 512], strides = [1, 1]} : vector<8x1024xf32> to vector<8x512xf32>
      %select_n3A_546 = arith.select %gt3A_531, %slice3A_544, %slice3A_545 : vector<8x512xi1>, vector<8x512xf32>
      %slice3A_547 = vector.extract_strided_slice %select_n3A_534 {offsets = [0, 256], sizes = [8, 256], strides = [1, 1]} : vector<8x512xf32> to vector<8x256xf32>
      %slice3A_548 = vector.extract_strided_slice %select_n3A_534 {offsets = [0, 0], sizes = [8, 256], strides = [1, 1]} : vector<8x512xf32> to vector<8x256xf32>
      %gt3A_549 = arith.cmpf ogt, %slice3A_547, %slice3A_548 : vector<8x256xf32>
      %slice3A_550 = vector.extract_strided_slice %select_n3A_534 {offsets = [0, 256], sizes = [8, 256], strides = [1, 1]} : vector<8x512xf32> to vector<8x256xf32>
      %slice3A_551 = vector.extract_strided_slice %select_n3A_534 {offsets = [0, 0], sizes = [8, 256], strides = [1, 1]} : vector<8x512xf32> to vector<8x256xf32>
      %select_n3A_552 = arith.select %gt3A_549, %slice3A_550, %slice3A_551 : vector<8x256xi1>, vector<8x256xf32>
      %slice3A_553 = vector.extract_strided_slice %select_n3A_537 {offsets = [0, 256], sizes = [8, 256], strides = [1, 1]} : vector<8x512xf32> to vector<8x256xf32>
      %slice3A_554 = vector.extract_strided_slice %select_n3A_537 {offsets = [0, 0], sizes = [8, 256], strides = [1, 1]} : vector<8x512xf32> to vector<8x256xf32>
      %select_n3A_555 = arith.select %gt3A_549, %slice3A_553, %slice3A_554 : vector<8x256xi1>, vector<8x256xf32>
      %slice3A_556 = vector.extract_strided_slice %select_n3A_540 {offsets = [0, 256], sizes = [8, 256], strides = [1, 1]} : vector<8x512xf32> to vector<8x256xf32>
      %slice3A_557 = vector.extract_strided_slice %select_n3A_540 {offsets = [0, 0], sizes = [8, 256], strides = [1, 1]} : vector<8x512xf32> to vector<8x256xf32>
      %select_n3A_558 = arith.select %gt3A_549, %slice3A_556, %slice3A_557 : vector<8x256xi1>, vector<8x256xf32>
      %slice3A_559 = vector.extract_strided_slice %select_n3A_543 {offsets = [0, 256], sizes = [8, 256], strides = [1, 1]} : vector<8x512xf32> to vector<8x256xf32>
      %slice3A_560 = vector.extract_strided_slice %select_n3A_543 {offsets = [0, 0], sizes = [8, 256], strides = [1, 1]} : vector<8x512xf32> to vector<8x256xf32>
      %select_n3A_561 = arith.select %gt3A_549, %slice3A_559, %slice3A_560 : vector<8x256xi1>, vector<8x256xf32>
      %slice3A_562 = vector.extract_strided_slice %select_n3A_546 {offsets = [0, 256], sizes = [8, 256], strides = [1, 1]} : vector<8x512xf32> to vector<8x256xf32>
      %slice3A_563 = vector.extract_strided_slice %select_n3A_546 {offsets = [0, 0], sizes = [8, 256], strides = [1, 1]} : vector<8x512xf32> to vector<8x256xf32>
      %select_n3A_564 = arith.select %gt3A_549, %slice3A_562, %slice3A_563 : vector<8x256xi1>, vector<8x256xf32>
      %slice3A_565 = vector.extract_strided_slice %select_n3A_552 {offsets = [0, 128], sizes = [8, 128], strides = [1, 1]} : vector<8x256xf32> to vector<8x128xf32>
      %slice3A_566 = vector.extract_strided_slice %select_n3A_552 {offsets = [0, 0], sizes = [8, 128], strides = [1, 1]} : vector<8x256xf32> to vector<8x128xf32>
      %gt3A_567 = arith.cmpf ogt, %slice3A_565, %slice3A_566 : vector<8x128xf32>
      %slice3A_568 = vector.extract_strided_slice %select_n3A_552 {offsets = [0, 128], sizes = [8, 128], strides = [1, 1]} : vector<8x256xf32> to vector<8x128xf32>
      %slice3A_569 = vector.extract_strided_slice %select_n3A_552 {offsets = [0, 0], sizes = [8, 128], strides = [1, 1]} : vector<8x256xf32> to vector<8x128xf32>
      %select_n3A_570 = arith.select %gt3A_567, %slice3A_568, %slice3A_569 : vector<8x128xi1>, vector<8x128xf32>
      %slice3A_571 = vector.extract_strided_slice %select_n3A_555 {offsets = [0, 128], sizes = [8, 128], strides = [1, 1]} : vector<8x256xf32> to vector<8x128xf32>
      %slice3A_572 = vector.extract_strided_slice %select_n3A_555 {offsets = [0, 0], sizes = [8, 128], strides = [1, 1]} : vector<8x256xf32> to vector<8x128xf32>
      %select_n3A_573 = arith.select %gt3A_567, %slice3A_571, %slice3A_572 : vector<8x128xi1>, vector<8x128xf32>
      %slice3A_574 = vector.extract_strided_slice %select_n3A_558 {offsets = [0, 128], sizes = [8, 128], strides = [1, 1]} : vector<8x256xf32> to vector<8x128xf32>
      %slice3A_575 = vector.extract_strided_slice %select_n3A_558 {offsets = [0, 0], sizes = [8, 128], strides = [1, 1]} : vector<8x256xf32> to vector<8x128xf32>
      %select_n3A_576 = arith.select %gt3A_567, %slice3A_574, %slice3A_575 : vector<8x128xi1>, vector<8x128xf32>
      %slice3A_577 = vector.extract_strided_slice %select_n3A_561 {offsets = [0, 128], sizes = [8, 128], strides = [1, 1]} : vector<8x256xf32> to vector<8x128xf32>
      %slice3A_578 = vector.extract_strided_slice %select_n3A_561 {offsets = [0, 0], sizes = [8, 128], strides = [1, 1]} : vector<8x256xf32> to vector<8x128xf32>
      %select_n3A_579 = arith.select %gt3A_567, %slice3A_577, %slice3A_578 : vector<8x128xi1>, vector<8x128xf32>
      %slice3A_580 = vector.extract_strided_slice %select_n3A_564 {offsets = [0, 128], sizes = [8, 128], strides = [1, 1]} : vector<8x256xf32> to vector<8x128xf32>
      %slice3A_581 = vector.extract_strided_slice %select_n3A_564 {offsets = [0, 0], sizes = [8, 128], strides = [1, 1]} : vector<8x256xf32> to vector<8x128xf32>
      %select_n3A_582 = arith.select %gt3A_567, %slice3A_580, %slice3A_581 : vector<8x128xi1>, vector<8x128xf32>
      %reduce_max3A = arith.constant dense<0xFF800000> : vector<8xf32>
      %reduce_max3A_583 = vector.multi_reduction <maximumf>, %select_n3A_570, %reduce_max3A [1] : vector<8x128xf32> to vector<8xf32>
      %broadcast_in_dim3A_584 = vector.shape_cast %reduce_max3A_583 : vector<8xf32> to vector<8x1xf32>
      %eq3A_585 = vector.broadcast %broadcast_in_dim3A_584 : vector<8x1xf32> to vector<8x128xf32>
      %eq3A_586 = arith.cmpf oeq, %select_n3A_570, %eq3A_585 : vector<8x128xf32>
      %jit3A = arith.constant 4.096000e+03 : f32
      %broadcast_in_dim3A_587 = vector.broadcast %jit3A : f32 to vector<8x128xf32>
      %select_n3A_588 = arith.select %eq3A_586, %select_n3A_573, %broadcast_in_dim3A_587 : vector<8x128xi1>, vector<8x128xf32>
      %reduce_min3A = arith.constant dense<0x7F800000> : vector<8xf32>
      %reduce_min3A_589 = vector.multi_reduction <minimumf>, %select_n3A_588, %reduce_min3A [1] : vector<8x128xf32> to vector<8xf32>
      %broadcast_in_dim3A_590 = vector.shape_cast %reduce_min3A_589 : vector<8xf32> to vector<8x1xf32>
      %eq3A_591 = vector.broadcast %broadcast_in_dim3A_590 : vector<8x1xf32> to vector<8x128xf32>
      %eq3A_592 = arith.cmpf oeq, %select_n3A_573, %eq3A_591 : vector<8x128xf32>
      %jit3A_593 = arith.constant 0.000000e+00 : f32
      %broadcast_in_dim3A_594 = vector.broadcast %jit3A_593 : f32 to vector<8x128xf32>
      %select_n3A_595 = arith.select %eq3A_592, %select_n3A_576, %broadcast_in_dim3A_594 : vector<8x128xi1>, vector<8x128xf32>
      %reduce_sum3A = arith.constant dense<0.000000e+00> : vector<8xf32>
      %reduce_sum3A_596 = vector.multi_reduction <add>, %select_n3A_595, %reduce_sum3A [1] : vector<8x128xf32> to vector<8xf32>
      %broadcast_in_dim3A_597 = vector.shape_cast %reduce_sum3A_596 : vector<8xf32> to vector<8x1xf32>
      %jit3A_598 = arith.constant 0.000000e+00 : f32
      %broadcast_in_dim3A_599 = vector.broadcast %jit3A_598 : f32 to vector<8x128xf32>
      %select_n3A_600 = arith.select %eq3A_592, %select_n3A_579, %broadcast_in_dim3A_599 : vector<8x128xi1>, vector<8x128xf32>
      %reduce_sum3A_601 = arith.constant dense<0.000000e+00> : vector<8xf32>
      %reduce_sum3A_602 = vector.multi_reduction <add>, %select_n3A_600, %reduce_sum3A_601 [1] : vector<8x128xf32> to vector<8xf32>
      %broadcast_in_dim3A_603 = vector.shape_cast %reduce_sum3A_602 : vector<8xf32> to vector<8x1xf32>
      %jit3A_604 = arith.constant 0.000000e+00 : f32
      %broadcast_in_dim3A_605 = vector.broadcast %jit3A_604 : f32 to vector<8x128xf32>
      %select_n3A_606 = arith.select %eq3A_592, %select_n3A_582, %broadcast_in_dim3A_605 : vector<8x128xi1>, vector<8x128xf32>
      %reduce_sum3A_607 = arith.constant dense<0.000000e+00> : vector<8xf32>
      %reduce_sum3A_608 = vector.multi_reduction <add>, %select_n3A_606, %reduce_sum3A_607 [1] : vector<8x128xf32> to vector<8xf32>
      %broadcast_in_dim3A_609 = vector.shape_cast %reduce_sum3A_608 : vector<8xf32> to vector<8x1xf32>
      %convert_element_type3A_610 = arith.fptosi %broadcast_in_dim3A_590 : vector<8x1xf32> to vector<8x1xi32>
      scf.yield %convert_element_type3A_610, %broadcast_in_dim3A_597, %broadcast_in_dim3A_603, %broadcast_in_dim3A_609 : vector<8x1xi32>, vector<8x1xf32>, vector<8x1xf32>, vector<8x1xf32>
    }
    %scan3A_191 = arith.constant 128 : i32
    %get3A_192 = arith.constant 0 : index
    %get3A_193 = arith.constant 0 : index
    %get3A_194 = vector.load %arg9[%get3A_192, %get3A_193] : memref<8x128xi32, #tpu.memory_space<vmem>>, vector<8x128xi32>
    %swap3A_195 = arith.constant 0 : index
    %swap3A_196 = arith.constant 384 : index
    %swap3A_197 = vector.load %arg3[%swap3A_195, %swap3A_196] : memref<8x1024xi32, #tpu.memory_space<vmem>>, vector<8x128xi32>
    tpu.vector_store %arg3[%swap3A_195, %swap3A_196], %get3A_194 {strides = array<i32>} : memref<8x1024xi32, #tpu.memory_space<vmem>>, vector<8x128xi32>,
    %get3A_198 = arith.constant 0 : index
    %get3A_199 = arith.constant 0 : index
    %get3A_200 = vector.load %arg10[%get3A_198, %get3A_199] : memref<8x128xf32, #tpu.memory_space<vmem>>, vector<8x128xf32>
    %swap3A_201 = arith.constant 0 : index
    %swap3A_202 = arith.constant 384 : index
    %swap3A_203 = vector.load %arg4[%swap3A_201, %swap3A_202] : memref<8x1024xf32, #tpu.memory_space<vmem>>, vector<8x128xf32>
    tpu.vector_store %arg4[%swap3A_201, %swap3A_202], %get3A_200 {strides = array<i32>} : memref<8x1024xf32, #tpu.memory_space<vmem>>, vector<8x128xf32>,
    %get3A_204 = arith.constant 0 : index
    %get3A_205 = arith.constant 0 : index
    %get3A_206 = vector.load %arg11[%get3A_204, %get3A_205] : memref<8x128xf32, #tpu.memory_space<vmem>>, vector<8x128xf32>
    %swap3A_207 = arith.constant 0 : index
    %swap3A_208 = arith.constant 384 : index
    %swap3A_209 = vector.load %arg5[%swap3A_207, %swap3A_208] : memref<8x1024xf32, #tpu.memory_space<vmem>>, vector<8x128xf32>
    tpu.vector_store %arg5[%swap3A_207, %swap3A_208], %get3A_206 {strides = array<i32>} : memref<8x1024xf32, #tpu.memory_space<vmem>>, vector<8x128xf32>,
    %get3A_210 = arith.constant 0 : index
    %get3A_211 = arith.constant 0 : index
    %get3A_212 = vector.load %arg12[%get3A_210, %get3A_211] : memref<8x128xf32, #tpu.memory_space<vmem>>, vector<8x128xf32>
    %swap3A_213 = arith.constant 0 : index
    %swap3A_214 = arith.constant 384 : index
    %swap3A_215 = vector.load %arg6[%swap3A_213, %swap3A_214] : memref<8x1024xf32, #tpu.memory_space<vmem>>, vector<8x128xf32>
    tpu.vector_store %arg6[%swap3A_213, %swap3A_214], %get3A_212 {strides = array<i32>} : memref<8x1024xf32, #tpu.memory_space<vmem>>, vector<8x128xf32>,
    %broadcast_in_dim3A_216 = arith.constant 0 : i32
    %broadcast_in_dim3A_217 = vector.broadcast %broadcast_in_dim3A_216 : i32 to vector<8x128xi32>
    %swap3A_218 = arith.constant 0 : index
    %swap3A_219 = arith.constant 0 : index
    %swap3A_220 = vector.load %arg9[%swap3A_218, %swap3A_219] : memref<8x128xi32, #tpu.memory_space<vmem>>, vector<8x128xi32>
    tpu.vector_store %arg9[%swap3A_218, %swap3A_219], %broadcast_in_dim3A_217 {strides = array<i32>} : memref<8x128xi32, #tpu.memory_space<vmem>>, vector<8x128xi32>,
    %broadcast_in_dim3A_221 = arith.constant 0.000000e+00 : f32
    %broadcast_in_dim3A_222 = vector.broadcast %broadcast_in_dim3A_221 : f32 to vector<8x128xf32>
    %swap3A_223 = arith.constant 0 : index
    %swap3A_224 = arith.constant 0 : index
    %swap3A_225 = vector.load %arg10[%swap3A_223, %swap3A_224] : memref<8x128xf32, #tpu.memory_space<vmem>>, vector<8x128xf32>
    tpu.vector_store %arg10[%swap3A_223, %swap3A_224], %broadcast_in_dim3A_222 {strides = array<i32>} : memref<8x128xf32, #tpu.memory_space<vmem>>, vector<8x128xf32>,
    %broadcast_in_dim3A_226 = arith.constant 0.000000e+00 : f32
    %broadcast_in_dim3A_227 = vector.broadcast %broadcast_in_dim3A_226 : f32 to vector<8x128xf32>
    %swap3A_228 = arith.constant 0 : index
    %swap3A_229 = arith.constant 0 : index
    %swap3A_230 = vector.load %arg11[%swap3A_228, %swap3A_229] : memref<8x128xf32, #tpu.memory_space<vmem>>, vector<8x128xf32>
    tpu.vector_store %arg11[%swap3A_228, %swap3A_229], %broadcast_in_dim3A_227 {strides = array<i32>} : memref<8x128xf32, #tpu.memory_space<vmem>>, vector<8x128xf32>,
    %broadcast_in_dim3A_231 = arith.constant 0.000000e+00 : f32
    %broadcast_in_dim3A_232 = vector.broadcast %broadcast_in_dim3A_231 : f32 to vector<8x128xf32>
    %swap3A_233 = arith.constant 0 : index
    %swap3A_234 = arith.constant 0 : index
    %swap3A_235 = vector.load %arg12[%swap3A_233, %swap3A_234] : memref<8x128xf32, #tpu.memory_space<vmem>>, vector<8x128xf32>
    tpu.vector_store %arg12[%swap3A_233, %swap3A_234], %broadcast_in_dim3A_232 {strides = array<i32>} : memref<8x128xf32, #tpu.memory_space<vmem>>, vector<8x128xf32>,
    %scan3A_236 = arith.constant 0 : i32
    %scan3A_237 = arith.constant 128 : i32
    %scan3A_238 = arith.addi %scan3A_236, %scan3A_237 : i32
    %scan3A_239 = arith.constant 1 : i32
    %scan3A_240:4 = scf.for %scan3A_416 = %scan3A_236 to %scan3A_238 step %scan3A_239 iter_args(%scan3A_417 = %scan3A_190#0, %scan3A_418 = %scan3A_190#1, %scan3A_419 = %scan3A_190#2, %scan3A_420 = %scan3A_190#3) -> (vector<8x1xi32>, vector<8x1xf32>, vector<8x1xf32>, vector<8x1xf32>)  : i32 {
      %eq3A = vector.broadcast %scan3A_416 : i32 to vector<8x128xi32>
      %eq3A_421 = arith.cmpi eq, %iota3A, %eq3A : vector<8x128xi32>
      %convert_element_type3A_422 = arith.extui %eq3A_421 : vector<8x128xi1> to vector<8x128xi32>
      %convert_element_type3A_423 = arith.extui %eq3A_421 : vector<8x128xi1> to vector<8x128xi32>
      %convert_element_type3A_424 = arith.sitofp %convert_element_type3A_423 : vector<8x128xi32> to vector<8x128xf32>
      %get3A_425 = arith.constant 0 : index
      %get3A_426 = arith.constant 0 : index
      %get3A_427 = vector.load %arg9[%get3A_425, %get3A_426] : memref<8x128xi32, #tpu.memory_space<vmem>>, vector<8x128xi32>
      %mul3A = vector.broadcast %scan3A_417 : vector<8x1xi32> to vector<8x128xi32>
      %mul3A_428 = arith.muli %mul3A, %convert_element_type3A_422 : vector<8x128xi32>
      %add3A = arith.addi %get3A_427, %mul3A_428 : vector<8x128xi32>
      %swap3A_429 = arith.constant 0 : index
      %swap3A_430 = arith.constant 0 : index
      %swap3A_431 = vector.load %arg9[%swap3A_429, %swap3A_430] : memref<8x128xi32, #tpu.memory_space<vmem>>, vector<8x128xi32>
      tpu.vector_store %arg9[%swap3A_429, %swap3A_430], %add3A {strides = array<i32>} : memref<8x128xi32, #tpu.memory_space<vmem>>, vector<8x128xi32>,
      %get3A_432 = arith.constant 0 : index
      %get3A_433 = arith.constant 0 : index
      %get3A_434 = vector.load %arg10[%get3A_432, %get3A_433] : memref<8x128xf32, #tpu.memory_space<vmem>>, vector<8x128xf32>
      %mul3A_435 = vector.broadcast %scan3A_418 : vector<8x1xf32> to vector<8x128xf32>
      %mul3A_436 = arith.mulf %mul3A_435, %convert_element_type3A_424 : vector<8x128xf32>
      %add3A_437 = arith.addf %get3A_434, %mul3A_436 : vector<8x128xf32>
      %swap3A_438 = arith.constant 0 : index
      %swap3A_439 = arith.constant 0 : index
      %swap3A_440 = vector.load %arg10[%swap3A_438, %swap3A_439] : memref<8x128xf32, #tpu.memory_space<vmem>>, vector<8x128xf32>
      tpu.vector_store %arg10[%swap3A_438, %swap3A_439], %add3A_437 {strides = array<i32>} : memref<8x128xf32, #tpu.memory_space<vmem>>, vector<8x128xf32>,
      %get3A_441 = arith.constant 0 : index
      %get3A_442 = arith.constant 0 : index
      %get3A_443 = vector.load %arg11[%get3A_441, %get3A_442] : memref<8x128xf32, #tpu.memory_space<vmem>>, vector<8x128xf32>
      %mul3A_444 = vector.broadcast %scan3A_419 : vector<8x1xf32> to vector<8x128xf32>
      %mul3A_445 = arith.mulf %mul3A_444, %convert_element_type3A_424 : vector<8x128xf32>
      %add3A_446 = arith.addf %get3A_443, %mul3A_445 : vector<8x128xf32>
      %swap3A_447 = arith.constant 0 : index
      %swap3A_448 = arith.constant 0 : index
      %swap3A_449 = vector.load %arg11[%swap3A_447, %swap3A_448] : memref<8x128xf32, #tpu.memory_space<vmem>>, vector<8x128xf32>
      tpu.vector_store %arg11[%swap3A_447, %swap3A_448], %add3A_446 {strides = array<i32>} : memref<8x128xf32, #tpu.memory_space<vmem>>, vector<8x128xf32>,
      %get3A_450 = arith.constant 0 : index
      %get3A_451 = arith.constant 0 : index
      %get3A_452 = vector.load %arg12[%get3A_450, %get3A_451] : memref<8x128xf32, #tpu.memory_space<vmem>>, vector<8x128xf32>
      %mul3A_453 = vector.broadcast %scan3A_420 : vector<8x1xf32> to vector<8x128xf32>
      %mul3A_454 = arith.mulf %mul3A_453, %convert_element_type3A_424 : vector<8x128xf32>
      %add3A_455 = arith.addf %get3A_452, %mul3A_454 : vector<8x128xf32>
      %swap3A_456 = arith.constant 0 : index
      %swap3A_457 = arith.constant 0 : index
      %swap3A_458 = vector.load %arg12[%swap3A_456, %swap3A_457] : memref<8x128xf32, #tpu.memory_space<vmem>>, vector<8x128xf32>
      tpu.vector_store %arg12[%swap3A_456, %swap3A_457], %add3A_455 {strides = array<i32>} : memref<8x128xf32, #tpu.memory_space<vmem>>, vector<8x128xf32>,
      %get3A_459 = arith.constant 0 : index
      %get3A_460 = arith.constant 0 : index
      %get3A_461 = vector.load %arg0[%get3A_459, %get3A_460] : memref<8x4096xf32, #tpu.memory_space<vmem>>, vector<8x4096xf32>
      %sub3A = vector.broadcast %scan3A_418 : vector<8x1xf32> to vector<8x4096xf32>
      %sub3A_462 = arith.subf %get3A_461, %sub3A : vector<8x4096xf32>
      %get3A_463 = arith.constant 0 : index
      %get3A_464 = arith.constant 0 : index
      %get3A_465 = vector.load %arg1[%get3A_463, %get3A_464] : memref<8x4096xf32, #tpu.memory_space<vmem>>, vector<8x4096xf32>
      %sub3A_466 = vector.broadcast %scan3A_419 : vector<8x1xf32> to vector<8x4096xf32>
      %sub3A_467 = arith.subf %get3A_465, %sub3A_466 : vector<8x4096xf32>
      %get3A_468 = arith.constant 0 : index
      %get3A_469 = arith.constant 0 : index
      %get3A_470 = vector.load %arg2[%get3A_468, %get3A_469] : memref<8x4096xf32, #tpu.memory_space<vmem>>, vector<8x4096xf32>
      %sub3A_471 = vector.broadcast %scan3A_420 : vector<8x1xf32> to vector<8x4096xf32>
      %sub3A_472 = arith.subf %get3A_470, %sub3A_471 : vector<8x4096xf32>
      %mul3A_473 = arith.mulf %sub3A_462, %sub3A_462 : vector<8x4096xf32>
      %mul3A_474 = arith.mulf %sub3A_467, %sub3A_467 : vector<8x4096xf32>
      %add3A_475 = arith.addf %mul3A_473, %mul3A_474 : vector<8x4096xf32>
      %mul3A_476 = arith.mulf %sub3A_472, %sub3A_472 : vector<8x4096xf32>
      %add3A_477 = arith.addf %add3A_475, %mul3A_476 : vector<8x4096xf32>
      %get3A_478 = arith.constant 0 : index
      %get3A_479 = arith.constant 0 : index
      %get3A_480 = vector.load %arg7[%get3A_478, %get3A_479] : memref<8x4096xf32, #tpu.memory_space<vmem>>, vector<8x4096xf32>
      %min3A = arith.minimumf %get3A_480, %add3A_477 : vector<8x4096xf32>
      %swap3A_481 = arith.constant 0 : index
      %swap3A_482 = arith.constant 0 : index
      %swap3A_483 = vector.load %arg7[%swap3A_481, %swap3A_482] : memref<8x4096xf32, #tpu.memory_space<vmem>>, vector<8x4096xf32>
      tpu.vector_store %arg7[%swap3A_481, %swap3A_482], %min3A {strides = array<i32>} : memref<8x4096xf32, #tpu.memory_space<vmem>>, vector<8x4096xf32>,
      %get3A_484 = arith.constant 0 : index
      %get3A_485 = arith.constant 0 : index
      %get3A_486 = vector.load %arg8[%get3A_484, %get3A_485] : memref<8x4096xf32, #tpu.memory_space<vmem>>, vector<8x4096xf32>
      %get3A_487 = arith.constant 0 : index
      %get3A_488 = arith.constant 0 : index
      %get3A_489 = vector.load %arg0[%get3A_487, %get3A_488] : memref<8x4096xf32, #tpu.memory_space<vmem>>, vector<8x4096xf32>
      %get3A_490 = arith.constant 0 : index
      %get3A_491 = arith.constant 0 : index
      %get3A_492 = vector.load %arg1[%get3A_490, %get3A_491] : memref<8x4096xf32, #tpu.memory_space<vmem>>, vector<8x4096xf32>
      %get3A_493 = arith.constant 0 : index
      %get3A_494 = arith.constant 0 : index
      %get3A_495 = vector.load %arg2[%get3A_493, %get3A_494] : memref<8x4096xf32, #tpu.memory_space<vmem>>, vector<8x4096xf32>
      %slice3A = vector.extract_strided_slice %min3A {offsets = [0, 2048], sizes = [8, 2048], strides = [1, 1]} : vector<8x4096xf32> to vector<8x2048xf32>
      %slice3A_496 = vector.extract_strided_slice %min3A {offsets = [0, 0], sizes = [8, 2048], strides = [1, 1]} : vector<8x4096xf32> to vector<8x2048xf32>
      %gt3A = arith.cmpf ogt, %slice3A, %slice3A_496 : vector<8x2048xf32>
      %slice3A_497 = vector.extract_strided_slice %min3A {offsets = [0, 2048], sizes = [8, 2048], strides = [1, 1]} : vector<8x4096xf32> to vector<8x2048xf32>
      %slice3A_498 = vector.extract_strided_slice %min3A {offsets = [0, 0], sizes = [8, 2048], strides = [1, 1]} : vector<8x4096xf32> to vector<8x2048xf32>
      %select_n3A = arith.select %gt3A, %slice3A_497, %slice3A_498 : vector<8x2048xi1>, vector<8x2048xf32>
      %slice3A_499 = vector.extract_strided_slice %get3A_486 {offsets = [0, 2048], sizes = [8, 2048], strides = [1, 1]} : vector<8x4096xf32> to vector<8x2048xf32>
      %slice3A_500 = vector.extract_strided_slice %get3A_486 {offsets = [0, 0], sizes = [8, 2048], strides = [1, 1]} : vector<8x4096xf32> to vector<8x2048xf32>
      %select_n3A_501 = arith.select %gt3A, %slice3A_499, %slice3A_500 : vector<8x2048xi1>, vector<8x2048xf32>
      %slice3A_502 = vector.extract_strided_slice %get3A_489 {offsets = [0, 2048], sizes = [8, 2048], strides = [1, 1]} : vector<8x4096xf32> to vector<8x2048xf32>
      %slice3A_503 = vector.extract_strided_slice %get3A_489 {offsets = [0, 0], sizes = [8, 2048], strides = [1, 1]} : vector<8x4096xf32> to vector<8x2048xf32>
      %select_n3A_504 = arith.select %gt3A, %slice3A_502, %slice3A_503 : vector<8x2048xi1>, vector<8x2048xf32>
      %slice3A_505 = vector.extract_strided_slice %get3A_492 {offsets = [0, 2048], sizes = [8, 2048], strides = [1, 1]} : vector<8x4096xf32> to vector<8x2048xf32>
      %slice3A_506 = vector.extract_strided_slice %get3A_492 {offsets = [0, 0], sizes = [8, 2048], strides = [1, 1]} : vector<8x4096xf32> to vector<8x2048xf32>
      %select_n3A_507 = arith.select %gt3A, %slice3A_505, %slice3A_506 : vector<8x2048xi1>, vector<8x2048xf32>
      %slice3A_508 = vector.extract_strided_slice %get3A_495 {offsets = [0, 2048], sizes = [8, 2048], strides = [1, 1]} : vector<8x4096xf32> to vector<8x2048xf32>
      %slice3A_509 = vector.extract_strided_slice %get3A_495 {offsets = [0, 0], sizes = [8, 2048], strides = [1, 1]} : vector<8x4096xf32> to vector<8x2048xf32>
      %select_n3A_510 = arith.select %gt3A, %slice3A_508, %slice3A_509 : vector<8x2048xi1>, vector<8x2048xf32>
      %slice3A_511 = vector.extract_strided_slice %select_n3A {offsets = [0, 1024], sizes = [8, 1024], strides = [1, 1]} : vector<8x2048xf32> to vector<8x1024xf32>
      %slice3A_512 = vector.extract_strided_slice %select_n3A {offsets = [0, 0], sizes = [8, 1024], strides = [1, 1]} : vector<8x2048xf32> to vector<8x1024xf32>
      %gt3A_513 = arith.cmpf ogt, %slice3A_511, %slice3A_512 : vector<8x1024xf32>
      %slice3A_514 = vector.extract_strided_slice %select_n3A {offsets = [0, 1024], sizes = [8, 1024], strides = [1, 1]} : vector<8x2048xf32> to vector<8x1024xf32>
      %slice3A_515 = vector.extract_strided_slice %select_n3A {offsets = [0, 0], sizes = [8, 1024], strides = [1, 1]} : vector<8x2048xf32> to vector<8x1024xf32>
      %select_n3A_516 = arith.select %gt3A_513, %slice3A_514, %slice3A_515 : vector<8x1024xi1>, vector<8x1024xf32>
      %slice3A_517 = vector.extract_strided_slice %select_n3A_501 {offsets = [0, 1024], sizes = [8, 1024], strides = [1, 1]} : vector<8x2048xf32> to vector<8x1024xf32>
      %slice3A_518 = vector.extract_strided_slice %select_n3A_501 {offsets = [0, 0], sizes = [8, 1024], strides = [1, 1]} : vector<8x2048xf32> to vector<8x1024xf32>
      %select_n3A_519 = arith.select %gt3A_513, %slice3A_517, %slice3A_518 : vector<8x1024xi1>, vector<8x1024xf32>
      %slice3A_520 = vector.extract_strided_slice %select_n3A_504 {offsets = [0, 1024], sizes = [8, 1024], strides = [1, 1]} : vector<8x2048xf32> to vector<8x1024xf32>
      %slice3A_521 = vector.extract_strided_slice %select_n3A_504 {offsets = [0, 0], sizes = [8, 1024], strides = [1, 1]} : vector<8x2048xf32> to vector<8x1024xf32>
      %select_n3A_522 = arith.select %gt3A_513, %slice3A_520, %slice3A_521 : vector<8x1024xi1>, vector<8x1024xf32>
      %slice3A_523 = vector.extract_strided_slice %select_n3A_507 {offsets = [0, 1024], sizes = [8, 1024], strides = [1, 1]} : vector<8x2048xf32> to vector<8x1024xf32>
      %slice3A_524 = vector.extract_strided_slice %select_n3A_507 {offsets = [0, 0], sizes = [8, 1024], strides = [1, 1]} : vector<8x2048xf32> to vector<8x1024xf32>
      %select_n3A_525 = arith.select %gt3A_513, %slice3A_523, %slice3A_524 : vector<8x1024xi1>, vector<8x1024xf32>
      %slice3A_526 = vector.extract_strided_slice %select_n3A_510 {offsets = [0, 1024], sizes = [8, 1024], strides = [1, 1]} : vector<8x2048xf32> to vector<8x1024xf32>
      %slice3A_527 = vector.extract_strided_slice %select_n3A_510 {offsets = [0, 0], sizes = [8, 1024], strides = [1, 1]} : vector<8x2048xf32> to vector<8x1024xf32>
      %select_n3A_528 = arith.select %gt3A_513, %slice3A_526, %slice3A_527 : vector<8x1024xi1>, vector<8x1024xf32>
      %slice3A_529 = vector.extract_strided_slice %select_n3A_516 {offsets = [0, 512], sizes = [8, 512], strides = [1, 1]} : vector<8x1024xf32> to vector<8x512xf32>
      %slice3A_530 = vector.extract_strided_slice %select_n3A_516 {offsets = [0, 0], sizes = [8, 512], strides = [1, 1]} : vector<8x1024xf32> to vector<8x512xf32>
      %gt3A_531 = arith.cmpf ogt, %slice3A_529, %slice3A_530 : vector<8x512xf32>
      %slice3A_532 = vector.extract_strided_slice %select_n3A_516 {offsets = [0, 512], sizes = [8, 512], strides = [1, 1]} : vector<8x1024xf32> to vector<8x512xf32>
      %slice3A_533 = vector.extract_strided_slice %select_n3A_516 {offsets = [0, 0], sizes = [8, 512], strides = [1, 1]} : vector<8x1024xf32> to vector<8x512xf32>
      %select_n3A_534 = arith.select %gt3A_531, %slice3A_532, %slice3A_533 : vector<8x512xi1>, vector<8x512xf32>
      %slice3A_535 = vector.extract_strided_slice %select_n3A_519 {offsets = [0, 512], sizes = [8, 512], strides = [1, 1]} : vector<8x1024xf32> to vector<8x512xf32>
      %slice3A_536 = vector.extract_strided_slice %select_n3A_519 {offsets = [0, 0], sizes = [8, 512], strides = [1, 1]} : vector<8x1024xf32> to vector<8x512xf32>
      %select_n3A_537 = arith.select %gt3A_531, %slice3A_535, %slice3A_536 : vector<8x512xi1>, vector<8x512xf32>
      %slice3A_538 = vector.extract_strided_slice %select_n3A_522 {offsets = [0, 512], sizes = [8, 512], strides = [1, 1]} : vector<8x1024xf32> to vector<8x512xf32>
      %slice3A_539 = vector.extract_strided_slice %select_n3A_522 {offsets = [0, 0], sizes = [8, 512], strides = [1, 1]} : vector<8x1024xf32> to vector<8x512xf32>
      %select_n3A_540 = arith.select %gt3A_531, %slice3A_538, %slice3A_539 : vector<8x512xi1>, vector<8x512xf32>
      %slice3A_541 = vector.extract_strided_slice %select_n3A_525 {offsets = [0, 512], sizes = [8, 512], strides = [1, 1]} : vector<8x1024xf32> to vector<8x512xf32>
      %slice3A_542 = vector.extract_strided_slice %select_n3A_525 {offsets = [0, 0], sizes = [8, 512], strides = [1, 1]} : vector<8x1024xf32> to vector<8x512xf32>
      %select_n3A_543 = arith.select %gt3A_531, %slice3A_541, %slice3A_542 : vector<8x512xi1>, vector<8x512xf32>
      %slice3A_544 = vector.extract_strided_slice %select_n3A_528 {offsets = [0, 512], sizes = [8, 512], strides = [1, 1]} : vector<8x1024xf32> to vector<8x512xf32>
      %slice3A_545 = vector.extract_strided_slice %select_n3A_528 {offsets = [0, 0], sizes = [8, 512], strides = [1, 1]} : vector<8x1024xf32> to vector<8x512xf32>
      %select_n3A_546 = arith.select %gt3A_531, %slice3A_544, %slice3A_545 : vector<8x512xi1>, vector<8x512xf32>
      %slice3A_547 = vector.extract_strided_slice %select_n3A_534 {offsets = [0, 256], sizes = [8, 256], strides = [1, 1]} : vector<8x512xf32> to vector<8x256xf32>
      %slice3A_548 = vector.extract_strided_slice %select_n3A_534 {offsets = [0, 0], sizes = [8, 256], strides = [1, 1]} : vector<8x512xf32> to vector<8x256xf32>
      %gt3A_549 = arith.cmpf ogt, %slice3A_547, %slice3A_548 : vector<8x256xf32>
      %slice3A_550 = vector.extract_strided_slice %select_n3A_534 {offsets = [0, 256], sizes = [8, 256], strides = [1, 1]} : vector<8x512xf32> to vector<8x256xf32>
      %slice3A_551 = vector.extract_strided_slice %select_n3A_534 {offsets = [0, 0], sizes = [8, 256], strides = [1, 1]} : vector<8x512xf32> to vector<8x256xf32>
      %select_n3A_552 = arith.select %gt3A_549, %slice3A_550, %slice3A_551 : vector<8x256xi1>, vector<8x256xf32>
      %slice3A_553 = vector.extract_strided_slice %select_n3A_537 {offsets = [0, 256], sizes = [8, 256], strides = [1, 1]} : vector<8x512xf32> to vector<8x256xf32>
      %slice3A_554 = vector.extract_strided_slice %select_n3A_537 {offsets = [0, 0], sizes = [8, 256], strides = [1, 1]} : vector<8x512xf32> to vector<8x256xf32>
      %select_n3A_555 = arith.select %gt3A_549, %slice3A_553, %slice3A_554 : vector<8x256xi1>, vector<8x256xf32>
      %slice3A_556 = vector.extract_strided_slice %select_n3A_540 {offsets = [0, 256], sizes = [8, 256], strides = [1, 1]} : vector<8x512xf32> to vector<8x256xf32>
      %slice3A_557 = vector.extract_strided_slice %select_n3A_540 {offsets = [0, 0], sizes = [8, 256], strides = [1, 1]} : vector<8x512xf32> to vector<8x256xf32>
      %select_n3A_558 = arith.select %gt3A_549, %slice3A_556, %slice3A_557 : vector<8x256xi1>, vector<8x256xf32>
      %slice3A_559 = vector.extract_strided_slice %select_n3A_543 {offsets = [0, 256], sizes = [8, 256], strides = [1, 1]} : vector<8x512xf32> to vector<8x256xf32>
      %slice3A_560 = vector.extract_strided_slice %select_n3A_543 {offsets = [0, 0], sizes = [8, 256], strides = [1, 1]} : vector<8x512xf32> to vector<8x256xf32>
      %select_n3A_561 = arith.select %gt3A_549, %slice3A_559, %slice3A_560 : vector<8x256xi1>, vector<8x256xf32>
      %slice3A_562 = vector.extract_strided_slice %select_n3A_546 {offsets = [0, 256], sizes = [8, 256], strides = [1, 1]} : vector<8x512xf32> to vector<8x256xf32>
      %slice3A_563 = vector.extract_strided_slice %select_n3A_546 {offsets = [0, 0], sizes = [8, 256], strides = [1, 1]} : vector<8x512xf32> to vector<8x256xf32>
      %select_n3A_564 = arith.select %gt3A_549, %slice3A_562, %slice3A_563 : vector<8x256xi1>, vector<8x256xf32>
      %slice3A_565 = vector.extract_strided_slice %select_n3A_552 {offsets = [0, 128], sizes = [8, 128], strides = [1, 1]} : vector<8x256xf32> to vector<8x128xf32>
      %slice3A_566 = vector.extract_strided_slice %select_n3A_552 {offsets = [0, 0], sizes = [8, 128], strides = [1, 1]} : vector<8x256xf32> to vector<8x128xf32>
      %gt3A_567 = arith.cmpf ogt, %slice3A_565, %slice3A_566 : vector<8x128xf32>
      %slice3A_568 = vector.extract_strided_slice %select_n3A_552 {offsets = [0, 128], sizes = [8, 128], strides = [1, 1]} : vector<8x256xf32> to vector<8x128xf32>
      %slice3A_569 = vector.extract_strided_slice %select_n3A_552 {offsets = [0, 0], sizes = [8, 128], strides = [1, 1]} : vector<8x256xf32> to vector<8x128xf32>
      %select_n3A_570 = arith.select %gt3A_567, %slice3A_568, %slice3A_569 : vector<8x128xi1>, vector<8x128xf32>
      %slice3A_571 = vector.extract_strided_slice %select_n3A_555 {offsets = [0, 128], sizes = [8, 128], strides = [1, 1]} : vector<8x256xf32> to vector<8x128xf32>
      %slice3A_572 = vector.extract_strided_slice %select_n3A_555 {offsets = [0, 0], sizes = [8, 128], strides = [1, 1]} : vector<8x256xf32> to vector<8x128xf32>
      %select_n3A_573 = arith.select %gt3A_567, %slice3A_571, %slice3A_572 : vector<8x128xi1>, vector<8x128xf32>
      %slice3A_574 = vector.extract_strided_slice %select_n3A_558 {offsets = [0, 128], sizes = [8, 128], strides = [1, 1]} : vector<8x256xf32> to vector<8x128xf32>
      %slice3A_575 = vector.extract_strided_slice %select_n3A_558 {offsets = [0, 0], sizes = [8, 128], strides = [1, 1]} : vector<8x256xf32> to vector<8x128xf32>
      %select_n3A_576 = arith.select %gt3A_567, %slice3A_574, %slice3A_575 : vector<8x128xi1>, vector<8x128xf32>
      %slice3A_577 = vector.extract_strided_slice %select_n3A_561 {offsets = [0, 128], sizes = [8, 128], strides = [1, 1]} : vector<8x256xf32> to vector<8x128xf32>
      %slice3A_578 = vector.extract_strided_slice %select_n3A_561 {offsets = [0, 0], sizes = [8, 128], strides = [1, 1]} : vector<8x256xf32> to vector<8x128xf32>
      %select_n3A_579 = arith.select %gt3A_567, %slice3A_577, %slice3A_578 : vector<8x128xi1>, vector<8x128xf32>
      %slice3A_580 = vector.extract_strided_slice %select_n3A_564 {offsets = [0, 128], sizes = [8, 128], strides = [1, 1]} : vector<8x256xf32> to vector<8x128xf32>
      %slice3A_581 = vector.extract_strided_slice %select_n3A_564 {offsets = [0, 0], sizes = [8, 128], strides = [1, 1]} : vector<8x256xf32> to vector<8x128xf32>
      %select_n3A_582 = arith.select %gt3A_567, %slice3A_580, %slice3A_581 : vector<8x128xi1>, vector<8x128xf32>
      %reduce_max3A = arith.constant dense<0xFF800000> : vector<8xf32>
      %reduce_max3A_583 = vector.multi_reduction <maximumf>, %select_n3A_570, %reduce_max3A [1] : vector<8x128xf32> to vector<8xf32>
      %broadcast_in_dim3A_584 = vector.shape_cast %reduce_max3A_583 : vector<8xf32> to vector<8x1xf32>
      %eq3A_585 = vector.broadcast %broadcast_in_dim3A_584 : vector<8x1xf32> to vector<8x128xf32>
      %eq3A_586 = arith.cmpf oeq, %select_n3A_570, %eq3A_585 : vector<8x128xf32>
      %jit3A = arith.constant 4.096000e+03 : f32
      %broadcast_in_dim3A_587 = vector.broadcast %jit3A : f32 to vector<8x128xf32>
      %select_n3A_588 = arith.select %eq3A_586, %select_n3A_573, %broadcast_in_dim3A_587 : vector<8x128xi1>, vector<8x128xf32>
      %reduce_min3A = arith.constant dense<0x7F800000> : vector<8xf32>
      %reduce_min3A_589 = vector.multi_reduction <minimumf>, %select_n3A_588, %reduce_min3A [1] : vector<8x128xf32> to vector<8xf32>
      %broadcast_in_dim3A_590 = vector.shape_cast %reduce_min3A_589 : vector<8xf32> to vector<8x1xf32>
      %eq3A_591 = vector.broadcast %broadcast_in_dim3A_590 : vector<8x1xf32> to vector<8x128xf32>
      %eq3A_592 = arith.cmpf oeq, %select_n3A_573, %eq3A_591 : vector<8x128xf32>
      %jit3A_593 = arith.constant 0.000000e+00 : f32
      %broadcast_in_dim3A_594 = vector.broadcast %jit3A_593 : f32 to vector<8x128xf32>
      %select_n3A_595 = arith.select %eq3A_592, %select_n3A_576, %broadcast_in_dim3A_594 : vector<8x128xi1>, vector<8x128xf32>
      %reduce_sum3A = arith.constant dense<0.000000e+00> : vector<8xf32>
      %reduce_sum3A_596 = vector.multi_reduction <add>, %select_n3A_595, %reduce_sum3A [1] : vector<8x128xf32> to vector<8xf32>
      %broadcast_in_dim3A_597 = vector.shape_cast %reduce_sum3A_596 : vector<8xf32> to vector<8x1xf32>
      %jit3A_598 = arith.constant 0.000000e+00 : f32
      %broadcast_in_dim3A_599 = vector.broadcast %jit3A_598 : f32 to vector<8x128xf32>
      %select_n3A_600 = arith.select %eq3A_592, %select_n3A_579, %broadcast_in_dim3A_599 : vector<8x128xi1>, vector<8x128xf32>
      %reduce_sum3A_601 = arith.constant dense<0.000000e+00> : vector<8xf32>
      %reduce_sum3A_602 = vector.multi_reduction <add>, %select_n3A_600, %reduce_sum3A_601 [1] : vector<8x128xf32> to vector<8xf32>
      %broadcast_in_dim3A_603 = vector.shape_cast %reduce_sum3A_602 : vector<8xf32> to vector<8x1xf32>
      %jit3A_604 = arith.constant 0.000000e+00 : f32
      %broadcast_in_dim3A_605 = vector.broadcast %jit3A_604 : f32 to vector<8x128xf32>
      %select_n3A_606 = arith.select %eq3A_592, %select_n3A_582, %broadcast_in_dim3A_605 : vector<8x128xi1>, vector<8x128xf32>
      %reduce_sum3A_607 = arith.constant dense<0.000000e+00> : vector<8xf32>
      %reduce_sum3A_608 = vector.multi_reduction <add>, %select_n3A_606, %reduce_sum3A_607 [1] : vector<8x128xf32> to vector<8xf32>
      %broadcast_in_dim3A_609 = vector.shape_cast %reduce_sum3A_608 : vector<8xf32> to vector<8x1xf32>
      %convert_element_type3A_610 = arith.fptosi %broadcast_in_dim3A_590 : vector<8x1xf32> to vector<8x1xi32>
      scf.yield %convert_element_type3A_610, %broadcast_in_dim3A_597, %broadcast_in_dim3A_603, %broadcast_in_dim3A_609 : vector<8x1xi32>, vector<8x1xf32>, vector<8x1xf32>, vector<8x1xf32>
    }
    %scan3A_241 = arith.constant 128 : i32
    %get3A_242 = arith.constant 0 : index
    %get3A_243 = arith.constant 0 : index
    %get3A_244 = vector.load %arg9[%get3A_242, %get3A_243] : memref<8x128xi32, #tpu.memory_space<vmem>>, vector<8x128xi32>
    %swap3A_245 = arith.constant 0 : index
    %swap3A_246 = arith.constant 512 : index
    %swap3A_247 = vector.load %arg3[%swap3A_245, %swap3A_246] : memref<8x1024xi32, #tpu.memory_space<vmem>>, vector<8x128xi32>
    tpu.vector_store %arg3[%swap3A_245, %swap3A_246], %get3A_244 {strides = array<i32>} : memref<8x1024xi32, #tpu.memory_space<vmem>>, vector<8x128xi32>,
    %get3A_248 = arith.constant 0 : index
    %get3A_249 = arith.constant 0 : index
    %get3A_250 = vector.load %arg10[%get3A_248, %get3A_249] : memref<8x128xf32, #tpu.memory_space<vmem>>, vector<8x128xf32>
    %swap3A_251 = arith.constant 0 : index
    %swap3A_252 = arith.constant 512 : index
    %swap3A_253 = vector.load %arg4[%swap3A_251, %swap3A_252] : memref<8x1024xf32, #tpu.memory_space<vmem>>, vector<8x128xf32>
    tpu.vector_store %arg4[%swap3A_251, %swap3A_252], %get3A_250 {strides = array<i32>} : memref<8x1024xf32, #tpu.memory_space<vmem>>, vector<8x128xf32>,
    %get3A_254 = arith.constant 0 : index
    %get3A_255 = arith.constant 0 : index
    %get3A_256 = vector.load %arg11[%get3A_254, %get3A_255] : memref<8x128xf32, #tpu.memory_space<vmem>>, vector<8x128xf32>
    %swap3A_257 = arith.constant 0 : index
    %swap3A_258 = arith.constant 512 : index
    %swap3A_259 = vector.load %arg5[%swap3A_257, %swap3A_258] : memref<8x1024xf32, #tpu.memory_space<vmem>>, vector<8x128xf32>
    tpu.vector_store %arg5[%swap3A_257, %swap3A_258], %get3A_256 {strides = array<i32>} : memref<8x1024xf32, #tpu.memory_space<vmem>>, vector<8x128xf32>,
    %get3A_260 = arith.constant 0 : index
    %get3A_261 = arith.constant 0 : index
    %get3A_262 = vector.load %arg12[%get3A_260, %get3A_261] : memref<8x128xf32, #tpu.memory_space<vmem>>, vector<8x128xf32>
    %swap3A_263 = arith.constant 0 : index
    %swap3A_264 = arith.constant 512 : index
    %swap3A_265 = vector.load %arg6[%swap3A_263, %swap3A_264] : memref<8x1024xf32, #tpu.memory_space<vmem>>, vector<8x128xf32>
    tpu.vector_store %arg6[%swap3A_263, %swap3A_264], %get3A_262 {strides = array<i32>} : memref<8x1024xf32, #tpu.memory_space<vmem>>, vector<8x128xf32>,
    %broadcast_in_dim3A_266 = arith.constant 0 : i32
    %broadcast_in_dim3A_267 = vector.broadcast %broadcast_in_dim3A_266 : i32 to vector<8x128xi32>
    %swap3A_268 = arith.constant 0 : index
    %swap3A_269 = arith.constant 0 : index
    %swap3A_270 = vector.load %arg9[%swap3A_268, %swap3A_269] : memref<8x128xi32, #tpu.memory_space<vmem>>, vector<8x128xi32>
    tpu.vector_store %arg9[%swap3A_268, %swap3A_269], %broadcast_in_dim3A_267 {strides = array<i32>} : memref<8x128xi32, #tpu.memory_space<vmem>>, vector<8x128xi32>,
    %broadcast_in_dim3A_271 = arith.constant 0.000000e+00 : f32
    %broadcast_in_dim3A_272 = vector.broadcast %broadcast_in_dim3A_271 : f32 to vector<8x128xf32>
    %swap3A_273 = arith.constant 0 : index
    %swap3A_274 = arith.constant 0 : index
    %swap3A_275 = vector.load %arg10[%swap3A_273, %swap3A_274] : memref<8x128xf32, #tpu.memory_space<vmem>>, vector<8x128xf32>
    tpu.vector_store %arg10[%swap3A_273, %swap3A_274], %broadcast_in_dim3A_272 {strides = array<i32>} : memref<8x128xf32, #tpu.memory_space<vmem>>, vector<8x128xf32>,
    %broadcast_in_dim3A_276 = arith.constant 0.000000e+00 : f32
    %broadcast_in_dim3A_277 = vector.broadcast %broadcast_in_dim3A_276 : f32 to vector<8x128xf32>
    %swap3A_278 = arith.constant 0 : index
    %swap3A_279 = arith.constant 0 : index
    %swap3A_280 = vector.load %arg11[%swap3A_278, %swap3A_279] : memref<8x128xf32, #tpu.memory_space<vmem>>, vector<8x128xf32>
    tpu.vector_store %arg11[%swap3A_278, %swap3A_279], %broadcast_in_dim3A_277 {strides = array<i32>} : memref<8x128xf32, #tpu.memory_space<vmem>>, vector<8x128xf32>,
    %broadcast_in_dim3A_281 = arith.constant 0.000000e+00 : f32
    %broadcast_in_dim3A_282 = vector.broadcast %broadcast_in_dim3A_281 : f32 to vector<8x128xf32>
    %swap3A_283 = arith.constant 0 : index
    %swap3A_284 = arith.constant 0 : index
    %swap3A_285 = vector.load %arg12[%swap3A_283, %swap3A_284] : memref<8x128xf32, #tpu.memory_space<vmem>>, vector<8x128xf32>
    tpu.vector_store %arg12[%swap3A_283, %swap3A_284], %broadcast_in_dim3A_282 {strides = array<i32>} : memref<8x128xf32, #tpu.memory_space<vmem>>, vector<8x128xf32>,
    %scan3A_286 = arith.constant 0 : i32
    %scan3A_287 = arith.constant 128 : i32
    %scan3A_288 = arith.addi %scan3A_286, %scan3A_287 : i32
    %scan3A_289 = arith.constant 1 : i32
    %scan3A_290:4 = scf.for %scan3A_416 = %scan3A_286 to %scan3A_288 step %scan3A_289 iter_args(%scan3A_417 = %scan3A_240#0, %scan3A_418 = %scan3A_240#1, %scan3A_419 = %scan3A_240#2, %scan3A_420 = %scan3A_240#3) -> (vector<8x1xi32>, vector<8x1xf32>, vector<8x1xf32>, vector<8x1xf32>)  : i32 {
      %eq3A = vector.broadcast %scan3A_416 : i32 to vector<8x128xi32>
      %eq3A_421 = arith.cmpi eq, %iota3A, %eq3A : vector<8x128xi32>
      %convert_element_type3A_422 = arith.extui %eq3A_421 : vector<8x128xi1> to vector<8x128xi32>
      %convert_element_type3A_423 = arith.extui %eq3A_421 : vector<8x128xi1> to vector<8x128xi32>
      %convert_element_type3A_424 = arith.sitofp %convert_element_type3A_423 : vector<8x128xi32> to vector<8x128xf32>
      %get3A_425 = arith.constant 0 : index
      %get3A_426 = arith.constant 0 : index
      %get3A_427 = vector.load %arg9[%get3A_425, %get3A_426] : memref<8x128xi32, #tpu.memory_space<vmem>>, vector<8x128xi32>
      %mul3A = vector.broadcast %scan3A_417 : vector<8x1xi32> to vector<8x128xi32>
      %mul3A_428 = arith.muli %mul3A, %convert_element_type3A_422 : vector<8x128xi32>
      %add3A = arith.addi %get3A_427, %mul3A_428 : vector<8x128xi32>
      %swap3A_429 = arith.constant 0 : index
      %swap3A_430 = arith.constant 0 : index
      %swap3A_431 = vector.load %arg9[%swap3A_429, %swap3A_430] : memref<8x128xi32, #tpu.memory_space<vmem>>, vector<8x128xi32>
      tpu.vector_store %arg9[%swap3A_429, %swap3A_430], %add3A {strides = array<i32>} : memref<8x128xi32, #tpu.memory_space<vmem>>, vector<8x128xi32>,
      %get3A_432 = arith.constant 0 : index
      %get3A_433 = arith.constant 0 : index
      %get3A_434 = vector.load %arg10[%get3A_432, %get3A_433] : memref<8x128xf32, #tpu.memory_space<vmem>>, vector<8x128xf32>
      %mul3A_435 = vector.broadcast %scan3A_418 : vector<8x1xf32> to vector<8x128xf32>
      %mul3A_436 = arith.mulf %mul3A_435, %convert_element_type3A_424 : vector<8x128xf32>
      %add3A_437 = arith.addf %get3A_434, %mul3A_436 : vector<8x128xf32>
      %swap3A_438 = arith.constant 0 : index
      %swap3A_439 = arith.constant 0 : index
      %swap3A_440 = vector.load %arg10[%swap3A_438, %swap3A_439] : memref<8x128xf32, #tpu.memory_space<vmem>>, vector<8x128xf32>
      tpu.vector_store %arg10[%swap3A_438, %swap3A_439], %add3A_437 {strides = array<i32>} : memref<8x128xf32, #tpu.memory_space<vmem>>, vector<8x128xf32>,
      %get3A_441 = arith.constant 0 : index
      %get3A_442 = arith.constant 0 : index
      %get3A_443 = vector.load %arg11[%get3A_441, %get3A_442] : memref<8x128xf32, #tpu.memory_space<vmem>>, vector<8x128xf32>
      %mul3A_444 = vector.broadcast %scan3A_419 : vector<8x1xf32> to vector<8x128xf32>
      %mul3A_445 = arith.mulf %mul3A_444, %convert_element_type3A_424 : vector<8x128xf32>
      %add3A_446 = arith.addf %get3A_443, %mul3A_445 : vector<8x128xf32>
      %swap3A_447 = arith.constant 0 : index
      %swap3A_448 = arith.constant 0 : index
      %swap3A_449 = vector.load %arg11[%swap3A_447, %swap3A_448] : memref<8x128xf32, #tpu.memory_space<vmem>>, vector<8x128xf32>
      tpu.vector_store %arg11[%swap3A_447, %swap3A_448], %add3A_446 {strides = array<i32>} : memref<8x128xf32, #tpu.memory_space<vmem>>, vector<8x128xf32>,
      %get3A_450 = arith.constant 0 : index
      %get3A_451 = arith.constant 0 : index
      %get3A_452 = vector.load %arg12[%get3A_450, %get3A_451] : memref<8x128xf32, #tpu.memory_space<vmem>>, vector<8x128xf32>
      %mul3A_453 = vector.broadcast %scan3A_420 : vector<8x1xf32> to vector<8x128xf32>
      %mul3A_454 = arith.mulf %mul3A_453, %convert_element_type3A_424 : vector<8x128xf32>
      %add3A_455 = arith.addf %get3A_452, %mul3A_454 : vector<8x128xf32>
      %swap3A_456 = arith.constant 0 : index
      %swap3A_457 = arith.constant 0 : index
      %swap3A_458 = vector.load %arg12[%swap3A_456, %swap3A_457] : memref<8x128xf32, #tpu.memory_space<vmem>>, vector<8x128xf32>
      tpu.vector_store %arg12[%swap3A_456, %swap3A_457], %add3A_455 {strides = array<i32>} : memref<8x128xf32, #tpu.memory_space<vmem>>, vector<8x128xf32>,
      %get3A_459 = arith.constant 0 : index
      %get3A_460 = arith.constant 0 : index
      %get3A_461 = vector.load %arg0[%get3A_459, %get3A_460] : memref<8x4096xf32, #tpu.memory_space<vmem>>, vector<8x4096xf32>
      %sub3A = vector.broadcast %scan3A_418 : vector<8x1xf32> to vector<8x4096xf32>
      %sub3A_462 = arith.subf %get3A_461, %sub3A : vector<8x4096xf32>
      %get3A_463 = arith.constant 0 : index
      %get3A_464 = arith.constant 0 : index
      %get3A_465 = vector.load %arg1[%get3A_463, %get3A_464] : memref<8x4096xf32, #tpu.memory_space<vmem>>, vector<8x4096xf32>
      %sub3A_466 = vector.broadcast %scan3A_419 : vector<8x1xf32> to vector<8x4096xf32>
      %sub3A_467 = arith.subf %get3A_465, %sub3A_466 : vector<8x4096xf32>
      %get3A_468 = arith.constant 0 : index
      %get3A_469 = arith.constant 0 : index
      %get3A_470 = vector.load %arg2[%get3A_468, %get3A_469] : memref<8x4096xf32, #tpu.memory_space<vmem>>, vector<8x4096xf32>
      %sub3A_471 = vector.broadcast %scan3A_420 : vector<8x1xf32> to vector<8x4096xf32>
      %sub3A_472 = arith.subf %get3A_470, %sub3A_471 : vector<8x4096xf32>
      %mul3A_473 = arith.mulf %sub3A_462, %sub3A_462 : vector<8x4096xf32>
      %mul3A_474 = arith.mulf %sub3A_467, %sub3A_467 : vector<8x4096xf32>
      %add3A_475 = arith.addf %mul3A_473, %mul3A_474 : vector<8x4096xf32>
      %mul3A_476 = arith.mulf %sub3A_472, %sub3A_472 : vector<8x4096xf32>
      %add3A_477 = arith.addf %add3A_475, %mul3A_476 : vector<8x4096xf32>
      %get3A_478 = arith.constant 0 : index
      %get3A_479 = arith.constant 0 : index
      %get3A_480 = vector.load %arg7[%get3A_478, %get3A_479] : memref<8x4096xf32, #tpu.memory_space<vmem>>, vector<8x4096xf32>
      %min3A = arith.minimumf %get3A_480, %add3A_477 : vector<8x4096xf32>
      %swap3A_481 = arith.constant 0 : index
      %swap3A_482 = arith.constant 0 : index
      %swap3A_483 = vector.load %arg7[%swap3A_481, %swap3A_482] : memref<8x4096xf32, #tpu.memory_space<vmem>>, vector<8x4096xf32>
      tpu.vector_store %arg7[%swap3A_481, %swap3A_482], %min3A {strides = array<i32>} : memref<8x4096xf32, #tpu.memory_space<vmem>>, vector<8x4096xf32>,
      %get3A_484 = arith.constant 0 : index
      %get3A_485 = arith.constant 0 : index
      %get3A_486 = vector.load %arg8[%get3A_484, %get3A_485] : memref<8x4096xf32, #tpu.memory_space<vmem>>, vector<8x4096xf32>
      %get3A_487 = arith.constant 0 : index
      %get3A_488 = arith.constant 0 : index
      %get3A_489 = vector.load %arg0[%get3A_487, %get3A_488] : memref<8x4096xf32, #tpu.memory_space<vmem>>, vector<8x4096xf32>
      %get3A_490 = arith.constant 0 : index
      %get3A_491 = arith.constant 0 : index
      %get3A_492 = vector.load %arg1[%get3A_490, %get3A_491] : memref<8x4096xf32, #tpu.memory_space<vmem>>, vector<8x4096xf32>
      %get3A_493 = arith.constant 0 : index
      %get3A_494 = arith.constant 0 : index
      %get3A_495 = vector.load %arg2[%get3A_493, %get3A_494] : memref<8x4096xf32, #tpu.memory_space<vmem>>, vector<8x4096xf32>
      %slice3A = vector.extract_strided_slice %min3A {offsets = [0, 2048], sizes = [8, 2048], strides = [1, 1]} : vector<8x4096xf32> to vector<8x2048xf32>
      %slice3A_496 = vector.extract_strided_slice %min3A {offsets = [0, 0], sizes = [8, 2048], strides = [1, 1]} : vector<8x4096xf32> to vector<8x2048xf32>
      %gt3A = arith.cmpf ogt, %slice3A, %slice3A_496 : vector<8x2048xf32>
      %slice3A_497 = vector.extract_strided_slice %min3A {offsets = [0, 2048], sizes = [8, 2048], strides = [1, 1]} : vector<8x4096xf32> to vector<8x2048xf32>
      %slice3A_498 = vector.extract_strided_slice %min3A {offsets = [0, 0], sizes = [8, 2048], strides = [1, 1]} : vector<8x4096xf32> to vector<8x2048xf32>
      %select_n3A = arith.select %gt3A, %slice3A_497, %slice3A_498 : vector<8x2048xi1>, vector<8x2048xf32>
      %slice3A_499 = vector.extract_strided_slice %get3A_486 {offsets = [0, 2048], sizes = [8, 2048], strides = [1, 1]} : vector<8x4096xf32> to vector<8x2048xf32>
      %slice3A_500 = vector.extract_strided_slice %get3A_486 {offsets = [0, 0], sizes = [8, 2048], strides = [1, 1]} : vector<8x4096xf32> to vector<8x2048xf32>
      %select_n3A_501 = arith.select %gt3A, %slice3A_499, %slice3A_500 : vector<8x2048xi1>, vector<8x2048xf32>
      %slice3A_502 = vector.extract_strided_slice %get3A_489 {offsets = [0, 2048], sizes = [8, 2048], strides = [1, 1]} : vector<8x4096xf32> to vector<8x2048xf32>
      %slice3A_503 = vector.extract_strided_slice %get3A_489 {offsets = [0, 0], sizes = [8, 2048], strides = [1, 1]} : vector<8x4096xf32> to vector<8x2048xf32>
      %select_n3A_504 = arith.select %gt3A, %slice3A_502, %slice3A_503 : vector<8x2048xi1>, vector<8x2048xf32>
      %slice3A_505 = vector.extract_strided_slice %get3A_492 {offsets = [0, 2048], sizes = [8, 2048], strides = [1, 1]} : vector<8x4096xf32> to vector<8x2048xf32>
      %slice3A_506 = vector.extract_strided_slice %get3A_492 {offsets = [0, 0], sizes = [8, 2048], strides = [1, 1]} : vector<8x4096xf32> to vector<8x2048xf32>
      %select_n3A_507 = arith.select %gt3A, %slice3A_505, %slice3A_506 : vector<8x2048xi1>, vector<8x2048xf32>
      %slice3A_508 = vector.extract_strided_slice %get3A_495 {offsets = [0, 2048], sizes = [8, 2048], strides = [1, 1]} : vector<8x4096xf32> to vector<8x2048xf32>
      %slice3A_509 = vector.extract_strided_slice %get3A_495 {offsets = [0, 0], sizes = [8, 2048], strides = [1, 1]} : vector<8x4096xf32> to vector<8x2048xf32>
      %select_n3A_510 = arith.select %gt3A, %slice3A_508, %slice3A_509 : vector<8x2048xi1>, vector<8x2048xf32>
      %slice3A_511 = vector.extract_strided_slice %select_n3A {offsets = [0, 1024], sizes = [8, 1024], strides = [1, 1]} : vector<8x2048xf32> to vector<8x1024xf32>
      %slice3A_512 = vector.extract_strided_slice %select_n3A {offsets = [0, 0], sizes = [8, 1024], strides = [1, 1]} : vector<8x2048xf32> to vector<8x1024xf32>
      %gt3A_513 = arith.cmpf ogt, %slice3A_511, %slice3A_512 : vector<8x1024xf32>
      %slice3A_514 = vector.extract_strided_slice %select_n3A {offsets = [0, 1024], sizes = [8, 1024], strides = [1, 1]} : vector<8x2048xf32> to vector<8x1024xf32>
      %slice3A_515 = vector.extract_strided_slice %select_n3A {offsets = [0, 0], sizes = [8, 1024], strides = [1, 1]} : vector<8x2048xf32> to vector<8x1024xf32>
      %select_n3A_516 = arith.select %gt3A_513, %slice3A_514, %slice3A_515 : vector<8x1024xi1>, vector<8x1024xf32>
      %slice3A_517 = vector.extract_strided_slice %select_n3A_501 {offsets = [0, 1024], sizes = [8, 1024], strides = [1, 1]} : vector<8x2048xf32> to vector<8x1024xf32>
      %slice3A_518 = vector.extract_strided_slice %select_n3A_501 {offsets = [0, 0], sizes = [8, 1024], strides = [1, 1]} : vector<8x2048xf32> to vector<8x1024xf32>
      %select_n3A_519 = arith.select %gt3A_513, %slice3A_517, %slice3A_518 : vector<8x1024xi1>, vector<8x1024xf32>
      %slice3A_520 = vector.extract_strided_slice %select_n3A_504 {offsets = [0, 1024], sizes = [8, 1024], strides = [1, 1]} : vector<8x2048xf32> to vector<8x1024xf32>
      %slice3A_521 = vector.extract_strided_slice %select_n3A_504 {offsets = [0, 0], sizes = [8, 1024], strides = [1, 1]} : vector<8x2048xf32> to vector<8x1024xf32>
      %select_n3A_522 = arith.select %gt3A_513, %slice3A_520, %slice3A_521 : vector<8x1024xi1>, vector<8x1024xf32>
      %slice3A_523 = vector.extract_strided_slice %select_n3A_507 {offsets = [0, 1024], sizes = [8, 1024], strides = [1, 1]} : vector<8x2048xf32> to vector<8x1024xf32>
      %slice3A_524 = vector.extract_strided_slice %select_n3A_507 {offsets = [0, 0], sizes = [8, 1024], strides = [1, 1]} : vector<8x2048xf32> to vector<8x1024xf32>
      %select_n3A_525 = arith.select %gt3A_513, %slice3A_523, %slice3A_524 : vector<8x1024xi1>, vector<8x1024xf32>
      %slice3A_526 = vector.extract_strided_slice %select_n3A_510 {offsets = [0, 1024], sizes = [8, 1024], strides = [1, 1]} : vector<8x2048xf32> to vector<8x1024xf32>
      %slice3A_527 = vector.extract_strided_slice %select_n3A_510 {offsets = [0, 0], sizes = [8, 1024], strides = [1, 1]} : vector<8x2048xf32> to vector<8x1024xf32>
      %select_n3A_528 = arith.select %gt3A_513, %slice3A_526, %slice3A_527 : vector<8x1024xi1>, vector<8x1024xf32>
      %slice3A_529 = vector.extract_strided_slice %select_n3A_516 {offsets = [0, 512], sizes = [8, 512], strides = [1, 1]} : vector<8x1024xf32> to vector<8x512xf32>
      %slice3A_530 = vector.extract_strided_slice %select_n3A_516 {offsets = [0, 0], sizes = [8, 512], strides = [1, 1]} : vector<8x1024xf32> to vector<8x512xf32>
      %gt3A_531 = arith.cmpf ogt, %slice3A_529, %slice3A_530 : vector<8x512xf32>
      %slice3A_532 = vector.extract_strided_slice %select_n3A_516 {offsets = [0, 512], sizes = [8, 512], strides = [1, 1]} : vector<8x1024xf32> to vector<8x512xf32>
      %slice3A_533 = vector.extract_strided_slice %select_n3A_516 {offsets = [0, 0], sizes = [8, 512], strides = [1, 1]} : vector<8x1024xf32> to vector<8x512xf32>
      %select_n3A_534 = arith.select %gt3A_531, %slice3A_532, %slice3A_533 : vector<8x512xi1>, vector<8x512xf32>
      %slice3A_535 = vector.extract_strided_slice %select_n3A_519 {offsets = [0, 512], sizes = [8, 512], strides = [1, 1]} : vector<8x1024xf32> to vector<8x512xf32>
      %slice3A_536 = vector.extract_strided_slice %select_n3A_519 {offsets = [0, 0], sizes = [8, 512], strides = [1, 1]} : vector<8x1024xf32> to vector<8x512xf32>
      %select_n3A_537 = arith.select %gt3A_531, %slice3A_535, %slice3A_536 : vector<8x512xi1>, vector<8x512xf32>
      %slice3A_538 = vector.extract_strided_slice %select_n3A_522 {offsets = [0, 512], sizes = [8, 512], strides = [1, 1]} : vector<8x1024xf32> to vector<8x512xf32>
      %slice3A_539 = vector.extract_strided_slice %select_n3A_522 {offsets = [0, 0], sizes = [8, 512], strides = [1, 1]} : vector<8x1024xf32> to vector<8x512xf32>
      %select_n3A_540 = arith.select %gt3A_531, %slice3A_538, %slice3A_539 : vector<8x512xi1>, vector<8x512xf32>
      %slice3A_541 = vector.extract_strided_slice %select_n3A_525 {offsets = [0, 512], sizes = [8, 512], strides = [1, 1]} : vector<8x1024xf32> to vector<8x512xf32>
      %slice3A_542 = vector.extract_strided_slice %select_n3A_525 {offsets = [0, 0], sizes = [8, 512], strides = [1, 1]} : vector<8x1024xf32> to vector<8x512xf32>
      %select_n3A_543 = arith.select %gt3A_531, %slice3A_541, %slice3A_542 : vector<8x512xi1>, vector<8x512xf32>
      %slice3A_544 = vector.extract_strided_slice %select_n3A_528 {offsets = [0, 512], sizes = [8, 512], strides = [1, 1]} : vector<8x1024xf32> to vector<8x512xf32>
      %slice3A_545 = vector.extract_strided_slice %select_n3A_528 {offsets = [0, 0], sizes = [8, 512], strides = [1, 1]} : vector<8x1024xf32> to vector<8x512xf32>
      %select_n3A_546 = arith.select %gt3A_531, %slice3A_544, %slice3A_545 : vector<8x512xi1>, vector<8x512xf32>
      %slice3A_547 = vector.extract_strided_slice %select_n3A_534 {offsets = [0, 256], sizes = [8, 256], strides = [1, 1]} : vector<8x512xf32> to vector<8x256xf32>
      %slice3A_548 = vector.extract_strided_slice %select_n3A_534 {offsets = [0, 0], sizes = [8, 256], strides = [1, 1]} : vector<8x512xf32> to vector<8x256xf32>
      %gt3A_549 = arith.cmpf ogt, %slice3A_547, %slice3A_548 : vector<8x256xf32>
      %slice3A_550 = vector.extract_strided_slice %select_n3A_534 {offsets = [0, 256], sizes = [8, 256], strides = [1, 1]} : vector<8x512xf32> to vector<8x256xf32>
      %slice3A_551 = vector.extract_strided_slice %select_n3A_534 {offsets = [0, 0], sizes = [8, 256], strides = [1, 1]} : vector<8x512xf32> to vector<8x256xf32>
      %select_n3A_552 = arith.select %gt3A_549, %slice3A_550, %slice3A_551 : vector<8x256xi1>, vector<8x256xf32>
      %slice3A_553 = vector.extract_strided_slice %select_n3A_537 {offsets = [0, 256], sizes = [8, 256], strides = [1, 1]} : vector<8x512xf32> to vector<8x256xf32>
      %slice3A_554 = vector.extract_strided_slice %select_n3A_537 {offsets = [0, 0], sizes = [8, 256], strides = [1, 1]} : vector<8x512xf32> to vector<8x256xf32>
      %select_n3A_555 = arith.select %gt3A_549, %slice3A_553, %slice3A_554 : vector<8x256xi1>, vector<8x256xf32>
      %slice3A_556 = vector.extract_strided_slice %select_n3A_540 {offsets = [0, 256], sizes = [8, 256], strides = [1, 1]} : vector<8x512xf32> to vector<8x256xf32>
      %slice3A_557 = vector.extract_strided_slice %select_n3A_540 {offsets = [0, 0], sizes = [8, 256], strides = [1, 1]} : vector<8x512xf32> to vector<8x256xf32>
      %select_n3A_558 = arith.select %gt3A_549, %slice3A_556, %slice3A_557 : vector<8x256xi1>, vector<8x256xf32>
      %slice3A_559 = vector.extract_strided_slice %select_n3A_543 {offsets = [0, 256], sizes = [8, 256], strides = [1, 1]} : vector<8x512xf32> to vector<8x256xf32>
      %slice3A_560 = vector.extract_strided_slice %select_n3A_543 {offsets = [0, 0], sizes = [8, 256], strides = [1, 1]} : vector<8x512xf32> to vector<8x256xf32>
      %select_n3A_561 = arith.select %gt3A_549, %slice3A_559, %slice3A_560 : vector<8x256xi1>, vector<8x256xf32>
      %slice3A_562 = vector.extract_strided_slice %select_n3A_546 {offsets = [0, 256], sizes = [8, 256], strides = [1, 1]} : vector<8x512xf32> to vector<8x256xf32>
      %slice3A_563 = vector.extract_strided_slice %select_n3A_546 {offsets = [0, 0], sizes = [8, 256], strides = [1, 1]} : vector<8x512xf32> to vector<8x256xf32>
      %select_n3A_564 = arith.select %gt3A_549, %slice3A_562, %slice3A_563 : vector<8x256xi1>, vector<8x256xf32>
      %slice3A_565 = vector.extract_strided_slice %select_n3A_552 {offsets = [0, 128], sizes = [8, 128], strides = [1, 1]} : vector<8x256xf32> to vector<8x128xf32>
      %slice3A_566 = vector.extract_strided_slice %select_n3A_552 {offsets = [0, 0], sizes = [8, 128], strides = [1, 1]} : vector<8x256xf32> to vector<8x128xf32>
      %gt3A_567 = arith.cmpf ogt, %slice3A_565, %slice3A_566 : vector<8x128xf32>
      %slice3A_568 = vector.extract_strided_slice %select_n3A_552 {offsets = [0, 128], sizes = [8, 128], strides = [1, 1]} : vector<8x256xf32> to vector<8x128xf32>
      %slice3A_569 = vector.extract_strided_slice %select_n3A_552 {offsets = [0, 0], sizes = [8, 128], strides = [1, 1]} : vector<8x256xf32> to vector<8x128xf32>
      %select_n3A_570 = arith.select %gt3A_567, %slice3A_568, %slice3A_569 : vector<8x128xi1>, vector<8x128xf32>
      %slice3A_571 = vector.extract_strided_slice %select_n3A_555 {offsets = [0, 128], sizes = [8, 128], strides = [1, 1]} : vector<8x256xf32> to vector<8x128xf32>
      %slice3A_572 = vector.extract_strided_slice %select_n3A_555 {offsets = [0, 0], sizes = [8, 128], strides = [1, 1]} : vector<8x256xf32> to vector<8x128xf32>
      %select_n3A_573 = arith.select %gt3A_567, %slice3A_571, %slice3A_572 : vector<8x128xi1>, vector<8x128xf32>
      %slice3A_574 = vector.extract_strided_slice %select_n3A_558 {offsets = [0, 128], sizes = [8, 128], strides = [1, 1]} : vector<8x256xf32> to vector<8x128xf32>
      %slice3A_575 = vector.extract_strided_slice %select_n3A_558 {offsets = [0, 0], sizes = [8, 128], strides = [1, 1]} : vector<8x256xf32> to vector<8x128xf32>
      %select_n3A_576 = arith.select %gt3A_567, %slice3A_574, %slice3A_575 : vector<8x128xi1>, vector<8x128xf32>
      %slice3A_577 = vector.extract_strided_slice %select_n3A_561 {offsets = [0, 128], sizes = [8, 128], strides = [1, 1]} : vector<8x256xf32> to vector<8x128xf32>
      %slice3A_578 = vector.extract_strided_slice %select_n3A_561 {offsets = [0, 0], sizes = [8, 128], strides = [1, 1]} : vector<8x256xf32> to vector<8x128xf32>
      %select_n3A_579 = arith.select %gt3A_567, %slice3A_577, %slice3A_578 : vector<8x128xi1>, vector<8x128xf32>
      %slice3A_580 = vector.extract_strided_slice %select_n3A_564 {offsets = [0, 128], sizes = [8, 128], strides = [1, 1]} : vector<8x256xf32> to vector<8x128xf32>
      %slice3A_581 = vector.extract_strided_slice %select_n3A_564 {offsets = [0, 0], sizes = [8, 128], strides = [1, 1]} : vector<8x256xf32> to vector<8x128xf32>
      %select_n3A_582 = arith.select %gt3A_567, %slice3A_580, %slice3A_581 : vector<8x128xi1>, vector<8x128xf32>
      %reduce_max3A = arith.constant dense<0xFF800000> : vector<8xf32>
      %reduce_max3A_583 = vector.multi_reduction <maximumf>, %select_n3A_570, %reduce_max3A [1] : vector<8x128xf32> to vector<8xf32>
      %broadcast_in_dim3A_584 = vector.shape_cast %reduce_max3A_583 : vector<8xf32> to vector<8x1xf32>
      %eq3A_585 = vector.broadcast %broadcast_in_dim3A_584 : vector<8x1xf32> to vector<8x128xf32>
      %eq3A_586 = arith.cmpf oeq, %select_n3A_570, %eq3A_585 : vector<8x128xf32>
      %jit3A = arith.constant 4.096000e+03 : f32
      %broadcast_in_dim3A_587 = vector.broadcast %jit3A : f32 to vector<8x128xf32>
      %select_n3A_588 = arith.select %eq3A_586, %select_n3A_573, %broadcast_in_dim3A_587 : vector<8x128xi1>, vector<8x128xf32>
      %reduce_min3A = arith.constant dense<0x7F800000> : vector<8xf32>
      %reduce_min3A_589 = vector.multi_reduction <minimumf>, %select_n3A_588, %reduce_min3A [1] : vector<8x128xf32> to vector<8xf32>
      %broadcast_in_dim3A_590 = vector.shape_cast %reduce_min3A_589 : vector<8xf32> to vector<8x1xf32>
      %eq3A_591 = vector.broadcast %broadcast_in_dim3A_590 : vector<8x1xf32> to vector<8x128xf32>
      %eq3A_592 = arith.cmpf oeq, %select_n3A_573, %eq3A_591 : vector<8x128xf32>
      %jit3A_593 = arith.constant 0.000000e+00 : f32
      %broadcast_in_dim3A_594 = vector.broadcast %jit3A_593 : f32 to vector<8x128xf32>
      %select_n3A_595 = arith.select %eq3A_592, %select_n3A_576, %broadcast_in_dim3A_594 : vector<8x128xi1>, vector<8x128xf32>
      %reduce_sum3A = arith.constant dense<0.000000e+00> : vector<8xf32>
      %reduce_sum3A_596 = vector.multi_reduction <add>, %select_n3A_595, %reduce_sum3A [1] : vector<8x128xf32> to vector<8xf32>
      %broadcast_in_dim3A_597 = vector.shape_cast %reduce_sum3A_596 : vector<8xf32> to vector<8x1xf32>
      %jit3A_598 = arith.constant 0.000000e+00 : f32
      %broadcast_in_dim3A_599 = vector.broadcast %jit3A_598 : f32 to vector<8x128xf32>
      %select_n3A_600 = arith.select %eq3A_592, %select_n3A_579, %broadcast_in_dim3A_599 : vector<8x128xi1>, vector<8x128xf32>
      %reduce_sum3A_601 = arith.constant dense<0.000000e+00> : vector<8xf32>
      %reduce_sum3A_602 = vector.multi_reduction <add>, %select_n3A_600, %reduce_sum3A_601 [1] : vector<8x128xf32> to vector<8xf32>
      %broadcast_in_dim3A_603 = vector.shape_cast %reduce_sum3A_602 : vector<8xf32> to vector<8x1xf32>
      %jit3A_604 = arith.constant 0.000000e+00 : f32
      %broadcast_in_dim3A_605 = vector.broadcast %jit3A_604 : f32 to vector<8x128xf32>
      %select_n3A_606 = arith.select %eq3A_592, %select_n3A_582, %broadcast_in_dim3A_605 : vector<8x128xi1>, vector<8x128xf32>
      %reduce_sum3A_607 = arith.constant dense<0.000000e+00> : vector<8xf32>
      %reduce_sum3A_608 = vector.multi_reduction <add>, %select_n3A_606, %reduce_sum3A_607 [1] : vector<8x128xf32> to vector<8xf32>
      %broadcast_in_dim3A_609 = vector.shape_cast %reduce_sum3A_608 : vector<8xf32> to vector<8x1xf32>
      %convert_element_type3A_610 = arith.fptosi %broadcast_in_dim3A_590 : vector<8x1xf32> to vector<8x1xi32>
      scf.yield %convert_element_type3A_610, %broadcast_in_dim3A_597, %broadcast_in_dim3A_603, %broadcast_in_dim3A_609 : vector<8x1xi32>, vector<8x1xf32>, vector<8x1xf32>, vector<8x1xf32>
    }
    %scan3A_291 = arith.constant 128 : i32
    %get3A_292 = arith.constant 0 : index
    %get3A_293 = arith.constant 0 : index
    %get3A_294 = vector.load %arg9[%get3A_292, %get3A_293] : memref<8x128xi32, #tpu.memory_space<vmem>>, vector<8x128xi32>
    %swap3A_295 = arith.constant 0 : index
    %swap3A_296 = arith.constant 640 : index
    %swap3A_297 = vector.load %arg3[%swap3A_295, %swap3A_296] : memref<8x1024xi32, #tpu.memory_space<vmem>>, vector<8x128xi32>
    tpu.vector_store %arg3[%swap3A_295, %swap3A_296], %get3A_294 {strides = array<i32>} : memref<8x1024xi32, #tpu.memory_space<vmem>>, vector<8x128xi32>,
    %get3A_298 = arith.constant 0 : index
    %get3A_299 = arith.constant 0 : index
    %get3A_300 = vector.load %arg10[%get3A_298, %get3A_299] : memref<8x128xf32, #tpu.memory_space<vmem>>, vector<8x128xf32>
    %swap3A_301 = arith.constant 0 : index
    %swap3A_302 = arith.constant 640 : index
    %swap3A_303 = vector.load %arg4[%swap3A_301, %swap3A_302] : memref<8x1024xf32, #tpu.memory_space<vmem>>, vector<8x128xf32>
    tpu.vector_store %arg4[%swap3A_301, %swap3A_302], %get3A_300 {strides = array<i32>} : memref<8x1024xf32, #tpu.memory_space<vmem>>, vector<8x128xf32>,
    %get3A_304 = arith.constant 0 : index
    %get3A_305 = arith.constant 0 : index
    %get3A_306 = vector.load %arg11[%get3A_304, %get3A_305] : memref<8x128xf32, #tpu.memory_space<vmem>>, vector<8x128xf32>
    %swap3A_307 = arith.constant 0 : index
    %swap3A_308 = arith.constant 640 : index
    %swap3A_309 = vector.load %arg5[%swap3A_307, %swap3A_308] : memref<8x1024xf32, #tpu.memory_space<vmem>>, vector<8x128xf32>
    tpu.vector_store %arg5[%swap3A_307, %swap3A_308], %get3A_306 {strides = array<i32>} : memref<8x1024xf32, #tpu.memory_space<vmem>>, vector<8x128xf32>,
    %get3A_310 = arith.constant 0 : index
    %get3A_311 = arith.constant 0 : index
    %get3A_312 = vector.load %arg12[%get3A_310, %get3A_311] : memref<8x128xf32, #tpu.memory_space<vmem>>, vector<8x128xf32>
    %swap3A_313 = arith.constant 0 : index
    %swap3A_314 = arith.constant 640 : index
    %swap3A_315 = vector.load %arg6[%swap3A_313, %swap3A_314] : memref<8x1024xf32, #tpu.memory_space<vmem>>, vector<8x128xf32>
    tpu.vector_store %arg6[%swap3A_313, %swap3A_314], %get3A_312 {strides = array<i32>} : memref<8x1024xf32, #tpu.memory_space<vmem>>, vector<8x128xf32>,
    %broadcast_in_dim3A_316 = arith.constant 0 : i32
    %broadcast_in_dim3A_317 = vector.broadcast %broadcast_in_dim3A_316 : i32 to vector<8x128xi32>
    %swap3A_318 = arith.constant 0 : index
    %swap3A_319 = arith.constant 0 : index
    %swap3A_320 = vector.load %arg9[%swap3A_318, %swap3A_319] : memref<8x128xi32, #tpu.memory_space<vmem>>, vector<8x128xi32>
    tpu.vector_store %arg9[%swap3A_318, %swap3A_319], %broadcast_in_dim3A_317 {strides = array<i32>} : memref<8x128xi32, #tpu.memory_space<vmem>>, vector<8x128xi32>,
    %broadcast_in_dim3A_321 = arith.constant 0.000000e+00 : f32
    %broadcast_in_dim3A_322 = vector.broadcast %broadcast_in_dim3A_321 : f32 to vector<8x128xf32>
    %swap3A_323 = arith.constant 0 : index
    %swap3A_324 = arith.constant 0 : index
    %swap3A_325 = vector.load %arg10[%swap3A_323, %swap3A_324] : memref<8x128xf32, #tpu.memory_space<vmem>>, vector<8x128xf32>
    tpu.vector_store %arg10[%swap3A_323, %swap3A_324], %broadcast_in_dim3A_322 {strides = array<i32>} : memref<8x128xf32, #tpu.memory_space<vmem>>, vector<8x128xf32>,
    %broadcast_in_dim3A_326 = arith.constant 0.000000e+00 : f32
    %broadcast_in_dim3A_327 = vector.broadcast %broadcast_in_dim3A_326 : f32 to vector<8x128xf32>
    %swap3A_328 = arith.constant 0 : index
    %swap3A_329 = arith.constant 0 : index
    %swap3A_330 = vector.load %arg11[%swap3A_328, %swap3A_329] : memref<8x128xf32, #tpu.memory_space<vmem>>, vector<8x128xf32>
    tpu.vector_store %arg11[%swap3A_328, %swap3A_329], %broadcast_in_dim3A_327 {strides = array<i32>} : memref<8x128xf32, #tpu.memory_space<vmem>>, vector<8x128xf32>,
    %broadcast_in_dim3A_331 = arith.constant 0.000000e+00 : f32
    %broadcast_in_dim3A_332 = vector.broadcast %broadcast_in_dim3A_331 : f32 to vector<8x128xf32>
    %swap3A_333 = arith.constant 0 : index
    %swap3A_334 = arith.constant 0 : index
    %swap3A_335 = vector.load %arg12[%swap3A_333, %swap3A_334] : memref<8x128xf32, #tpu.memory_space<vmem>>, vector<8x128xf32>
    tpu.vector_store %arg12[%swap3A_333, %swap3A_334], %broadcast_in_dim3A_332 {strides = array<i32>} : memref<8x128xf32, #tpu.memory_space<vmem>>, vector<8x128xf32>,
    %scan3A_336 = arith.constant 0 : i32
    %scan3A_337 = arith.constant 128 : i32
    %scan3A_338 = arith.addi %scan3A_336, %scan3A_337 : i32
    %scan3A_339 = arith.constant 1 : i32
    %scan3A_340:4 = scf.for %scan3A_416 = %scan3A_336 to %scan3A_338 step %scan3A_339 iter_args(%scan3A_417 = %scan3A_290#0, %scan3A_418 = %scan3A_290#1, %scan3A_419 = %scan3A_290#2, %scan3A_420 = %scan3A_290#3) -> (vector<8x1xi32>, vector<8x1xf32>, vector<8x1xf32>, vector<8x1xf32>)  : i32 {
      %eq3A = vector.broadcast %scan3A_416 : i32 to vector<8x128xi32>
      %eq3A_421 = arith.cmpi eq, %iota3A, %eq3A : vector<8x128xi32>
      %convert_element_type3A_422 = arith.extui %eq3A_421 : vector<8x128xi1> to vector<8x128xi32>
      %convert_element_type3A_423 = arith.extui %eq3A_421 : vector<8x128xi1> to vector<8x128xi32>
      %convert_element_type3A_424 = arith.sitofp %convert_element_type3A_423 : vector<8x128xi32> to vector<8x128xf32>
      %get3A_425 = arith.constant 0 : index
      %get3A_426 = arith.constant 0 : index
      %get3A_427 = vector.load %arg9[%get3A_425, %get3A_426] : memref<8x128xi32, #tpu.memory_space<vmem>>, vector<8x128xi32>
      %mul3A = vector.broadcast %scan3A_417 : vector<8x1xi32> to vector<8x128xi32>
      %mul3A_428 = arith.muli %mul3A, %convert_element_type3A_422 : vector<8x128xi32>
      %add3A = arith.addi %get3A_427, %mul3A_428 : vector<8x128xi32>
      %swap3A_429 = arith.constant 0 : index
      %swap3A_430 = arith.constant 0 : index
      %swap3A_431 = vector.load %arg9[%swap3A_429, %swap3A_430] : memref<8x128xi32, #tpu.memory_space<vmem>>, vector<8x128xi32>
      tpu.vector_store %arg9[%swap3A_429, %swap3A_430], %add3A {strides = array<i32>} : memref<8x128xi32, #tpu.memory_space<vmem>>, vector<8x128xi32>,
      %get3A_432 = arith.constant 0 : index
      %get3A_433 = arith.constant 0 : index
      %get3A_434 = vector.load %arg10[%get3A_432, %get3A_433] : memref<8x128xf32, #tpu.memory_space<vmem>>, vector<8x128xf32>
      %mul3A_435 = vector.broadcast %scan3A_418 : vector<8x1xf32> to vector<8x128xf32>
      %mul3A_436 = arith.mulf %mul3A_435, %convert_element_type3A_424 : vector<8x128xf32>
      %add3A_437 = arith.addf %get3A_434, %mul3A_436 : vector<8x128xf32>
      %swap3A_438 = arith.constant 0 : index
      %swap3A_439 = arith.constant 0 : index
      %swap3A_440 = vector.load %arg10[%swap3A_438, %swap3A_439] : memref<8x128xf32, #tpu.memory_space<vmem>>, vector<8x128xf32>
      tpu.vector_store %arg10[%swap3A_438, %swap3A_439], %add3A_437 {strides = array<i32>} : memref<8x128xf32, #tpu.memory_space<vmem>>, vector<8x128xf32>,
      %get3A_441 = arith.constant 0 : index
      %get3A_442 = arith.constant 0 : index
      %get3A_443 = vector.load %arg11[%get3A_441, %get3A_442] : memref<8x128xf32, #tpu.memory_space<vmem>>, vector<8x128xf32>
      %mul3A_444 = vector.broadcast %scan3A_419 : vector<8x1xf32> to vector<8x128xf32>
      %mul3A_445 = arith.mulf %mul3A_444, %convert_element_type3A_424 : vector<8x128xf32>
      %add3A_446 = arith.addf %get3A_443, %mul3A_445 : vector<8x128xf32>
      %swap3A_447 = arith.constant 0 : index
      %swap3A_448 = arith.constant 0 : index
      %swap3A_449 = vector.load %arg11[%swap3A_447, %swap3A_448] : memref<8x128xf32, #tpu.memory_space<vmem>>, vector<8x128xf32>
      tpu.vector_store %arg11[%swap3A_447, %swap3A_448], %add3A_446 {strides = array<i32>} : memref<8x128xf32, #tpu.memory_space<vmem>>, vector<8x128xf32>,
      %get3A_450 = arith.constant 0 : index
      %get3A_451 = arith.constant 0 : index
      %get3A_452 = vector.load %arg12[%get3A_450, %get3A_451] : memref<8x128xf32, #tpu.memory_space<vmem>>, vector<8x128xf32>
      %mul3A_453 = vector.broadcast %scan3A_420 : vector<8x1xf32> to vector<8x128xf32>
      %mul3A_454 = arith.mulf %mul3A_453, %convert_element_type3A_424 : vector<8x128xf32>
      %add3A_455 = arith.addf %get3A_452, %mul3A_454 : vector<8x128xf32>
      %swap3A_456 = arith.constant 0 : index
      %swap3A_457 = arith.constant 0 : index
      %swap3A_458 = vector.load %arg12[%swap3A_456, %swap3A_457] : memref<8x128xf32, #tpu.memory_space<vmem>>, vector<8x128xf32>
      tpu.vector_store %arg12[%swap3A_456, %swap3A_457], %add3A_455 {strides = array<i32>} : memref<8x128xf32, #tpu.memory_space<vmem>>, vector<8x128xf32>,
      %get3A_459 = arith.constant 0 : index
      %get3A_460 = arith.constant 0 : index
      %get3A_461 = vector.load %arg0[%get3A_459, %get3A_460] : memref<8x4096xf32, #tpu.memory_space<vmem>>, vector<8x4096xf32>
      %sub3A = vector.broadcast %scan3A_418 : vector<8x1xf32> to vector<8x4096xf32>
      %sub3A_462 = arith.subf %get3A_461, %sub3A : vector<8x4096xf32>
      %get3A_463 = arith.constant 0 : index
      %get3A_464 = arith.constant 0 : index
      %get3A_465 = vector.load %arg1[%get3A_463, %get3A_464] : memref<8x4096xf32, #tpu.memory_space<vmem>>, vector<8x4096xf32>
      %sub3A_466 = vector.broadcast %scan3A_419 : vector<8x1xf32> to vector<8x4096xf32>
      %sub3A_467 = arith.subf %get3A_465, %sub3A_466 : vector<8x4096xf32>
      %get3A_468 = arith.constant 0 : index
      %get3A_469 = arith.constant 0 : index
      %get3A_470 = vector.load %arg2[%get3A_468, %get3A_469] : memref<8x4096xf32, #tpu.memory_space<vmem>>, vector<8x4096xf32>
      %sub3A_471 = vector.broadcast %scan3A_420 : vector<8x1xf32> to vector<8x4096xf32>
      %sub3A_472 = arith.subf %get3A_470, %sub3A_471 : vector<8x4096xf32>
      %mul3A_473 = arith.mulf %sub3A_462, %sub3A_462 : vector<8x4096xf32>
      %mul3A_474 = arith.mulf %sub3A_467, %sub3A_467 : vector<8x4096xf32>
      %add3A_475 = arith.addf %mul3A_473, %mul3A_474 : vector<8x4096xf32>
      %mul3A_476 = arith.mulf %sub3A_472, %sub3A_472 : vector<8x4096xf32>
      %add3A_477 = arith.addf %add3A_475, %mul3A_476 : vector<8x4096xf32>
      %get3A_478 = arith.constant 0 : index
      %get3A_479 = arith.constant 0 : index
      %get3A_480 = vector.load %arg7[%get3A_478, %get3A_479] : memref<8x4096xf32, #tpu.memory_space<vmem>>, vector<8x4096xf32>
      %min3A = arith.minimumf %get3A_480, %add3A_477 : vector<8x4096xf32>
      %swap3A_481 = arith.constant 0 : index
      %swap3A_482 = arith.constant 0 : index
      %swap3A_483 = vector.load %arg7[%swap3A_481, %swap3A_482] : memref<8x4096xf32, #tpu.memory_space<vmem>>, vector<8x4096xf32>
      tpu.vector_store %arg7[%swap3A_481, %swap3A_482], %min3A {strides = array<i32>} : memref<8x4096xf32, #tpu.memory_space<vmem>>, vector<8x4096xf32>,
      %get3A_484 = arith.constant 0 : index
      %get3A_485 = arith.constant 0 : index
      %get3A_486 = vector.load %arg8[%get3A_484, %get3A_485] : memref<8x4096xf32, #tpu.memory_space<vmem>>, vector<8x4096xf32>
      %get3A_487 = arith.constant 0 : index
      %get3A_488 = arith.constant 0 : index
      %get3A_489 = vector.load %arg0[%get3A_487, %get3A_488] : memref<8x4096xf32, #tpu.memory_space<vmem>>, vector<8x4096xf32>
      %get3A_490 = arith.constant 0 : index
      %get3A_491 = arith.constant 0 : index
      %get3A_492 = vector.load %arg1[%get3A_490, %get3A_491] : memref<8x4096xf32, #tpu.memory_space<vmem>>, vector<8x4096xf32>
      %get3A_493 = arith.constant 0 : index
      %get3A_494 = arith.constant 0 : index
      %get3A_495 = vector.load %arg2[%get3A_493, %get3A_494] : memref<8x4096xf32, #tpu.memory_space<vmem>>, vector<8x4096xf32>
      %slice3A = vector.extract_strided_slice %min3A {offsets = [0, 2048], sizes = [8, 2048], strides = [1, 1]} : vector<8x4096xf32> to vector<8x2048xf32>
      %slice3A_496 = vector.extract_strided_slice %min3A {offsets = [0, 0], sizes = [8, 2048], strides = [1, 1]} : vector<8x4096xf32> to vector<8x2048xf32>
      %gt3A = arith.cmpf ogt, %slice3A, %slice3A_496 : vector<8x2048xf32>
      %slice3A_497 = vector.extract_strided_slice %min3A {offsets = [0, 2048], sizes = [8, 2048], strides = [1, 1]} : vector<8x4096xf32> to vector<8x2048xf32>
      %slice3A_498 = vector.extract_strided_slice %min3A {offsets = [0, 0], sizes = [8, 2048], strides = [1, 1]} : vector<8x4096xf32> to vector<8x2048xf32>
      %select_n3A = arith.select %gt3A, %slice3A_497, %slice3A_498 : vector<8x2048xi1>, vector<8x2048xf32>
      %slice3A_499 = vector.extract_strided_slice %get3A_486 {offsets = [0, 2048], sizes = [8, 2048], strides = [1, 1]} : vector<8x4096xf32> to vector<8x2048xf32>
      %slice3A_500 = vector.extract_strided_slice %get3A_486 {offsets = [0, 0], sizes = [8, 2048], strides = [1, 1]} : vector<8x4096xf32> to vector<8x2048xf32>
      %select_n3A_501 = arith.select %gt3A, %slice3A_499, %slice3A_500 : vector<8x2048xi1>, vector<8x2048xf32>
      %slice3A_502 = vector.extract_strided_slice %get3A_489 {offsets = [0, 2048], sizes = [8, 2048], strides = [1, 1]} : vector<8x4096xf32> to vector<8x2048xf32>
      %slice3A_503 = vector.extract_strided_slice %get3A_489 {offsets = [0, 0], sizes = [8, 2048], strides = [1, 1]} : vector<8x4096xf32> to vector<8x2048xf32>
      %select_n3A_504 = arith.select %gt3A, %slice3A_502, %slice3A_503 : vector<8x2048xi1>, vector<8x2048xf32>
      %slice3A_505 = vector.extract_strided_slice %get3A_492 {offsets = [0, 2048], sizes = [8, 2048], strides = [1, 1]} : vector<8x4096xf32> to vector<8x2048xf32>
      %slice3A_506 = vector.extract_strided_slice %get3A_492 {offsets = [0, 0], sizes = [8, 2048], strides = [1, 1]} : vector<8x4096xf32> to vector<8x2048xf32>
      %select_n3A_507 = arith.select %gt3A, %slice3A_505, %slice3A_506 : vector<8x2048xi1>, vector<8x2048xf32>
      %slice3A_508 = vector.extract_strided_slice %get3A_495 {offsets = [0, 2048], sizes = [8, 2048], strides = [1, 1]} : vector<8x4096xf32> to vector<8x2048xf32>
      %slice3A_509 = vector.extract_strided_slice %get3A_495 {offsets = [0, 0], sizes = [8, 2048], strides = [1, 1]} : vector<8x4096xf32> to vector<8x2048xf32>
      %select_n3A_510 = arith.select %gt3A, %slice3A_508, %slice3A_509 : vector<8x2048xi1>, vector<8x2048xf32>
      %slice3A_511 = vector.extract_strided_slice %select_n3A {offsets = [0, 1024], sizes = [8, 1024], strides = [1, 1]} : vector<8x2048xf32> to vector<8x1024xf32>
      %slice3A_512 = vector.extract_strided_slice %select_n3A {offsets = [0, 0], sizes = [8, 1024], strides = [1, 1]} : vector<8x2048xf32> to vector<8x1024xf32>
      %gt3A_513 = arith.cmpf ogt, %slice3A_511, %slice3A_512 : vector<8x1024xf32>
      %slice3A_514 = vector.extract_strided_slice %select_n3A {offsets = [0, 1024], sizes = [8, 1024], strides = [1, 1]} : vector<8x2048xf32> to vector<8x1024xf32>
      %slice3A_515 = vector.extract_strided_slice %select_n3A {offsets = [0, 0], sizes = [8, 1024], strides = [1, 1]} : vector<8x2048xf32> to vector<8x1024xf32>
      %select_n3A_516 = arith.select %gt3A_513, %slice3A_514, %slice3A_515 : vector<8x1024xi1>, vector<8x1024xf32>
      %slice3A_517 = vector.extract_strided_slice %select_n3A_501 {offsets = [0, 1024], sizes = [8, 1024], strides = [1, 1]} : vector<8x2048xf32> to vector<8x1024xf32>
      %slice3A_518 = vector.extract_strided_slice %select_n3A_501 {offsets = [0, 0], sizes = [8, 1024], strides = [1, 1]} : vector<8x2048xf32> to vector<8x1024xf32>
      %select_n3A_519 = arith.select %gt3A_513, %slice3A_517, %slice3A_518 : vector<8x1024xi1>, vector<8x1024xf32>
      %slice3A_520 = vector.extract_strided_slice %select_n3A_504 {offsets = [0, 1024], sizes = [8, 1024], strides = [1, 1]} : vector<8x2048xf32> to vector<8x1024xf32>
      %slice3A_521 = vector.extract_strided_slice %select_n3A_504 {offsets = [0, 0], sizes = [8, 1024], strides = [1, 1]} : vector<8x2048xf32> to vector<8x1024xf32>
      %select_n3A_522 = arith.select %gt3A_513, %slice3A_520, %slice3A_521 : vector<8x1024xi1>, vector<8x1024xf32>
      %slice3A_523 = vector.extract_strided_slice %select_n3A_507 {offsets = [0, 1024], sizes = [8, 1024], strides = [1, 1]} : vector<8x2048xf32> to vector<8x1024xf32>
      %slice3A_524 = vector.extract_strided_slice %select_n3A_507 {offsets = [0, 0], sizes = [8, 1024], strides = [1, 1]} : vector<8x2048xf32> to vector<8x1024xf32>
      %select_n3A_525 = arith.select %gt3A_513, %slice3A_523, %slice3A_524 : vector<8x1024xi1>, vector<8x1024xf32>
      %slice3A_526 = vector.extract_strided_slice %select_n3A_510 {offsets = [0, 1024], sizes = [8, 1024], strides = [1, 1]} : vector<8x2048xf32> to vector<8x1024xf32>
      %slice3A_527 = vector.extract_strided_slice %select_n3A_510 {offsets = [0, 0], sizes = [8, 1024], strides = [1, 1]} : vector<8x2048xf32> to vector<8x1024xf32>
      %select_n3A_528 = arith.select %gt3A_513, %slice3A_526, %slice3A_527 : vector<8x1024xi1>, vector<8x1024xf32>
      %slice3A_529 = vector.extract_strided_slice %select_n3A_516 {offsets = [0, 512], sizes = [8, 512], strides = [1, 1]} : vector<8x1024xf32> to vector<8x512xf32>
      %slice3A_530 = vector.extract_strided_slice %select_n3A_516 {offsets = [0, 0], sizes = [8, 512], strides = [1, 1]} : vector<8x1024xf32> to vector<8x512xf32>
      %gt3A_531 = arith.cmpf ogt, %slice3A_529, %slice3A_530 : vector<8x512xf32>
      %slice3A_532 = vector.extract_strided_slice %select_n3A_516 {offsets = [0, 512], sizes = [8, 512], strides = [1, 1]} : vector<8x1024xf32> to vector<8x512xf32>
      %slice3A_533 = vector.extract_strided_slice %select_n3A_516 {offsets = [0, 0], sizes = [8, 512], strides = [1, 1]} : vector<8x1024xf32> to vector<8x512xf32>
      %select_n3A_534 = arith.select %gt3A_531, %slice3A_532, %slice3A_533 : vector<8x512xi1>, vector<8x512xf32>
      %slice3A_535 = vector.extract_strided_slice %select_n3A_519 {offsets = [0, 512], sizes = [8, 512], strides = [1, 1]} : vector<8x1024xf32> to vector<8x512xf32>
      %slice3A_536 = vector.extract_strided_slice %select_n3A_519 {offsets = [0, 0], sizes = [8, 512], strides = [1, 1]} : vector<8x1024xf32> to vector<8x512xf32>
      %select_n3A_537 = arith.select %gt3A_531, %slice3A_535, %slice3A_536 : vector<8x512xi1>, vector<8x512xf32>
      %slice3A_538 = vector.extract_strided_slice %select_n3A_522 {offsets = [0, 512], sizes = [8, 512], strides = [1, 1]} : vector<8x1024xf32> to vector<8x512xf32>
      %slice3A_539 = vector.extract_strided_slice %select_n3A_522 {offsets = [0, 0], sizes = [8, 512], strides = [1, 1]} : vector<8x1024xf32> to vector<8x512xf32>
      %select_n3A_540 = arith.select %gt3A_531, %slice3A_538, %slice3A_539 : vector<8x512xi1>, vector<8x512xf32>
      %slice3A_541 = vector.extract_strided_slice %select_n3A_525 {offsets = [0, 512], sizes = [8, 512], strides = [1, 1]} : vector<8x1024xf32> to vector<8x512xf32>
      %slice3A_542 = vector.extract_strided_slice %select_n3A_525 {offsets = [0, 0], sizes = [8, 512], strides = [1, 1]} : vector<8x1024xf32> to vector<8x512xf32>
      %select_n3A_543 = arith.select %gt3A_531, %slice3A_541, %slice3A_542 : vector<8x512xi1>, vector<8x512xf32>
      %slice3A_544 = vector.extract_strided_slice %select_n3A_528 {offsets = [0, 512], sizes = [8, 512], strides = [1, 1]} : vector<8x1024xf32> to vector<8x512xf32>
      %slice3A_545 = vector.extract_strided_slice %select_n3A_528 {offsets = [0, 0], sizes = [8, 512], strides = [1, 1]} : vector<8x1024xf32> to vector<8x512xf32>
      %select_n3A_546 = arith.select %gt3A_531, %slice3A_544, %slice3A_545 : vector<8x512xi1>, vector<8x512xf32>
      %slice3A_547 = vector.extract_strided_slice %select_n3A_534 {offsets = [0, 256], sizes = [8, 256], strides = [1, 1]} : vector<8x512xf32> to vector<8x256xf32>
      %slice3A_548 = vector.extract_strided_slice %select_n3A_534 {offsets = [0, 0], sizes = [8, 256], strides = [1, 1]} : vector<8x512xf32> to vector<8x256xf32>
      %gt3A_549 = arith.cmpf ogt, %slice3A_547, %slice3A_548 : vector<8x256xf32>
      %slice3A_550 = vector.extract_strided_slice %select_n3A_534 {offsets = [0, 256], sizes = [8, 256], strides = [1, 1]} : vector<8x512xf32> to vector<8x256xf32>
      %slice3A_551 = vector.extract_strided_slice %select_n3A_534 {offsets = [0, 0], sizes = [8, 256], strides = [1, 1]} : vector<8x512xf32> to vector<8x256xf32>
      %select_n3A_552 = arith.select %gt3A_549, %slice3A_550, %slice3A_551 : vector<8x256xi1>, vector<8x256xf32>
      %slice3A_553 = vector.extract_strided_slice %select_n3A_537 {offsets = [0, 256], sizes = [8, 256], strides = [1, 1]} : vector<8x512xf32> to vector<8x256xf32>
      %slice3A_554 = vector.extract_strided_slice %select_n3A_537 {offsets = [0, 0], sizes = [8, 256], strides = [1, 1]} : vector<8x512xf32> to vector<8x256xf32>
      %select_n3A_555 = arith.select %gt3A_549, %slice3A_553, %slice3A_554 : vector<8x256xi1>, vector<8x256xf32>
      %slice3A_556 = vector.extract_strided_slice %select_n3A_540 {offsets = [0, 256], sizes = [8, 256], strides = [1, 1]} : vector<8x512xf32> to vector<8x256xf32>
      %slice3A_557 = vector.extract_strided_slice %select_n3A_540 {offsets = [0, 0], sizes = [8, 256], strides = [1, 1]} : vector<8x512xf32> to vector<8x256xf32>
      %select_n3A_558 = arith.select %gt3A_549, %slice3A_556, %slice3A_557 : vector<8x256xi1>, vector<8x256xf32>
      %slice3A_559 = vector.extract_strided_slice %select_n3A_543 {offsets = [0, 256], sizes = [8, 256], strides = [1, 1]} : vector<8x512xf32> to vector<8x256xf32>
      %slice3A_560 = vector.extract_strided_slice %select_n3A_543 {offsets = [0, 0], sizes = [8, 256], strides = [1, 1]} : vector<8x512xf32> to vector<8x256xf32>
      %select_n3A_561 = arith.select %gt3A_549, %slice3A_559, %slice3A_560 : vector<8x256xi1>, vector<8x256xf32>
      %slice3A_562 = vector.extract_strided_slice %select_n3A_546 {offsets = [0, 256], sizes = [8, 256], strides = [1, 1]} : vector<8x512xf32> to vector<8x256xf32>
      %slice3A_563 = vector.extract_strided_slice %select_n3A_546 {offsets = [0, 0], sizes = [8, 256], strides = [1, 1]} : vector<8x512xf32> to vector<8x256xf32>
      %select_n3A_564 = arith.select %gt3A_549, %slice3A_562, %slice3A_563 : vector<8x256xi1>, vector<8x256xf32>
      %slice3A_565 = vector.extract_strided_slice %select_n3A_552 {offsets = [0, 128], sizes = [8, 128], strides = [1, 1]} : vector<8x256xf32> to vector<8x128xf32>
      %slice3A_566 = vector.extract_strided_slice %select_n3A_552 {offsets = [0, 0], sizes = [8, 128], strides = [1, 1]} : vector<8x256xf32> to vector<8x128xf32>
      %gt3A_567 = arith.cmpf ogt, %slice3A_565, %slice3A_566 : vector<8x128xf32>
      %slice3A_568 = vector.extract_strided_slice %select_n3A_552 {offsets = [0, 128], sizes = [8, 128], strides = [1, 1]} : vector<8x256xf32> to vector<8x128xf32>
      %slice3A_569 = vector.extract_strided_slice %select_n3A_552 {offsets = [0, 0], sizes = [8, 128], strides = [1, 1]} : vector<8x256xf32> to vector<8x128xf32>
      %select_n3A_570 = arith.select %gt3A_567, %slice3A_568, %slice3A_569 : vector<8x128xi1>, vector<8x128xf32>
      %slice3A_571 = vector.extract_strided_slice %select_n3A_555 {offsets = [0, 128], sizes = [8, 128], strides = [1, 1]} : vector<8x256xf32> to vector<8x128xf32>
      %slice3A_572 = vector.extract_strided_slice %select_n3A_555 {offsets = [0, 0], sizes = [8, 128], strides = [1, 1]} : vector<8x256xf32> to vector<8x128xf32>
      %select_n3A_573 = arith.select %gt3A_567, %slice3A_571, %slice3A_572 : vector<8x128xi1>, vector<8x128xf32>
      %slice3A_574 = vector.extract_strided_slice %select_n3A_558 {offsets = [0, 128], sizes = [8, 128], strides = [1, 1]} : vector<8x256xf32> to vector<8x128xf32>
      %slice3A_575 = vector.extract_strided_slice %select_n3A_558 {offsets = [0, 0], sizes = [8, 128], strides = [1, 1]} : vector<8x256xf32> to vector<8x128xf32>
      %select_n3A_576 = arith.select %gt3A_567, %slice3A_574, %slice3A_575 : vector<8x128xi1>, vector<8x128xf32>
      %slice3A_577 = vector.extract_strided_slice %select_n3A_561 {offsets = [0, 128], sizes = [8, 128], strides = [1, 1]} : vector<8x256xf32> to vector<8x128xf32>
      %slice3A_578 = vector.extract_strided_slice %select_n3A_561 {offsets = [0, 0], sizes = [8, 128], strides = [1, 1]} : vector<8x256xf32> to vector<8x128xf32>
      %select_n3A_579 = arith.select %gt3A_567, %slice3A_577, %slice3A_578 : vector<8x128xi1>, vector<8x128xf32>
      %slice3A_580 = vector.extract_strided_slice %select_n3A_564 {offsets = [0, 128], sizes = [8, 128], strides = [1, 1]} : vector<8x256xf32> to vector<8x128xf32>
      %slice3A_581 = vector.extract_strided_slice %select_n3A_564 {offsets = [0, 0], sizes = [8, 128], strides = [1, 1]} : vector<8x256xf32> to vector<8x128xf32>
      %select_n3A_582 = arith.select %gt3A_567, %slice3A_580, %slice3A_581 : vector<8x128xi1>, vector<8x128xf32>
      %reduce_max3A = arith.constant dense<0xFF800000> : vector<8xf32>
      %reduce_max3A_583 = vector.multi_reduction <maximumf>, %select_n3A_570, %reduce_max3A [1] : vector<8x128xf32> to vector<8xf32>
      %broadcast_in_dim3A_584 = vector.shape_cast %reduce_max3A_583 : vector<8xf32> to vector<8x1xf32>
      %eq3A_585 = vector.broadcast %broadcast_in_dim3A_584 : vector<8x1xf32> to vector<8x128xf32>
      %eq3A_586 = arith.cmpf oeq, %select_n3A_570, %eq3A_585 : vector<8x128xf32>
      %jit3A = arith.constant 4.096000e+03 : f32
      %broadcast_in_dim3A_587 = vector.broadcast %jit3A : f32 to vector<8x128xf32>
      %select_n3A_588 = arith.select %eq3A_586, %select_n3A_573, %broadcast_in_dim3A_587 : vector<8x128xi1>, vector<8x128xf32>
      %reduce_min3A = arith.constant dense<0x7F800000> : vector<8xf32>
      %reduce_min3A_589 = vector.multi_reduction <minimumf>, %select_n3A_588, %reduce_min3A [1] : vector<8x128xf32> to vector<8xf32>
      %broadcast_in_dim3A_590 = vector.shape_cast %reduce_min3A_589 : vector<8xf32> to vector<8x1xf32>
      %eq3A_591 = vector.broadcast %broadcast_in_dim3A_590 : vector<8x1xf32> to vector<8x128xf32>
      %eq3A_592 = arith.cmpf oeq, %select_n3A_573, %eq3A_591 : vector<8x128xf32>
      %jit3A_593 = arith.constant 0.000000e+00 : f32
      %broadcast_in_dim3A_594 = vector.broadcast %jit3A_593 : f32 to vector<8x128xf32>
      %select_n3A_595 = arith.select %eq3A_592, %select_n3A_576, %broadcast_in_dim3A_594 : vector<8x128xi1>, vector<8x128xf32>
      %reduce_sum3A = arith.constant dense<0.000000e+00> : vector<8xf32>
      %reduce_sum3A_596 = vector.multi_reduction <add>, %select_n3A_595, %reduce_sum3A [1] : vector<8x128xf32> to vector<8xf32>
      %broadcast_in_dim3A_597 = vector.shape_cast %reduce_sum3A_596 : vector<8xf32> to vector<8x1xf32>
      %jit3A_598 = arith.constant 0.000000e+00 : f32
      %broadcast_in_dim3A_599 = vector.broadcast %jit3A_598 : f32 to vector<8x128xf32>
      %select_n3A_600 = arith.select %eq3A_592, %select_n3A_579, %broadcast_in_dim3A_599 : vector<8x128xi1>, vector<8x128xf32>
      %reduce_sum3A_601 = arith.constant dense<0.000000e+00> : vector<8xf32>
      %reduce_sum3A_602 = vector.multi_reduction <add>, %select_n3A_600, %reduce_sum3A_601 [1] : vector<8x128xf32> to vector<8xf32>
      %broadcast_in_dim3A_603 = vector.shape_cast %reduce_sum3A_602 : vector<8xf32> to vector<8x1xf32>
      %jit3A_604 = arith.constant 0.000000e+00 : f32
      %broadcast_in_dim3A_605 = vector.broadcast %jit3A_604 : f32 to vector<8x128xf32>
      %select_n3A_606 = arith.select %eq3A_592, %select_n3A_582, %broadcast_in_dim3A_605 : vector<8x128xi1>, vector<8x128xf32>
      %reduce_sum3A_607 = arith.constant dense<0.000000e+00> : vector<8xf32>
      %reduce_sum3A_608 = vector.multi_reduction <add>, %select_n3A_606, %reduce_sum3A_607 [1] : vector<8x128xf32> to vector<8xf32>
      %broadcast_in_dim3A_609 = vector.shape_cast %reduce_sum3A_608 : vector<8xf32> to vector<8x1xf32>
      %convert_element_type3A_610 = arith.fptosi %broadcast_in_dim3A_590 : vector<8x1xf32> to vector<8x1xi32>
      scf.yield %convert_element_type3A_610, %broadcast_in_dim3A_597, %broadcast_in_dim3A_603, %broadcast_in_dim3A_609 : vector<8x1xi32>, vector<8x1xf32>, vector<8x1xf32>, vector<8x1xf32>
    }
    %scan3A_341 = arith.constant 128 : i32
    %get3A_342 = arith.constant 0 : index
    %get3A_343 = arith.constant 0 : index
    %get3A_344 = vector.load %arg9[%get3A_342, %get3A_343] : memref<8x128xi32, #tpu.memory_space<vmem>>, vector<8x128xi32>
    %swap3A_345 = arith.constant 0 : index
    %swap3A_346 = arith.constant 768 : index
    %swap3A_347 = vector.load %arg3[%swap3A_345, %swap3A_346] : memref<8x1024xi32, #tpu.memory_space<vmem>>, vector<8x128xi32>
    tpu.vector_store %arg3[%swap3A_345, %swap3A_346], %get3A_344 {strides = array<i32>} : memref<8x1024xi32, #tpu.memory_space<vmem>>, vector<8x128xi32>,
    %get3A_348 = arith.constant 0 : index
    %get3A_349 = arith.constant 0 : index
    %get3A_350 = vector.load %arg10[%get3A_348, %get3A_349] : memref<8x128xf32, #tpu.memory_space<vmem>>, vector<8x128xf32>
    %swap3A_351 = arith.constant 0 : index
    %swap3A_352 = arith.constant 768 : index
    %swap3A_353 = vector.load %arg4[%swap3A_351, %swap3A_352] : memref<8x1024xf32, #tpu.memory_space<vmem>>, vector<8x128xf32>
    tpu.vector_store %arg4[%swap3A_351, %swap3A_352], %get3A_350 {strides = array<i32>} : memref<8x1024xf32, #tpu.memory_space<vmem>>, vector<8x128xf32>,
    %get3A_354 = arith.constant 0 : index
    %get3A_355 = arith.constant 0 : index
    %get3A_356 = vector.load %arg11[%get3A_354, %get3A_355] : memref<8x128xf32, #tpu.memory_space<vmem>>, vector<8x128xf32>
    %swap3A_357 = arith.constant 0 : index
    %swap3A_358 = arith.constant 768 : index
    %swap3A_359 = vector.load %arg5[%swap3A_357, %swap3A_358] : memref<8x1024xf32, #tpu.memory_space<vmem>>, vector<8x128xf32>
    tpu.vector_store %arg5[%swap3A_357, %swap3A_358], %get3A_356 {strides = array<i32>} : memref<8x1024xf32, #tpu.memory_space<vmem>>, vector<8x128xf32>,
    %get3A_360 = arith.constant 0 : index
    %get3A_361 = arith.constant 0 : index
    %get3A_362 = vector.load %arg12[%get3A_360, %get3A_361] : memref<8x128xf32, #tpu.memory_space<vmem>>, vector<8x128xf32>
    %swap3A_363 = arith.constant 0 : index
    %swap3A_364 = arith.constant 768 : index
    %swap3A_365 = vector.load %arg6[%swap3A_363, %swap3A_364] : memref<8x1024xf32, #tpu.memory_space<vmem>>, vector<8x128xf32>
    tpu.vector_store %arg6[%swap3A_363, %swap3A_364], %get3A_362 {strides = array<i32>} : memref<8x1024xf32, #tpu.memory_space<vmem>>, vector<8x128xf32>,
    %broadcast_in_dim3A_366 = arith.constant 0 : i32
    %broadcast_in_dim3A_367 = vector.broadcast %broadcast_in_dim3A_366 : i32 to vector<8x128xi32>
    %swap3A_368 = arith.constant 0 : index
    %swap3A_369 = arith.constant 0 : index
    %swap3A_370 = vector.load %arg9[%swap3A_368, %swap3A_369] : memref<8x128xi32, #tpu.memory_space<vmem>>, vector<8x128xi32>
    tpu.vector_store %arg9[%swap3A_368, %swap3A_369], %broadcast_in_dim3A_367 {strides = array<i32>} : memref<8x128xi32, #tpu.memory_space<vmem>>, vector<8x128xi32>,
    %broadcast_in_dim3A_371 = arith.constant 0.000000e+00 : f32
    %broadcast_in_dim3A_372 = vector.broadcast %broadcast_in_dim3A_371 : f32 to vector<8x128xf32>
    %swap3A_373 = arith.constant 0 : index
    %swap3A_374 = arith.constant 0 : index
    %swap3A_375 = vector.load %arg10[%swap3A_373, %swap3A_374] : memref<8x128xf32, #tpu.memory_space<vmem>>, vector<8x128xf32>
    tpu.vector_store %arg10[%swap3A_373, %swap3A_374], %broadcast_in_dim3A_372 {strides = array<i32>} : memref<8x128xf32, #tpu.memory_space<vmem>>, vector<8x128xf32>,
    %broadcast_in_dim3A_376 = arith.constant 0.000000e+00 : f32
    %broadcast_in_dim3A_377 = vector.broadcast %broadcast_in_dim3A_376 : f32 to vector<8x128xf32>
    %swap3A_378 = arith.constant 0 : index
    %swap3A_379 = arith.constant 0 : index
    %swap3A_380 = vector.load %arg11[%swap3A_378, %swap3A_379] : memref<8x128xf32, #tpu.memory_space<vmem>>, vector<8x128xf32>
    tpu.vector_store %arg11[%swap3A_378, %swap3A_379], %broadcast_in_dim3A_377 {strides = array<i32>} : memref<8x128xf32, #tpu.memory_space<vmem>>, vector<8x128xf32>,
    %broadcast_in_dim3A_381 = arith.constant 0.000000e+00 : f32
    %broadcast_in_dim3A_382 = vector.broadcast %broadcast_in_dim3A_381 : f32 to vector<8x128xf32>
    %swap3A_383 = arith.constant 0 : index
    %swap3A_384 = arith.constant 0 : index
    %swap3A_385 = vector.load %arg12[%swap3A_383, %swap3A_384] : memref<8x128xf32, #tpu.memory_space<vmem>>, vector<8x128xf32>
    tpu.vector_store %arg12[%swap3A_383, %swap3A_384], %broadcast_in_dim3A_382 {strides = array<i32>} : memref<8x128xf32, #tpu.memory_space<vmem>>, vector<8x128xf32>,
    %scan3A_386 = arith.constant 0 : i32
    %scan3A_387 = arith.constant 128 : i32
    %scan3A_388 = arith.addi %scan3A_386, %scan3A_387 : i32
    %scan3A_389 = arith.constant 1 : i32
    %scan3A_390:4 = scf.for %scan3A_416 = %scan3A_386 to %scan3A_388 step %scan3A_389 iter_args(%scan3A_417 = %scan3A_340#0, %scan3A_418 = %scan3A_340#1, %scan3A_419 = %scan3A_340#2, %scan3A_420 = %scan3A_340#3) -> (vector<8x1xi32>, vector<8x1xf32>, vector<8x1xf32>, vector<8x1xf32>)  : i32 {
      %eq3A = vector.broadcast %scan3A_416 : i32 to vector<8x128xi32>
      %eq3A_421 = arith.cmpi eq, %iota3A, %eq3A : vector<8x128xi32>
      %convert_element_type3A_422 = arith.extui %eq3A_421 : vector<8x128xi1> to vector<8x128xi32>
      %convert_element_type3A_423 = arith.extui %eq3A_421 : vector<8x128xi1> to vector<8x128xi32>
      %convert_element_type3A_424 = arith.sitofp %convert_element_type3A_423 : vector<8x128xi32> to vector<8x128xf32>
      %get3A_425 = arith.constant 0 : index
      %get3A_426 = arith.constant 0 : index
      %get3A_427 = vector.load %arg9[%get3A_425, %get3A_426] : memref<8x128xi32, #tpu.memory_space<vmem>>, vector<8x128xi32>
      %mul3A = vector.broadcast %scan3A_417 : vector<8x1xi32> to vector<8x128xi32>
      %mul3A_428 = arith.muli %mul3A, %convert_element_type3A_422 : vector<8x128xi32>
      %add3A = arith.addi %get3A_427, %mul3A_428 : vector<8x128xi32>
      %swap3A_429 = arith.constant 0 : index
      %swap3A_430 = arith.constant 0 : index
      %swap3A_431 = vector.load %arg9[%swap3A_429, %swap3A_430] : memref<8x128xi32, #tpu.memory_space<vmem>>, vector<8x128xi32>
      tpu.vector_store %arg9[%swap3A_429, %swap3A_430], %add3A {strides = array<i32>} : memref<8x128xi32, #tpu.memory_space<vmem>>, vector<8x128xi32>,
      %get3A_432 = arith.constant 0 : index
      %get3A_433 = arith.constant 0 : index
      %get3A_434 = vector.load %arg10[%get3A_432, %get3A_433] : memref<8x128xf32, #tpu.memory_space<vmem>>, vector<8x128xf32>
      %mul3A_435 = vector.broadcast %scan3A_418 : vector<8x1xf32> to vector<8x128xf32>
      %mul3A_436 = arith.mulf %mul3A_435, %convert_element_type3A_424 : vector<8x128xf32>
      %add3A_437 = arith.addf %get3A_434, %mul3A_436 : vector<8x128xf32>
      %swap3A_438 = arith.constant 0 : index
      %swap3A_439 = arith.constant 0 : index
      %swap3A_440 = vector.load %arg10[%swap3A_438, %swap3A_439] : memref<8x128xf32, #tpu.memory_space<vmem>>, vector<8x128xf32>
      tpu.vector_store %arg10[%swap3A_438, %swap3A_439], %add3A_437 {strides = array<i32>} : memref<8x128xf32, #tpu.memory_space<vmem>>, vector<8x128xf32>,
      %get3A_441 = arith.constant 0 : index
      %get3A_442 = arith.constant 0 : index
      %get3A_443 = vector.load %arg11[%get3A_441, %get3A_442] : memref<8x128xf32, #tpu.memory_space<vmem>>, vector<8x128xf32>
      %mul3A_444 = vector.broadcast %scan3A_419 : vector<8x1xf32> to vector<8x128xf32>
      %mul3A_445 = arith.mulf %mul3A_444, %convert_element_type3A_424 : vector<8x128xf32>
      %add3A_446 = arith.addf %get3A_443, %mul3A_445 : vector<8x128xf32>
      %swap3A_447 = arith.constant 0 : index
      %swap3A_448 = arith.constant 0 : index
      %swap3A_449 = vector.load %arg11[%swap3A_447, %swap3A_448] : memref<8x128xf32, #tpu.memory_space<vmem>>, vector<8x128xf32>
      tpu.vector_store %arg11[%swap3A_447, %swap3A_448], %add3A_446 {strides = array<i32>} : memref<8x128xf32, #tpu.memory_space<vmem>>, vector<8x128xf32>,
      %get3A_450 = arith.constant 0 : index
      %get3A_451 = arith.constant 0 : index
      %get3A_452 = vector.load %arg12[%get3A_450, %get3A_451] : memref<8x128xf32, #tpu.memory_space<vmem>>, vector<8x128xf32>
      %mul3A_453 = vector.broadcast %scan3A_420 : vector<8x1xf32> to vector<8x128xf32>
      %mul3A_454 = arith.mulf %mul3A_453, %convert_element_type3A_424 : vector<8x128xf32>
      %add3A_455 = arith.addf %get3A_452, %mul3A_454 : vector<8x128xf32>
      %swap3A_456 = arith.constant 0 : index
      %swap3A_457 = arith.constant 0 : index
      %swap3A_458 = vector.load %arg12[%swap3A_456, %swap3A_457] : memref<8x128xf32, #tpu.memory_space<vmem>>, vector<8x128xf32>
      tpu.vector_store %arg12[%swap3A_456, %swap3A_457], %add3A_455 {strides = array<i32>} : memref<8x128xf32, #tpu.memory_space<vmem>>, vector<8x128xf32>,
      %get3A_459 = arith.constant 0 : index
      %get3A_460 = arith.constant 0 : index
      %get3A_461 = vector.load %arg0[%get3A_459, %get3A_460] : memref<8x4096xf32, #tpu.memory_space<vmem>>, vector<8x4096xf32>
      %sub3A = vector.broadcast %scan3A_418 : vector<8x1xf32> to vector<8x4096xf32>
      %sub3A_462 = arith.subf %get3A_461, %sub3A : vector<8x4096xf32>
      %get3A_463 = arith.constant 0 : index
      %get3A_464 = arith.constant 0 : index
      %get3A_465 = vector.load %arg1[%get3A_463, %get3A_464] : memref<8x4096xf32, #tpu.memory_space<vmem>>, vector<8x4096xf32>
      %sub3A_466 = vector.broadcast %scan3A_419 : vector<8x1xf32> to vector<8x4096xf32>
      %sub3A_467 = arith.subf %get3A_465, %sub3A_466 : vector<8x4096xf32>
      %get3A_468 = arith.constant 0 : index
      %get3A_469 = arith.constant 0 : index
      %get3A_470 = vector.load %arg2[%get3A_468, %get3A_469] : memref<8x4096xf32, #tpu.memory_space<vmem>>, vector<8x4096xf32>
      %sub3A_471 = vector.broadcast %scan3A_420 : vector<8x1xf32> to vector<8x4096xf32>
      %sub3A_472 = arith.subf %get3A_470, %sub3A_471 : vector<8x4096xf32>
      %mul3A_473 = arith.mulf %sub3A_462, %sub3A_462 : vector<8x4096xf32>
      %mul3A_474 = arith.mulf %sub3A_467, %sub3A_467 : vector<8x4096xf32>
      %add3A_475 = arith.addf %mul3A_473, %mul3A_474 : vector<8x4096xf32>
      %mul3A_476 = arith.mulf %sub3A_472, %sub3A_472 : vector<8x4096xf32>
      %add3A_477 = arith.addf %add3A_475, %mul3A_476 : vector<8x4096xf32>
      %get3A_478 = arith.constant 0 : index
      %get3A_479 = arith.constant 0 : index
      %get3A_480 = vector.load %arg7[%get3A_478, %get3A_479] : memref<8x4096xf32, #tpu.memory_space<vmem>>, vector<8x4096xf32>
      %min3A = arith.minimumf %get3A_480, %add3A_477 : vector<8x4096xf32>
      %swap3A_481 = arith.constant 0 : index
      %swap3A_482 = arith.constant 0 : index
      %swap3A_483 = vector.load %arg7[%swap3A_481, %swap3A_482] : memref<8x4096xf32, #tpu.memory_space<vmem>>, vector<8x4096xf32>
      tpu.vector_store %arg7[%swap3A_481, %swap3A_482], %min3A {strides = array<i32>} : memref<8x4096xf32, #tpu.memory_space<vmem>>, vector<8x4096xf32>,
      %get3A_484 = arith.constant 0 : index
      %get3A_485 = arith.constant 0 : index
      %get3A_486 = vector.load %arg8[%get3A_484, %get3A_485] : memref<8x4096xf32, #tpu.memory_space<vmem>>, vector<8x4096xf32>
      %get3A_487 = arith.constant 0 : index
      %get3A_488 = arith.constant 0 : index
      %get3A_489 = vector.load %arg0[%get3A_487, %get3A_488] : memref<8x4096xf32, #tpu.memory_space<vmem>>, vector<8x4096xf32>
      %get3A_490 = arith.constant 0 : index
      %get3A_491 = arith.constant 0 : index
      %get3A_492 = vector.load %arg1[%get3A_490, %get3A_491] : memref<8x4096xf32, #tpu.memory_space<vmem>>, vector<8x4096xf32>
      %get3A_493 = arith.constant 0 : index
      %get3A_494 = arith.constant 0 : index
      %get3A_495 = vector.load %arg2[%get3A_493, %get3A_494] : memref<8x4096xf32, #tpu.memory_space<vmem>>, vector<8x4096xf32>
      %slice3A = vector.extract_strided_slice %min3A {offsets = [0, 2048], sizes = [8, 2048], strides = [1, 1]} : vector<8x4096xf32> to vector<8x2048xf32>
      %slice3A_496 = vector.extract_strided_slice %min3A {offsets = [0, 0], sizes = [8, 2048], strides = [1, 1]} : vector<8x4096xf32> to vector<8x2048xf32>
      %gt3A = arith.cmpf ogt, %slice3A, %slice3A_496 : vector<8x2048xf32>
      %slice3A_497 = vector.extract_strided_slice %min3A {offsets = [0, 2048], sizes = [8, 2048], strides = [1, 1]} : vector<8x4096xf32> to vector<8x2048xf32>
      %slice3A_498 = vector.extract_strided_slice %min3A {offsets = [0, 0], sizes = [8, 2048], strides = [1, 1]} : vector<8x4096xf32> to vector<8x2048xf32>
      %select_n3A = arith.select %gt3A, %slice3A_497, %slice3A_498 : vector<8x2048xi1>, vector<8x2048xf32>
      %slice3A_499 = vector.extract_strided_slice %get3A_486 {offsets = [0, 2048], sizes = [8, 2048], strides = [1, 1]} : vector<8x4096xf32> to vector<8x2048xf32>
      %slice3A_500 = vector.extract_strided_slice %get3A_486 {offsets = [0, 0], sizes = [8, 2048], strides = [1, 1]} : vector<8x4096xf32> to vector<8x2048xf32>
      %select_n3A_501 = arith.select %gt3A, %slice3A_499, %slice3A_500 : vector<8x2048xi1>, vector<8x2048xf32>
      %slice3A_502 = vector.extract_strided_slice %get3A_489 {offsets = [0, 2048], sizes = [8, 2048], strides = [1, 1]} : vector<8x4096xf32> to vector<8x2048xf32>
      %slice3A_503 = vector.extract_strided_slice %get3A_489 {offsets = [0, 0], sizes = [8, 2048], strides = [1, 1]} : vector<8x4096xf32> to vector<8x2048xf32>
      %select_n3A_504 = arith.select %gt3A, %slice3A_502, %slice3A_503 : vector<8x2048xi1>, vector<8x2048xf32>
      %slice3A_505 = vector.extract_strided_slice %get3A_492 {offsets = [0, 2048], sizes = [8, 2048], strides = [1, 1]} : vector<8x4096xf32> to vector<8x2048xf32>
      %slice3A_506 = vector.extract_strided_slice %get3A_492 {offsets = [0, 0], sizes = [8, 2048], strides = [1, 1]} : vector<8x4096xf32> to vector<8x2048xf32>
      %select_n3A_507 = arith.select %gt3A, %slice3A_505, %slice3A_506 : vector<8x2048xi1>, vector<8x2048xf32>
      %slice3A_508 = vector.extract_strided_slice %get3A_495 {offsets = [0, 2048], sizes = [8, 2048], strides = [1, 1]} : vector<8x4096xf32> to vector<8x2048xf32>
      %slice3A_509 = vector.extract_strided_slice %get3A_495 {offsets = [0, 0], sizes = [8, 2048], strides = [1, 1]} : vector<8x4096xf32> to vector<8x2048xf32>
      %select_n3A_510 = arith.select %gt3A, %slice3A_508, %slice3A_509 : vector<8x2048xi1>, vector<8x2048xf32>
      %slice3A_511 = vector.extract_strided_slice %select_n3A {offsets = [0, 1024], sizes = [8, 1024], strides = [1, 1]} : vector<8x2048xf32> to vector<8x1024xf32>
      %slice3A_512 = vector.extract_strided_slice %select_n3A {offsets = [0, 0], sizes = [8, 1024], strides = [1, 1]} : vector<8x2048xf32> to vector<8x1024xf32>
      %gt3A_513 = arith.cmpf ogt, %slice3A_511, %slice3A_512 : vector<8x1024xf32>
      %slice3A_514 = vector.extract_strided_slice %select_n3A {offsets = [0, 1024], sizes = [8, 1024], strides = [1, 1]} : vector<8x2048xf32> to vector<8x1024xf32>
      %slice3A_515 = vector.extract_strided_slice %select_n3A {offsets = [0, 0], sizes = [8, 1024], strides = [1, 1]} : vector<8x2048xf32> to vector<8x1024xf32>
      %select_n3A_516 = arith.select %gt3A_513, %slice3A_514, %slice3A_515 : vector<8x1024xi1>, vector<8x1024xf32>
      %slice3A_517 = vector.extract_strided_slice %select_n3A_501 {offsets = [0, 1024], sizes = [8, 1024], strides = [1, 1]} : vector<8x2048xf32> to vector<8x1024xf32>
      %slice3A_518 = vector.extract_strided_slice %select_n3A_501 {offsets = [0, 0], sizes = [8, 1024], strides = [1, 1]} : vector<8x2048xf32> to vector<8x1024xf32>
      %select_n3A_519 = arith.select %gt3A_513, %slice3A_517, %slice3A_518 : vector<8x1024xi1>, vector<8x1024xf32>
      %slice3A_520 = vector.extract_strided_slice %select_n3A_504 {offsets = [0, 1024], sizes = [8, 1024], strides = [1, 1]} : vector<8x2048xf32> to vector<8x1024xf32>
      %slice3A_521 = vector.extract_strided_slice %select_n3A_504 {offsets = [0, 0], sizes = [8, 1024], strides = [1, 1]} : vector<8x2048xf32> to vector<8x1024xf32>
      %select_n3A_522 = arith.select %gt3A_513, %slice3A_520, %slice3A_521 : vector<8x1024xi1>, vector<8x1024xf32>
      %slice3A_523 = vector.extract_strided_slice %select_n3A_507 {offsets = [0, 1024], sizes = [8, 1024], strides = [1, 1]} : vector<8x2048xf32> to vector<8x1024xf32>
      %slice3A_524 = vector.extract_strided_slice %select_n3A_507 {offsets = [0, 0], sizes = [8, 1024], strides = [1, 1]} : vector<8x2048xf32> to vector<8x1024xf32>
      %select_n3A_525 = arith.select %gt3A_513, %slice3A_523, %slice3A_524 : vector<8x1024xi1>, vector<8x1024xf32>
      %slice3A_526 = vector.extract_strided_slice %select_n3A_510 {offsets = [0, 1024], sizes = [8, 1024], strides = [1, 1]} : vector<8x2048xf32> to vector<8x1024xf32>
      %slice3A_527 = vector.extract_strided_slice %select_n3A_510 {offsets = [0, 0], sizes = [8, 1024], strides = [1, 1]} : vector<8x2048xf32> to vector<8x1024xf32>
      %select_n3A_528 = arith.select %gt3A_513, %slice3A_526, %slice3A_527 : vector<8x1024xi1>, vector<8x1024xf32>
      %slice3A_529 = vector.extract_strided_slice %select_n3A_516 {offsets = [0, 512], sizes = [8, 512], strides = [1, 1]} : vector<8x1024xf32> to vector<8x512xf32>
      %slice3A_530 = vector.extract_strided_slice %select_n3A_516 {offsets = [0, 0], sizes = [8, 512], strides = [1, 1]} : vector<8x1024xf32> to vector<8x512xf32>
      %gt3A_531 = arith.cmpf ogt, %slice3A_529, %slice3A_530 : vector<8x512xf32>
      %slice3A_532 = vector.extract_strided_slice %select_n3A_516 {offsets = [0, 512], sizes = [8, 512], strides = [1, 1]} : vector<8x1024xf32> to vector<8x512xf32>
      %slice3A_533 = vector.extract_strided_slice %select_n3A_516 {offsets = [0, 0], sizes = [8, 512], strides = [1, 1]} : vector<8x1024xf32> to vector<8x512xf32>
      %select_n3A_534 = arith.select %gt3A_531, %slice3A_532, %slice3A_533 : vector<8x512xi1>, vector<8x512xf32>
      %slice3A_535 = vector.extract_strided_slice %select_n3A_519 {offsets = [0, 512], sizes = [8, 512], strides = [1, 1]} : vector<8x1024xf32> to vector<8x512xf32>
      %slice3A_536 = vector.extract_strided_slice %select_n3A_519 {offsets = [0, 0], sizes = [8, 512], strides = [1, 1]} : vector<8x1024xf32> to vector<8x512xf32>
      %select_n3A_537 = arith.select %gt3A_531, %slice3A_535, %slice3A_536 : vector<8x512xi1>, vector<8x512xf32>
      %slice3A_538 = vector.extract_strided_slice %select_n3A_522 {offsets = [0, 512], sizes = [8, 512], strides = [1, 1]} : vector<8x1024xf32> to vector<8x512xf32>
      %slice3A_539 = vector.extract_strided_slice %select_n3A_522 {offsets = [0, 0], sizes = [8, 512], strides = [1, 1]} : vector<8x1024xf32> to vector<8x512xf32>
      %select_n3A_540 = arith.select %gt3A_531, %slice3A_538, %slice3A_539 : vector<8x512xi1>, vector<8x512xf32>
      %slice3A_541 = vector.extract_strided_slice %select_n3A_525 {offsets = [0, 512], sizes = [8, 512], strides = [1, 1]} : vector<8x1024xf32> to vector<8x512xf32>
      %slice3A_542 = vector.extract_strided_slice %select_n3A_525 {offsets = [0, 0], sizes = [8, 512], strides = [1, 1]} : vector<8x1024xf32> to vector<8x512xf32>
      %select_n3A_543 = arith.select %gt3A_531, %slice3A_541, %slice3A_542 : vector<8x512xi1>, vector<8x512xf32>
      %slice3A_544 = vector.extract_strided_slice %select_n3A_528 {offsets = [0, 512], sizes = [8, 512], strides = [1, 1]} : vector<8x1024xf32> to vector<8x512xf32>
      %slice3A_545 = vector.extract_strided_slice %select_n3A_528 {offsets = [0, 0], sizes = [8, 512], strides = [1, 1]} : vector<8x1024xf32> to vector<8x512xf32>
      %select_n3A_546 = arith.select %gt3A_531, %slice3A_544, %slice3A_545 : vector<8x512xi1>, vector<8x512xf32>
      %slice3A_547 = vector.extract_strided_slice %select_n3A_534 {offsets = [0, 256], sizes = [8, 256], strides = [1, 1]} : vector<8x512xf32> to vector<8x256xf32>
      %slice3A_548 = vector.extract_strided_slice %select_n3A_534 {offsets = [0, 0], sizes = [8, 256], strides = [1, 1]} : vector<8x512xf32> to vector<8x256xf32>
      %gt3A_549 = arith.cmpf ogt, %slice3A_547, %slice3A_548 : vector<8x256xf32>
      %slice3A_550 = vector.extract_strided_slice %select_n3A_534 {offsets = [0, 256], sizes = [8, 256], strides = [1, 1]} : vector<8x512xf32> to vector<8x256xf32>
      %slice3A_551 = vector.extract_strided_slice %select_n3A_534 {offsets = [0, 0], sizes = [8, 256], strides = [1, 1]} : vector<8x512xf32> to vector<8x256xf32>
      %select_n3A_552 = arith.select %gt3A_549, %slice3A_550, %slice3A_551 : vector<8x256xi1>, vector<8x256xf32>
      %slice3A_553 = vector.extract_strided_slice %select_n3A_537 {offsets = [0, 256], sizes = [8, 256], strides = [1, 1]} : vector<8x512xf32> to vector<8x256xf32>
      %slice3A_554 = vector.extract_strided_slice %select_n3A_537 {offsets = [0, 0], sizes = [8, 256], strides = [1, 1]} : vector<8x512xf32> to vector<8x256xf32>
      %select_n3A_555 = arith.select %gt3A_549, %slice3A_553, %slice3A_554 : vector<8x256xi1>, vector<8x256xf32>
      %slice3A_556 = vector.extract_strided_slice %select_n3A_540 {offsets = [0, 256], sizes = [8, 256], strides = [1, 1]} : vector<8x512xf32> to vector<8x256xf32>
      %slice3A_557 = vector.extract_strided_slice %select_n3A_540 {offsets = [0, 0], sizes = [8, 256], strides = [1, 1]} : vector<8x512xf32> to vector<8x256xf32>
      %select_n3A_558 = arith.select %gt3A_549, %slice3A_556, %slice3A_557 : vector<8x256xi1>, vector<8x256xf32>
      %slice3A_559 = vector.extract_strided_slice %select_n3A_543 {offsets = [0, 256], sizes = [8, 256], strides = [1, 1]} : vector<8x512xf32> to vector<8x256xf32>
      %slice3A_560 = vector.extract_strided_slice %select_n3A_543 {offsets = [0, 0], sizes = [8, 256], strides = [1, 1]} : vector<8x512xf32> to vector<8x256xf32>
      %select_n3A_561 = arith.select %gt3A_549, %slice3A_559, %slice3A_560 : vector<8x256xi1>, vector<8x256xf32>
      %slice3A_562 = vector.extract_strided_slice %select_n3A_546 {offsets = [0, 256], sizes = [8, 256], strides = [1, 1]} : vector<8x512xf32> to vector<8x256xf32>
      %slice3A_563 = vector.extract_strided_slice %select_n3A_546 {offsets = [0, 0], sizes = [8, 256], strides = [1, 1]} : vector<8x512xf32> to vector<8x256xf32>
      %select_n3A_564 = arith.select %gt3A_549, %slice3A_562, %slice3A_563 : vector<8x256xi1>, vector<8x256xf32>
      %slice3A_565 = vector.extract_strided_slice %select_n3A_552 {offsets = [0, 128], sizes = [8, 128], strides = [1, 1]} : vector<8x256xf32> to vector<8x128xf32>
      %slice3A_566 = vector.extract_strided_slice %select_n3A_552 {offsets = [0, 0], sizes = [8, 128], strides = [1, 1]} : vector<8x256xf32> to vector<8x128xf32>
      %gt3A_567 = arith.cmpf ogt, %slice3A_565, %slice3A_566 : vector<8x128xf32>
      %slice3A_568 = vector.extract_strided_slice %select_n3A_552 {offsets = [0, 128], sizes = [8, 128], strides = [1, 1]} : vector<8x256xf32> to vector<8x128xf32>
      %slice3A_569 = vector.extract_strided_slice %select_n3A_552 {offsets = [0, 0], sizes = [8, 128], strides = [1, 1]} : vector<8x256xf32> to vector<8x128xf32>
      %select_n3A_570 = arith.select %gt3A_567, %slice3A_568, %slice3A_569 : vector<8x128xi1>, vector<8x128xf32>
      %slice3A_571 = vector.extract_strided_slice %select_n3A_555 {offsets = [0, 128], sizes = [8, 128], strides = [1, 1]} : vector<8x256xf32> to vector<8x128xf32>
      %slice3A_572 = vector.extract_strided_slice %select_n3A_555 {offsets = [0, 0], sizes = [8, 128], strides = [1, 1]} : vector<8x256xf32> to vector<8x128xf32>
      %select_n3A_573 = arith.select %gt3A_567, %slice3A_571, %slice3A_572 : vector<8x128xi1>, vector<8x128xf32>
      %slice3A_574 = vector.extract_strided_slice %select_n3A_558 {offsets = [0, 128], sizes = [8, 128], strides = [1, 1]} : vector<8x256xf32> to vector<8x128xf32>
      %slice3A_575 = vector.extract_strided_slice %select_n3A_558 {offsets = [0, 0], sizes = [8, 128], strides = [1, 1]} : vector<8x256xf32> to vector<8x128xf32>
      %select_n3A_576 = arith.select %gt3A_567, %slice3A_574, %slice3A_575 : vector<8x128xi1>, vector<8x128xf32>
      %slice3A_577 = vector.extract_strided_slice %select_n3A_561 {offsets = [0, 128], sizes = [8, 128], strides = [1, 1]} : vector<8x256xf32> to vector<8x128xf32>
      %slice3A_578 = vector.extract_strided_slice %select_n3A_561 {offsets = [0, 0], sizes = [8, 128], strides = [1, 1]} : vector<8x256xf32> to vector<8x128xf32>
      %select_n3A_579 = arith.select %gt3A_567, %slice3A_577, %slice3A_578 : vector<8x128xi1>, vector<8x128xf32>
      %slice3A_580 = vector.extract_strided_slice %select_n3A_564 {offsets = [0, 128], sizes = [8, 128], strides = [1, 1]} : vector<8x256xf32> to vector<8x128xf32>
      %slice3A_581 = vector.extract_strided_slice %select_n3A_564 {offsets = [0, 0], sizes = [8, 128], strides = [1, 1]} : vector<8x256xf32> to vector<8x128xf32>
      %select_n3A_582 = arith.select %gt3A_567, %slice3A_580, %slice3A_581 : vector<8x128xi1>, vector<8x128xf32>
      %reduce_max3A = arith.constant dense<0xFF800000> : vector<8xf32>
      %reduce_max3A_583 = vector.multi_reduction <maximumf>, %select_n3A_570, %reduce_max3A [1] : vector<8x128xf32> to vector<8xf32>
      %broadcast_in_dim3A_584 = vector.shape_cast %reduce_max3A_583 : vector<8xf32> to vector<8x1xf32>
      %eq3A_585 = vector.broadcast %broadcast_in_dim3A_584 : vector<8x1xf32> to vector<8x128xf32>
      %eq3A_586 = arith.cmpf oeq, %select_n3A_570, %eq3A_585 : vector<8x128xf32>
      %jit3A = arith.constant 4.096000e+03 : f32
      %broadcast_in_dim3A_587 = vector.broadcast %jit3A : f32 to vector<8x128xf32>
      %select_n3A_588 = arith.select %eq3A_586, %select_n3A_573, %broadcast_in_dim3A_587 : vector<8x128xi1>, vector<8x128xf32>
      %reduce_min3A = arith.constant dense<0x7F800000> : vector<8xf32>
      %reduce_min3A_589 = vector.multi_reduction <minimumf>, %select_n3A_588, %reduce_min3A [1] : vector<8x128xf32> to vector<8xf32>
      %broadcast_in_dim3A_590 = vector.shape_cast %reduce_min3A_589 : vector<8xf32> to vector<8x1xf32>
      %eq3A_591 = vector.broadcast %broadcast_in_dim3A_590 : vector<8x1xf32> to vector<8x128xf32>
      %eq3A_592 = arith.cmpf oeq, %select_n3A_573, %eq3A_591 : vector<8x128xf32>
      %jit3A_593 = arith.constant 0.000000e+00 : f32
      %broadcast_in_dim3A_594 = vector.broadcast %jit3A_593 : f32 to vector<8x128xf32>
      %select_n3A_595 = arith.select %eq3A_592, %select_n3A_576, %broadcast_in_dim3A_594 : vector<8x128xi1>, vector<8x128xf32>
      %reduce_sum3A = arith.constant dense<0.000000e+00> : vector<8xf32>
      %reduce_sum3A_596 = vector.multi_reduction <add>, %select_n3A_595, %reduce_sum3A [1] : vector<8x128xf32> to vector<8xf32>
      %broadcast_in_dim3A_597 = vector.shape_cast %reduce_sum3A_596 : vector<8xf32> to vector<8x1xf32>
      %jit3A_598 = arith.constant 0.000000e+00 : f32
      %broadcast_in_dim3A_599 = vector.broadcast %jit3A_598 : f32 to vector<8x128xf32>
      %select_n3A_600 = arith.select %eq3A_592, %select_n3A_579, %broadcast_in_dim3A_599 : vector<8x128xi1>, vector<8x128xf32>
      %reduce_sum3A_601 = arith.constant dense<0.000000e+00> : vector<8xf32>
      %reduce_sum3A_602 = vector.multi_reduction <add>, %select_n3A_600, %reduce_sum3A_601 [1] : vector<8x128xf32> to vector<8xf32>
      %broadcast_in_dim3A_603 = vector.shape_cast %reduce_sum3A_602 : vector<8xf32> to vector<8x1xf32>
      %jit3A_604 = arith.constant 0.000000e+00 : f32
      %broadcast_in_dim3A_605 = vector.broadcast %jit3A_604 : f32 to vector<8x128xf32>
      %select_n3A_606 = arith.select %eq3A_592, %select_n3A_582, %broadcast_in_dim3A_605 : vector<8x128xi1>, vector<8x128xf32>
      %reduce_sum3A_607 = arith.constant dense<0.000000e+00> : vector<8xf32>
      %reduce_sum3A_608 = vector.multi_reduction <add>, %select_n3A_606, %reduce_sum3A_607 [1] : vector<8x128xf32> to vector<8xf32>
      %broadcast_in_dim3A_609 = vector.shape_cast %reduce_sum3A_608 : vector<8xf32> to vector<8x1xf32>
      %convert_element_type3A_610 = arith.fptosi %broadcast_in_dim3A_590 : vector<8x1xf32> to vector<8x1xi32>
      scf.yield %convert_element_type3A_610, %broadcast_in_dim3A_597, %broadcast_in_dim3A_603, %broadcast_in_dim3A_609 : vector<8x1xi32>, vector<8x1xf32>, vector<8x1xf32>, vector<8x1xf32>
    }
    %scan3A_391 = arith.constant 128 : i32
    %get3A_392 = arith.constant 0 : index
    %get3A_393 = arith.constant 0 : index
    %get3A_394 = vector.load %arg9[%get3A_392, %get3A_393] : memref<8x128xi32, #tpu.memory_space<vmem>>, vector<8x128xi32>
    %swap3A_395 = arith.constant 0 : index
    %swap3A_396 = arith.constant 896 : index
    %swap3A_397 = vector.load %arg3[%swap3A_395, %swap3A_396] : memref<8x1024xi32, #tpu.memory_space<vmem>>, vector<8x128xi32>
    tpu.vector_store %arg3[%swap3A_395, %swap3A_396], %get3A_394 {strides = array<i32>} : memref<8x1024xi32, #tpu.memory_space<vmem>>, vector<8x128xi32>,
    %get3A_398 = arith.constant 0 : index
    %get3A_399 = arith.constant 0 : index
    %get3A_400 = vector.load %arg10[%get3A_398, %get3A_399] : memref<8x128xf32, #tpu.memory_space<vmem>>, vector<8x128xf32>
    %swap3A_401 = arith.constant 0 : index
    %swap3A_402 = arith.constant 896 : index
    %swap3A_403 = vector.load %arg4[%swap3A_401, %swap3A_402] : memref<8x1024xf32, #tpu.memory_space<vmem>>, vector<8x128xf32>
    tpu.vector_store %arg4[%swap3A_401, %swap3A_402], %get3A_400 {strides = array<i32>} : memref<8x1024xf32, #tpu.memory_space<vmem>>, vector<8x128xf32>,
    %get3A_404 = arith.constant 0 : index
    %get3A_405 = arith.constant 0 : index
    %get3A_406 = vector.load %arg11[%get3A_404, %get3A_405] : memref<8x128xf32, #tpu.memory_space<vmem>>, vector<8x128xf32>
    %swap3A_407 = arith.constant 0 : index
    %swap3A_408 = arith.constant 896 : index
    %swap3A_409 = vector.load %arg5[%swap3A_407, %swap3A_408] : memref<8x1024xf32, #tpu.memory_space<vmem>>, vector<8x128xf32>
    tpu.vector_store %arg5[%swap3A_407, %swap3A_408], %get3A_406 {strides = array<i32>} : memref<8x1024xf32, #tpu.memory_space<vmem>>, vector<8x128xf32>,
    %get3A_410 = arith.constant 0 : index
    %get3A_411 = arith.constant 0 : index
    %get3A_412 = vector.load %arg12[%get3A_410, %get3A_411] : memref<8x128xf32, #tpu.memory_space<vmem>>, vector<8x128xf32>
    %swap3A_413 = arith.constant 0 : index
    %swap3A_414 = arith.constant 896 : index
    %swap3A_415 = vector.load %arg6[%swap3A_413, %swap3A_414] : memref<8x1024xf32, #tpu.memory_space<vmem>>, vector<8x128xf32>
    tpu.vector_store %arg6[%swap3A_413, %swap3A_414], %get3A_412 {strides = array<i32>} : memref<8x1024xf32, #tpu.memory_space<vmem>>, vector<8x128xf32>,
    return
  }
}

module attributes {stable_mosaic.version = 14 : i64} {
  func.func @_knn_kernel(%arg0: i32, %arg1: i32, %arg2: memref<1x256x3xf32, #tpu.memory_space<vmem>>, %arg3: memref<1x3x4096xf32, #tpu.memory_space<vmem>>, %arg4: memref<1x256x16xi32, #tpu.memory_space<vmem>>, %arg5: memref<256x4096xf32, #tpu.memory_space<vmem>>) attributes {dimension_semantics = [#tpu.dimension_semantics<arbitrary>, #tpu.dimension_semantics<arbitrary>], iteration_bounds = array<i64: 8, 4>, scalar_prefetch = 0 : i64, scratch_operands = 1 : i64, tpu.core_type = #tpu.core_type<tc>, window_params = [{transform_indices = @transform_0, window_bounds = array<i64: 1, 256, 3>}, {transform_indices = @transform_1, window_bounds = array<i64: 1, 3, 4096>}, {transform_indices = @transform_2, window_bounds = array<i64: 1, 256, 16>}]} {
    %get3A = arith.constant 0 : index
    %get3A_0 = arith.constant 0 : index
    %get3A_1 = arith.constant 0 : index
    %get3A_2 = vector.load %arg2[%get3A, %get3A_0, %get3A_1] : memref<1x256x3xf32, #tpu.memory_space<vmem>>, vector<1x256x3xf32>
    %get3A_3 = vector.shape_cast %get3A_2 : vector<1x256x3xf32> to vector<256x3xf32>
    %get3A_4 = arith.constant 0 : index
    %get3A_5 = arith.constant 0 : index
    %get3A_6 = arith.constant 0 : index
    %get3A_7 = vector.load %arg3[%get3A_4, %get3A_5, %get3A_6] : memref<1x3x4096xf32, #tpu.memory_space<vmem>>, vector<1x3x4096xf32>
    %get3A_8 = vector.shape_cast %get3A_7 : vector<1x3x4096xf32> to vector<3x4096xf32>
    %mul3A = arith.mulf %get3A_3, %get3A_3 : vector<256x3xf32>
    %reduce_sum3A = arith.constant dense<0.000000e+00> : vector<256xf32>
    %reduce_sum3A_9 = vector.multi_reduction <add>, %mul3A, %reduce_sum3A [1] : vector<256x3xf32> to vector<256xf32>
    %broadcast_in_dim3A = vector.shape_cast %reduce_sum3A_9 : vector<256xf32> to vector<256x1xf32>
    %mul3A_10 = arith.mulf %get3A_8, %get3A_8 : vector<3x4096xf32>
    %reduce_sum3A_11 = arith.constant dense<0.000000e+00> : vector<4096xf32>
    %reduce_sum3A_12 = vector.multi_reduction <add>, %mul3A_10, %reduce_sum3A_11 [0] : vector<3x4096xf32> to vector<4096xf32>
    %broadcast_in_dim3A_13 = vector.shape_cast %reduce_sum3A_12 : vector<4096xf32> to vector<1x4096xf32>
    %dot_general3A = arith.constant dense<0.000000e+00> : vector<256x4096xf32>
    %dot_general3A_14 = tpu.matmul %get3A_3, %get3A_8, %dot_general3A {dimension_numbers = #tpu.dot_dimension_numbers<[1], [0], [0], [1], [0, 0, 1, 1], [], []>, transpose_lhs_hint = false} : vector<256x3xf32>, vector<3x4096xf32>, vector<256x4096xf32> -> vector<256x4096xf32>
    %add3A = vector.broadcast %broadcast_in_dim3A : vector<256x1xf32> to vector<256x4096xf32>
    %add3A_15 = vector.broadcast %broadcast_in_dim3A_13 : vector<1x4096xf32> to vector<256x4096xf32>
    %add3A_16 = arith.addf %add3A, %add3A_15 : vector<256x4096xf32>
    %mul3A_17 = arith.constant 2.000000e+00 : f32
    %mul3A_18 = vector.broadcast %mul3A_17 : f32 to vector<256x4096xf32>
    %mul3A_19 = arith.mulf %mul3A_18, %dot_general3A_14 : vector<256x4096xf32>
    %sub3A = arith.subf %add3A_16, %mul3A_19 : vector<256x4096xf32>
    %swap3A = arith.constant 0 : index
    %swap3A_20 = arith.constant 0 : index
    %swap3A_21 = vector.load %arg5[%swap3A, %swap3A_20] : memref<256x4096xf32, #tpu.memory_space<vmem>>, vector<256x4096xf32>
    tpu.vector_store %arg5[%swap3A, %swap3A_20], %sub3A {strides = array<i32>} : memref<256x4096xf32, #tpu.memory_space<vmem>>, vector<256x4096xf32>,
    %iota3A = tpu.iota {dimensions = array<i32: 1>} : vector<256x4096xi32>
    %convert_element_type3A = arith.sitofp %iota3A : vector<256x4096xi32> to vector<256x4096xf32>
    %mul3A_22 = arith.constant 4096 : i32
    %mul3A_23 = arith.muli %arg0, %mul3A_22 : i32
    %get3A_24 = arith.constant 0 : index
    %get3A_25 = arith.constant 0 : index
    %get3A_26 = vector.load %arg5[%get3A_24, %get3A_25] : memref<256x4096xf32, #tpu.memory_space<vmem>>, vector<256x4096xf32>
    %reduce_min3A = arith.constant dense<0x7F800000> : vector<256xf32>
    %reduce_min3A_27 = vector.multi_reduction <minimumf>, %get3A_26, %reduce_min3A [1] : vector<256x4096xf32> to vector<256xf32>
    %broadcast_in_dim3A_28 = vector.shape_cast %reduce_min3A_27 : vector<256xf32> to vector<256x1xf32>
    %eq3A = vector.broadcast %broadcast_in_dim3A_28 : vector<256x1xf32> to vector<256x4096xf32>
    %eq3A_29 = arith.cmpf oeq, %get3A_26, %eq3A : vector<256x4096xf32>
    %jit3A = arith.constant 4.096000e+03 : f32
    %broadcast_in_dim3A_30 = vector.broadcast %jit3A : f32 to vector<256x4096xf32>
    %select_n3A = arith.select %eq3A_29, %convert_element_type3A, %broadcast_in_dim3A_30 : vector<256x4096xi1>, vector<256x4096xf32>
    %reduce_min3A_31 = arith.constant dense<0x7F800000> : vector<256xf32>
    %reduce_min3A_32 = vector.multi_reduction <minimumf>, %select_n3A, %reduce_min3A_31 [1] : vector<256x4096xf32> to vector<256xf32>
    %broadcast_in_dim3A_33 = vector.shape_cast %reduce_min3A_32 : vector<256xf32> to vector<256x1xf32>
    %convert_element_type3A_34 = arith.fptosi %broadcast_in_dim3A_33 : vector<256x1xf32> to vector<256x1xi32>
    %add3A_35 = vector.broadcast %mul3A_23 : i32 to vector<256x1xi32>
    %add3A_36 = arith.addi %convert_element_type3A_34, %add3A_35 : vector<256x1xi32>
    %swap3A_37 = arith.constant 0 : index
    %swap3A_38 = arith.constant 0 : index
    %swap3A_39 = arith.constant 0 : index
    %swap3A_40 = vector.load %arg4[%swap3A_37, %swap3A_38, %swap3A_39] : memref<1x256x16xi32, #tpu.memory_space<vmem>>, vector<1x256x1xi32>
    %swap3A_41 = vector.shape_cast %swap3A_40 : vector<1x256x1xi32> to vector<256x1xi32>
    %swap3A_42 = vector.shape_cast %add3A_36 : vector<256x1xi32> to vector<1x256x1xi32>
    tpu.vector_store %arg4[%swap3A_37, %swap3A_38, %swap3A_39], %swap3A_42 {strides = array<i32>} : memref<1x256x16xi32, #tpu.memory_space<vmem>>, vector<1x256x1xi32>,
    %eq3A_43 = vector.broadcast %broadcast_in_dim3A_33 : vector<256x1xf32> to vector<256x4096xf32>
    %eq3A_44 = arith.cmpf oeq, %convert_element_type3A, %eq3A_43 : vector<256x4096xf32>
    %jit3A_45 = arith.constant 1.000000e+30 : f32
    %broadcast_in_dim3A_46 = vector.broadcast %jit3A_45 : f32 to vector<256x4096xf32>
    %select_n3A_47 = arith.select %eq3A_44, %broadcast_in_dim3A_46, %get3A_26 : vector<256x4096xi1>, vector<256x4096xf32>
    %swap3A_48 = arith.constant 0 : index
    %swap3A_49 = arith.constant 0 : index
    %swap3A_50 = vector.load %arg5[%swap3A_48, %swap3A_49] : memref<256x4096xf32, #tpu.memory_space<vmem>>, vector<256x4096xf32>
    tpu.vector_store %arg5[%swap3A_48, %swap3A_49], %select_n3A_47 {strides = array<i32>} : memref<256x4096xf32, #tpu.memory_space<vmem>>, vector<256x4096xf32>,
    %get3A_51 = arith.constant 0 : index
    %get3A_52 = arith.constant 0 : index
    %get3A_53 = vector.load %arg5[%get3A_51, %get3A_52] : memref<256x4096xf32, #tpu.memory_space<vmem>>, vector<256x4096xf32>
    %reduce_min3A_54 = arith.constant dense<0x7F800000> : vector<256xf32>
    %reduce_min3A_55 = vector.multi_reduction <minimumf>, %get3A_53, %reduce_min3A_54 [1] : vector<256x4096xf32> to vector<256xf32>
    %broadcast_in_dim3A_56 = vector.shape_cast %reduce_min3A_55 : vector<256xf32> to vector<256x1xf32>
    %eq3A_57 = vector.broadcast %broadcast_in_dim3A_56 : vector<256x1xf32> to vector<256x4096xf32>
    %eq3A_58 = arith.cmpf oeq, %get3A_53, %eq3A_57 : vector<256x4096xf32>
    %jit3A_59 = arith.constant 4.096000e+03 : f32
    %broadcast_in_dim3A_60 = vector.broadcast %jit3A_59 : f32 to vector<256x4096xf32>
    %select_n3A_61 = arith.select %eq3A_58, %convert_element_type3A, %broadcast_in_dim3A_60 : vector<256x4096xi1>, vector<256x4096xf32>
    %reduce_min3A_62 = arith.constant dense<0x7F800000> : vector<256xf32>
    %reduce_min3A_63 = vector.multi_reduction <minimumf>, %select_n3A_61, %reduce_min3A_62 [1] : vector<256x4096xf32> to vector<256xf32>
    %broadcast_in_dim3A_64 = vector.shape_cast %reduce_min3A_63 : vector<256xf32> to vector<256x1xf32>
    %convert_element_type3A_65 = arith.fptosi %broadcast_in_dim3A_64 : vector<256x1xf32> to vector<256x1xi32>
    %add3A_66 = vector.broadcast %mul3A_23 : i32 to vector<256x1xi32>
    %add3A_67 = arith.addi %convert_element_type3A_65, %add3A_66 : vector<256x1xi32>
    %swap3A_68 = arith.constant 0 : index
    %swap3A_69 = arith.constant 0 : index
    %swap3A_70 = arith.constant 1 : index
    %swap3A_71 = vector.load %arg4[%swap3A_68, %swap3A_69, %swap3A_70] : memref<1x256x16xi32, #tpu.memory_space<vmem>>, vector<1x256x1xi32>
    %swap3A_72 = vector.shape_cast %swap3A_71 : vector<1x256x1xi32> to vector<256x1xi32>
    %swap3A_73 = vector.shape_cast %add3A_67 : vector<256x1xi32> to vector<1x256x1xi32>
    tpu.vector_store %arg4[%swap3A_68, %swap3A_69, %swap3A_70], %swap3A_73 {strides = array<i32>} : memref<1x256x16xi32, #tpu.memory_space<vmem>>, vector<1x256x1xi32>,
    %eq3A_74 = vector.broadcast %broadcast_in_dim3A_64 : vector<256x1xf32> to vector<256x4096xf32>
    %eq3A_75 = arith.cmpf oeq, %convert_element_type3A, %eq3A_74 : vector<256x4096xf32>
    %jit3A_76 = arith.constant 1.000000e+30 : f32
    %broadcast_in_dim3A_77 = vector.broadcast %jit3A_76 : f32 to vector<256x4096xf32>
    %select_n3A_78 = arith.select %eq3A_75, %broadcast_in_dim3A_77, %get3A_53 : vector<256x4096xi1>, vector<256x4096xf32>
    %swap3A_79 = arith.constant 0 : index
    %swap3A_80 = arith.constant 0 : index
    %swap3A_81 = vector.load %arg5[%swap3A_79, %swap3A_80] : memref<256x4096xf32, #tpu.memory_space<vmem>>, vector<256x4096xf32>
    tpu.vector_store %arg5[%swap3A_79, %swap3A_80], %select_n3A_78 {strides = array<i32>} : memref<256x4096xf32, #tpu.memory_space<vmem>>, vector<256x4096xf32>,
    %get3A_82 = arith.constant 0 : index
    %get3A_83 = arith.constant 0 : index
    %get3A_84 = vector.load %arg5[%get3A_82, %get3A_83] : memref<256x4096xf32, #tpu.memory_space<vmem>>, vector<256x4096xf32>
    %reduce_min3A_85 = arith.constant dense<0x7F800000> : vector<256xf32>
    %reduce_min3A_86 = vector.multi_reduction <minimumf>, %get3A_84, %reduce_min3A_85 [1] : vector<256x4096xf32> to vector<256xf32>
    %broadcast_in_dim3A_87 = vector.shape_cast %reduce_min3A_86 : vector<256xf32> to vector<256x1xf32>
    %eq3A_88 = vector.broadcast %broadcast_in_dim3A_87 : vector<256x1xf32> to vector<256x4096xf32>
    %eq3A_89 = arith.cmpf oeq, %get3A_84, %eq3A_88 : vector<256x4096xf32>
    %jit3A_90 = arith.constant 4.096000e+03 : f32
    %broadcast_in_dim3A_91 = vector.broadcast %jit3A_90 : f32 to vector<256x4096xf32>
    %select_n3A_92 = arith.select %eq3A_89, %convert_element_type3A, %broadcast_in_dim3A_91 : vector<256x4096xi1>, vector<256x4096xf32>
    %reduce_min3A_93 = arith.constant dense<0x7F800000> : vector<256xf32>
    %reduce_min3A_94 = vector.multi_reduction <minimumf>, %select_n3A_92, %reduce_min3A_93 [1] : vector<256x4096xf32> to vector<256xf32>
    %broadcast_in_dim3A_95 = vector.shape_cast %reduce_min3A_94 : vector<256xf32> to vector<256x1xf32>
    %convert_element_type3A_96 = arith.fptosi %broadcast_in_dim3A_95 : vector<256x1xf32> to vector<256x1xi32>
    %add3A_97 = vector.broadcast %mul3A_23 : i32 to vector<256x1xi32>
    %add3A_98 = arith.addi %convert_element_type3A_96, %add3A_97 : vector<256x1xi32>
    %swap3A_99 = arith.constant 0 : index
    %swap3A_100 = arith.constant 0 : index
    %swap3A_101 = arith.constant 2 : index
    %swap3A_102 = vector.load %arg4[%swap3A_99, %swap3A_100, %swap3A_101] : memref<1x256x16xi32, #tpu.memory_space<vmem>>, vector<1x256x1xi32>
    %swap3A_103 = vector.shape_cast %swap3A_102 : vector<1x256x1xi32> to vector<256x1xi32>
    %swap3A_104 = vector.shape_cast %add3A_98 : vector<256x1xi32> to vector<1x256x1xi32>
    tpu.vector_store %arg4[%swap3A_99, %swap3A_100, %swap3A_101], %swap3A_104 {strides = array<i32>} : memref<1x256x16xi32, #tpu.memory_space<vmem>>, vector<1x256x1xi32>,
    %eq3A_105 = vector.broadcast %broadcast_in_dim3A_95 : vector<256x1xf32> to vector<256x4096xf32>
    %eq3A_106 = arith.cmpf oeq, %convert_element_type3A, %eq3A_105 : vector<256x4096xf32>
    %jit3A_107 = arith.constant 1.000000e+30 : f32
    %broadcast_in_dim3A_108 = vector.broadcast %jit3A_107 : f32 to vector<256x4096xf32>
    %select_n3A_109 = arith.select %eq3A_106, %broadcast_in_dim3A_108, %get3A_84 : vector<256x4096xi1>, vector<256x4096xf32>
    %swap3A_110 = arith.constant 0 : index
    %swap3A_111 = arith.constant 0 : index
    %swap3A_112 = vector.load %arg5[%swap3A_110, %swap3A_111] : memref<256x4096xf32, #tpu.memory_space<vmem>>, vector<256x4096xf32>
    tpu.vector_store %arg5[%swap3A_110, %swap3A_111], %select_n3A_109 {strides = array<i32>} : memref<256x4096xf32, #tpu.memory_space<vmem>>, vector<256x4096xf32>,
    %get3A_113 = arith.constant 0 : index
    %get3A_114 = arith.constant 0 : index
    %get3A_115 = vector.load %arg5[%get3A_113, %get3A_114] : memref<256x4096xf32, #tpu.memory_space<vmem>>, vector<256x4096xf32>
    %reduce_min3A_116 = arith.constant dense<0x7F800000> : vector<256xf32>
    %reduce_min3A_117 = vector.multi_reduction <minimumf>, %get3A_115, %reduce_min3A_116 [1] : vector<256x4096xf32> to vector<256xf32>
    %broadcast_in_dim3A_118 = vector.shape_cast %reduce_min3A_117 : vector<256xf32> to vector<256x1xf32>
    %eq3A_119 = vector.broadcast %broadcast_in_dim3A_118 : vector<256x1xf32> to vector<256x4096xf32>
    %eq3A_120 = arith.cmpf oeq, %get3A_115, %eq3A_119 : vector<256x4096xf32>
    %jit3A_121 = arith.constant 4.096000e+03 : f32
    %broadcast_in_dim3A_122 = vector.broadcast %jit3A_121 : f32 to vector<256x4096xf32>
    %select_n3A_123 = arith.select %eq3A_120, %convert_element_type3A, %broadcast_in_dim3A_122 : vector<256x4096xi1>, vector<256x4096xf32>
    %reduce_min3A_124 = arith.constant dense<0x7F800000> : vector<256xf32>
    %reduce_min3A_125 = vector.multi_reduction <minimumf>, %select_n3A_123, %reduce_min3A_124 [1] : vector<256x4096xf32> to vector<256xf32>
    %broadcast_in_dim3A_126 = vector.shape_cast %reduce_min3A_125 : vector<256xf32> to vector<256x1xf32>
    %convert_element_type3A_127 = arith.fptosi %broadcast_in_dim3A_126 : vector<256x1xf32> to vector<256x1xi32>
    %add3A_128 = vector.broadcast %mul3A_23 : i32 to vector<256x1xi32>
    %add3A_129 = arith.addi %convert_element_type3A_127, %add3A_128 : vector<256x1xi32>
    %swap3A_130 = arith.constant 0 : index
    %swap3A_131 = arith.constant 0 : index
    %swap3A_132 = arith.constant 3 : index
    %swap3A_133 = vector.load %arg4[%swap3A_130, %swap3A_131, %swap3A_132] : memref<1x256x16xi32, #tpu.memory_space<vmem>>, vector<1x256x1xi32>
    %swap3A_134 = vector.shape_cast %swap3A_133 : vector<1x256x1xi32> to vector<256x1xi32>
    %swap3A_135 = vector.shape_cast %add3A_129 : vector<256x1xi32> to vector<1x256x1xi32>
    tpu.vector_store %arg4[%swap3A_130, %swap3A_131, %swap3A_132], %swap3A_135 {strides = array<i32>} : memref<1x256x16xi32, #tpu.memory_space<vmem>>, vector<1x256x1xi32>,
    %eq3A_136 = vector.broadcast %broadcast_in_dim3A_126 : vector<256x1xf32> to vector<256x4096xf32>
    %eq3A_137 = arith.cmpf oeq, %convert_element_type3A, %eq3A_136 : vector<256x4096xf32>
    %jit3A_138 = arith.constant 1.000000e+30 : f32
    %broadcast_in_dim3A_139 = vector.broadcast %jit3A_138 : f32 to vector<256x4096xf32>
    %select_n3A_140 = arith.select %eq3A_137, %broadcast_in_dim3A_139, %get3A_115 : vector<256x4096xi1>, vector<256x4096xf32>
    %swap3A_141 = arith.constant 0 : index
    %swap3A_142 = arith.constant 0 : index
    %swap3A_143 = vector.load %arg5[%swap3A_141, %swap3A_142] : memref<256x4096xf32, #tpu.memory_space<vmem>>, vector<256x4096xf32>
    tpu.vector_store %arg5[%swap3A_141, %swap3A_142], %select_n3A_140 {strides = array<i32>} : memref<256x4096xf32, #tpu.memory_space<vmem>>, vector<256x4096xf32>,
    %get3A_144 = arith.constant 0 : index
    %get3A_145 = arith.constant 0 : index
    %get3A_146 = vector.load %arg5[%get3A_144, %get3A_145] : memref<256x4096xf32, #tpu.memory_space<vmem>>, vector<256x4096xf32>
    %reduce_min3A_147 = arith.constant dense<0x7F800000> : vector<256xf32>
    %reduce_min3A_148 = vector.multi_reduction <minimumf>, %get3A_146, %reduce_min3A_147 [1] : vector<256x4096xf32> to vector<256xf32>
    %broadcast_in_dim3A_149 = vector.shape_cast %reduce_min3A_148 : vector<256xf32> to vector<256x1xf32>
    %eq3A_150 = vector.broadcast %broadcast_in_dim3A_149 : vector<256x1xf32> to vector<256x4096xf32>
    %eq3A_151 = arith.cmpf oeq, %get3A_146, %eq3A_150 : vector<256x4096xf32>
    %jit3A_152 = arith.constant 4.096000e+03 : f32
    %broadcast_in_dim3A_153 = vector.broadcast %jit3A_152 : f32 to vector<256x4096xf32>
    %select_n3A_154 = arith.select %eq3A_151, %convert_element_type3A, %broadcast_in_dim3A_153 : vector<256x4096xi1>, vector<256x4096xf32>
    %reduce_min3A_155 = arith.constant dense<0x7F800000> : vector<256xf32>
    %reduce_min3A_156 = vector.multi_reduction <minimumf>, %select_n3A_154, %reduce_min3A_155 [1] : vector<256x4096xf32> to vector<256xf32>
    %broadcast_in_dim3A_157 = vector.shape_cast %reduce_min3A_156 : vector<256xf32> to vector<256x1xf32>
    %convert_element_type3A_158 = arith.fptosi %broadcast_in_dim3A_157 : vector<256x1xf32> to vector<256x1xi32>
    %add3A_159 = vector.broadcast %mul3A_23 : i32 to vector<256x1xi32>
    %add3A_160 = arith.addi %convert_element_type3A_158, %add3A_159 : vector<256x1xi32>
    %swap3A_161 = arith.constant 0 : index
    %swap3A_162 = arith.constant 0 : index
    %swap3A_163 = arith.constant 4 : index
    %swap3A_164 = vector.load %arg4[%swap3A_161, %swap3A_162, %swap3A_163] : memref<1x256x16xi32, #tpu.memory_space<vmem>>, vector<1x256x1xi32>
    %swap3A_165 = vector.shape_cast %swap3A_164 : vector<1x256x1xi32> to vector<256x1xi32>
    %swap3A_166 = vector.shape_cast %add3A_160 : vector<256x1xi32> to vector<1x256x1xi32>
    tpu.vector_store %arg4[%swap3A_161, %swap3A_162, %swap3A_163], %swap3A_166 {strides = array<i32>} : memref<1x256x16xi32, #tpu.memory_space<vmem>>, vector<1x256x1xi32>,
    %eq3A_167 = vector.broadcast %broadcast_in_dim3A_157 : vector<256x1xf32> to vector<256x4096xf32>
    %eq3A_168 = arith.cmpf oeq, %convert_element_type3A, %eq3A_167 : vector<256x4096xf32>
    %jit3A_169 = arith.constant 1.000000e+30 : f32
    %broadcast_in_dim3A_170 = vector.broadcast %jit3A_169 : f32 to vector<256x4096xf32>
    %select_n3A_171 = arith.select %eq3A_168, %broadcast_in_dim3A_170, %get3A_146 : vector<256x4096xi1>, vector<256x4096xf32>
    %swap3A_172 = arith.constant 0 : index
    %swap3A_173 = arith.constant 0 : index
    %swap3A_174 = vector.load %arg5[%swap3A_172, %swap3A_173] : memref<256x4096xf32, #tpu.memory_space<vmem>>, vector<256x4096xf32>
    tpu.vector_store %arg5[%swap3A_172, %swap3A_173], %select_n3A_171 {strides = array<i32>} : memref<256x4096xf32, #tpu.memory_space<vmem>>, vector<256x4096xf32>,
    %get3A_175 = arith.constant 0 : index
    %get3A_176 = arith.constant 0 : index
    %get3A_177 = vector.load %arg5[%get3A_175, %get3A_176] : memref<256x4096xf32, #tpu.memory_space<vmem>>, vector<256x4096xf32>
    %reduce_min3A_178 = arith.constant dense<0x7F800000> : vector<256xf32>
    %reduce_min3A_179 = vector.multi_reduction <minimumf>, %get3A_177, %reduce_min3A_178 [1] : vector<256x4096xf32> to vector<256xf32>
    %broadcast_in_dim3A_180 = vector.shape_cast %reduce_min3A_179 : vector<256xf32> to vector<256x1xf32>
    %eq3A_181 = vector.broadcast %broadcast_in_dim3A_180 : vector<256x1xf32> to vector<256x4096xf32>
    %eq3A_182 = arith.cmpf oeq, %get3A_177, %eq3A_181 : vector<256x4096xf32>
    %jit3A_183 = arith.constant 4.096000e+03 : f32
    %broadcast_in_dim3A_184 = vector.broadcast %jit3A_183 : f32 to vector<256x4096xf32>
    %select_n3A_185 = arith.select %eq3A_182, %convert_element_type3A, %broadcast_in_dim3A_184 : vector<256x4096xi1>, vector<256x4096xf32>
    %reduce_min3A_186 = arith.constant dense<0x7F800000> : vector<256xf32>
    %reduce_min3A_187 = vector.multi_reduction <minimumf>, %select_n3A_185, %reduce_min3A_186 [1] : vector<256x4096xf32> to vector<256xf32>
    %broadcast_in_dim3A_188 = vector.shape_cast %reduce_min3A_187 : vector<256xf32> to vector<256x1xf32>
    %convert_element_type3A_189 = arith.fptosi %broadcast_in_dim3A_188 : vector<256x1xf32> to vector<256x1xi32>
    %add3A_190 = vector.broadcast %mul3A_23 : i32 to vector<256x1xi32>
    %add3A_191 = arith.addi %convert_element_type3A_189, %add3A_190 : vector<256x1xi32>
    %swap3A_192 = arith.constant 0 : index
    %swap3A_193 = arith.constant 0 : index
    %swap3A_194 = arith.constant 5 : index
    %swap3A_195 = vector.load %arg4[%swap3A_192, %swap3A_193, %swap3A_194] : memref<1x256x16xi32, #tpu.memory_space<vmem>>, vector<1x256x1xi32>
    %swap3A_196 = vector.shape_cast %swap3A_195 : vector<1x256x1xi32> to vector<256x1xi32>
    %swap3A_197 = vector.shape_cast %add3A_191 : vector<256x1xi32> to vector<1x256x1xi32>
    tpu.vector_store %arg4[%swap3A_192, %swap3A_193, %swap3A_194], %swap3A_197 {strides = array<i32>} : memref<1x256x16xi32, #tpu.memory_space<vmem>>, vector<1x256x1xi32>,
    %eq3A_198 = vector.broadcast %broadcast_in_dim3A_188 : vector<256x1xf32> to vector<256x4096xf32>
    %eq3A_199 = arith.cmpf oeq, %convert_element_type3A, %eq3A_198 : vector<256x4096xf32>
    %jit3A_200 = arith.constant 1.000000e+30 : f32
    %broadcast_in_dim3A_201 = vector.broadcast %jit3A_200 : f32 to vector<256x4096xf32>
    %select_n3A_202 = arith.select %eq3A_199, %broadcast_in_dim3A_201, %get3A_177 : vector<256x4096xi1>, vector<256x4096xf32>
    %swap3A_203 = arith.constant 0 : index
    %swap3A_204 = arith.constant 0 : index
    %swap3A_205 = vector.load %arg5[%swap3A_203, %swap3A_204] : memref<256x4096xf32, #tpu.memory_space<vmem>>, vector<256x4096xf32>
    tpu.vector_store %arg5[%swap3A_203, %swap3A_204], %select_n3A_202 {strides = array<i32>} : memref<256x4096xf32, #tpu.memory_space<vmem>>, vector<256x4096xf32>,
    %get3A_206 = arith.constant 0 : index
    %get3A_207 = arith.constant 0 : index
    %get3A_208 = vector.load %arg5[%get3A_206, %get3A_207] : memref<256x4096xf32, #tpu.memory_space<vmem>>, vector<256x4096xf32>
    %reduce_min3A_209 = arith.constant dense<0x7F800000> : vector<256xf32>
    %reduce_min3A_210 = vector.multi_reduction <minimumf>, %get3A_208, %reduce_min3A_209 [1] : vector<256x4096xf32> to vector<256xf32>
    %broadcast_in_dim3A_211 = vector.shape_cast %reduce_min3A_210 : vector<256xf32> to vector<256x1xf32>
    %eq3A_212 = vector.broadcast %broadcast_in_dim3A_211 : vector<256x1xf32> to vector<256x4096xf32>
    %eq3A_213 = arith.cmpf oeq, %get3A_208, %eq3A_212 : vector<256x4096xf32>
    %jit3A_214 = arith.constant 4.096000e+03 : f32
    %broadcast_in_dim3A_215 = vector.broadcast %jit3A_214 : f32 to vector<256x4096xf32>
    %select_n3A_216 = arith.select %eq3A_213, %convert_element_type3A, %broadcast_in_dim3A_215 : vector<256x4096xi1>, vector<256x4096xf32>
    %reduce_min3A_217 = arith.constant dense<0x7F800000> : vector<256xf32>
    %reduce_min3A_218 = vector.multi_reduction <minimumf>, %select_n3A_216, %reduce_min3A_217 [1] : vector<256x4096xf32> to vector<256xf32>
    %broadcast_in_dim3A_219 = vector.shape_cast %reduce_min3A_218 : vector<256xf32> to vector<256x1xf32>
    %convert_element_type3A_220 = arith.fptosi %broadcast_in_dim3A_219 : vector<256x1xf32> to vector<256x1xi32>
    %add3A_221 = vector.broadcast %mul3A_23 : i32 to vector<256x1xi32>
    %add3A_222 = arith.addi %convert_element_type3A_220, %add3A_221 : vector<256x1xi32>
    %swap3A_223 = arith.constant 0 : index
    %swap3A_224 = arith.constant 0 : index
    %swap3A_225 = arith.constant 6 : index
    %swap3A_226 = vector.load %arg4[%swap3A_223, %swap3A_224, %swap3A_225] : memref<1x256x16xi32, #tpu.memory_space<vmem>>, vector<1x256x1xi32>
    %swap3A_227 = vector.shape_cast %swap3A_226 : vector<1x256x1xi32> to vector<256x1xi32>
    %swap3A_228 = vector.shape_cast %add3A_222 : vector<256x1xi32> to vector<1x256x1xi32>
    tpu.vector_store %arg4[%swap3A_223, %swap3A_224, %swap3A_225], %swap3A_228 {strides = array<i32>} : memref<1x256x16xi32, #tpu.memory_space<vmem>>, vector<1x256x1xi32>,
    %eq3A_229 = vector.broadcast %broadcast_in_dim3A_219 : vector<256x1xf32> to vector<256x4096xf32>
    %eq3A_230 = arith.cmpf oeq, %convert_element_type3A, %eq3A_229 : vector<256x4096xf32>
    %jit3A_231 = arith.constant 1.000000e+30 : f32
    %broadcast_in_dim3A_232 = vector.broadcast %jit3A_231 : f32 to vector<256x4096xf32>
    %select_n3A_233 = arith.select %eq3A_230, %broadcast_in_dim3A_232, %get3A_208 : vector<256x4096xi1>, vector<256x4096xf32>
    %swap3A_234 = arith.constant 0 : index
    %swap3A_235 = arith.constant 0 : index
    %swap3A_236 = vector.load %arg5[%swap3A_234, %swap3A_235] : memref<256x4096xf32, #tpu.memory_space<vmem>>, vector<256x4096xf32>
    tpu.vector_store %arg5[%swap3A_234, %swap3A_235], %select_n3A_233 {strides = array<i32>} : memref<256x4096xf32, #tpu.memory_space<vmem>>, vector<256x4096xf32>,
    %get3A_237 = arith.constant 0 : index
    %get3A_238 = arith.constant 0 : index
    %get3A_239 = vector.load %arg5[%get3A_237, %get3A_238] : memref<256x4096xf32, #tpu.memory_space<vmem>>, vector<256x4096xf32>
    %reduce_min3A_240 = arith.constant dense<0x7F800000> : vector<256xf32>
    %reduce_min3A_241 = vector.multi_reduction <minimumf>, %get3A_239, %reduce_min3A_240 [1] : vector<256x4096xf32> to vector<256xf32>
    %broadcast_in_dim3A_242 = vector.shape_cast %reduce_min3A_241 : vector<256xf32> to vector<256x1xf32>
    %eq3A_243 = vector.broadcast %broadcast_in_dim3A_242 : vector<256x1xf32> to vector<256x4096xf32>
    %eq3A_244 = arith.cmpf oeq, %get3A_239, %eq3A_243 : vector<256x4096xf32>
    %jit3A_245 = arith.constant 4.096000e+03 : f32
    %broadcast_in_dim3A_246 = vector.broadcast %jit3A_245 : f32 to vector<256x4096xf32>
    %select_n3A_247 = arith.select %eq3A_244, %convert_element_type3A, %broadcast_in_dim3A_246 : vector<256x4096xi1>, vector<256x4096xf32>
    %reduce_min3A_248 = arith.constant dense<0x7F800000> : vector<256xf32>
    %reduce_min3A_249 = vector.multi_reduction <minimumf>, %select_n3A_247, %reduce_min3A_248 [1] : vector<256x4096xf32> to vector<256xf32>
    %broadcast_in_dim3A_250 = vector.shape_cast %reduce_min3A_249 : vector<256xf32> to vector<256x1xf32>
    %convert_element_type3A_251 = arith.fptosi %broadcast_in_dim3A_250 : vector<256x1xf32> to vector<256x1xi32>
    %add3A_252 = vector.broadcast %mul3A_23 : i32 to vector<256x1xi32>
    %add3A_253 = arith.addi %convert_element_type3A_251, %add3A_252 : vector<256x1xi32>
    %swap3A_254 = arith.constant 0 : index
    %swap3A_255 = arith.constant 0 : index
    %swap3A_256 = arith.constant 7 : index
    %swap3A_257 = vector.load %arg4[%swap3A_254, %swap3A_255, %swap3A_256] : memref<1x256x16xi32, #tpu.memory_space<vmem>>, vector<1x256x1xi32>
    %swap3A_258 = vector.shape_cast %swap3A_257 : vector<1x256x1xi32> to vector<256x1xi32>
    %swap3A_259 = vector.shape_cast %add3A_253 : vector<256x1xi32> to vector<1x256x1xi32>
    tpu.vector_store %arg4[%swap3A_254, %swap3A_255, %swap3A_256], %swap3A_259 {strides = array<i32>} : memref<1x256x16xi32, #tpu.memory_space<vmem>>, vector<1x256x1xi32>,
    %eq3A_260 = vector.broadcast %broadcast_in_dim3A_250 : vector<256x1xf32> to vector<256x4096xf32>
    %eq3A_261 = arith.cmpf oeq, %convert_element_type3A, %eq3A_260 : vector<256x4096xf32>
    %jit3A_262 = arith.constant 1.000000e+30 : f32
    %broadcast_in_dim3A_263 = vector.broadcast %jit3A_262 : f32 to vector<256x4096xf32>
    %select_n3A_264 = arith.select %eq3A_261, %broadcast_in_dim3A_263, %get3A_239 : vector<256x4096xi1>, vector<256x4096xf32>
    %swap3A_265 = arith.constant 0 : index
    %swap3A_266 = arith.constant 0 : index
    %swap3A_267 = vector.load %arg5[%swap3A_265, %swap3A_266] : memref<256x4096xf32, #tpu.memory_space<vmem>>, vector<256x4096xf32>
    tpu.vector_store %arg5[%swap3A_265, %swap3A_266], %select_n3A_264 {strides = array<i32>} : memref<256x4096xf32, #tpu.memory_space<vmem>>, vector<256x4096xf32>,
    %get3A_268 = arith.constant 0 : index
    %get3A_269 = arith.constant 0 : index
    %get3A_270 = vector.load %arg5[%get3A_268, %get3A_269] : memref<256x4096xf32, #tpu.memory_space<vmem>>, vector<256x4096xf32>
    %reduce_min3A_271 = arith.constant dense<0x7F800000> : vector<256xf32>
    %reduce_min3A_272 = vector.multi_reduction <minimumf>, %get3A_270, %reduce_min3A_271 [1] : vector<256x4096xf32> to vector<256xf32>
    %broadcast_in_dim3A_273 = vector.shape_cast %reduce_min3A_272 : vector<256xf32> to vector<256x1xf32>
    %eq3A_274 = vector.broadcast %broadcast_in_dim3A_273 : vector<256x1xf32> to vector<256x4096xf32>
    %eq3A_275 = arith.cmpf oeq, %get3A_270, %eq3A_274 : vector<256x4096xf32>
    %jit3A_276 = arith.constant 4.096000e+03 : f32
    %broadcast_in_dim3A_277 = vector.broadcast %jit3A_276 : f32 to vector<256x4096xf32>
    %select_n3A_278 = arith.select %eq3A_275, %convert_element_type3A, %broadcast_in_dim3A_277 : vector<256x4096xi1>, vector<256x4096xf32>
    %reduce_min3A_279 = arith.constant dense<0x7F800000> : vector<256xf32>
    %reduce_min3A_280 = vector.multi_reduction <minimumf>, %select_n3A_278, %reduce_min3A_279 [1] : vector<256x4096xf32> to vector<256xf32>
    %broadcast_in_dim3A_281 = vector.shape_cast %reduce_min3A_280 : vector<256xf32> to vector<256x1xf32>
    %convert_element_type3A_282 = arith.fptosi %broadcast_in_dim3A_281 : vector<256x1xf32> to vector<256x1xi32>
    %add3A_283 = vector.broadcast %mul3A_23 : i32 to vector<256x1xi32>
    %add3A_284 = arith.addi %convert_element_type3A_282, %add3A_283 : vector<256x1xi32>
    %swap3A_285 = arith.constant 0 : index
    %swap3A_286 = arith.constant 0 : index
    %swap3A_287 = arith.constant 8 : index
    %swap3A_288 = vector.load %arg4[%swap3A_285, %swap3A_286, %swap3A_287] : memref<1x256x16xi32, #tpu.memory_space<vmem>>, vector<1x256x1xi32>
    %swap3A_289 = vector.shape_cast %swap3A_288 : vector<1x256x1xi32> to vector<256x1xi32>
    %swap3A_290 = vector.shape_cast %add3A_284 : vector<256x1xi32> to vector<1x256x1xi32>
    tpu.vector_store %arg4[%swap3A_285, %swap3A_286, %swap3A_287], %swap3A_290 {strides = array<i32>} : memref<1x256x16xi32, #tpu.memory_space<vmem>>, vector<1x256x1xi32>,
    %eq3A_291 = vector.broadcast %broadcast_in_dim3A_281 : vector<256x1xf32> to vector<256x4096xf32>
    %eq3A_292 = arith.cmpf oeq, %convert_element_type3A, %eq3A_291 : vector<256x4096xf32>
    %jit3A_293 = arith.constant 1.000000e+30 : f32
    %broadcast_in_dim3A_294 = vector.broadcast %jit3A_293 : f32 to vector<256x4096xf32>
    %select_n3A_295 = arith.select %eq3A_292, %broadcast_in_dim3A_294, %get3A_270 : vector<256x4096xi1>, vector<256x4096xf32>
    %swap3A_296 = arith.constant 0 : index
    %swap3A_297 = arith.constant 0 : index
    %swap3A_298 = vector.load %arg5[%swap3A_296, %swap3A_297] : memref<256x4096xf32, #tpu.memory_space<vmem>>, vector<256x4096xf32>
    tpu.vector_store %arg5[%swap3A_296, %swap3A_297], %select_n3A_295 {strides = array<i32>} : memref<256x4096xf32, #tpu.memory_space<vmem>>, vector<256x4096xf32>,
    %get3A_299 = arith.constant 0 : index
    %get3A_300 = arith.constant 0 : index
    %get3A_301 = vector.load %arg5[%get3A_299, %get3A_300] : memref<256x4096xf32, #tpu.memory_space<vmem>>, vector<256x4096xf32>
    %reduce_min3A_302 = arith.constant dense<0x7F800000> : vector<256xf32>
    %reduce_min3A_303 = vector.multi_reduction <minimumf>, %get3A_301, %reduce_min3A_302 [1] : vector<256x4096xf32> to vector<256xf32>
    %broadcast_in_dim3A_304 = vector.shape_cast %reduce_min3A_303 : vector<256xf32> to vector<256x1xf32>
    %eq3A_305 = vector.broadcast %broadcast_in_dim3A_304 : vector<256x1xf32> to vector<256x4096xf32>
    %eq3A_306 = arith.cmpf oeq, %get3A_301, %eq3A_305 : vector<256x4096xf32>
    %jit3A_307 = arith.constant 4.096000e+03 : f32
    %broadcast_in_dim3A_308 = vector.broadcast %jit3A_307 : f32 to vector<256x4096xf32>
    %select_n3A_309 = arith.select %eq3A_306, %convert_element_type3A, %broadcast_in_dim3A_308 : vector<256x4096xi1>, vector<256x4096xf32>
    %reduce_min3A_310 = arith.constant dense<0x7F800000> : vector<256xf32>
    %reduce_min3A_311 = vector.multi_reduction <minimumf>, %select_n3A_309, %reduce_min3A_310 [1] : vector<256x4096xf32> to vector<256xf32>
    %broadcast_in_dim3A_312 = vector.shape_cast %reduce_min3A_311 : vector<256xf32> to vector<256x1xf32>
    %convert_element_type3A_313 = arith.fptosi %broadcast_in_dim3A_312 : vector<256x1xf32> to vector<256x1xi32>
    %add3A_314 = vector.broadcast %mul3A_23 : i32 to vector<256x1xi32>
    %add3A_315 = arith.addi %convert_element_type3A_313, %add3A_314 : vector<256x1xi32>
    %swap3A_316 = arith.constant 0 : index
    %swap3A_317 = arith.constant 0 : index
    %swap3A_318 = arith.constant 9 : index
    %swap3A_319 = vector.load %arg4[%swap3A_316, %swap3A_317, %swap3A_318] : memref<1x256x16xi32, #tpu.memory_space<vmem>>, vector<1x256x1xi32>
    %swap3A_320 = vector.shape_cast %swap3A_319 : vector<1x256x1xi32> to vector<256x1xi32>
    %swap3A_321 = vector.shape_cast %add3A_315 : vector<256x1xi32> to vector<1x256x1xi32>
    tpu.vector_store %arg4[%swap3A_316, %swap3A_317, %swap3A_318], %swap3A_321 {strides = array<i32>} : memref<1x256x16xi32, #tpu.memory_space<vmem>>, vector<1x256x1xi32>,
    %eq3A_322 = vector.broadcast %broadcast_in_dim3A_312 : vector<256x1xf32> to vector<256x4096xf32>
    %eq3A_323 = arith.cmpf oeq, %convert_element_type3A, %eq3A_322 : vector<256x4096xf32>
    %jit3A_324 = arith.constant 1.000000e+30 : f32
    %broadcast_in_dim3A_325 = vector.broadcast %jit3A_324 : f32 to vector<256x4096xf32>
    %select_n3A_326 = arith.select %eq3A_323, %broadcast_in_dim3A_325, %get3A_301 : vector<256x4096xi1>, vector<256x4096xf32>
    %swap3A_327 = arith.constant 0 : index
    %swap3A_328 = arith.constant 0 : index
    %swap3A_329 = vector.load %arg5[%swap3A_327, %swap3A_328] : memref<256x4096xf32, #tpu.memory_space<vmem>>, vector<256x4096xf32>
    tpu.vector_store %arg5[%swap3A_327, %swap3A_328], %select_n3A_326 {strides = array<i32>} : memref<256x4096xf32, #tpu.memory_space<vmem>>, vector<256x4096xf32>,
    %get3A_330 = arith.constant 0 : index
    %get3A_331 = arith.constant 0 : index
    %get3A_332 = vector.load %arg5[%get3A_330, %get3A_331] : memref<256x4096xf32, #tpu.memory_space<vmem>>, vector<256x4096xf32>
    %reduce_min3A_333 = arith.constant dense<0x7F800000> : vector<256xf32>
    %reduce_min3A_334 = vector.multi_reduction <minimumf>, %get3A_332, %reduce_min3A_333 [1] : vector<256x4096xf32> to vector<256xf32>
    %broadcast_in_dim3A_335 = vector.shape_cast %reduce_min3A_334 : vector<256xf32> to vector<256x1xf32>
    %eq3A_336 = vector.broadcast %broadcast_in_dim3A_335 : vector<256x1xf32> to vector<256x4096xf32>
    %eq3A_337 = arith.cmpf oeq, %get3A_332, %eq3A_336 : vector<256x4096xf32>
    %jit3A_338 = arith.constant 4.096000e+03 : f32
    %broadcast_in_dim3A_339 = vector.broadcast %jit3A_338 : f32 to vector<256x4096xf32>
    %select_n3A_340 = arith.select %eq3A_337, %convert_element_type3A, %broadcast_in_dim3A_339 : vector<256x4096xi1>, vector<256x4096xf32>
    %reduce_min3A_341 = arith.constant dense<0x7F800000> : vector<256xf32>
    %reduce_min3A_342 = vector.multi_reduction <minimumf>, %select_n3A_340, %reduce_min3A_341 [1] : vector<256x4096xf32> to vector<256xf32>
    %broadcast_in_dim3A_343 = vector.shape_cast %reduce_min3A_342 : vector<256xf32> to vector<256x1xf32>
    %convert_element_type3A_344 = arith.fptosi %broadcast_in_dim3A_343 : vector<256x1xf32> to vector<256x1xi32>
    %add3A_345 = vector.broadcast %mul3A_23 : i32 to vector<256x1xi32>
    %add3A_346 = arith.addi %convert_element_type3A_344, %add3A_345 : vector<256x1xi32>
    %swap3A_347 = arith.constant 0 : index
    %swap3A_348 = arith.constant 0 : index
    %swap3A_349 = arith.constant 10 : index
    %swap3A_350 = vector.load %arg4[%swap3A_347, %swap3A_348, %swap3A_349] : memref<1x256x16xi32, #tpu.memory_space<vmem>>, vector<1x256x1xi32>
    %swap3A_351 = vector.shape_cast %swap3A_350 : vector<1x256x1xi32> to vector<256x1xi32>
    %swap3A_352 = vector.shape_cast %add3A_346 : vector<256x1xi32> to vector<1x256x1xi32>
    tpu.vector_store %arg4[%swap3A_347, %swap3A_348, %swap3A_349], %swap3A_352 {strides = array<i32>} : memref<1x256x16xi32, #tpu.memory_space<vmem>>, vector<1x256x1xi32>,
    %eq3A_353 = vector.broadcast %broadcast_in_dim3A_343 : vector<256x1xf32> to vector<256x4096xf32>
    %eq3A_354 = arith.cmpf oeq, %convert_element_type3A, %eq3A_353 : vector<256x4096xf32>
    %jit3A_355 = arith.constant 1.000000e+30 : f32
    %broadcast_in_dim3A_356 = vector.broadcast %jit3A_355 : f32 to vector<256x4096xf32>
    %select_n3A_357 = arith.select %eq3A_354, %broadcast_in_dim3A_356, %get3A_332 : vector<256x4096xi1>, vector<256x4096xf32>
    %swap3A_358 = arith.constant 0 : index
    %swap3A_359 = arith.constant 0 : index
    %swap3A_360 = vector.load %arg5[%swap3A_358, %swap3A_359] : memref<256x4096xf32, #tpu.memory_space<vmem>>, vector<256x4096xf32>
    tpu.vector_store %arg5[%swap3A_358, %swap3A_359], %select_n3A_357 {strides = array<i32>} : memref<256x4096xf32, #tpu.memory_space<vmem>>, vector<256x4096xf32>,
    %get3A_361 = arith.constant 0 : index
    %get3A_362 = arith.constant 0 : index
    %get3A_363 = vector.load %arg5[%get3A_361, %get3A_362] : memref<256x4096xf32, #tpu.memory_space<vmem>>, vector<256x4096xf32>
    %reduce_min3A_364 = arith.constant dense<0x7F800000> : vector<256xf32>
    %reduce_min3A_365 = vector.multi_reduction <minimumf>, %get3A_363, %reduce_min3A_364 [1] : vector<256x4096xf32> to vector<256xf32>
    %broadcast_in_dim3A_366 = vector.shape_cast %reduce_min3A_365 : vector<256xf32> to vector<256x1xf32>
    %eq3A_367 = vector.broadcast %broadcast_in_dim3A_366 : vector<256x1xf32> to vector<256x4096xf32>
    %eq3A_368 = arith.cmpf oeq, %get3A_363, %eq3A_367 : vector<256x4096xf32>
    %jit3A_369 = arith.constant 4.096000e+03 : f32
    %broadcast_in_dim3A_370 = vector.broadcast %jit3A_369 : f32 to vector<256x4096xf32>
    %select_n3A_371 = arith.select %eq3A_368, %convert_element_type3A, %broadcast_in_dim3A_370 : vector<256x4096xi1>, vector<256x4096xf32>
    %reduce_min3A_372 = arith.constant dense<0x7F800000> : vector<256xf32>
    %reduce_min3A_373 = vector.multi_reduction <minimumf>, %select_n3A_371, %reduce_min3A_372 [1] : vector<256x4096xf32> to vector<256xf32>
    %broadcast_in_dim3A_374 = vector.shape_cast %reduce_min3A_373 : vector<256xf32> to vector<256x1xf32>
    %convert_element_type3A_375 = arith.fptosi %broadcast_in_dim3A_374 : vector<256x1xf32> to vector<256x1xi32>
    %add3A_376 = vector.broadcast %mul3A_23 : i32 to vector<256x1xi32>
    %add3A_377 = arith.addi %convert_element_type3A_375, %add3A_376 : vector<256x1xi32>
    %swap3A_378 = arith.constant 0 : index
    %swap3A_379 = arith.constant 0 : index
    %swap3A_380 = arith.constant 11 : index
    %swap3A_381 = vector.load %arg4[%swap3A_378, %swap3A_379, %swap3A_380] : memref<1x256x16xi32, #tpu.memory_space<vmem>>, vector<1x256x1xi32>
    %swap3A_382 = vector.shape_cast %swap3A_381 : vector<1x256x1xi32> to vector<256x1xi32>
    %swap3A_383 = vector.shape_cast %add3A_377 : vector<256x1xi32> to vector<1x256x1xi32>
    tpu.vector_store %arg4[%swap3A_378, %swap3A_379, %swap3A_380], %swap3A_383 {strides = array<i32>} : memref<1x256x16xi32, #tpu.memory_space<vmem>>, vector<1x256x1xi32>,
    %eq3A_384 = vector.broadcast %broadcast_in_dim3A_374 : vector<256x1xf32> to vector<256x4096xf32>
    %eq3A_385 = arith.cmpf oeq, %convert_element_type3A, %eq3A_384 : vector<256x4096xf32>
    %jit3A_386 = arith.constant 1.000000e+30 : f32
    %broadcast_in_dim3A_387 = vector.broadcast %jit3A_386 : f32 to vector<256x4096xf32>
    %select_n3A_388 = arith.select %eq3A_385, %broadcast_in_dim3A_387, %get3A_363 : vector<256x4096xi1>, vector<256x4096xf32>
    %swap3A_389 = arith.constant 0 : index
    %swap3A_390 = arith.constant 0 : index
    %swap3A_391 = vector.load %arg5[%swap3A_389, %swap3A_390] : memref<256x4096xf32, #tpu.memory_space<vmem>>, vector<256x4096xf32>
    tpu.vector_store %arg5[%swap3A_389, %swap3A_390], %select_n3A_388 {strides = array<i32>} : memref<256x4096xf32, #tpu.memory_space<vmem>>, vector<256x4096xf32>,
    %get3A_392 = arith.constant 0 : index
    %get3A_393 = arith.constant 0 : index
    %get3A_394 = vector.load %arg5[%get3A_392, %get3A_393] : memref<256x4096xf32, #tpu.memory_space<vmem>>, vector<256x4096xf32>
    %reduce_min3A_395 = arith.constant dense<0x7F800000> : vector<256xf32>
    %reduce_min3A_396 = vector.multi_reduction <minimumf>, %get3A_394, %reduce_min3A_395 [1] : vector<256x4096xf32> to vector<256xf32>
    %broadcast_in_dim3A_397 = vector.shape_cast %reduce_min3A_396 : vector<256xf32> to vector<256x1xf32>
    %eq3A_398 = vector.broadcast %broadcast_in_dim3A_397 : vector<256x1xf32> to vector<256x4096xf32>
    %eq3A_399 = arith.cmpf oeq, %get3A_394, %eq3A_398 : vector<256x4096xf32>
    %jit3A_400 = arith.constant 4.096000e+03 : f32
    %broadcast_in_dim3A_401 = vector.broadcast %jit3A_400 : f32 to vector<256x4096xf32>
    %select_n3A_402 = arith.select %eq3A_399, %convert_element_type3A, %broadcast_in_dim3A_401 : vector<256x4096xi1>, vector<256x4096xf32>
    %reduce_min3A_403 = arith.constant dense<0x7F800000> : vector<256xf32>
    %reduce_min3A_404 = vector.multi_reduction <minimumf>, %select_n3A_402, %reduce_min3A_403 [1] : vector<256x4096xf32> to vector<256xf32>
    %broadcast_in_dim3A_405 = vector.shape_cast %reduce_min3A_404 : vector<256xf32> to vector<256x1xf32>
    %convert_element_type3A_406 = arith.fptosi %broadcast_in_dim3A_405 : vector<256x1xf32> to vector<256x1xi32>
    %add3A_407 = vector.broadcast %mul3A_23 : i32 to vector<256x1xi32>
    %add3A_408 = arith.addi %convert_element_type3A_406, %add3A_407 : vector<256x1xi32>
    %swap3A_409 = arith.constant 0 : index
    %swap3A_410 = arith.constant 0 : index
    %swap3A_411 = arith.constant 12 : index
    %swap3A_412 = vector.load %arg4[%swap3A_409, %swap3A_410, %swap3A_411] : memref<1x256x16xi32, #tpu.memory_space<vmem>>, vector<1x256x1xi32>
    %swap3A_413 = vector.shape_cast %swap3A_412 : vector<1x256x1xi32> to vector<256x1xi32>
    %swap3A_414 = vector.shape_cast %add3A_408 : vector<256x1xi32> to vector<1x256x1xi32>
    tpu.vector_store %arg4[%swap3A_409, %swap3A_410, %swap3A_411], %swap3A_414 {strides = array<i32>} : memref<1x256x16xi32, #tpu.memory_space<vmem>>, vector<1x256x1xi32>,
    %eq3A_415 = vector.broadcast %broadcast_in_dim3A_405 : vector<256x1xf32> to vector<256x4096xf32>
    %eq3A_416 = arith.cmpf oeq, %convert_element_type3A, %eq3A_415 : vector<256x4096xf32>
    %jit3A_417 = arith.constant 1.000000e+30 : f32
    %broadcast_in_dim3A_418 = vector.broadcast %jit3A_417 : f32 to vector<256x4096xf32>
    %select_n3A_419 = arith.select %eq3A_416, %broadcast_in_dim3A_418, %get3A_394 : vector<256x4096xi1>, vector<256x4096xf32>
    %swap3A_420 = arith.constant 0 : index
    %swap3A_421 = arith.constant 0 : index
    %swap3A_422 = vector.load %arg5[%swap3A_420, %swap3A_421] : memref<256x4096xf32, #tpu.memory_space<vmem>>, vector<256x4096xf32>
    tpu.vector_store %arg5[%swap3A_420, %swap3A_421], %select_n3A_419 {strides = array<i32>} : memref<256x4096xf32, #tpu.memory_space<vmem>>, vector<256x4096xf32>,
    %get3A_423 = arith.constant 0 : index
    %get3A_424 = arith.constant 0 : index
    %get3A_425 = vector.load %arg5[%get3A_423, %get3A_424] : memref<256x4096xf32, #tpu.memory_space<vmem>>, vector<256x4096xf32>
    %reduce_min3A_426 = arith.constant dense<0x7F800000> : vector<256xf32>
    %reduce_min3A_427 = vector.multi_reduction <minimumf>, %get3A_425, %reduce_min3A_426 [1] : vector<256x4096xf32> to vector<256xf32>
    %broadcast_in_dim3A_428 = vector.shape_cast %reduce_min3A_427 : vector<256xf32> to vector<256x1xf32>
    %eq3A_429 = vector.broadcast %broadcast_in_dim3A_428 : vector<256x1xf32> to vector<256x4096xf32>
    %eq3A_430 = arith.cmpf oeq, %get3A_425, %eq3A_429 : vector<256x4096xf32>
    %jit3A_431 = arith.constant 4.096000e+03 : f32
    %broadcast_in_dim3A_432 = vector.broadcast %jit3A_431 : f32 to vector<256x4096xf32>
    %select_n3A_433 = arith.select %eq3A_430, %convert_element_type3A, %broadcast_in_dim3A_432 : vector<256x4096xi1>, vector<256x4096xf32>
    %reduce_min3A_434 = arith.constant dense<0x7F800000> : vector<256xf32>
    %reduce_min3A_435 = vector.multi_reduction <minimumf>, %select_n3A_433, %reduce_min3A_434 [1] : vector<256x4096xf32> to vector<256xf32>
    %broadcast_in_dim3A_436 = vector.shape_cast %reduce_min3A_435 : vector<256xf32> to vector<256x1xf32>
    %convert_element_type3A_437 = arith.fptosi %broadcast_in_dim3A_436 : vector<256x1xf32> to vector<256x1xi32>
    %add3A_438 = vector.broadcast %mul3A_23 : i32 to vector<256x1xi32>
    %add3A_439 = arith.addi %convert_element_type3A_437, %add3A_438 : vector<256x1xi32>
    %swap3A_440 = arith.constant 0 : index
    %swap3A_441 = arith.constant 0 : index
    %swap3A_442 = arith.constant 13 : index
    %swap3A_443 = vector.load %arg4[%swap3A_440, %swap3A_441, %swap3A_442] : memref<1x256x16xi32, #tpu.memory_space<vmem>>, vector<1x256x1xi32>
    %swap3A_444 = vector.shape_cast %swap3A_443 : vector<1x256x1xi32> to vector<256x1xi32>
    %swap3A_445 = vector.shape_cast %add3A_439 : vector<256x1xi32> to vector<1x256x1xi32>
    tpu.vector_store %arg4[%swap3A_440, %swap3A_441, %swap3A_442], %swap3A_445 {strides = array<i32>} : memref<1x256x16xi32, #tpu.memory_space<vmem>>, vector<1x256x1xi32>,
    %eq3A_446 = vector.broadcast %broadcast_in_dim3A_436 : vector<256x1xf32> to vector<256x4096xf32>
    %eq3A_447 = arith.cmpf oeq, %convert_element_type3A, %eq3A_446 : vector<256x4096xf32>
    %jit3A_448 = arith.constant 1.000000e+30 : f32
    %broadcast_in_dim3A_449 = vector.broadcast %jit3A_448 : f32 to vector<256x4096xf32>
    %select_n3A_450 = arith.select %eq3A_447, %broadcast_in_dim3A_449, %get3A_425 : vector<256x4096xi1>, vector<256x4096xf32>
    %swap3A_451 = arith.constant 0 : index
    %swap3A_452 = arith.constant 0 : index
    %swap3A_453 = vector.load %arg5[%swap3A_451, %swap3A_452] : memref<256x4096xf32, #tpu.memory_space<vmem>>, vector<256x4096xf32>
    tpu.vector_store %arg5[%swap3A_451, %swap3A_452], %select_n3A_450 {strides = array<i32>} : memref<256x4096xf32, #tpu.memory_space<vmem>>, vector<256x4096xf32>,
    %get3A_454 = arith.constant 0 : index
    %get3A_455 = arith.constant 0 : index
    %get3A_456 = vector.load %arg5[%get3A_454, %get3A_455] : memref<256x4096xf32, #tpu.memory_space<vmem>>, vector<256x4096xf32>
    %reduce_min3A_457 = arith.constant dense<0x7F800000> : vector<256xf32>
    %reduce_min3A_458 = vector.multi_reduction <minimumf>, %get3A_456, %reduce_min3A_457 [1] : vector<256x4096xf32> to vector<256xf32>
    %broadcast_in_dim3A_459 = vector.shape_cast %reduce_min3A_458 : vector<256xf32> to vector<256x1xf32>
    %eq3A_460 = vector.broadcast %broadcast_in_dim3A_459 : vector<256x1xf32> to vector<256x4096xf32>
    %eq3A_461 = arith.cmpf oeq, %get3A_456, %eq3A_460 : vector<256x4096xf32>
    %jit3A_462 = arith.constant 4.096000e+03 : f32
    %broadcast_in_dim3A_463 = vector.broadcast %jit3A_462 : f32 to vector<256x4096xf32>
    %select_n3A_464 = arith.select %eq3A_461, %convert_element_type3A, %broadcast_in_dim3A_463 : vector<256x4096xi1>, vector<256x4096xf32>
    %reduce_min3A_465 = arith.constant dense<0x7F800000> : vector<256xf32>
    %reduce_min3A_466 = vector.multi_reduction <minimumf>, %select_n3A_464, %reduce_min3A_465 [1] : vector<256x4096xf32> to vector<256xf32>
    %broadcast_in_dim3A_467 = vector.shape_cast %reduce_min3A_466 : vector<256xf32> to vector<256x1xf32>
    %convert_element_type3A_468 = arith.fptosi %broadcast_in_dim3A_467 : vector<256x1xf32> to vector<256x1xi32>
    %add3A_469 = vector.broadcast %mul3A_23 : i32 to vector<256x1xi32>
    %add3A_470 = arith.addi %convert_element_type3A_468, %add3A_469 : vector<256x1xi32>
    %swap3A_471 = arith.constant 0 : index
    %swap3A_472 = arith.constant 0 : index
    %swap3A_473 = arith.constant 14 : index
    %swap3A_474 = vector.load %arg4[%swap3A_471, %swap3A_472, %swap3A_473] : memref<1x256x16xi32, #tpu.memory_space<vmem>>, vector<1x256x1xi32>
    %swap3A_475 = vector.shape_cast %swap3A_474 : vector<1x256x1xi32> to vector<256x1xi32>
    %swap3A_476 = vector.shape_cast %add3A_470 : vector<256x1xi32> to vector<1x256x1xi32>
    tpu.vector_store %arg4[%swap3A_471, %swap3A_472, %swap3A_473], %swap3A_476 {strides = array<i32>} : memref<1x256x16xi32, #tpu.memory_space<vmem>>, vector<1x256x1xi32>,
    %eq3A_477 = vector.broadcast %broadcast_in_dim3A_467 : vector<256x1xf32> to vector<256x4096xf32>
    %eq3A_478 = arith.cmpf oeq, %convert_element_type3A, %eq3A_477 : vector<256x4096xf32>
    %jit3A_479 = arith.constant 1.000000e+30 : f32
    %broadcast_in_dim3A_480 = vector.broadcast %jit3A_479 : f32 to vector<256x4096xf32>
    %select_n3A_481 = arith.select %eq3A_478, %broadcast_in_dim3A_480, %get3A_456 : vector<256x4096xi1>, vector<256x4096xf32>
    %swap3A_482 = arith.constant 0 : index
    %swap3A_483 = arith.constant 0 : index
    %swap3A_484 = vector.load %arg5[%swap3A_482, %swap3A_483] : memref<256x4096xf32, #tpu.memory_space<vmem>>, vector<256x4096xf32>
    tpu.vector_store %arg5[%swap3A_482, %swap3A_483], %select_n3A_481 {strides = array<i32>} : memref<256x4096xf32, #tpu.memory_space<vmem>>, vector<256x4096xf32>,
    %get3A_485 = arith.constant 0 : index
    %get3A_486 = arith.constant 0 : index
    %get3A_487 = vector.load %arg5[%get3A_485, %get3A_486] : memref<256x4096xf32, #tpu.memory_space<vmem>>, vector<256x4096xf32>
    %reduce_min3A_488 = arith.constant dense<0x7F800000> : vector<256xf32>
    %reduce_min3A_489 = vector.multi_reduction <minimumf>, %get3A_487, %reduce_min3A_488 [1] : vector<256x4096xf32> to vector<256xf32>
    %broadcast_in_dim3A_490 = vector.shape_cast %reduce_min3A_489 : vector<256xf32> to vector<256x1xf32>
    %eq3A_491 = vector.broadcast %broadcast_in_dim3A_490 : vector<256x1xf32> to vector<256x4096xf32>
    %eq3A_492 = arith.cmpf oeq, %get3A_487, %eq3A_491 : vector<256x4096xf32>
    %jit3A_493 = arith.constant 4.096000e+03 : f32
    %broadcast_in_dim3A_494 = vector.broadcast %jit3A_493 : f32 to vector<256x4096xf32>
    %select_n3A_495 = arith.select %eq3A_492, %convert_element_type3A, %broadcast_in_dim3A_494 : vector<256x4096xi1>, vector<256x4096xf32>
    %reduce_min3A_496 = arith.constant dense<0x7F800000> : vector<256xf32>
    %reduce_min3A_497 = vector.multi_reduction <minimumf>, %select_n3A_495, %reduce_min3A_496 [1] : vector<256x4096xf32> to vector<256xf32>
    %broadcast_in_dim3A_498 = vector.shape_cast %reduce_min3A_497 : vector<256xf32> to vector<256x1xf32>
    %convert_element_type3A_499 = arith.fptosi %broadcast_in_dim3A_498 : vector<256x1xf32> to vector<256x1xi32>
    %add3A_500 = vector.broadcast %mul3A_23 : i32 to vector<256x1xi32>
    %add3A_501 = arith.addi %convert_element_type3A_499, %add3A_500 : vector<256x1xi32>
    %swap3A_502 = arith.constant 0 : index
    %swap3A_503 = arith.constant 0 : index
    %swap3A_504 = arith.constant 15 : index
    %swap3A_505 = vector.load %arg4[%swap3A_502, %swap3A_503, %swap3A_504] : memref<1x256x16xi32, #tpu.memory_space<vmem>>, vector<1x256x1xi32>
    %swap3A_506 = vector.shape_cast %swap3A_505 : vector<1x256x1xi32> to vector<256x1xi32>
    %swap3A_507 = vector.shape_cast %add3A_501 : vector<256x1xi32> to vector<1x256x1xi32>
    tpu.vector_store %arg4[%swap3A_502, %swap3A_503, %swap3A_504], %swap3A_507 {strides = array<i32>} : memref<1x256x16xi32, #tpu.memory_space<vmem>>, vector<1x256x1xi32>,
    %eq3A_508 = vector.broadcast %broadcast_in_dim3A_498 : vector<256x1xf32> to vector<256x4096xf32>
    %eq3A_509 = arith.cmpf oeq, %convert_element_type3A, %eq3A_508 : vector<256x4096xf32>
    %jit3A_510 = arith.constant 1.000000e+30 : f32
    %broadcast_in_dim3A_511 = vector.broadcast %jit3A_510 : f32 to vector<256x4096xf32>
    %select_n3A_512 = arith.select %eq3A_509, %broadcast_in_dim3A_511, %get3A_487 : vector<256x4096xi1>, vector<256x4096xf32>
    %swap3A_513 = arith.constant 0 : index
    %swap3A_514 = arith.constant 0 : index
    %swap3A_515 = vector.load %arg5[%swap3A_513, %swap3A_514] : memref<256x4096xf32, #tpu.memory_space<vmem>>, vector<256x4096xf32>
    tpu.vector_store %arg5[%swap3A_513, %swap3A_514], %select_n3A_512 {strides = array<i32>} : memref<256x4096xf32, #tpu.memory_space<vmem>>, vector<256x4096xf32>,
    return
  }
  func.func @transform_0(%arg0: i32, %arg1: i32) -> (i32, i32, i32) {
    %c0_i32 = arith.constant 0 : i32
    %c0_i32_0 = arith.constant 0 : i32
    return %arg0, %arg1, %c0_i32 : i32, i32, i32
  }
  func.func @transform_1(%arg0: i32, %arg1: i32) -> (i32, i32, i32) {
    %c0_i32 = arith.constant 0 : i32
    %c0_i32_0 = arith.constant 0 : i32
    %c0_i32_1 = arith.constant 0 : i32
    return %arg0, %c0_i32, %c0_i32_0 : i32, i32, i32
  }
  func.func @transform_2(%arg0: i32, %arg1: i32) -> (i32, i32, i32) {
    %c0_i32 = arith.constant 0 : i32
    %c0_i32_0 = arith.constant 0 : i32
    return %arg0, %arg1, %c0_i32 : i32, i32, i32
  }
}

module attributes {stable_mosaic.version = 14 : i64} {
  func.func @_ptrans_kernel(%arg0: i32, %arg1: memref<4096x3xf32, #tpu.memory_space<vmem>>, %arg2: memref<4096x128xf32, #tpu.memory_space<vmem>>, %arg3: memref<3x256xf32, #tpu.memory_space<vmem>>, %arg4: memref<128x256xf32, #tpu.memory_space<vmem>>, %arg5: memref<1x256xf32, #tpu.memory_space<vmem>>, %arg6: memref<4096x256xf32, #tpu.memory_space<vmem>>) attributes {dimension_semantics = [#tpu.dimension_semantics<arbitrary>], iteration_bounds = array<i64: 8>, scalar_prefetch = 0 : i64, scratch_operands = 0 : i64, tpu.core_type = #tpu.core_type<tc>, window_params = [{transform_indices = @transform_0, window_bounds = array<i64: 4096, 3>}, {transform_indices = @transform_1, window_bounds = array<i64: 4096, 128>}, {pipeline_mode = #tpu.pipeline_mode<synchronous>, transform_indices = @transform_2, window_bounds = array<i64: 3, 256>}, {pipeline_mode = #tpu.pipeline_mode<synchronous>, transform_indices = @transform_3, window_bounds = array<i64: 128, 256>}, {pipeline_mode = #tpu.pipeline_mode<synchronous>, transform_indices = @transform_4, window_bounds = array<i64: 1, 256>}, {transform_indices = @transform_5, window_bounds = array<i64: 4096, 256>}]} {
    %get3A = arith.constant 0 : index
    %get3A_0 = arith.constant 0 : index
    %get3A_1 = vector.load %arg2[%get3A, %get3A_0] : memref<4096x128xf32, #tpu.memory_space<vmem>>, vector<4096x128xf32>
    %get3A_2 = arith.constant 0 : index
    %get3A_3 = arith.constant 0 : index
    %get3A_4 = vector.load %arg4[%get3A_2, %get3A_3] : memref<128x256xf32, #tpu.memory_space<vmem>>, vector<128x256xf32>
    %dot_general3A = arith.constant dense<0.000000e+00> : vector<4096x256xf32>
    %dot_general3A_5 = tpu.matmul %get3A_1, %get3A_4, %dot_general3A {dimension_numbers = #tpu.dot_dimension_numbers<[1], [0], [0], [1], [0, 0, 1, 1], [], []>, transpose_lhs_hint = false} : vector<4096x128xf32>, vector<128x256xf32>, vector<4096x256xf32> -> vector<4096x256xf32>
    %get3A_6 = arith.constant 0 : index
    %get3A_7 = arith.constant 0 : index
    %get3A_8 = vector.load %arg1[%get3A_6, %get3A_7] : memref<4096x3xf32, #tpu.memory_space<vmem>>, vector<4096x3xf32>
    %get3A_9 = arith.constant 0 : index
    %get3A_10 = arith.constant 0 : index
    %get3A_11 = vector.load %arg3[%get3A_9, %get3A_10] : memref<3x256xf32, #tpu.memory_space<vmem>>, vector<3x256xf32>
    %dot_general3A_12 = arith.constant dense<0.000000e+00> : vector<4096x256xf32>
    %dot_general3A_13 = tpu.matmul %get3A_8, %get3A_11, %dot_general3A_12 {dimension_numbers = #tpu.dot_dimension_numbers<[1], [0], [0], [1], [0, 0, 1, 1], [], []>, transpose_lhs_hint = false} : vector<4096x3xf32>, vector<3x256xf32>, vector<4096x256xf32> -> vector<4096x256xf32>
    %add3A = arith.addf %dot_general3A_5, %dot_general3A_13 : vector<4096x256xf32>
    %get3A_14 = arith.constant 0 : index
    %get3A_15 = arith.constant 0 : index
    %get3A_16 = vector.load %arg5[%get3A_14, %get3A_15] : memref<1x256xf32, #tpu.memory_space<vmem>>, vector<1x256xf32>
    %add3A_17 = vector.broadcast %get3A_16 : vector<1x256xf32> to vector<4096x256xf32>
    %add3A_18 = arith.addf %add3A, %add3A_17 : vector<4096x256xf32>
    %swap3A = arith.constant 0 : index
    %swap3A_19 = arith.constant 0 : index
    %swap3A_20 = vector.load %arg6[%swap3A, %swap3A_19] : memref<4096x256xf32, #tpu.memory_space<vmem>>, vector<4096x256xf32>
    tpu.vector_store %arg6[%swap3A, %swap3A_19], %add3A_18 {strides = array<i32>} : memref<4096x256xf32, #tpu.memory_space<vmem>>, vector<4096x256xf32>,
    return
  }
  func.func @transform_0(%arg0: i32) -> (i32, i32) {
    %c0_i32 = arith.constant 0 : i32
    %c0_i32_0 = arith.constant 0 : i32
    return %arg0, %c0_i32 : i32, i32
  }
  func.func @transform_1(%arg0: i32) -> (i32, i32) {
    %c0_i32 = arith.constant 0 : i32
    %c0_i32_0 = arith.constant 0 : i32
    return %arg0, %c0_i32 : i32, i32
  }
  func.func @transform_2(%arg0: i32) -> (i32, i32) {
    %c0_i32 = arith.constant 0 : i32
    %c0_i32_0 = arith.constant 0 : i32
    %c0_i32_1 = arith.constant 0 : i32
    return %c0_i32, %c0_i32_0 : i32, i32
  }
  func.func @transform_3(%arg0: i32) -> (i32, i32) {
    %c0_i32 = arith.constant 0 : i32
    %c0_i32_0 = arith.constant 0 : i32
    %c0_i32_1 = arith.constant 0 : i32
    return %c0_i32, %c0_i32_0 : i32, i32
  }
  func.func @transform_4(%arg0: i32) -> (i32, i32) {
    %c0_i32 = arith.constant 0 : i32
    %c0_i32_0 = arith.constant 0 : i32
    %c0_i32_1 = arith.constant 0 : i32
    return %c0_i32, %c0_i32_0 : i32, i32
  }
  func.func @transform_5(%arg0: i32) -> (i32, i32) {
    %c0_i32 = arith.constant 0 : i32
    %c0_i32_0 = arith.constant 0 : i32
    return %arg0, %c0_i32 : i32, i32
  }
}

module attributes {stable_mosaic.version = 14 : i64} {
  func.func @_stats1_kernel(%arg0: i32, %arg1: memref<2048x256xf32, #tpu.memory_space<vmem>>, %arg2: memref<3x256xf32, #tpu.memory_space<vmem>>, %arg3: memref<128x3xf32, #tpu.memory_space<vmem>>, %arg4: memref<1x256xf32, #tpu.memory_space<vmem>>, %arg5: memref<1x256xf32, #tpu.memory_space<vmem>>) attributes {dimension_semantics = [#tpu.dimension_semantics<arbitrary>], iteration_bounds = array<i64: 64>, scalar_prefetch = 0 : i64, scratch_operands = 0 : i64, tpu.core_type = #tpu.core_type<tc>, window_params = [{transform_indices = @transform_0, window_bounds = array<i64: 2048, 256>}, {pipeline_mode = #tpu.pipeline_mode<synchronous>, transform_indices = @transform_1, window_bounds = array<i64: 3, 256>}, {transform_indices = @transform_2, window_bounds = array<i64: 128, 3>}, {pipeline_mode = #tpu.pipeline_mode<synchronous>, transform_indices = @transform_3, window_bounds = array<i64: 1, 256>}, {pipeline_mode = #tpu.pipeline_mode<synchronous>, transform_indices = @transform_4, window_bounds = array<i64: 1, 256>}]} {
    %get3A = arith.constant 0 : index
    %get3A_0 = arith.constant 0 : index
    %get3A_1 = vector.load %arg3[%get3A, %get3A_0] : memref<128x3xf32, #tpu.memory_space<vmem>>, vector<128x3xf32>
    %get3A_2 = arith.constant 0 : index
    %get3A_3 = arith.constant 0 : index
    %get3A_4 = vector.load %arg2[%get3A_2, %get3A_3] : memref<3x256xf32, #tpu.memory_space<vmem>>, vector<3x256xf32>
    %dot_general3A = arith.constant dense<0.000000e+00> : vector<128x256xf32>
    %dot_general3A_5 = tpu.matmul %get3A_1, %get3A_4, %dot_general3A {dimension_numbers = #tpu.dot_dimension_numbers<[1], [0], [0], [1], [0, 0, 1, 1], [], []>, transpose_lhs_hint = false} : vector<128x3xf32>, vector<3x256xf32>, vector<128x256xf32> -> vector<128x256xf32>
    %get3A_6 = arith.constant 0 : index
    %get3A_7 = arith.constant 0 : index
    %get3A_8 = vector.load %arg1[%get3A_6, %get3A_7] : memref<2048x256xf32, #tpu.memory_space<vmem>>, vector<2048x256xf32>
    %reshape3A = vector.shape_cast %get3A_8 : vector<2048x256xf32> to vector<128x16x256xf32>
    %broadcast_in_dim3A = vector.shape_cast %dot_general3A_5 : vector<128x256xf32> to vector<128x1x256xf32>
    %sub3A = vector.broadcast %broadcast_in_dim3A : vector<128x1x256xf32> to vector<128x16x256xf32>
    %sub3A_9 = arith.subf %reshape3A, %sub3A : vector<128x16x256xf32>
    %reduce_sum3A = arith.constant dense<0.000000e+00> : vector<256xf32>
    %reduce_sum3A_10 = vector.multi_reduction <add>, %sub3A_9, %reduce_sum3A [0, 1] : vector<128x16x256xf32> to vector<256xf32>
    %reshape3A_11 = vector.shape_cast %reduce_sum3A_10 : vector<256xf32> to vector<1x256xf32>
    %mul3A = arith.mulf %sub3A_9, %sub3A_9 : vector<128x16x256xf32>
    %reduce_sum3A_12 = arith.constant dense<0.000000e+00> : vector<256xf32>
    %reduce_sum3A_13 = vector.multi_reduction <add>, %mul3A, %reduce_sum3A_12 [0, 1] : vector<128x16x256xf32> to vector<256xf32>
    %reshape3A_14 = vector.shape_cast %reduce_sum3A_13 : vector<256xf32> to vector<1x256xf32>
    %eq3A = arith.constant 0 : i32
    %eq3A_15 = arith.cmpi eq, %arg0, %eq3A : i32
    %convert_element_type3A = arith.extui %eq3A_15 : i1 to i32
    %cond3A = arith.constant 0 : i32
    %cond3A_16 = arith.cmpi ne, %convert_element_type3A, %cond3A : i32
    scf.if %cond3A_16 {
      %swap3A = arith.constant 0 : index
      %swap3A_21 = arith.constant 0 : index
      %swap3A_22 = vector.load %arg4[%swap3A, %swap3A_21] : memref<1x256xf32, #tpu.memory_space<vmem>>, vector<1x256xf32>
      tpu.vector_store %arg4[%swap3A, %swap3A_21], %reshape3A_11 {strides = array<i32>} : memref<1x256xf32, #tpu.memory_space<vmem>>, vector<1x256xf32>,
      %swap3A_23 = arith.constant 0 : index
      %swap3A_24 = arith.constant 0 : index
      %swap3A_25 = vector.load %arg5[%swap3A_23, %swap3A_24] : memref<1x256xf32, #tpu.memory_space<vmem>>, vector<1x256xf32>
      tpu.vector_store %arg5[%swap3A_23, %swap3A_24], %reshape3A_14 {strides = array<i32>} : memref<1x256xf32, #tpu.memory_space<vmem>>, vector<1x256xf32>,
    } else {
    }
    %gt3A = arith.constant 0 : i32
    %gt3A_17 = arith.cmpi sgt, %arg0, %gt3A : i32
    %convert_element_type3A_18 = arith.extui %gt3A_17 : i1 to i32
    %cond3A_19 = arith.constant 0 : i32
    %cond3A_20 = arith.cmpi ne, %convert_element_type3A_18, %cond3A_19 : i32
    scf.if %cond3A_20 {
      %get3A_21 = arith.constant 0 : index
      %get3A_22 = arith.constant 0 : index
      %get3A_23 = vector.load %arg4[%get3A_21, %get3A_22] : memref<1x256xf32, #tpu.memory_space<vmem>>, vector<1x256xf32>
      %add3A = arith.addf %get3A_23, %reshape3A_11 : vector<1x256xf32>
      %swap3A = arith.constant 0 : index
      %swap3A_24 = arith.constant 0 : index
      %swap3A_25 = vector.load %arg4[%swap3A, %swap3A_24] : memref<1x256xf32, #tpu.memory_space<vmem>>, vector<1x256xf32>
      tpu.vector_store %arg4[%swap3A, %swap3A_24], %add3A {strides = array<i32>} : memref<1x256xf32, #tpu.memory_space<vmem>>, vector<1x256xf32>,
      %get3A_26 = arith.constant 0 : index
      %get3A_27 = arith.constant 0 : index
      %get3A_28 = vector.load %arg5[%get3A_26, %get3A_27] : memref<1x256xf32, #tpu.memory_space<vmem>>, vector<1x256xf32>
      %add3A_29 = arith.addf %get3A_28, %reshape3A_14 : vector<1x256xf32>
      %swap3A_30 = arith.constant 0 : index
      %swap3A_31 = arith.constant 0 : index
      %swap3A_32 = vector.load %arg5[%swap3A_30, %swap3A_31] : memref<1x256xf32, #tpu.memory_space<vmem>>, vector<1x256xf32>
      tpu.vector_store %arg5[%swap3A_30, %swap3A_31], %add3A_29 {strides = array<i32>} : memref<1x256xf32, #tpu.memory_space<vmem>>, vector<1x256xf32>,
    } else {
    }
    return
  }
  func.func @transform_0(%arg0: i32) -> (i32, i32) {
    %c0_i32 = arith.constant 0 : i32
    %c0_i32_0 = arith.constant 0 : i32
    return %arg0, %c0_i32 : i32, i32
  }
  func.func @transform_1(%arg0: i32) -> (i32, i32) {
    %c0_i32 = arith.constant 0 : i32
    %c0_i32_0 = arith.constant 0 : i32
    %c0_i32_1 = arith.constant 0 : i32
    return %c0_i32, %c0_i32_0 : i32, i32
  }
  func.func @transform_2(%arg0: i32) -> (i32, i32) {
    %c0_i32 = arith.constant 0 : i32
    %c0_i32_0 = arith.constant 0 : i32
    return %arg0, %c0_i32 : i32, i32
  }
  func.func @transform_3(%arg0: i32) -> (i32, i32) {
    %c0_i32 = arith.constant 0 : i32
    %c0_i32_0 = arith.constant 0 : i32
    %c0_i32_1 = arith.constant 0 : i32
    return %c0_i32, %c0_i32_0 : i32, i32
  }
  func.func @transform_4(%arg0: i32) -> (i32, i32) {
    %c0_i32 = arith.constant 0 : i32
    %c0_i32_0 = arith.constant 0 : i32
    %c0_i32_1 = arith.constant 0 : i32
    return %c0_i32, %c0_i32_0 : i32, i32
  }
}

module attributes {stable_mosaic.version = 14 : i64} {
  func.func @_mlp2_kernel(%arg0: i32, %arg1: memref<2048x256xf32, #tpu.memory_space<vmem>>, %arg2: memref<3x256xf32, #tpu.memory_space<vmem>>, %arg3: memref<128x3xf32, #tpu.memory_space<vmem>>, %arg4: memref<1x256xf32, #tpu.memory_space<vmem>>, %arg5: memref<1x256xf32, #tpu.memory_space<vmem>>, %arg6: memref<1x256xf32, #tpu.memory_space<vmem>>, %arg7: memref<1x256xf32, #tpu.memory_space<vmem>>, %arg8: memref<256x256xf32, #tpu.memory_space<vmem>>, %arg9: memref<1x256xf32, #tpu.memory_space<vmem>>, %arg10: memref<128x256xf32, #tpu.memory_space<vmem>>, %arg11: memref<128x256xf32, #tpu.memory_space<vmem>>, %arg12: memref<1x256xf32, #tpu.memory_space<vmem>>, %arg13: memref<1x256xf32, #tpu.memory_space<vmem>>) attributes {dimension_semantics = [#tpu.dimension_semantics<arbitrary>], iteration_bounds = array<i64: 64>, scalar_prefetch = 0 : i64, scratch_operands = 0 : i64, tpu.core_type = #tpu.core_type<tc>, window_params = [{transform_indices = @transform_0, window_bounds = array<i64: 2048, 256>}, {pipeline_mode = #tpu.pipeline_mode<synchronous>, transform_indices = @transform_1, window_bounds = array<i64: 3, 256>}, {transform_indices = @transform_2, window_bounds = array<i64: 128, 3>}, {pipeline_mode = #tpu.pipeline_mode<synchronous>, transform_indices = @transform_3, window_bounds = array<i64: 1, 256>}, {pipeline_mode = #tpu.pipeline_mode<synchronous>, transform_indices = @transform_4, window_bounds = array<i64: 1, 256>}, {pipeline_mode = #tpu.pipeline_mode<synchronous>, transform_indices = @transform_5, window_bounds = array<i64: 1, 256>}, {pipeline_mode = #tpu.pipeline_mode<synchronous>, transform_indices = @transform_6, window_bounds = array<i64: 1, 256>}, {pipeline_mode = #tpu.pipeline_mode<synchronous>, transform_indices = @transform_7, window_bounds = array<i64: 256, 256>}, {pipeline_mode = #tpu.pipeline_mode<synchronous>, transform_indices = @transform_8, window_bounds = array<i64: 1, 256>}, {transform_indices = @transform_9, window_bounds = array<i64: 128, 256>}, {transform_indices = @transform_10, window_bounds = array<i64: 128, 256>}, {pipeline_mode = #tpu.pipeline_mode<synchronous>, transform_indices = @transform_11, window_bounds = array<i64: 1, 256>}, {pipeline_mode = #tpu.pipeline_mode<synchronous>, transform_indices = @transform_12, window_bounds = array<i64: 1, 256>}]} {
    %get3A = arith.constant 0 : index
    %get3A_0 = arith.constant 0 : index
    %get3A_1 = vector.load %arg4[%get3A, %get3A_0] : memref<1x256xf32, #tpu.memory_space<vmem>>, vector<1x256xf32>
    %mul3A = arith.constant 7.62939453E-6 : f32
    %mul3A_2 = vector.broadcast %mul3A : f32 to vector<1x256xf32>
    %mul3A_3 = arith.mulf %get3A_1, %mul3A_2 : vector<1x256xf32>
    %get3A_4 = arith.constant 0 : index
    %get3A_5 = arith.constant 0 : index
    %get3A_6 = vector.load %arg5[%get3A_4, %get3A_5] : memref<1x256xf32, #tpu.memory_space<vmem>>, vector<1x256xf32>
    %mul3A_7 = arith.constant 7.62939453E-6 : f32
    %mul3A_8 = vector.broadcast %mul3A_7 : f32 to vector<1x256xf32>
    %mul3A_9 = arith.mulf %get3A_6, %mul3A_8 : vector<1x256xf32>
    %mul3A_10 = arith.mulf %mul3A_3, %mul3A_3 : vector<1x256xf32>
    %sub3A = arith.subf %mul3A_9, %mul3A_10 : vector<1x256xf32>
    %get3A_11 = arith.constant 0 : index
    %get3A_12 = arith.constant 0 : index
    %get3A_13 = vector.load %arg6[%get3A_11, %get3A_12] : memref<1x256xf32, #tpu.memory_space<vmem>>, vector<1x256xf32>
    %add3A = arith.constant 9.99999974E-6 : f32
    %add3A_14 = vector.broadcast %add3A : f32 to vector<1x256xf32>
    %add3A_15 = arith.addf %sub3A, %add3A_14 : vector<1x256xf32>
    %sqrt3A = math.sqrt %add3A_15 : vector<1x256xf32>
    %div3A = arith.divf %get3A_13, %sqrt3A : vector<1x256xf32>
    %get3A_16 = arith.constant 0 : index
    %get3A_17 = arith.constant 0 : index
    %get3A_18 = vector.load %arg3[%get3A_16, %get3A_17] : memref<128x3xf32, #tpu.memory_space<vmem>>, vector<128x3xf32>
    %get3A_19 = arith.constant 0 : index
    %get3A_20 = arith.constant 0 : index
    %get3A_21 = vector.load %arg2[%get3A_19, %get3A_20] : memref<3x256xf32, #tpu.memory_space<vmem>>, vector<3x256xf32>
    %dot_general3A = arith.constant dense<0.000000e+00> : vector<128x256xf32>
    %dot_general3A_22 = tpu.matmul %get3A_18, %get3A_21, %dot_general3A {dimension_numbers = #tpu.dot_dimension_numbers<[1], [0], [0], [1], [0, 0, 1, 1], [], []>, transpose_lhs_hint = false} : vector<128x3xf32>, vector<3x256xf32>, vector<128x256xf32> -> vector<128x256xf32>
    %get3A_23 = arith.constant 0 : index
    %get3A_24 = arith.constant 0 : index
    %get3A_25 = vector.load %arg1[%get3A_23, %get3A_24] : memref<2048x256xf32, #tpu.memory_space<vmem>>, vector<2048x256xf32>
    %reshape3A = vector.shape_cast %get3A_25 : vector<2048x256xf32> to vector<128x16x256xf32>
    %broadcast_in_dim3A = vector.shape_cast %dot_general3A_22 : vector<128x256xf32> to vector<128x1x256xf32>
    %sub3A_26 = vector.broadcast %broadcast_in_dim3A : vector<128x1x256xf32> to vector<128x16x256xf32>
    %sub3A_27 = arith.subf %reshape3A, %sub3A_26 : vector<128x16x256xf32>
    %reshape3A_28 = vector.shape_cast %sub3A_27 : vector<128x16x256xf32> to vector<2048x256xf32>
    %sub3A_29 = vector.broadcast %mul3A_3 : vector<1x256xf32> to vector<2048x256xf32>
    %sub3A_30 = arith.subf %reshape3A_28, %sub3A_29 : vector<2048x256xf32>
    %mul3A_31 = vector.broadcast %div3A : vector<1x256xf32> to vector<2048x256xf32>
    %mul3A_32 = arith.mulf %sub3A_30, %mul3A_31 : vector<2048x256xf32>
    %get3A_33 = arith.constant 0 : index
    %get3A_34 = arith.constant 0 : index
    %get3A_35 = vector.load %arg7[%get3A_33, %get3A_34] : memref<1x256xf32, #tpu.memory_space<vmem>>, vector<1x256xf32>
    %add3A_36 = vector.broadcast %get3A_35 : vector<1x256xf32> to vector<2048x256xf32>
    %add3A_37 = arith.addf %mul3A_32, %add3A_36 : vector<2048x256xf32>
    %max3A = arith.constant 0.000000e+00 : f32
    %max3A_38 = vector.broadcast %max3A : f32 to vector<2048x256xf32>
    %max3A_39 = arith.maximumf %add3A_37, %max3A_38 : vector<2048x256xf32>
    %get3A_40 = arith.constant 0 : index
    %get3A_41 = arith.constant 0 : index
    %get3A_42 = vector.load %arg8[%get3A_40, %get3A_41] : memref<256x256xf32, #tpu.memory_space<vmem>>, vector<256x256xf32>
    %dot_general3A_43 = arith.constant dense<0.000000e+00> : vector<2048x256xf32>
    %dot_general3A_44 = tpu.matmul %max3A_39, %get3A_42, %dot_general3A_43 {dimension_numbers = #tpu.dot_dimension_numbers<[1], [0], [0], [1], [0, 0, 1, 1], [], []>, transpose_lhs_hint = false} : vector<2048x256xf32>, vector<256x256xf32>, vector<2048x256xf32> -> vector<2048x256xf32>
    %get3A_45 = arith.constant 0 : index
    %get3A_46 = arith.constant 0 : index
    %get3A_47 = vector.load %arg9[%get3A_45, %get3A_46] : memref<1x256xf32, #tpu.memory_space<vmem>>, vector<1x256xf32>
    %add3A_48 = vector.broadcast %get3A_47 : vector<1x256xf32> to vector<2048x256xf32>
    %add3A_49 = arith.addf %dot_general3A_44, %add3A_48 : vector<2048x256xf32>
    %reduce_sum3A = arith.constant dense<0.000000e+00> : vector<256xf32>
    %reduce_sum3A_50 = vector.multi_reduction <add>, %add3A_49, %reduce_sum3A [0] : vector<2048x256xf32> to vector<256xf32>
    %broadcast_in_dim3A_51 = vector.shape_cast %reduce_sum3A_50 : vector<256xf32> to vector<1x256xf32>
    %mul3A_52 = arith.mulf %add3A_49, %add3A_49 : vector<2048x256xf32>
    %reduce_sum3A_53 = arith.constant dense<0.000000e+00> : vector<256xf32>
    %reduce_sum3A_54 = vector.multi_reduction <add>, %mul3A_52, %reduce_sum3A_53 [0] : vector<2048x256xf32> to vector<256xf32>
    %broadcast_in_dim3A_55 = vector.shape_cast %reduce_sum3A_54 : vector<256xf32> to vector<1x256xf32>
    %reshape3A_56 = vector.shape_cast %add3A_49 : vector<2048x256xf32> to vector<128x16x256xf32>
    %reduce_max3A = arith.constant dense<0xFF800000> : vector<128x256xf32>
    %reduce_max3A_57 = vector.multi_reduction <maximumf>, %reshape3A_56, %reduce_max3A [1] : vector<128x16x256xf32> to vector<128x256xf32>
    %swap3A = arith.constant 0 : index
    %swap3A_58 = arith.constant 0 : index
    %swap3A_59 = vector.load %arg10[%swap3A, %swap3A_58] : memref<128x256xf32, #tpu.memory_space<vmem>>, vector<128x256xf32>
    tpu.vector_store %arg10[%swap3A, %swap3A_58], %reduce_max3A_57 {strides = array<i32>} : memref<128x256xf32, #tpu.memory_space<vmem>>, vector<128x256xf32>,
    %reduce_min3A = arith.constant dense<0x7F800000> : vector<128x256xf32>
    %reduce_min3A_60 = vector.multi_reduction <minimumf>, %reshape3A_56, %reduce_min3A [1] : vector<128x16x256xf32> to vector<128x256xf32>
    %swap3A_61 = arith.constant 0 : index
    %swap3A_62 = arith.constant 0 : index
    %swap3A_63 = vector.load %arg11[%swap3A_61, %swap3A_62] : memref<128x256xf32, #tpu.memory_space<vmem>>, vector<128x256xf32>
    tpu.vector_store %arg11[%swap3A_61, %swap3A_62], %reduce_min3A_60 {strides = array<i32>} : memref<128x256xf32, #tpu.memory_space<vmem>>, vector<128x256xf32>,
    %eq3A = arith.constant 0 : i32
    %eq3A_64 = arith.cmpi eq, %arg0, %eq3A : i32
    %convert_element_type3A = arith.extui %eq3A_64 : i1 to i32
    %cond3A = arith.constant 0 : i32
    %cond3A_65 = arith.cmpi ne, %convert_element_type3A, %cond3A : i32
    scf.if %cond3A_65 {
      %swap3A_70 = arith.constant 0 : index
      %swap3A_71 = arith.constant 0 : index
      %swap3A_72 = vector.load %arg12[%swap3A_70, %swap3A_71] : memref<1x256xf32, #tpu.memory_space<vmem>>, vector<1x256xf32>
      tpu.vector_store %arg12[%swap3A_70, %swap3A_71], %broadcast_in_dim3A_51 {strides = array<i32>} : memref<1x256xf32, #tpu.memory_space<vmem>>, vector<1x256xf32>,
      %swap3A_73 = arith.constant 0 : index
      %swap3A_74 = arith.constant 0 : index
      %swap3A_75 = vector.load %arg13[%swap3A_73, %swap3A_74] : memref<1x256xf32, #tpu.memory_space<vmem>>, vector<1x256xf32>
      tpu.vector_store %arg13[%swap3A_73, %swap3A_74], %broadcast_in_dim3A_55 {strides = array<i32>} : memref<1x256xf32, #tpu.memory_space<vmem>>, vector<1x256xf32>,
    } else {
    }
    %gt3A = arith.constant 0 : i32
    %gt3A_66 = arith.cmpi sgt, %arg0, %gt3A : i32
    %convert_element_type3A_67 = arith.extui %gt3A_66 : i1 to i32
    %cond3A_68 = arith.constant 0 : i32
    %cond3A_69 = arith.cmpi ne, %convert_element_type3A_67, %cond3A_68 : i32
    scf.if %cond3A_69 {
      %get3A_70 = arith.constant 0 : index
      %get3A_71 = arith.constant 0 : index
      %get3A_72 = vector.load %arg12[%get3A_70, %get3A_71] : memref<1x256xf32, #tpu.memory_space<vmem>>, vector<1x256xf32>
      %add3A_73 = arith.addf %get3A_72, %broadcast_in_dim3A_51 : vector<1x256xf32>
      %swap3A_74 = arith.constant 0 : index
      %swap3A_75 = arith.constant 0 : index
      %swap3A_76 = vector.load %arg12[%swap3A_74, %swap3A_75] : memref<1x256xf32, #tpu.memory_space<vmem>>, vector<1x256xf32>
      tpu.vector_store %arg12[%swap3A_74, %swap3A_75], %add3A_73 {strides = array<i32>} : memref<1x256xf32, #tpu.memory_space<vmem>>, vector<1x256xf32>,
      %get3A_77 = arith.constant 0 : index
      %get3A_78 = arith.constant 0 : index
      %get3A_79 = vector.load %arg13[%get3A_77, %get3A_78] : memref<1x256xf32, #tpu.memory_space<vmem>>, vector<1x256xf32>
      %add3A_80 = arith.addf %get3A_79, %broadcast_in_dim3A_55 : vector<1x256xf32>
      %swap3A_81 = arith.constant 0 : index
      %swap3A_82 = arith.constant 0 : index
      %swap3A_83 = vector.load %arg13[%swap3A_81, %swap3A_82] : memref<1x256xf32, #tpu.memory_space<vmem>>, vector<1x256xf32>
      tpu.vector_store %arg13[%swap3A_81, %swap3A_82], %add3A_80 {strides = array<i32>} : memref<1x256xf32, #tpu.memory_space<vmem>>, vector<1x256xf32>,
    } else {
    }
    return
  }
  func.func @transform_0(%arg0: i32) -> (i32, i32) {
    %c0_i32 = arith.constant 0 : i32
    %c0_i32_0 = arith.constant 0 : i32
    return %arg0, %c0_i32 : i32, i32
  }
  func.func @transform_1(%arg0: i32) -> (i32, i32) {
    %c0_i32 = arith.constant 0 : i32
    %c0_i32_0 = arith.constant 0 : i32
    %c0_i32_1 = arith.constant 0 : i32
    return %c0_i32, %c0_i32_0 : i32, i32
  }
  func.func @transform_2(%arg0: i32) -> (i32, i32) {
    %c0_i32 = arith.constant 0 : i32
    %c0_i32_0 = arith.constant 0 : i32
    return %arg0, %c0_i32 : i32, i32
  }
  func.func @transform_3(%arg0: i32) -> (i32, i32) {
    %c0_i32 = arith.constant 0 : i32
    %c0_i32_0 = arith.constant 0 : i32
    %c0_i32_1 = arith.constant 0 : i32
    return %c0_i32, %c0_i32_0 : i32, i32
  }
  func.func @transform_4(%arg0: i32) -> (i32, i32) {
    %c0_i32 = arith.constant 0 : i32
    %c0_i32_0 = arith.constant 0 : i32
    %c0_i32_1 = arith.constant 0 : i32
    return %c0_i32, %c0_i32_0 : i32, i32
  }
  func.func @transform_5(%arg0: i32) -> (i32, i32) {
    %c0_i32 = arith.constant 0 : i32
    %c0_i32_0 = arith.constant 0 : i32
    %c0_i32_1 = arith.constant 0 : i32
    return %c0_i32, %c0_i32_0 : i32, i32
  }
  func.func @transform_6(%arg0: i32) -> (i32, i32) {
    %c0_i32 = arith.constant 0 : i32
    %c0_i32_0 = arith.constant 0 : i32
    %c0_i32_1 = arith.constant 0 : i32
    return %c0_i32, %c0_i32_0 : i32, i32
  }
  func.func @transform_7(%arg0: i32) -> (i32, i32) {
    %c0_i32 = arith.constant 0 : i32
    %c0_i32_0 = arith.constant 0 : i32
    %c0_i32_1 = arith.constant 0 : i32
    return %c0_i32, %c0_i32_0 : i32, i32
  }
  func.func @transform_8(%arg0: i32) -> (i32, i32) {
    %c0_i32 = arith.constant 0 : i32
    %c0_i32_0 = arith.constant 0 : i32
    %c0_i32_1 = arith.constant 0 : i32
    return %c0_i32, %c0_i32_0 : i32, i32
  }
  func.func @transform_9(%arg0: i32) -> (i32, i32) {
    %c0_i32 = arith.constant 0 : i32
    %c0_i32_0 = arith.constant 0 : i32
    return %arg0, %c0_i32 : i32, i32
  }
  func.func @transform_10(%arg0: i32) -> (i32, i32) {
    %c0_i32 = arith.constant 0 : i32
    %c0_i32_0 = arith.constant 0 : i32
    return %arg0, %c0_i32 : i32, i32
  }
  func.func @transform_11(%arg0: i32) -> (i32, i32) {
    %c0_i32 = arith.constant 0 : i32
    %c0_i32_0 = arith.constant 0 : i32
    %c0_i32_1 = arith.constant 0 : i32
    return %c0_i32, %c0_i32_0 : i32, i32
  }
  func.func @transform_12(%arg0: i32) -> (i32, i32) {
    %c0_i32 = arith.constant 0 : i32
    %c0_i32_0 = arith.constant 0 : i32
    %c0_i32_1 = arith.constant 0 : i32
    return %c0_i32, %c0_i32_0 : i32, i32
  }
}

module attributes {stable_mosaic.version = 14 : i64} {
  func.func @_final_kernel(%arg0: i32, %arg1: memref<2048x256xf32, #tpu.memory_space<vmem>>, %arg2: memref<2048x256xf32, #tpu.memory_space<vmem>>, %arg3: memref<1x256xf32, #tpu.memory_space<vmem>>, %arg4: memref<1x256xf32, #tpu.memory_space<vmem>>, %arg5: memref<1x256xf32, #tpu.memory_space<vmem>>, %arg6: memref<1x256xf32, #tpu.memory_space<vmem>>, %arg7: memref<2048x256xf32, #tpu.memory_space<vmem>>) attributes {dimension_semantics = [#tpu.dimension_semantics<arbitrary>], iteration_bounds = array<i64: 4>, scalar_prefetch = 0 : i64, scratch_operands = 0 : i64, tpu.core_type = #tpu.core_type<tc>, window_params = [{transform_indices = @transform_0, window_bounds = array<i64: 2048, 256>}, {transform_indices = @transform_1, window_bounds = array<i64: 2048, 256>}, {pipeline_mode = #tpu.pipeline_mode<synchronous>, transform_indices = @transform_2, window_bounds = array<i64: 1, 256>}, {pipeline_mode = #tpu.pipeline_mode<synchronous>, transform_indices = @transform_3, window_bounds = array<i64: 1, 256>}, {pipeline_mode = #tpu.pipeline_mode<synchronous>, transform_indices = @transform_4, window_bounds = array<i64: 1, 256>}, {pipeline_mode = #tpu.pipeline_mode<synchronous>, transform_indices = @transform_5, window_bounds = array<i64: 1, 256>}, {transform_indices = @transform_6, window_bounds = array<i64: 2048, 256>}]} {
    %get3A = arith.constant 0 : index
    %get3A_0 = arith.constant 0 : index
    %get3A_1 = vector.load %arg3[%get3A, %get3A_0] : memref<1x256xf32, #tpu.memory_space<vmem>>, vector<1x256xf32>
    %mul3A = arith.constant 7.62939453E-6 : f32
    %mul3A_2 = vector.broadcast %mul3A : f32 to vector<1x256xf32>
    %mul3A_3 = arith.mulf %get3A_1, %mul3A_2 : vector<1x256xf32>
    %get3A_4 = arith.constant 0 : index
    %get3A_5 = arith.constant 0 : index
    %get3A_6 = vector.load %arg4[%get3A_4, %get3A_5] : memref<1x256xf32, #tpu.memory_space<vmem>>, vector<1x256xf32>
    %mul3A_7 = arith.constant 7.62939453E-6 : f32
    %mul3A_8 = vector.broadcast %mul3A_7 : f32 to vector<1x256xf32>
    %mul3A_9 = arith.mulf %get3A_6, %mul3A_8 : vector<1x256xf32>
    %mul3A_10 = arith.mulf %mul3A_3, %mul3A_3 : vector<1x256xf32>
    %sub3A = arith.subf %mul3A_9, %mul3A_10 : vector<1x256xf32>
    %get3A_11 = arith.constant 0 : index
    %get3A_12 = arith.constant 0 : index
    %get3A_13 = vector.load %arg5[%get3A_11, %get3A_12] : memref<1x256xf32, #tpu.memory_space<vmem>>, vector<1x256xf32>
    %add3A = arith.constant 9.99999974E-6 : f32
    %add3A_14 = vector.broadcast %add3A : f32 to vector<1x256xf32>
    %add3A_15 = arith.addf %sub3A, %add3A_14 : vector<1x256xf32>
    %sqrt3A = math.sqrt %add3A_15 : vector<1x256xf32>
    %div3A = arith.divf %get3A_13, %sqrt3A : vector<1x256xf32>
    %ge3A = arith.constant 0.000000e+00 : f32
    %ge3A_16 = vector.broadcast %ge3A : f32 to vector<1x256xf32>
    %ge3A_17 = arith.cmpf oge, %get3A_13, %ge3A_16 : vector<1x256xf32>
    %get3A_18 = arith.constant 0 : index
    %get3A_19 = arith.constant 0 : index
    %get3A_20 = vector.load %arg1[%get3A_18, %get3A_19] : memref<2048x256xf32, #tpu.memory_space<vmem>>, vector<2048x256xf32>
    %get3A_21 = arith.constant 0 : index
    %get3A_22 = arith.constant 0 : index
    %get3A_23 = vector.load %arg2[%get3A_21, %get3A_22] : memref<2048x256xf32, #tpu.memory_space<vmem>>, vector<2048x256xf32>
    %broadcast_in_dim3A = vector.shape_cast %ge3A_17 : vector<1x256xi1> to vector<1x256xi1>
    %broadcast_in_dim3A_24 = vector.broadcast %broadcast_in_dim3A : vector<1x256xi1> to vector<2048x256xi1>
    %select_n3A = arith.select %broadcast_in_dim3A_24, %get3A_20, %get3A_23 : vector<2048x256xi1>, vector<2048x256xf32>
    %sub3A_25 = vector.broadcast %mul3A_3 : vector<1x256xf32> to vector<2048x256xf32>
    %sub3A_26 = arith.subf %select_n3A, %sub3A_25 : vector<2048x256xf32>
    %mul3A_27 = vector.broadcast %div3A : vector<1x256xf32> to vector<2048x256xf32>
    %mul3A_28 = arith.mulf %sub3A_26, %mul3A_27 : vector<2048x256xf32>
    %get3A_29 = arith.constant 0 : index
    %get3A_30 = arith.constant 0 : index
    %get3A_31 = vector.load %arg6[%get3A_29, %get3A_30] : memref<1x256xf32, #tpu.memory_space<vmem>>, vector<1x256xf32>
    %add3A_32 = vector.broadcast %get3A_31 : vector<1x256xf32> to vector<2048x256xf32>
    %add3A_33 = arith.addf %mul3A_28, %add3A_32 : vector<2048x256xf32>
    %max3A = arith.constant 0.000000e+00 : f32
    %max3A_34 = vector.broadcast %max3A : f32 to vector<2048x256xf32>
    %max3A_35 = arith.maximumf %add3A_33, %max3A_34 : vector<2048x256xf32>
    %swap3A = arith.constant 0 : index
    %swap3A_36 = arith.constant 0 : index
    %swap3A_37 = vector.load %arg7[%swap3A, %swap3A_36] : memref<2048x256xf32, #tpu.memory_space<vmem>>, vector<2048x256xf32>
    tpu.vector_store %arg7[%swap3A, %swap3A_36], %max3A_35 {strides = array<i32>} : memref<2048x256xf32, #tpu.memory_space<vmem>>, vector<2048x256xf32>,
    return
  }
  func.func @transform_0(%arg0: i32) -> (i32, i32) {
    %c0_i32 = arith.constant 0 : i32
    %c0_i32_0 = arith.constant 0 : i32
    return %arg0, %c0_i32 : i32, i32
  }
  func.func @transform_1(%arg0: i32) -> (i32, i32) {
    %c0_i32 = arith.constant 0 : i32
    %c0_i32_0 = arith.constant 0 : i32
    return %arg0, %c0_i32 : i32, i32
  }
  func.func @transform_2(%arg0: i32) -> (i32, i32) {
    %c0_i32 = arith.constant 0 : i32
    %c0_i32_0 = arith.constant 0 : i32
    %c0_i32_1 = arith.constant 0 : i32
    return %c0_i32, %c0_i32_0 : i32, i32
  }
  func.func @transform_3(%arg0: i32) -> (i32, i32) {
    %c0_i32 = arith.constant 0 : i32
    %c0_i32_0 = arith.constant 0 : i32
    %c0_i32_1 = arith.constant 0 : i32
    return %c0_i32, %c0_i32_0 : i32, i32
  }
  func.func @transform_4(%arg0: i32) -> (i32, i32) {
    %c0_i32 = arith.constant 0 : i32
    %c0_i32_0 = arith.constant 0 : i32
    %c0_i32_1 = arith.constant 0 : i32
    return %c0_i32, %c0_i32_0 : i32, i32
  }
  func.func @transform_5(%arg0: i32) -> (i32, i32) {
    %c0_i32 = arith.constant 0 : i32
    %c0_i32_0 = arith.constant 0 : i32
    %c0_i32_1 = arith.constant 0 : i32
    return %c0_i32, %c0_i32_0 : i32, i32
  }
  func.func @transform_6(%arg0: i32) -> (i32, i32) {
    %c0_i32 = arith.constant 0 : i32
    %c0_i32_0 = arith.constant 0 : i32
    return %arg0, %c0_i32 : i32, i32
  }
}

</mosaic_0001>

<sc_bundles>
// kernel: kernel.9.cloned.1.call-start
scs
__scs_entry_jumppad:
0x0: {  	(pc) =	sbr.rel $0x88, $3  }
0x1: {  	(tag) =	ssettag $0x0;
	lr =	simm.s32 $0x1  }
0x2: {  	[smem:$0x3F97] =	sst lr;
	_ =	strace $0xD0000000  }
0x3: {  	_ = 	snop  }
0x4: {  	_ = 	snop  }
0x5: {  	_ = 	snop  }
0x6: {  	_ = 	snop  }
0x7: {  	_ = 	snop  }
__scs_overlays_trampoline_lowered:
0x8: {  	[smem:$0x3FA6] =	sst s0  }
0x9: {  	[smem:$0x3FA7] =	sst s1  }
0xa: {  	[smem:$0x3FA8] =	sst s2  }
0xb: {  	[smem:$0x3FA9] =	sst s3  }
0xc: {  	[smem:$0x3FAA] =	sst s4  }
0xd: {  	[smem:$0x3FAB] =	sst s5  }
0xe: {  	[smem:$0x3FAC] =	sst s6  }
0xf: {  	[smem:$0x3FAD] =	sst s7  }
0x10: {  	[smem:$0x3FAE] =	sst s8  }
0x11: {  	[smem:$0x3FAF] =	sst s9;
	s0 =	simm.s32 @!p0 $0x0  }
0x12: {  	s1 =	sld [smem:$0x3F95];
	s0 =	simm.s32 @p0 $0x1  }
0x13: {  	[smem:$0x3FB0] =	sst s0;
	s0 =	simm.s32 @!p1 $0x0  }
0x14: {  	s2 =	sld [smem:$0x3F94];
	s0 =	simm.s32 @p1 $0x1  }
0x15: {  	[smem:$0x3FB1] =	sst s0;
	s0 =	simm.s32 @!p2 $0x0  }
0x16: {  	s3 =	sld [smem:$0x3FDB];
	s0 =	simm.s32 @p2 $0x1  }
0x17: {  	s4 =	simm.s32 $0x1BF5;
	[smem:$0x3FB3] =	sst s0  }
0x18: {  	s0 =	sld [smem:$0x3F96];
	_ =	swait.ge [sflag:s4], $0x0  }
0x19: {  	s7 =	sld [smem:$0x3F97]  }
0x1a: {  	s8 =	sadd.s32 $0xFFFFE003, lr  }
0x1b: {  	s9 =	sadd.s32 $0xFFFFFEF7, lr;
	s5 =	simm.s32 $0xFFFFFFFF;
	p2 =	slt.u32 s8, $0xFFFFF086  }
0x1c: {  	p1 =	slt.u32 s9, $0xF7A;
	s5 =	simm.s32 @!p2 $0x0  }
0x1d: {  	s5 =	simm.s32 @p1 $0x1;
	p0 =	seq.s32 s7, s2  }
0x1e: {  	s7 =	smul.u32 @!p0 $0xF7A, s2;
	p2 =	seq.s32 @!p0 s5, $0x0  }
0x1f: {  	s9 =	smul.u32 $0xF7A, s1;
	s8 =	simm.s32 @!p0 $0x1BF5;
	p2 =	por !p2, p0  }
0x20: {  	[sflag:s8] =	ssyncset.s32 @!p0 $0xFFFFF086;
	s6 =	sadd.s32 @!p0 s3, s7;
	s7 =	simm.s32 @!p0 $0x108  }
0x21: {  	s3 =	sadd.s32 s3, s9;
	s6 =	sadd.s32 @!p0 $0x88, s6;
	s7 =	simm.s32 @p2 $0x1082  }
0x22: {  	[simem:s7], [sflag:s8] =	dma.local @!p0 [hbm:s6], $0xF7A  }
0x23: {  	s9 =	sor.u32 $0xD0000000, s2;
	s6 =	simm.s32 $0x108;
	_ =	swait.ge @!p0 [sflag:s8], $0x0  }
0x24: {  	s3 =	sadd.s32 $0x88, s3;
	s6 =	simm.s32 @!p1 $0x1082;
	[sflag:s4] =	ssyncset.s32 $0xFFFFF086  }
0x25: {  	[simem:s6], [sflag:s4] =	dma.local [hbm:s3], $0xF7A  }
0x26: {  	[smem:$0x3F97] =	sst s1;
	(tag) =	ssettag s2;
	_ =	strace s9  }
0x27: {  	s1 =	sld [smem:$0x3FA7]  }
0x28: {  	s2 =	sld [smem:$0x3FA8]  }
0x29: {  	s4 =	sld [smem:$0x3FAA]  }
0x2a: {  	p0 =	seq.s32 s5, $0x0;
	s5 =	sld [smem:$0x3FAB]  }
0x2b: {  	s6 =	sld [smem:$0x3FAC]  }
0x2c: {  	s7 =	sld [smem:$0x3FAD]  }
0x2d: {  	s3 =	simm.s32 $0x108;
	s8 =	sld [smem:$0x3FAE]  }
0x2e: {  	s3 =	simm.s32 @!p0 $0x1082;
	s9 =	sld [smem:$0x3FAF]  }
0x2f: {  	lr =	sadd.s32 s0, s3;
	s0 =	sld [smem:$0x3FA6]  }
0x30: {  	s3 =	sld [smem:$0x3FA9]  }
0x31: {  	[smem:$0x3FB2] =	sst s10  }
0x32: {  	s10 =	sld [smem:$0x3FB0];
	_ =	sdelay $0x3  }
0x33: {  	p0 =	seq.s32 s10, $0x1;
	s10 =	sld [smem:$0x3FB2];
	_ =	sdelay $0x3  }
0x34: {  	[smem:$0x3FB2] =	sst s10  }
0x35: {  	s10 =	sld [smem:$0x3FB1];
	_ =	sdelay $0x3  }
0x36: {  	p1 =	seq.s32 s10, $0x1;
	s10 =	sld [smem:$0x3FB2];
	_ =	sdelay $0x3  }
0x37: {  	[smem:$0x3FB2] =	sst s10  }
0x38: {  	s10 =	sld [smem:$0x3FB3]  }
0x39: {  	_ = 	snop;
	(pc) =	sbr.ind lr, $3  }
0x3a: {  	_ = 	snop  }
0x3b: {  	_ = 	snop  }
0x3c: {  	p2 =	seq.s32 s10, $0x1;
	s10 =	sld [smem:$0x3FB2]  }
0x3d: {  	_ =	shalt  }
0x3e: {  	_ =	shalt  }
0x3f: {  	_ =	shalt  }
0x40: {  	_ =	shalt  }
0x41: {  	_ =	shalt  }
0x42: {  	_ =	shalt  }
0x43: {  	_ =	shalt  }
0x44: {  	_ =	shalt  }
0x45: {  	_ =	shalt  }
0x46: {  	_ =	shalt  }
0x47: {  	_ =	shalt  }
0x48: {  	_ =	shalt  }
0x49: {  	_ =	shalt  }
0x4a: {  	_ =	shalt  }
0x4b: {  	_ =	shalt  }
0x4c: {  	_ =	shalt  }
0x4d: {  	_ =	shalt  }
0x4e: {  	_ =	shalt  }
0x4f: {  	_ =	shalt  }
0x50: {  	_ =	shalt  }
0x51: {  	_ =	shalt  }
0x52: {  	_ =	shalt  }
0x53: {  	_ =	shalt  }
0x54: {  	_ =	shalt  }
0x55: {  	_ =	shalt  }
0x56: {  	_ =	shalt  }
0x57: {  	_ =	shalt  }
0x58: {  	_ =	shalt  }
0x59: {  	_ =	shalt  }
0x5a: {  	_ =	shalt  }
0x5b: {  	_ =	shalt  }
0x5c: {  	_ =	shalt  }
0x5d: {  	_ =	shalt  }
0x5e: {  	_ =	shalt  }
0x5f: {  	_ =	shalt  }
0x60: {  	_ =	shalt  }
0x61: {  	_ =	shalt  }
0x62: {  	_ =	shalt  }
0x63: {  	_ =	shalt  }
0x64: {  	_ =	shalt  }
0x65: {  	_ =	shalt  }
0x66: {  	_ =	shalt  }
0x67: {  	_ =	shalt  }
0x68: {  	_ =	shalt  }
0x69: {  	_ =	shalt  }
0x6a: {  	_ =	shalt  }
0x6b: {  	_ =	shalt  }
0x6c: {  	_ =	shalt  }
0x6d: {  	_ =	shalt  }
0x6e: {  	_ =	shalt  }
0x6f: {  	_ =	shalt  }
0x70: {  	_ =	shalt  }
0x71: {  	_ =	shalt  }
0x72: {  	_ =	shalt  }
0x73: {  	_ =	shalt  }
0x74: {  	_ =	shalt  }
0x75: {  	_ =	shalt  }
0x76: {  	_ =	shalt  }
0x77: {  	_ =	shalt  }
0x78: {  	_ =	shalt  }
0x79: {  	_ =	shalt  }
0x7a: {  	_ =	shalt  }
0x7b: {  	_ =	shalt  }
0x7c: {  	_ =	shalt  }
0x7d: {  	_ =	shalt  }
0x7e: {  	_ =	shalt  }
0x7f: {  	_ =	shalt  }
0x80: {  	_ =	shalt  }
0x81: {  	_ =	shalt  }
0x82: {  	_ =	shalt  }
0x83: {  	_ =	shalt  }
0x84: {  	_ =	shalt  }
0x85: {  	_ =	shalt  }
0x86: {  	_ =	shalt  }
0x87: {  	_ =	shalt  }
.Lfunc_end0:
.L_simem_size_0:
called_computation_lowered:
.L_overlay_start_0:
0x88: {  	s2 =	sld [smem:$0x3FD9]  }
0x89: {  	s3 =	sld [smem:$0x3FFE];
	_ =	sdelay $0x1  }
0x8a: {  	s1 =	srdreg.scid  }
0x8b: {  	s0 =	sand.u32 $0x1, s1  }
0x8c: {  	s14 =	sshll.u32 s0, $0xA;
	s2 =	sadd.s32 s3, s2  }
0x8d: {  	s2 =	sadd.s32 s2, s14  }
0x8e: {  	[smem:$0x3FBE] =	sst s2  }
0x8f: {  	_ = 	snop  }
0x90: {  	s2 =	sld [smem:$0x3FD0];
	_ =	sdelay $0x2  }
0x91: {  	s15 =	simm.s32 $0xA;
	s4 =	simm.s32 $0x10  }
0x92: {  	[smem:s4], [sflag:s15] =	dma.local [hbm:s2], $0x1  }
0x93: {  	_ =	swait.eq [sflag:s15], $0x1  }
0x94: {  	[sflag:s15] =	ssyncset.done $0x0  }
0x95: {  	[sflag:s15] =	ssyncadd.s32 $0xFFFFFFFF  }
0x96: {  	s16 =	sld [smem:$0x11];
	(tm) =	ssettm $0x1  }
0x97: {  	s17 =	sld [smem:$0x3FFB];
	_ =	sdelay $0x3  }
0x98: {  	_ =	strace s17  }
0x99: {  	s3 =	sld [smem:$0x3FFC];
	_ =	sdelay $0x3  }
0x9a: {  	_ =	strace s3  }
0x9b: {  	s3 =	sld [smem:$0x3FFD];
	_ =	sdelay $0x3  }
0x9c: {  	_ =	strace s3  }
0x9d: {  	_ =	strace $0x8FFFFFFF  }
0x9e: {  	s18 =	sld [smem:$0x3FDB];
	_ =	sdelay $0x1  }
0x9f: {  	s19 =	simm.s32 $_scs_section_size  }
0xa0: {  	s5 =	simm.s32 $_size__tile_overlayer_lowered;
	s6 =	simm.s32 $_tile_overlayer_lowered  }
0xa1: {  	s22 =	simm.s32 $0x1BFF;
	s21 =	sshll.u32 s6, $0x1;
	s3 =	sadd.s32 s19, s18  }
0xa2: {  	s7 =	simm.s32 $0x0;
	s20 =	sshll.u32 s5, $0x1;
	s5 =	sadd.s32 s21, s3  }
0xa3: {  	[timem:s7], [sflag:s22] =	dma.local [hbm:s5], s20  }
0xa4: {  	_ =	swait.ge [sflag:s22], s20  }
0xa5: {  	s4 =	ssub.s32 $0x0, s20;
	[sflag:s22] =	ssyncset.done $0x0  }
0xa6: {  	[sflag:s22] =	ssyncadd.s32 s4;
	_ =	sdelay $0x1  }
0xa7: {  	s23 =	simm.s32 $0x1B8B  }
0xa8: {  	_ =	swait.ge [sflag:s23], $0x1  }
0xa9: {  	[sflag:s23] =	ssyncset.done $0x0  }
0xaa: {  	s25 =	simm.s32 $0x1B8E;
	s24 =	sld [smem:$0x3FFE];
	[sflag:s23] =	ssyncadd.s32 $0xFFFFFFFF  }
0xab: {  	s26 =	simm.s32 $execute0_lowered;
	[smem:$0x3FD2] =	sst s25  }
0xac: {  	s5 =	sshll.u32 s26, $0x1;
	_ =	strace $0x80000046;
	[dreg:$0x1] =	wrdreg $0xFFFFFFFF  }
0xad: {  	s28 =	simm.s32 $_size_execute0_lowered;
	s3 =	sadd.s32 s3, s5;
	[dreg:$0x0] =	wrdreg $0x0  }
0xae: {  	s5 =	sshll.u32 s28, $0x1;
	[dreg:$0x2] =	wrdreg s3  }
0xaf: {  	[dreg:$0x3] =	wrdreg s5  }
0xb0: {  	[dreg:$0x4] =	wrdreg $0xC0  }
0xb1: {  	_ =	task [dreg:s7], $0x5FFFF  }
0xb2: {  	[dreg:$0x1] =	wrdreg $0xFFFFFFFF  }
0xb3: {  	[dreg:$0x0] =	wrdreg $0x60  }
0xb4: {  	[dreg:$0x2] =	wrdreg s24  }
0xb5: {  	[dreg:$0x3] =	wrdreg s16  }
0xb6: {  	[dreg:$0x4] =	wrdreg $0x9  }
0xb7: {  	_ =	task.clear_ibuf [dreg:s7], $0x5FFFF;
	_ =	strace $0x90000046  }
0xb8: {  	s29 =	simm.s32 $0x9;
	_ =	strace $0x80000048  }
0xb9: {  	_ =	swait.ge [sflag:s29], $0x1  }
0xba: {  	[sflag:s29] =	ssyncadd.s32 $0xFFFFFFFF  }
0xbb: {  	_ =	strace $0x90000048  }
0xbc: {  	_ =	sfence  }
0xbd: {  	s30 =	sld [smem:$0x0];
	_ =	sdelay $0x2  }
0xbe: {  	s31 =	sshll.u32 s1, $0xD;
	s1 =	sshrl.u32 s1, $0x2  }
0xbf: {  	s3 =	sand.u32 $0x4000, s31;
	s1 =	sadd.s32 s1, s30  }
0xc0: {  	s0 =	sor.u32 s3, s0;
	s1 =	sshll.u32 s1, $0x11  }
0xc1: {  	s0 =	sor.u32 s1, s0  }
0xc2: {  	s0 =	sadd.s32 $0x8F2B, s0  }
0xc3: {  	[sflag:s0] =	ssyncadd.remote.s32 $0x1  }
0xc4: {  	_ =	sfence.sel $0xFFFF  }
0xc5: {  	[dreg:$0x0] =	wrdreg $0xFFFFFFFF;
	(pc) =	sbr.abs _section_cstart, $3  }
0xc6: {  	[dreg:$0x1] =	wrdreg $0xFFFFFFFF  }
0xc7: {  	_ =	task.clear_ibuf [dreg:s7], $0x2FFFF;
	_ =	strace $0x9FFFFFFF  }
0xc8: {  	(tm) =	ssettm $0x7FFFFFFF  }
0xc9: {  	_ =	shalt  }
tec
execute0_lowered:
.L_overlay_start_1:
0x0: {  	(tag) =	ssettag $0x1  }
0x1: {  	s4 =	rddreg [dreg:$0x0]  }
0x2: {  	s6 =	rddreg [dreg:$0x1]  }
0x3: {  	s0 =	rddreg [dreg:$0x2];
	s2 =	simm.s32 $0x0  }
0x4: {  	s1 =	stileid.u32;
	s3 =	srdreg.scid;
	s11 =	simm.s32 $0x1880  }
0x5: {  	s12 =	simm.s32 $0x2080;
	s13 =	simm.s32 $0x2880;
	s14 =	simm.s32 $0x3080  }
0x6: {  	s15 =	simm.s32 $0x3880;
	s16 =	simm.s32 $0x4080;
	s17 =	simm.s32 $0x4880  }
0x7: {  	s18 =	simm.s32 $0x5080;
	s19 =	simm.s32 $0x5880;
	s20 =	simm.s32 $0x6080  }
0x8: {  	s21 =	simm.s32 $0x6880;
	s22 =	simm.s32 $0x7080;
	s23 =	simm.s32 $0x7880  }
0x9: {  	s24 =	simm.s32 $0x1;
	s25 =	simm.s32 $0x0;
	[smem:$0x7FF] =	sst s2  }
0xa: {  	s5 =	sshll.u32 s1, $0x12;
	s7 =	sand.u32 $0x1, s3;
	s3 =	sadd.s32 $0x84800, s4  }
0xb: {  	s9 =	sshll.u32 s1, $0xD;
	_ =	strace $0x80000047;
	s5 =	sadd.s32 s5, s4  }
0xc: {  	s29 =	ssub.s32 $0x2, s7;
	s10 =	sshll.u32 s7, $0xC;
	s7 =	sshll.u32 s7, $0x11  }
0xd: {  	s8 =	sshrl.u32 s29, $0x1;
	s30 =	sor.u32 s10, s9;
	s5 =	sadd.s32 s7, s5  }
0xe: {  	v2 =	vlaneseq.u32;
	s7 =	simm.s32 $0x2;
	s9 =	simm.s32 $0x880;
	s10 =	simm.s32 $0x1080  }
0xf: {  	vm0 =	vmmov $0xffff;
	v1 =	vshrl.u32 v2, $0x3;
	s4 =	ssub.s32 s29, s8;
	s31 =	sshrl.u32 s30, $0x3;
	s5 =	sadd.s32 $0x184800, s5  }
0x10: {  	v0 =	vand.u32 $0x7, v2;
	v2 =	vor.u32 $0x8, v2;
	v1 =	vmul.u32 $0x8, v1;
	s8 =	simm.s32 $0x80;
	s4 =	smax.u32 s4, $0x1;
	s6 =	sadd.s32 s31, s6  }
.LBB2_1:
0x11: {  	s26 =	smov.u32 s5;
	s28 =	simm.s32 $0x0  }
.LBB2_2:
0x12: {  	s29 =	sadd.s32 s28, s6  }
0x13: {  	[tilespmem:s2], [sflag:$0x2] =	stream.linear.gather [hbm4b:s29+s2], $0x80, $0x38;
	[tilespmem:$0x8080] =	vst v63  }
0x14: {  	_ =	swait.ge [sflag:s7], $0x80  }
0x15: {  	[sflag:s7] =	ssyncset.done $0x0  }
0x16: {  	[sflag:s7] =	ssyncadd.s32 $0xFFFFFF80  }
0x17: {  	v3 =	vld [tilespmem:$0x0];
	_ =	sdelay $0x4  }
0x18: {  	v4 =	vshll.u32 v3, $0x1  }
0x19: {  	v3 =	vand.u32 $0x7, v3;
	v4 =	vand.u32 $0xFFFFFFF0, v4  }
0x1a: {  	v3 =	vor.u32 v3, v4  }
0x1b: {  	v4 =	vperm.xlane v3, v0;
	_ =	sdelay $0x1  }
0x1c: {  	v3 =	vperm.xlane v3, v2;
	v4 =	vadd.s32 v1, v4;
	_ =	sdelay $0x1  }
0x1d: {  	v3 =	vadd.s32 v1, v3;
	_ =	sdelay $0x2  }
0x1e: {  	[tilespmem:s8], [sflag:$0x1] =	stream.indirect_vreg.gather [hbm4b:s3+s2], $0x80, v4, vm0, $0xb8;
	[tilespmem:$0x8080] =	vst v63  }
0x1f: {  	_ = 	snop  }
0x20: {  	[tilespmem:s9], [sflag:$0x1] =	stream.indirect_vreg.gather [hbm4b:s3+s2], $0x80, v3, vm0, $0xb8;
	[tilespmem:$0x8080] =	vst v63  }
0x21: {  	v3 =	vld [tilespmem:$0x10];
	_ =	sdelay $0x4  }
0x22: {  	v57 =	vshll.u32 v3, $0x1  }
0x23: {  	v3 =	vand.u32 $0x7, v3;
	v4 =	vand.u32 $0xFFFFFFF0, v57  }
0x24: {  	v3 =	vor.u32 v3, v4  }
0x25: {  	v4 =	vperm.xlane v3, v0;
	_ =	sdelay $0x1  }
0x26: {  	v3 =	vperm.xlane v3, v2;
	v4 =	vadd.s32 v1, v4;
	_ =	sdelay $0x1  }
0x27: {  	v3 =	vadd.s32 v1, v3;
	_ =	sdelay $0x2  }
0x28: {  	[tilespmem:s10], [sflag:$0x1] =	stream.indirect_vreg.gather [hbm4b:s3+s2], $0x80, v4, vm0, $0xb8;
	[tilespmem:$0x8080] =	vst v63  }
0x29: {  	_ = 	snop  }
0x2a: {  	[tilespmem:s11], [sflag:$0x1] =	stream.indirect_vreg.gather [hbm4b:s3+s2], $0x80, v3, vm0, $0xb8;
	[tilespmem:$0x8080] =	vst v63  }
0x2b: {  	v3 =	vld [tilespmem:$0x20];
	_ =	sdelay $0x4  }
0x2c: {  	v58 =	vshll.u32 v3, $0x1  }
0x2d: {  	v3 =	vand.u32 $0x7, v3;
	v4 =	vand.u32 $0xFFFFFFF0, v58  }
0x2e: {  	v3 =	vor.u32 v3, v4  }
0x2f: {  	v4 =	vperm.xlane v3, v0;
	_ =	sdelay $0x1  }
0x30: {  	v3 =	vperm.xlane v3, v2;
	v4 =	vadd.s32 v1, v4;
	_ =	sdelay $0x1  }
0x31: {  	v3 =	vadd.s32 v1, v3;
	_ =	sdelay $0x2  }
0x32: {  	[tilespmem:s12], [sflag:$0x1] =	stream.indirect_vreg.gather [hbm4b:s3+s2], $0x80, v4, vm0, $0xb8;
	[tilespmem:$0x8080] =	vst v63  }
0x33: {  	_ = 	snop  }
0x34: {  	[tilespmem:s13], [sflag:$0x1] =	stream.indirect_vreg.gather [hbm4b:s3+s2], $0x80, v3, vm0, $0xb8;
	[tilespmem:$0x8080] =	vst v63  }
0x35: {  	v3 =	vld [tilespmem:$0x30];
	_ =	sdelay $0x4  }
0x36: {  	v59 =	vshll.u32 v3, $0x1  }
0x37: {  	v3 =	vand.u32 $0x7, v3;
	v4 =	vand.u32 $0xFFFFFFF0, v59  }
0x38: {  	v3 =	vor.u32 v3, v4  }
0x39: {  	v4 =	vperm.xlane v3, v0;
	_ =	sdelay $0x1  }
0x3a: {  	v3 =	vperm.xlane v3, v2;
	v4 =	vadd.s32 v1, v4;
	_ =	sdelay $0x1  }
0x3b: {  	v3 =	vadd.s32 v1, v3;
	_ =	sdelay $0x2  }
0x3c: {  	[tilespmem:s14], [sflag:$0x1] =	stream.indirect_vreg.gather [hbm4b:s3+s2], $0x80, v4, vm0, $0xb8;
	[tilespmem:$0x8080] =	vst v63  }
0x3d: {  	_ = 	snop  }
0x3e: {  	[tilespmem:s15], [sflag:$0x1] =	stream.indirect_vreg.gather [hbm4b:s3+s2], $0x80, v3, vm0, $0xb8;
	[tilespmem:$0x8080] =	vst v63  }
0x3f: {  	v3 =	vld [tilespmem:$0x40];
	_ =	sdelay $0x4  }
0x40: {  	v60 =	vshll.u32 v3, $0x1  }
0x41: {  	v3 =	vand.u32 $0x7, v3;
	v4 =	vand.u32 $0xFFFFFFF0, v60  }
0x42: {  	v3 =	vor.u32 v3, v4  }
0x43: {  	v4 =	vperm.xlane v3, v0;
	_ =	sdelay $0x1  }
0x44: {  	v3 =	vperm.xlane v3, v2;
	v4 =	vadd.s32 v1, v4;
	_ =	sdelay $0x1  }
0x45: {  	v3 =	vadd.s32 v1, v3;
	_ =	sdelay $0x2  }
0x46: {  	[tilespmem:s16], [sflag:$0x1] =	stream.indirect_vreg.gather [hbm4b:s3+s2], $0x80, v4, vm0, $0xb8;
	[tilespmem:$0x8080] =	vst v63  }
0x47: {  	_ = 	snop  }
0x48: {  	[tilespmem:s17], [sflag:$0x1] =	stream.indirect_vreg.gather [hbm4b:s3+s2], $0x80, v3, vm0, $0xb8;
	[tilespmem:$0x8080] =	vst v63  }
0x49: {  	v3 =	vld [tilespmem:$0x50];
	_ =	sdelay $0x4  }
0x4a: {  	v61 =	vshll.u32 v3, $0x1  }
0x4b: {  	v3 =	vand.u32 $0x7, v3;
	v4 =	vand.u32 $0xFFFFFFF0, v61  }
0x4c: {  	v3 =	vor.u32 v3, v4  }
0x4d: {  	v4 =	vperm.xlane v3, v0;
	_ =	sdelay $0x1  }
0x4e: {  	v3 =	vperm.xlane v3, v2;
	v4 =	vadd.s32 v1, v4;
	_ =	sdelay $0x1  }
0x4f: {  	v3 =	vadd.s32 v1, v3;
	_ =	sdelay $0x2  }
0x50: {  	[tilespmem:s18], [sflag:$0x1] =	stream.indirect_vreg.gather [hbm4b:s3+s2], $0x80, v4, vm0, $0xb8;
	[tilespmem:$0x8080] =	vst v63  }
0x51: {  	_ = 	snop  }
0x52: {  	[tilespmem:s19], [sflag:$0x1] =	stream.indirect_vreg.gather [hbm4b:s3+s2], $0x80, v3, vm0, $0xb8;
	[tilespmem:$0x8080] =	vst v63  }
0x53: {  	v3 =	vld [tilespmem:$0x60];
	_ =	sdelay $0x4  }
0x54: {  	v62 =	vshll.u32 v3, $0x1  }
0x55: {  	v3 =	vand.u32 $0x7, v3;
	v4 =	vand.u32 $0xFFFFFFF0, v62  }
0x56: {  	v3 =	vor.u32 v3, v4  }
0x57: {  	v4 =	vperm.xlane v3, v0;
	_ =	sdelay $0x1  }
0x58: {  	v3 =	vperm.xlane v3, v2;
	v4 =	vadd.s32 v1, v4;
	_ =	sdelay $0x1  }
0x59: {  	v3 =	vadd.s32 v1, v3;
	_ =	sdelay $0x2  }
0x5a: {  	[tilespmem:s20], [sflag:$0x1] =	stream.indirect_vreg.gather [hbm4b:s3+s2], $0x80, v4, vm0, $0xb8;
	[tilespmem:$0x8080] =	vst v63  }
0x5b: {  	_ = 	snop  }
0x5c: {  	[tilespmem:s21], [sflag:$0x1] =	stream.indirect_vreg.gather [hbm4b:s3+s2], $0x80, v3, vm0, $0xb8;
	[tilespmem:$0x8080] =	vst v63  }
0x5d: {  	v3 =	vld [tilespmem:$0x70];
	_ =	sdelay $0x4  }
0x5e: {  	v63 =	vshll.u32 v3, $0x1  }
0x5f: {  	v3 =	vand.u32 $0x7, v3;
	v4 =	vand.u32 $0xFFFFFFF0, v63  }
0x60: {  	v3 =	vor.u32 v3, v4  }
0x61: {  	v4 =	vperm.xlane v3, v0;
	_ =	sdelay $0x1  }
0x62: {  	v3 =	vperm.xlane v3, v2;
	v4 =	vadd.s32 v1, v4;
	_ =	sdelay $0x1  }
0x63: {  	v3 =	vadd.s32 v1, v3;
	_ =	sdelay $0x2  }
0x64: {  	[tilespmem:s22], [sflag:$0x1] =	stream.indirect_vreg.gather [hbm4b:s3+s2], $0x80, v4, vm0, $0xb8;
	[tilespmem:$0x8080] =	vst v63  }
0x65: {  	_ = 	snop  }
0x66: {  	[tilespmem:s23], [sflag:$0x1] =	stream.indirect_vreg.gather [hbm4b:s3+s2], $0x80, v3, vm0, $0xb8;
	[tilespmem:$0x8080] =	vst v63  }
0x67: {  	_ =	swait.ge [sflag:s24], $0x8000  }
0x68: {  	p0 =	sne.s32 s28, $0x1F0;
	[sflag:s24] =	ssyncset.done $0x0  }
.Ltmp0:
0x69: {  	[sflag:s24] =	ssyncadd.s32 $0xFFFF8000;
	(pc) =	sbr.rel @p0 .LBB2_2-.Ltmp0, $4  }
0x6a: {  	[hbm4b:s26+s2] =	stream.linear.scatter [tilespmem:s8], [sflag:$0x2], $0x8000, $0x38;
	[tilespmem:$0x8080] =	vst v63  }
0x6b: {  	_ =	swait.ge [sflag:s7], $0x8000  }
0x6c: {  	[sflag:s7] =	ssyncset.done $0x0  }
0x6d: {  	s28 =	sadd.s32 $0x10, s28;
	s26 =	sadd.s32 $0x1000, s26;
	[sflag:s7] =	ssyncadd.s32 $0xFFFF8000  }
0x6e: {  	s25 =	sadd.s32 $0x1, s25  }
0x6f: {  	p0 =	sne.s32 s25, s4  }
.Ltmp1:
0x70: {  	_ = 	snop;
	(pc) =	sbr.rel @p0 .LBB2_1-.Ltmp1, $1  }
0x71: {  	_ =	sdelay $0x3  }
0x72: {  	_ =	sfence.sel $0x180000  }
0x73: {  	[bflag:$0x0] =	sbarrier.arrive $0xFFFF  }
0x74: {  	p0 =	sne.s32 s1, $0x0;
	_ =	strace $0x90000047  }
0x75: {  	s0 =	sadd.s32 @!p0 $0x100000, s0;
	[bflag:$0x2] =	sbarrier.arrive $0xFFFF  }
0x76: {  	[sflag:s0] =	ssyncadd.tile.s32 @!p0 $0x1;
	_ =	shalt  }
.Lfunc_end2:
_tile_overlayer_lowered:
.L_overlay_start_2:
0x77: {  	(tag) =	ssettag $0x2  }
0x78: {  	s0 =	rddreg [dreg:$0x0];
	s2 =	stileid.u32  }
0x79: {  	s1 =	rddreg [dreg:$0x1];
	p0 =	sne.s32 s2, $0x0  }
0x7a: {  	s3 =	rddreg [dreg:$0x2];
	[bflag:$0x3] =	sbarrier.arrive $0xFFFF;
	s2 =	simm.s32 @!p0 $0x1C02  }
0x7b: {  	[timem:s3], [sflag:s2] =	dma.local @!p0 [hbm:s0], s1  }
0x7c: {  	s0 =	simm.s32 @!p0 $0x2  }
0x7d: {  	_ =	swait.ge @!p0 [sflag:s0], s1  }
0x7e: {  	s1 =	ssub.s32 @!p0 $0x0, s1;
	[sflag:s0] =	ssyncset.done @!p0 $0x0  }
0x7f: {  	[sflag:s0] =	ssyncadd.s32 @!p0 s1  }
0x80: {  	[bflag:$0x3] =	sbarrier.arrive $0xFFFF  }
0x81: {  	_ =	shalt  }

</sc_bundles>
